<compile_context>
chip_gen: v7x
topology: tpu7x:2x2x1
jax: 0.10.2.dev20260603
libtpu: 0.0.44.dev20260713+nightly
codegen_flags: <defaults>
</compile_context>

<pallas_src>
import functools

import jax
import jax.numpy as jnp
from jax import lax
from jax.experimental import pallas as pl
from jax.experimental.pallas import tpu as pltpu
from jax.experimental.pallas import tpu_sc as plsc

N_NODES = 10000
E = 320000
IN_DIM, HID, LAT = 128, 64, 32
LEAKY_ALPHA = 0.2

NC, NS, L = 2, 16, 16
NW = NC * NS
N_PAD = 10240
UE = 2 * E
C = 128
EPW = 20480
UE_PAD = EPW * NW
NCH = EPW // C
RPT = N_PAD // NS

TW = 128

_mesh = plsc.VectorSubcoreMesh(core_axis_name="c", subcore_axis_name="s",
                               num_cores=NC, num_subcores=NS)
_sc_params = pltpu.CompilerParams(needs_layout_passes=False)

BR = 1024
GRID = N_PAD // BR


def _f32(shape):
    return jax.ShapeDtypeStruct(shape, jnp.float32)



@functools.partial(
    pl.kernel, mesh=_mesh, compiler_params=_sc_params,
    out_type=_f32((NC, N_PAD)),
    scratch_types=[
        pltpu.VMEM_SHARED((N_PAD,), jnp.float32),
        pltpu.VMEM((C,), jnp.int32),
        pltpu.VMEM((C,), jnp.float32),
        pltpu.VMEM((RPT,), jnp.float32),
    ],
)
def _deg_kernel(usrc_hbm, degp_hbm, sh_deg, sidx, ones_v, zbuf):
    c = lax.axis_index("c")
    s = lax.axis_index("s")
    wid = s * NC + c
    sl = pl.ds(s * RPT, RPT)

    @pl.loop(0, RPT // L)
    def _(i):
        zbuf[pl.ds(i * L, L)] = jnp.zeros((L,), jnp.float32)

    @pl.loop(0, C // L)
    def _(i):
        ones_v[pl.ds(i * L, L)] = jnp.ones((L,), jnp.float32)

    pltpu.sync_copy(zbuf, sh_deg.at[sl])
    plsc.subcore_barrier()

    @pl.loop(0, NCH)
    def _(i):
        base = wid * EPW + i * C
        pltpu.sync_copy(usrc_hbm.at[pl.ds(base, C)], sidx)
        pltpu.sync_copy(ones_v, sh_deg.at[sidx], add=True)

    plsc.subcore_barrier()
    pltpu.sync_copy(sh_deg.at[sl], zbuf)
    pltpu.sync_copy(zbuf, degp_hbm.at[c, sl])



def _make_edge_pass(dim):
    col_ed = dim + 1
    ks = (dim + 2 + L - 1) // L

    @functools.partial(
        pl.kernel, mesh=_mesh, compiler_params=_sc_params,
        out_type=_f32((NC, N_PAD, TW)),
        scratch_types=[
            pltpu.VMEM_SHARED((N_PAD, TW), jnp.float32),
            pltpu.VMEM((N_PAD,), jnp.float32),
            pltpu.VMEM((N_PAD,), jnp.float32),
            pltpu.VMEM((N_PAD,), jnp.float32),
            pltpu.VMEM((C,), jnp.int32),
            pltpu.VMEM((C,), jnp.int32),
            pltpu.VMEM((C, TW), jnp.float32),
            pltpu.SemaphoreType.DMA,
        ],
    )
    def _edge_kernel(usrc_hbm, udst_hbm, degp_hbm, es_hbm, tab_hbm, agg_hbm,
                     sh_agg, es_t, inv_t, tmp_t, sidx, didx, rows, sem):
        c = lax.axis_index("c")
        s = lax.axis_index("s")
        wid = s * NC + c

        pltpu.sync_copy(es_hbm, es_t)
        pltpu.sync_copy(degp_hbm.at[0], inv_t)
        pltpu.sync_copy(degp_hbm.at[1], tmp_t)

        @pl.loop(0, N_PAD // L)
        def _(i):
            dsl = pl.ds(i * L, L)
            dv = inv_t[dsl] + tmp_t[dsl]
            inv_t[dsl] = 1.0 / jnp.maximum(dv, 1.0)

        @pl.loop(0, C)
        def _(e):
            for k in range(TW // L):
                rows[e, pl.ds(k * L, L)] = jnp.zeros((L,), jnp.float32)

        for b in range(RPT // C):
            pltpu.sync_copy(rows, sh_agg.at[pl.ds(s * RPT + b * C, C)])
        plsc.subcore_barrier()

        iota = lax.iota(jnp.int32, L)
        col_v = jnp.full((L,), col_ed, jnp.int32)

        @pl.loop(0, NCH)
        def _(i):
            base = wid * EPW + i * C
            pltpu.sync_copy(usrc_hbm.at[pl.ds(base, C)], sidx)
            pltpu.sync_copy(udst_hbm.at[pl.ds(base, C)], didx)
            pltpu.async_copy(tab_hbm.at[didx], rows, sem).wait()

            @pl.loop(0, C // L)
            def _(j):
                dsl = pl.ds(j * L, L)
                s16 = sidx[dsl]
                r16 = iota + j * L
                es16 = plsc.load_gather(es_t, [s16])
                iv16 = plsc.load_gather(inv_t, [s16])
                ed16 = plsc.load_gather(rows, [r16, col_v])
                t = es16 + ed16
                t = jnp.maximum(t, LEAKY_ALPHA * t)
                exv = jnp.exp(iv16 * t)
                for e in range(L):
                    exs = exv[e]
                    row = j * L + e
                    for k in range(ks):
                        ksl = pl.ds(k * L, L)
                        rows[row, ksl] = rows[row, ksl] * exs

            pltpu.sync_copy(rows, sh_agg.at[sidx], add=True)

        plsc.subcore_barrier()
        for b in range(RPT // C):
            bsl = pl.ds(s * RPT + b * C, C)
            pltpu.sync_copy(sh_agg.at[bsl], rows)
            pltpu.sync_copy(rows, agg_hbm.at[c, bsl])

    return _edge_kernel


_edge_pass_1 = _make_edge_pass(HID)
_edge_pass_2 = _make_edge_pass(LAT)



@functools.partial(
    pl.kernel, mesh=_mesh, compiler_params=_sc_params,
    out_type=_f32((UE_PAD,)),
    scratch_types=[
        pltpu.VMEM((C,), jnp.int32),
        pltpu.VMEM((C,), jnp.int32),
        pltpu.VMEM((C, TW), jnp.float32),
        pltpu.VMEM((C, TW), jnp.float32),
        pltpu.VMEM((C,), jnp.float32),
        pltpu.SemaphoreType.DMA,
    ],
)
def _decoder_kernel(usrc_hbm, udst_hbm, z_hbm, out_hbm, sidx, didx,
                    zs, zd, scb, sem):
    c = lax.axis_index("c")
    s = lax.axis_index("s")
    wid = s * NC + c
    iota = lax.iota(jnp.int32, L)

    @pl.loop(0, NCH)
    def _(i):
        base = wid * EPW + i * C
        pltpu.sync_copy(usrc_hbm.at[pl.ds(base, C)], sidx)
        pltpu.sync_copy(udst_hbm.at[pl.ds(base, C)], didx)
        pltpu.async_copy(z_hbm.at[sidx], zs, sem).wait()
        pltpu.async_copy(z_hbm.at[didx], zd, sem).wait()

        @pl.loop(0, C // L)
        def _(j):
            r16 = iota + j * L
            acc = jnp.zeros((L,), jnp.float32)
            for k in range(LAT):
                ck = jnp.full((L,), k, jnp.int32)
                acc = acc + plsc.load_gather(zs, [r16, ck]) * \
                    plsc.load_gather(zd, [r16, ck])
            scb[pl.ds(j * L, L)] = 1.0 / (1.0 + jnp.exp(-acc))

        pltpu.sync_copy(scb, out_hbm.at[pl.ds(base, C)])



def _dot(a, b):
    return lax.dot_general(a, b, (((1,), (0,)), ((), ())),
                           precision=lax.Precision.HIGHEST,
                           preferred_element_type=jnp.float32)


def _tc_a_body(x_ref, w_ref, r_ref, as_ref, ad_ref, tab_ref, res_ref, es_ref):
    x = x_ref[...]
    h = _dot(x, w_ref[...])
    res_ref[...] = _dot(x, r_ref[...])
    es_ref[...] = jnp.sum(h * as_ref[...], axis=1, keepdims=True)
    ed = jnp.sum(h * ad_ref[...], axis=1, keepdims=True)
    ones = jnp.ones((BR, 1), jnp.float32)
    pad = jnp.zeros((BR, TW - HID - 2), jnp.float32)
    tab_ref[...] = jnp.concatenate([h, ones, ed, pad], axis=1)


def _tc_a(x_pad, w1, r1, as1, ad1):
    return pl.pallas_call(
        _tc_a_body,
        grid=(GRID,),
        in_specs=[
            pl.BlockSpec((BR, IN_DIM), lambda i: (i, 0)),
            pl.BlockSpec((IN_DIM, HID), lambda i: (0, 0)),
            pl.BlockSpec((IN_DIM, HID), lambda i: (0, 0)),
            pl.BlockSpec((1, HID), lambda i: (0, 0)),
            pl.BlockSpec((1, HID), lambda i: (0, 0)),
        ],
        out_specs=[
            pl.BlockSpec((BR, TW), lambda i: (i, 0)),
            pl.BlockSpec((BR, HID), lambda i: (i, 0)),
            pl.BlockSpec((BR, 1), lambda i: (i, 0)),
        ],
        out_shape=[_f32((N_PAD, TW)), _f32((N_PAD, HID)), _f32((N_PAD, 1))],
    )(x_pad, w1, r1, as1, ad1)



def _post_layer(agg, res, g, b):
    dim = res.shape[1]
    num = agg[:, :dim]
    den = agg[:, dim:dim + 1]
    h = num / (den + 1e-16) + res
    mu = jnp.mean(h, axis=1, keepdims=True)
    d = h - mu
    var = jnp.mean(d * d, axis=1, keepdims=True)
    hn = d * lax.rsqrt(var + 1e-5) * g + b
    return jnp.where(hn > 0, hn, jnp.exp(hn) - 1.0)


def _tc_b_body(agg_ref, res_ref, g_ref, b_ref, w_ref, r_ref, as_ref, ad_ref,
               tab_ref, res2_ref, es_ref):
    agg = agg_ref[0] + agg_ref[1]
    x2 = _post_layer(agg, res_ref[...], g_ref[...], b_ref[...])
    h2 = _dot(x2, w_ref[...])
    res2_ref[...] = _dot(x2, r_ref[...])
    es_ref[...] = jnp.sum(h2 * as_ref[...], axis=1, keepdims=True)
    ed = jnp.sum(h2 * ad_ref[...], axis=1, keepdims=True)
    ones = jnp.ones((BR, 1), jnp.float32)
    pad = jnp.zeros((BR, TW - LAT - 2), jnp.float32)
    tab_ref[...] = jnp.concatenate([h2, ones, ed, pad], axis=1)


def _tc_b(agg1p, res1, g1, b1, w2, r2, as2, ad2):
    return pl.pallas_call(
        _tc_b_body,
        grid=(GRID,),
        in_specs=[
            pl.BlockSpec((NC, BR, TW), lambda i: (0, i, 0)),
            pl.BlockSpec((BR, HID), lambda i: (i, 0)),
            pl.BlockSpec((1, HID), lambda i: (0, 0)),
            pl.BlockSpec((1, HID), lambda i: (0, 0)),
            pl.BlockSpec((HID, LAT), lambda i: (0, 0)),
            pl.BlockSpec((HID, LAT), lambda i: (0, 0)),
            pl.BlockSpec((1, LAT), lambda i: (0, 0)),
            pl.BlockSpec((1, LAT), lambda i: (0, 0)),
        ],
        out_specs=[
            pl.BlockSpec((BR, TW), lambda i: (i, 0)),
            pl.BlockSpec((BR, LAT), lambda i: (i, 0)),
            pl.BlockSpec((BR, 1), lambda i: (i, 0)),
        ],
        out_shape=[_f32((N_PAD, TW)), _f32((N_PAD, LAT)), _f32((N_PAD, 1))],
    )(agg1p, res1, g1, b1, w2, r2, as2, ad2)



def _tc_c_body(agg_ref, res_ref, g_ref, b_ref, z_ref):
    agg = agg_ref[0] + agg_ref[1]
    zv = _post_layer(agg, res_ref[...], g_ref[...], b_ref[...])
    z_ref[...] = jnp.concatenate(
        [zv, jnp.zeros((BR, TW - LAT), jnp.float32)], axis=1)


def _tc_c(agg2p, res2, g2, b2):
    return pl.pallas_call(
        _tc_c_body,
        grid=(GRID,),
        in_specs=[
            pl.BlockSpec((NC, BR, TW), lambda i: (0, i, 0)),
            pl.BlockSpec((BR, LAT), lambda i: (i, 0)),
            pl.BlockSpec((1, LAT), lambda i: (0, 0)),
            pl.BlockSpec((1, LAT), lambda i: (0, 0)),
        ],
        out_specs=pl.BlockSpec((BR, TW), lambda i: (i, 0)),
        out_shape=_f32((N_PAD, TW)),
    )(agg2p, res2, g2, b2)



@jax.jit
def kernel(X, edge_index, W1, as1, ad1, R1, g1, b1, W2, as2, ad2, R2, g2, b2):
    s, d = edge_index[0], edge_index[1]
    fill = jnp.full((UE_PAD - UE,), N_PAD - 1, jnp.int32)
    usrc = jnp.concatenate([s, d, fill])
    udst = jnp.concatenate([d, s, fill])

    x_pad = jnp.pad(X, ((0, N_PAD - N_NODES), (0, 0)))

    degp = _deg_kernel(usrc)

    tab1, res1, es1 = _tc_a(x_pad, W1, R1, as1.reshape(1, HID),
                            ad1.reshape(1, HID))
    agg1p = _edge_pass_1(usrc, udst, degp, es1.reshape(N_PAD), tab1)

    tab2, res2, es2 = _tc_b(agg1p, res1, g1.reshape(1, HID),
                            b1.reshape(1, HID), W2, R2,
                            as2.reshape(1, LAT), ad2.reshape(1, LAT))
    agg2p = _edge_pass_2(usrc, udst, degp, es2.reshape(N_PAD), tab2)

    z = _tc_c(agg2p, res2, g2.reshape(1, LAT), b2.reshape(1, LAT))

    scores = _decoder_kernel(usrc, udst, z)
    return scores[:UE]

# --- scband reference (transcript-rebuilt; emitter-appended) ---
"""Pipeline reference for scband-bot-dcgcgraph-auto-encoder-88648124989885 (READ-ONLY COPY).

The authoritative reference and input builder live on the scoring server;
editing this copy changes nothing except your own understanding.
"""

import jax, jax.numpy as jnp
import numpy as np

N_NODES = 10000
E = 320000
IN_DIM, HID, LAT = 128, 64, 32
LEAKY_ALPHA = 0.2
ORDER_T = 1


def setup_inputs(seed: int = 0) -> dict:
    key = jax.random.key(seed)
    ks = jax.random.split(key, 16)
    X = jax.random.normal(ks[0], (N_NODES, IN_DIM), dtype=jnp.float32)
    edge_index = jax.random.randint(ks[1], (2, E), 0, N_NODES, dtype=jnp.int32)
    def p(k, shape, fan_in):
        return jax.random.normal(k, shape, dtype=jnp.float32) * (1.0 / np.sqrt(fan_in))
    W1 = p(ks[2], (IN_DIM, HID), IN_DIM)
    as1 = p(ks[3], (HID,), HID)
    ad1 = p(ks[4], (HID,), HID)
    R1 = p(ks[5], (IN_DIM, HID), IN_DIM)
    g1 = jnp.ones((HID,), dtype=jnp.float32)
    b1 = jnp.zeros((HID,), dtype=jnp.float32)
    W2 = p(ks[6], (HID, LAT), HID)
    as2 = p(ks[7], (LAT,), LAT)
    ad2 = p(ks[8], (LAT,), LAT)
    R2 = p(ks[9], (HID, LAT), HID)
    g2 = jnp.ones((LAT,), dtype=jnp.float32)
    b2 = jnp.zeros((LAT,), dtype=jnp.float32)
    return {"X": X, "edge_index": edge_index, "W1": W1, "as1": as1, "ad1": ad1,
            "R1": R1, "g1": g1, "b1": b1, "W2": W2, "as2": as2, "ad2": ad2,
            "R2": R2, "g2": g2, "b2": b2}


def _gat_layer(Xin, src, dst, w, W, a_s, a_d, R, g, b, N):
    H = Xin @ W
    res = Xin @ R
    e_src = H @ a_s
    e_dst = H @ a_d
    e_ij = jax.nn.leaky_relu(e_src[src] + e_dst[dst], LEAKY_ALPHA)
    logits = w * e_ij
    m = jax.ops.segment_max(logits, src, num_segments=N)
    m = jnp.where(jnp.isfinite(m), m, 0.0)
    ex = jnp.exp(logits - m[src])
    denom = jax.ops.segment_sum(ex, src, num_segments=N)
    alpha = ex / (denom[src] + 1e-16)
    msg = alpha[:, None] * H[dst]
    agg = jax.ops.segment_sum(msg, src, num_segments=N)
    h = agg + res
    mu = h.mean(-1, keepdims=True)
    var = ((h - mu) ** 2).mean(-1, keepdims=True)
    h = (h - mu) / jnp.sqrt(var + 1e-5) * g + b
    return jax.nn.elu(h)


def reference(X, edge_index, W1, as1, ad1, R1, g1, b1, W2, as2, ad2, R2, g2, b2):
    N = X.shape[0]
    s, d = edge_index[0], edge_index[1]
    # make_undirected (duplicate merging skipped; duplicates are vanishingly rare
    # for random graphs and merging only rescales normalized weights)
    und_src = jnp.concatenate([s, d])
    und_dst = jnp.concatenate([d, s])
    w = jnp.ones(und_src.shape[0], dtype=jnp.float32)
    deg = jax.ops.segment_sum(w, und_src, num_segments=N)
    w = w / jnp.clip(deg, 1e-8, None)[und_src]
    w = w / float(ORDER_T)
    # encoder: two SparseStructuralGAT layers
    H1 = _gat_layer(X, und_src, und_dst, w, W1, as1, ad1, R1, g1, b1, N)
    Z = _gat_layer(H1, und_src, und_dst, w, W2, as2, ad2, R2, g2, b2, N)
    # decoder: edge_dot_scores on the extended-adjacency edges
    scores = jax.nn.sigmoid(jnp.sum(Z[und_src] * Z[und_dst], axis=-1))
    return scores

if __name__ == "__main__":
    import jax
    _d = setup_inputs()
    print(jax.jit(kernel)(*tuple(_d.values())))

</pallas_src>

<mosaic_0001>
#map = affine_map<(d0, d1) -> (0)>
#map1 = affine_map<(d0, d1) -> (0, 0)>
#map2 = affine_map<(d0, d1) -> (0, 0, 0)>
module attributes {stable_mosaic.version = 14 : i64} {
  func.func @_edge_kernel(%arg0: i32, %arg1: i32, %arg2: memref<655360xi32, #tpu.memory_space<hbm>>, %arg3: memref<655360xi32, #tpu.memory_space<hbm>>, %arg4: memref<2x10240xf32, #tpu.memory_space<hbm>>, %arg5: memref<10240xf32, #tpu.memory_space<hbm>>, %arg6: memref<10240x128xf32, #tpu.memory_space<hbm>>, %arg7: memref<2x10240x128xf32, #tpu.memory_space<hbm>>, %arg8: memref<10240x128xf32, #tpu.memory_space<vmem_shared>>, %arg9: memref<10240xf32, #tpu.memory_space<vmem>>, %arg10: memref<10240xf32, #tpu.memory_space<vmem>>, %arg11: memref<10240xf32, #tpu.memory_space<vmem>>, %arg12: memref<128xi32, #tpu.memory_space<vmem>>, %arg13: memref<128xi32, #tpu.memory_space<vmem>>, %arg14: memref<128x128xf32, #tpu.memory_space<vmem>>, %arg15: memref<!tpu.dma_semaphore, #tpu.memory_space<semaphore_mem>>) attributes {dimension_semantics = [#tpu.dimension_semantics<core_parallel>, #tpu.dimension_semantics<subcore_parallel>], iteration_bounds = array<i64: 2, 16>, scalar_prefetch = 0 : i64, scratch_operands = 8 : i64, tpu.core_type = #tpu.core_type<sc_vector_subcore>, window_params = [{transform_indices = #map}, {transform_indices = #map}, {transform_indices = #map1}, {transform_indices = #map}, {transform_indices = #map1}, {transform_indices = #map2}]} {
    %mul3A = arith.constant 2 : i32
    %mul3A_0 = arith.muli %arg1, %mul3A : i32
    %add3A = arith.addi %mul3A_0, %arg0 : i32
    "tpu.region"() ({
      %run_scoped3A_58 = tpu.sem_alloc : memref<!tpu.dma_semaphore, #tpu.memory_space<semaphore_mem>>
      tpu.enqueue_dma source(%arg5 : memref<10240xf32, #tpu.memory_space<hbm>>) target(%arg9 : memref<10240xf32, #tpu.memory_space<vmem>>) target_semaphore(%run_scoped3A_58 : memref<!tpu.dma_semaphore, #tpu.memory_space<semaphore_mem>>)
      tpu.wait_dma2 semaphore(%run_scoped3A_58 : memref<!tpu.dma_semaphore, #tpu.memory_space<semaphore_mem>>) src(%arg5 : memref<10240xf32, #tpu.memory_space<hbm>>) dst(%arg9 : memref<10240xf32, #tpu.memory_space<vmem>>)
      tpu.yield
    }) : () -> ()
    %run_scoped3A = arith.constant 0 : i32
    "tpu.region"() ({
      %run_scoped3A_58 = tpu.sem_alloc : memref<!tpu.dma_semaphore, #tpu.memory_space<semaphore_mem>>
      %dma_start3A = arith.constant 0 : i32
      %dma_start3A_59 = tpu.memref_slice %arg4[%run_scoped3A, %dma_start3A] : memref<2x10240xf32, #tpu.memory_space<hbm>> -> memref<1x10240xf32, #tpu.memory_space<hbm>>
      %dma_start3A_60 = tpu.memref_squeeze %dma_start3A_59 : memref<1x10240xf32, #tpu.memory_space<hbm>> -> memref<10240xf32, #tpu.memory_space<hbm>>
      %dma_start3A_61 = arith.constant 0 : i32
      %dma_start3A_62 = tpu.memref_slice %arg4[%run_scoped3A, %dma_start3A_61] : memref<2x10240xf32, #tpu.memory_space<hbm>> -> memref<1x10240xf32, #tpu.memory_space<hbm>>
      %dma_start3A_63 = tpu.memref_squeeze %dma_start3A_62 : memref<1x10240xf32, #tpu.memory_space<hbm>> -> memref<10240xf32, #tpu.memory_space<hbm>>
      tpu.enqueue_dma source(%dma_start3A_63 : memref<10240xf32, #tpu.memory_space<hbm>>) target(%arg10 : memref<10240xf32, #tpu.memory_space<vmem>>) target_semaphore(%run_scoped3A_58 : memref<!tpu.dma_semaphore, #tpu.memory_space<semaphore_mem>>)
      %dma_wait3A = arith.constant 0 : i32
      %dma_wait3A_64 = tpu.memref_slice %arg4[%run_scoped3A, %dma_wait3A] : memref<2x10240xf32, #tpu.memory_space<hbm>> -> memref<1x10240xf32, #tpu.memory_space<hbm>>
      %dma_wait3A_65 = tpu.memref_squeeze %dma_wait3A_64 : memref<1x10240xf32, #tpu.memory_space<hbm>> -> memref<10240xf32, #tpu.memory_space<hbm>>
      %dma_wait3A_66 = arith.constant 0 : i32
      %dma_wait3A_67 = tpu.memref_slice %arg4[%run_scoped3A, %dma_wait3A_66] : memref<2x10240xf32, #tpu.memory_space<hbm>> -> memref<1x10240xf32, #tpu.memory_space<hbm>>
      %dma_wait3A_68 = tpu.memref_squeeze %dma_wait3A_67 : memref<1x10240xf32, #tpu.memory_space<hbm>> -> memref<10240xf32, #tpu.memory_space<hbm>>
      tpu.wait_dma2 semaphore(%run_scoped3A_58 : memref<!tpu.dma_semaphore, #tpu.memory_space<semaphore_mem>>) src(%dma_wait3A_68 : memref<10240xf32, #tpu.memory_space<hbm>>) dst(%arg10 : memref<10240xf32, #tpu.memory_space<vmem>>)
      tpu.yield
    }) : () -> ()
    %run_scoped3A_1 = arith.constant 1 : i32
    "tpu.region"() ({
      %run_scoped3A_58 = tpu.sem_alloc : memref<!tpu.dma_semaphore, #tpu.memory_space<semaphore_mem>>
      %dma_start3A = arith.constant 0 : i32
      %dma_start3A_59 = tpu.memref_slice %arg4[%run_scoped3A_1, %dma_start3A] : memref<2x10240xf32, #tpu.memory_space<hbm>> -> memref<1x10240xf32, #tpu.memory_space<hbm>>
      %dma_start3A_60 = tpu.memref_squeeze %dma_start3A_59 : memref<1x10240xf32, #tpu.memory_space<hbm>> -> memref<10240xf32, #tpu.memory_space<hbm>>
      %dma_start3A_61 = arith.constant 0 : i32
      %dma_start3A_62 = tpu.memref_slice %arg4[%run_scoped3A_1, %dma_start3A_61] : memref<2x10240xf32, #tpu.memory_space<hbm>> -> memref<1x10240xf32, #tpu.memory_space<hbm>>
      %dma_start3A_63 = tpu.memref_squeeze %dma_start3A_62 : memref<1x10240xf32, #tpu.memory_space<hbm>> -> memref<10240xf32, #tpu.memory_space<hbm>>
      tpu.enqueue_dma source(%dma_start3A_63 : memref<10240xf32, #tpu.memory_space<hbm>>) target(%arg11 : memref<10240xf32, #tpu.memory_space<vmem>>) target_semaphore(%run_scoped3A_58 : memref<!tpu.dma_semaphore, #tpu.memory_space<semaphore_mem>>)
      %dma_wait3A = arith.constant 0 : i32
      %dma_wait3A_64 = tpu.memref_slice %arg4[%run_scoped3A_1, %dma_wait3A] : memref<2x10240xf32, #tpu.memory_space<hbm>> -> memref<1x10240xf32, #tpu.memory_space<hbm>>
      %dma_wait3A_65 = tpu.memref_squeeze %dma_wait3A_64 : memref<1x10240xf32, #tpu.memory_space<hbm>> -> memref<10240xf32, #tpu.memory_space<hbm>>
      %dma_wait3A_66 = arith.constant 0 : i32
      %dma_wait3A_67 = tpu.memref_slice %arg4[%run_scoped3A_1, %dma_wait3A_66] : memref<2x10240xf32, #tpu.memory_space<hbm>> -> memref<1x10240xf32, #tpu.memory_space<hbm>>
      %dma_wait3A_68 = tpu.memref_squeeze %dma_wait3A_67 : memref<1x10240xf32, #tpu.memory_space<hbm>> -> memref<10240xf32, #tpu.memory_space<hbm>>
      tpu.wait_dma2 semaphore(%run_scoped3A_58 : memref<!tpu.dma_semaphore, #tpu.memory_space<semaphore_mem>>) src(%dma_wait3A_68 : memref<10240xf32, #tpu.memory_space<hbm>>) dst(%arg11 : memref<10240xf32, #tpu.memory_space<vmem>>)
      tpu.yield
    }) : () -> ()
    %scan3A = arith.constant 0 : i32
    %scan3A_2 = arith.constant 640 : i32
    %scan3A_3 = arith.addi %scan3A, %scan3A_2 : i32
    %scan3A_4 = arith.constant 1 : i32
    scf.for %scan3A_58 = %scan3A to %scan3A_3 step %scan3A_4  : i32 {
      %mul3A_59 = arith.constant 1 : i32
      %mul3A_60 = arith.muli %scan3A_58, %mul3A_59 : i32
      %add3A_61 = arith.constant 0 : i32
      %add3A_62 = arith.addi %add3A_61, %mul3A_60 : i32
      %mul3A_63 = arith.constant 16 : i32
      %mul3A_64 = arith.muli %add3A_62, %mul3A_63 : i32
      %get3A = arith.index_cast %mul3A_64 : i32 to index
      %get3A_65 = tpu.vector_load %arg10[%get3A] {strides = array<i32>} : memref<10240xf32, #tpu.memory_space<vmem>>, vector<16xf32>,
      %get3A_66 = arith.index_cast %mul3A_64 : i32 to index
      %get3A_67 = tpu.vector_load %arg11[%get3A_66] {strides = array<i32>} : memref<10240xf32, #tpu.memory_space<vmem>>, vector<16xf32>,
      %add3A_68 = arith.addf %get3A_65, %get3A_67 : vector<16xf32>
      %max3A = arith.constant 1.000000e+00 : f32
      %max3A_69 = vector.broadcast %max3A : f32 to vector<16xf32>
      %max3A_70 = arith.maximumf %add3A_68, %max3A_69 : vector<16xf32>
      %div3A = arith.constant 1.000000e+00 : f32
      %div3A_71 = vector.broadcast %div3A : f32 to vector<16xf32>
      %div3A_72 = arith.divf %div3A_71, %max3A_70 : vector<16xf32>
      %swap3A = arith.index_cast %mul3A_64 : i32 to index
      %swap3A_73 = tpu.vector_load %arg10[%swap3A] {strides = array<i32>} : memref<10240xf32, #tpu.memory_space<vmem>>, vector<16xf32>,
      tpu.vector_store %arg10[%swap3A], %div3A_72 {strides = array<i32>} : memref<10240xf32, #tpu.memory_space<vmem>>, vector<16xf32>,
    }
    %scan3A_5 = arith.constant 640 : i32
    %scan3A_6 = arith.constant 0 : i32
    %scan3A_7 = arith.constant 128 : i32
    %scan3A_8 = arith.addi %scan3A_6, %scan3A_7 : i32
    %scan3A_9 = arith.constant 1 : i32
    scf.for %scan3A_58 = %scan3A_6 to %scan3A_8 step %scan3A_9  : i32 {
      %mul3A_59 = arith.constant 1 : i32
      %mul3A_60 = arith.muli %scan3A_58, %mul3A_59 : i32
      %add3A_61 = arith.constant 0 : i32
      %add3A_62 = arith.addi %add3A_61, %mul3A_60 : i32
      %broadcast_in_dim3A_63 = arith.constant 0.000000e+00 : f32
      %broadcast_in_dim3A_64 = vector.broadcast %broadcast_in_dim3A_63 : f32 to vector<16xf32>
      %swap3A = arith.index_cast %add3A_62 : i32 to index
      %swap3A_65 = arith.constant 0 : index
      %swap3A_66 = tpu.vector_load %arg14[%swap3A, %swap3A_65] {strides = array<i32>} : memref<128x128xf32, #tpu.memory_space<vmem>>, vector<16xf32>,
      tpu.vector_store %arg14[%swap3A, %swap3A_65], %broadcast_in_dim3A_64 {strides = array<i32>} : memref<128x128xf32, #tpu.memory_space<vmem>>, vector<16xf32>,
      %broadcast_in_dim3A_67 = arith.constant 0.000000e+00 : f32
      %broadcast_in_dim3A_68 = vector.broadcast %broadcast_in_dim3A_67 : f32 to vector<16xf32>
      %swap3A_69 = arith.index_cast %add3A_62 : i32 to index
      %swap3A_70 = arith.constant 16 : index
      %swap3A_71 = tpu.vector_load %arg14[%swap3A_69, %swap3A_70] {strides = array<i32>} : memref<128x128xf32, #tpu.memory_space<vmem>>, vector<16xf32>,
      tpu.vector_store %arg14[%swap3A_69, %swap3A_70], %broadcast_in_dim3A_68 {strides = array<i32>} : memref<128x128xf32, #tpu.memory_space<vmem>>, vector<16xf32>,
      %broadcast_in_dim3A_72 = arith.constant 0.000000e+00 : f32
      %broadcast_in_dim3A_73 = vector.broadcast %broadcast_in_dim3A_72 : f32 to vector<16xf32>
      %swap3A_74 = arith.index_cast %add3A_62 : i32 to index
      %swap3A_75 = arith.constant 32 : index
      %swap3A_76 = tpu.vector_load %arg14[%swap3A_74, %swap3A_75] {strides = array<i32>} : memref<128x128xf32, #tpu.memory_space<vmem>>, vector<16xf32>,
      tpu.vector_store %arg14[%swap3A_74, %swap3A_75], %broadcast_in_dim3A_73 {strides = array<i32>} : memref<128x128xf32, #tpu.memory_space<vmem>>, vector<16xf32>,
      %broadcast_in_dim3A_77 = arith.constant 0.000000e+00 : f32
      %broadcast_in_dim3A_78 = vector.broadcast %broadcast_in_dim3A_77 : f32 to vector<16xf32>
      %swap3A_79 = arith.index_cast %add3A_62 : i32 to index
      %swap3A_80 = arith.constant 48 : index
      %swap3A_81 = tpu.vector_load %arg14[%swap3A_79, %swap3A_80] {strides = array<i32>} : memref<128x128xf32, #tpu.memory_space<vmem>>, vector<16xf32>,
      tpu.vector_store %arg14[%swap3A_79, %swap3A_80], %broadcast_in_dim3A_78 {strides = array<i32>} : memref<128x128xf32, #tpu.memory_space<vmem>>, vector<16xf32>,
      %broadcast_in_dim3A_82 = arith.constant 0.000000e+00 : f32
      %broadcast_in_dim3A_83 = vector.broadcast %broadcast_in_dim3A_82 : f32 to vector<16xf32>
      %swap3A_84 = arith.index_cast %add3A_62 : i32 to index
      %swap3A_85 = arith.constant 64 : index
      %swap3A_86 = tpu.vector_load %arg14[%swap3A_84, %swap3A_85] {strides = array<i32>} : memref<128x128xf32, #tpu.memory_space<vmem>>, vector<16xf32>,
      tpu.vector_store %arg14[%swap3A_84, %swap3A_85], %broadcast_in_dim3A_83 {strides = array<i32>} : memref<128x128xf32, #tpu.memory_space<vmem>>, vector<16xf32>,
      %broadcast_in_dim3A_87 = arith.constant 0.000000e+00 : f32
      %broadcast_in_dim3A_88 = vector.broadcast %broadcast_in_dim3A_87 : f32 to vector<16xf32>
      %swap3A_89 = arith.index_cast %add3A_62 : i32 to index
      %swap3A_90 = arith.constant 80 : index
      %swap3A_91 = tpu.vector_load %arg14[%swap3A_89, %swap3A_90] {strides = array<i32>} : memref<128x128xf32, #tpu.memory_space<vmem>>, vector<16xf32>,
      tpu.vector_store %arg14[%swap3A_89, %swap3A_90], %broadcast_in_dim3A_88 {strides = array<i32>} : memref<128x128xf32, #tpu.memory_space<vmem>>, vector<16xf32>,
      %broadcast_in_dim3A_92 = arith.constant 0.000000e+00 : f32
      %broadcast_in_dim3A_93 = vector.broadcast %broadcast_in_dim3A_92 : f32 to vector<16xf32>
      %swap3A_94 = arith.index_cast %add3A_62 : i32 to index
      %swap3A_95 = arith.constant 96 : index
      %swap3A_96 = tpu.vector_load %arg14[%swap3A_94, %swap3A_95] {strides = array<i32>} : memref<128x128xf32, #tpu.memory_space<vmem>>, vector<16xf32>,
      tpu.vector_store %arg14[%swap3A_94, %swap3A_95], %broadcast_in_dim3A_93 {strides = array<i32>} : memref<128x128xf32, #tpu.memory_space<vmem>>, vector<16xf32>,
      %broadcast_in_dim3A_97 = arith.constant 0.000000e+00 : f32
      %broadcast_in_dim3A_98 = vector.broadcast %broadcast_in_dim3A_97 : f32 to vector<16xf32>
      %swap3A_99 = arith.index_cast %add3A_62 : i32 to index
      %swap3A_100 = arith.constant 112 : index
      %swap3A_101 = tpu.vector_load %arg14[%swap3A_99, %swap3A_100] {strides = array<i32>} : memref<128x128xf32, #tpu.memory_space<vmem>>, vector<16xf32>,
      tpu.vector_store %arg14[%swap3A_99, %swap3A_100], %broadcast_in_dim3A_98 {strides = array<i32>} : memref<128x128xf32, #tpu.memory_space<vmem>>, vector<16xf32>,
    }
    %scan3A_10 = arith.constant 128 : i32
    %mul3A_11 = arith.constant 640 : i32
    %mul3A_12 = arith.muli %arg1, %mul3A_11 : i32
    %add3A_13 = arith.constant 0 : i32
    %add3A_14 = arith.addi %mul3A_12, %add3A_13 : i32
    "tpu.region"() ({
      %run_scoped3A_58 = tpu.sem_alloc : memref<!tpu.dma_semaphore, #tpu.memory_space<semaphore_mem>>
      %dma_start3A = arith.constant 0 : i32
      %dma_start3A_59 = tpu.memref_slice %arg8[%add3A_14, %dma_start3A] : memref<10240x128xf32, #tpu.memory_space<vmem_shared>> -> memref<128x128xf32, #tpu.memory_space<vmem_shared>>
      %dma_start3A_60 = arith.constant 0 : i32
      %dma_start3A_61 = tpu.memref_slice %arg8[%add3A_14, %dma_start3A_60] : memref<10240x128xf32, #tpu.memory_space<vmem_shared>> -> memref<128x128xf32, #tpu.memory_space<vmem_shared>>
      tpu.enqueue_dma source(%arg14 : memref<128x128xf32, #tpu.memory_space<vmem>>) target(%dma_start3A_61 : memref<128x128xf32, #tpu.memory_space<vmem_shared>>) target_semaphore(%run_scoped3A_58 : memref<!tpu.dma_semaphore, #tpu.memory_space<semaphore_mem>>)
      %dma_wait3A = arith.constant 0 : i32
      %dma_wait3A_62 = tpu.memref_slice %arg8[%add3A_14, %dma_wait3A] : memref<10240x128xf32, #tpu.memory_space<vmem_shared>> -> memref<128x128xf32, #tpu.memory_space<vmem_shared>>
      %dma_wait3A_63 = arith.constant 0 : i32
      %dma_wait3A_64 = tpu.memref_slice %arg8[%add3A_14, %dma_wait3A_63] : memref<10240x128xf32, #tpu.memory_space<vmem_shared>> -> memref<128x128xf32, #tpu.memory_space<vmem_shared>>
      tpu.wait_dma2 semaphore(%run_scoped3A_58 : memref<!tpu.dma_semaphore, #tpu.memory_space<semaphore_mem>>) src(%arg14 : memref<128x128xf32, #tpu.memory_space<vmem>>) dst(%dma_wait3A_64 : memref<128x128xf32, #tpu.memory_space<vmem_shared>>)
      tpu.yield
    }) : () -> ()
    %mul3A_15 = arith.constant 640 : i32
    %mul3A_16 = arith.muli %arg1, %mul3A_15 : i32
    %add3A_17 = arith.constant 128 : i32
    %add3A_18 = arith.addi %mul3A_16, %add3A_17 : i32
    "tpu.region"() ({
      %run_scoped3A_58 = tpu.sem_alloc : memref<!tpu.dma_semaphore, #tpu.memory_space<semaphore_mem>>
      %dma_start3A = arith.constant 0 : i32
      %dma_start3A_59 = tpu.memref_slice %arg8[%add3A_18, %dma_start3A] : memref<10240x128xf32, #tpu.memory_space<vmem_shared>> -> memref<128x128xf32, #tpu.memory_space<vmem_shared>>
      %dma_start3A_60 = arith.constant 0 : i32
      %dma_start3A_61 = tpu.memref_slice %arg8[%add3A_18, %dma_start3A_60] : memref<10240x128xf32, #tpu.memory_space<vmem_shared>> -> memref<128x128xf32, #tpu.memory_space<vmem_shared>>
      tpu.enqueue_dma source(%arg14 : memref<128x128xf32, #tpu.memory_space<vmem>>) target(%dma_start3A_61 : memref<128x128xf32, #tpu.memory_space<vmem_shared>>) target_semaphore(%run_scoped3A_58 : memref<!tpu.dma_semaphore, #tpu.memory_space<semaphore_mem>>)
      %dma_wait3A = arith.constant 0 : i32
      %dma_wait3A_62 = tpu.memref_slice %arg8[%add3A_18, %dma_wait3A] : memref<10240x128xf32, #tpu.memory_space<vmem_shared>> -> memref<128x128xf32, #tpu.memory_space<vmem_shared>>
      %dma_wait3A_63 = arith.constant 0 : i32
      %dma_wait3A_64 = tpu.memref_slice %arg8[%add3A_18, %dma_wait3A_63] : memref<10240x128xf32, #tpu.memory_space<vmem_shared>> -> memref<128x128xf32, #tpu.memory_space<vmem_shared>>
      tpu.wait_dma2 semaphore(%run_scoped3A_58 : memref<!tpu.dma_semaphore, #tpu.memory_space<semaphore_mem>>) src(%arg14 : memref<128x128xf32, #tpu.memory_space<vmem>>) dst(%dma_wait3A_64 : memref<128x128xf32, #tpu.memory_space<vmem_shared>>)
      tpu.yield
    }) : () -> ()
    %mul3A_19 = arith.constant 640 : i32
    %mul3A_20 = arith.muli %arg1, %mul3A_19 : i32
    %add3A_21 = arith.constant 256 : i32
    %add3A_22 = arith.addi %mul3A_20, %add3A_21 : i32
    "tpu.region"() ({
      %run_scoped3A_58 = tpu.sem_alloc : memref<!tpu.dma_semaphore, #tpu.memory_space<semaphore_mem>>
      %dma_start3A = arith.constant 0 : i32
      %dma_start3A_59 = tpu.memref_slice %arg8[%add3A_22, %dma_start3A] : memref<10240x128xf32, #tpu.memory_space<vmem_shared>> -> memref<128x128xf32, #tpu.memory_space<vmem_shared>>
      %dma_start3A_60 = arith.constant 0 : i32
      %dma_start3A_61 = tpu.memref_slice %arg8[%add3A_22, %dma_start3A_60] : memref<10240x128xf32, #tpu.memory_space<vmem_shared>> -> memref<128x128xf32, #tpu.memory_space<vmem_shared>>
      tpu.enqueue_dma source(%arg14 : memref<128x128xf32, #tpu.memory_space<vmem>>) target(%dma_start3A_61 : memref<128x128xf32, #tpu.memory_space<vmem_shared>>) target_semaphore(%run_scoped3A_58 : memref<!tpu.dma_semaphore, #tpu.memory_space<semaphore_mem>>)
      %dma_wait3A = arith.constant 0 : i32
      %dma_wait3A_62 = tpu.memref_slice %arg8[%add3A_22, %dma_wait3A] : memref<10240x128xf32, #tpu.memory_space<vmem_shared>> -> memref<128x128xf32, #tpu.memory_space<vmem_shared>>
      %dma_wait3A_63 = arith.constant 0 : i32
      %dma_wait3A_64 = tpu.memref_slice %arg8[%add3A_22, %dma_wait3A_63] : memref<10240x128xf32, #tpu.memory_space<vmem_shared>> -> memref<128x128xf32, #tpu.memory_space<vmem_shared>>
      tpu.wait_dma2 semaphore(%run_scoped3A_58 : memref<!tpu.dma_semaphore, #tpu.memory_space<semaphore_mem>>) src(%arg14 : memref<128x128xf32, #tpu.memory_space<vmem>>) dst(%dma_wait3A_64 : memref<128x128xf32, #tpu.memory_space<vmem_shared>>)
      tpu.yield
    }) : () -> ()
    %mul3A_23 = arith.constant 640 : i32
    %mul3A_24 = arith.muli %arg1, %mul3A_23 : i32
    %add3A_25 = arith.constant 384 : i32
    %add3A_26 = arith.addi %mul3A_24, %add3A_25 : i32
    "tpu.region"() ({
      %run_scoped3A_58 = tpu.sem_alloc : memref<!tpu.dma_semaphore, #tpu.memory_space<semaphore_mem>>
      %dma_start3A = arith.constant 0 : i32
      %dma_start3A_59 = tpu.memref_slice %arg8[%add3A_26, %dma_start3A] : memref<10240x128xf32, #tpu.memory_space<vmem_shared>> -> memref<128x128xf32, #tpu.memory_space<vmem_shared>>
      %dma_start3A_60 = arith.constant 0 : i32
      %dma_start3A_61 = tpu.memref_slice %arg8[%add3A_26, %dma_start3A_60] : memref<10240x128xf32, #tpu.memory_space<vmem_shared>> -> memref<128x128xf32, #tpu.memory_space<vmem_shared>>
      tpu.enqueue_dma source(%arg14 : memref<128x128xf32, #tpu.memory_space<vmem>>) target(%dma_start3A_61 : memref<128x128xf32, #tpu.memory_space<vmem_shared>>) target_semaphore(%run_scoped3A_58 : memref<!tpu.dma_semaphore, #tpu.memory_space<semaphore_mem>>)
      %dma_wait3A = arith.constant 0 : i32
      %dma_wait3A_62 = tpu.memref_slice %arg8[%add3A_26, %dma_wait3A] : memref<10240x128xf32, #tpu.memory_space<vmem_shared>> -> memref<128x128xf32, #tpu.memory_space<vmem_shared>>
      %dma_wait3A_63 = arith.constant 0 : i32
      %dma_wait3A_64 = tpu.memref_slice %arg8[%add3A_26, %dma_wait3A_63] : memref<10240x128xf32, #tpu.memory_space<vmem_shared>> -> memref<128x128xf32, #tpu.memory_space<vmem_shared>>
      tpu.wait_dma2 semaphore(%run_scoped3A_58 : memref<!tpu.dma_semaphore, #tpu.memory_space<semaphore_mem>>) src(%arg14 : memref<128x128xf32, #tpu.memory_space<vmem>>) dst(%dma_wait3A_64 : memref<128x128xf32, #tpu.memory_space<vmem_shared>>)
      tpu.yield
    }) : () -> ()
    %mul3A_27 = arith.constant 640 : i32
    %mul3A_28 = arith.muli %arg1, %mul3A_27 : i32
    %add3A_29 = arith.constant 512 : i32
    %add3A_30 = arith.addi %mul3A_28, %add3A_29 : i32
    "tpu.region"() ({
      %run_scoped3A_58 = tpu.sem_alloc : memref<!tpu.dma_semaphore, #tpu.memory_space<semaphore_mem>>
      %dma_start3A = arith.constant 0 : i32
      %dma_start3A_59 = tpu.memref_slice %arg8[%add3A_30, %dma_start3A] : memref<10240x128xf32, #tpu.memory_space<vmem_shared>> -> memref<128x128xf32, #tpu.memory_space<vmem_shared>>
      %dma_start3A_60 = arith.constant 0 : i32
      %dma_start3A_61 = tpu.memref_slice %arg8[%add3A_30, %dma_start3A_60] : memref<10240x128xf32, #tpu.memory_space<vmem_shared>> -> memref<128x128xf32, #tpu.memory_space<vmem_shared>>
      tpu.enqueue_dma source(%arg14 : memref<128x128xf32, #tpu.memory_space<vmem>>) target(%dma_start3A_61 : memref<128x128xf32, #tpu.memory_space<vmem_shared>>) target_semaphore(%run_scoped3A_58 : memref<!tpu.dma_semaphore, #tpu.memory_space<semaphore_mem>>)
      %dma_wait3A = arith.constant 0 : i32
      %dma_wait3A_62 = tpu.memref_slice %arg8[%add3A_30, %dma_wait3A] : memref<10240x128xf32, #tpu.memory_space<vmem_shared>> -> memref<128x128xf32, #tpu.memory_space<vmem_shared>>
      %dma_wait3A_63 = arith.constant 0 : i32
      %dma_wait3A_64 = tpu.memref_slice %arg8[%add3A_30, %dma_wait3A_63] : memref<10240x128xf32, #tpu.memory_space<vmem_shared>> -> memref<128x128xf32, #tpu.memory_space<vmem_shared>>
      tpu.wait_dma2 semaphore(%run_scoped3A_58 : memref<!tpu.dma_semaphore, #tpu.memory_space<semaphore_mem>>) src(%arg14 : memref<128x128xf32, #tpu.memory_space<vmem>>) dst(%dma_wait3A_64 : memref<128x128xf32, #tpu.memory_space<vmem_shared>>)
      tpu.yield
    }) : () -> ()
    %barrier3A = arith.constant 0 : index
    tpu.barrier barrier_id(%barrier3A)
    %iota3A = tpu.iota {dimensions = array<i32: 0>} : vector<16xi32>
    %broadcast_in_dim3A = arith.constant 65 : i32
    %broadcast_in_dim3A_31 = vector.broadcast %broadcast_in_dim3A : i32 to vector<16xi32>
    %scan3A_32 = arith.constant 0 : i32
    %scan3A_33 = arith.constant 160 : i32
    %scan3A_34 = arith.addi %scan3A_32, %scan3A_33 : i32
    %scan3A_35 = arith.constant 1 : i32
    scf.for %scan3A_58 = %scan3A_32 to %scan3A_34 step %scan3A_35  : i32 {
      %mul3A_59 = arith.constant 1 : i32
      %mul3A_60 = arith.muli %scan3A_58, %mul3A_59 : i32
      %add3A_61 = arith.constant 0 : i32
      %add3A_62 = arith.addi %add3A_61, %mul3A_60 : i32
      %mul3A_63 = arith.constant 20480 : i32
      %mul3A_64 = arith.muli %add3A, %mul3A_63 : i32
      %mul3A_65 = arith.constant 128 : i32
      %mul3A_66 = arith.muli %add3A_62, %mul3A_65 : i32
      %add3A_67 = arith.addi %mul3A_64, %mul3A_66 : i32
      "tpu.region"() ({
        %run_scoped3A_77 = tpu.sem_alloc : memref<!tpu.dma_semaphore, #tpu.memory_space<semaphore_mem>>
        %dma_start3A_78 = tpu.memref_slice %arg2[%add3A_67] : memref<655360xi32, #tpu.memory_space<hbm>> -> memref<128xi32, #tpu.memory_space<hbm>>
        %dma_start3A_79 = tpu.memref_slice %arg2[%add3A_67] : memref<655360xi32, #tpu.memory_space<hbm>> -> memref<128xi32, #tpu.memory_space<hbm>>
        tpu.enqueue_dma source(%dma_start3A_79 : memref<128xi32, #tpu.memory_space<hbm>>) target(%arg12 : memref<128xi32, #tpu.memory_space<vmem>>) target_semaphore(%run_scoped3A_77 : memref<!tpu.dma_semaphore, #tpu.memory_space<semaphore_mem>>)
        %dma_wait3A_80 = tpu.memref_slice %arg2[%add3A_67] : memref<655360xi32, #tpu.memory_space<hbm>> -> memref<128xi32, #tpu.memory_space<hbm>>
        %dma_wait3A_81 = tpu.memref_slice %arg2[%add3A_67] : memref<655360xi32, #tpu.memory_space<hbm>> -> memref<128xi32, #tpu.memory_space<hbm>>
        tpu.wait_dma2 semaphore(%run_scoped3A_77 : memref<!tpu.dma_semaphore, #tpu.memory_space<semaphore_mem>>) src(%dma_wait3A_81 : memref<128xi32, #tpu.memory_space<hbm>>) dst(%arg12 : memref<128xi32, #tpu.memory_space<vmem>>)
        tpu.yield
      }) : () -> ()
      "tpu.region"() ({
        %run_scoped3A_77 = tpu.sem_alloc : memref<!tpu.dma_semaphore, #tpu.memory_space<semaphore_mem>>
        %dma_start3A_78 = tpu.memref_slice %arg3[%add3A_67] : memref<655360xi32, #tpu.memory_space<hbm>> -> memref<128xi32, #tpu.memory_space<hbm>>
        %dma_start3A_79 = tpu.memref_slice %arg3[%add3A_67] : memref<655360xi32, #tpu.memory_space<hbm>> -> memref<128xi32, #tpu.memory_space<hbm>>
        tpu.enqueue_dma source(%dma_start3A_79 : memref<128xi32, #tpu.memory_space<hbm>>) target(%arg13 : memref<128xi32, #tpu.memory_space<vmem>>) target_semaphore(%run_scoped3A_77 : memref<!tpu.dma_semaphore, #tpu.memory_space<semaphore_mem>>)
        %dma_wait3A_80 = tpu.memref_slice %arg3[%add3A_67] : memref<655360xi32, #tpu.memory_space<hbm>> -> memref<128xi32, #tpu.memory_space<hbm>>
        %dma_wait3A_81 = tpu.memref_slice %arg3[%add3A_67] : memref<655360xi32, #tpu.memory_space<hbm>> -> memref<128xi32, #tpu.memory_space<hbm>>
        tpu.wait_dma2 semaphore(%run_scoped3A_77 : memref<!tpu.dma_semaphore, #tpu.memory_space<semaphore_mem>>) src(%dma_wait3A_81 : memref<128xi32, #tpu.memory_space<hbm>>) dst(%arg13 : memref<128xi32, #tpu.memory_space<vmem>>)
        tpu.yield
      }) : () -> ()
      %dma_start3A = arith.constant 0 : i32
      %dma_start3A_68 = arith.constant 0 : i32
      %dma_start3A_69 = tpu.memref_slice %arg6[%dma_start3A, %dma_start3A_68] : memref<10240x128xf32, #tpu.memory_space<hbm>> -> memref<10240x128xf32, #tpu.memory_space<hbm>>
      tpu.enqueue_indirect_dma source(%dma_start3A_69 : memref<10240x128xf32, #tpu.memory_space<hbm>>) target(%arg14 : memref<128x128xf32, #tpu.memory_space<vmem>>) offsets(%arg13 : memref<128xi32, #tpu.memory_space<vmem>>) semaphore(%arg15 : memref<!tpu.dma_semaphore, #tpu.memory_space<semaphore_mem>>)
      %dma_wait3A = arith.constant 0 : i32
      %dma_wait3A_70 = arith.constant 0 : i32
      %dma_wait3A_71 = tpu.memref_slice %arg6[%dma_wait3A, %dma_wait3A_70] : memref<10240x128xf32, #tpu.memory_space<hbm>> -> memref<10240x128xf32, #tpu.memory_space<hbm>>
      tpu.wait_indirect_dma semaphore(%arg15 : memref<!tpu.dma_semaphore, #tpu.memory_space<semaphore_mem>>) src(%dma_wait3A_71 : memref<10240x128xf32, #tpu.memory_space<hbm>>) dst(%arg14 : memref<128x128xf32, #tpu.memory_space<vmem>>)
      %scan3A_72 = arith.constant 0 : i32
      %scan3A_73 = arith.constant 8 : i32
      %scan3A_74 = arith.addi %scan3A_72, %scan3A_73 : i32
      %scan3A_75 = arith.constant 1 : i32
      scf.for %scan3A_77 = %scan3A_72 to %scan3A_74 step %scan3A_75  : i32 {
        %mul3A_78 = arith.constant 1 : i32
        %mul3A_79 = arith.muli %scan3A_77, %mul3A_78 : i32
        %add3A_80 = arith.constant 0 : i32
        %add3A_81 = arith.addi %add3A_80, %mul3A_79 : i32
        %mul3A_82 = arith.constant 16 : i32
        %mul3A_83 = arith.muli %add3A_81, %mul3A_82 : i32
        %get3A = arith.index_cast %mul3A_83 : i32 to index
        %get3A_84 = tpu.vector_load %arg12[%get3A] {strides = array<i32>} : memref<128xi32, #tpu.memory_space<vmem>>, vector<16xi32>,
        %mul3A_85 = arith.constant 16 : i32
        %mul3A_86 = arith.muli %add3A_81, %mul3A_85 : i32
        %add3A_87 = vector.broadcast %mul3A_86 : i32 to vector<16xi32>
        %add3A_88 = arith.addi %iota3A, %add3A_87 : vector<16xi32>
        %gather3A = tpu.vector_load_idx %arg9[%get3A_84] : memref<10240xf32, #tpu.memory_space<vmem>>[vector<16xi32>], vector<16xf32>,
        %gather3A_89 = tpu.vector_load_idx %arg10[%get3A_84] : memref<10240xf32, #tpu.memory_space<vmem>>[vector<16xi32>], vector<16xf32>,
        %gather3A_90 = tpu.vector_load_idx %arg14[%add3A_88, %broadcast_in_dim3A_31] : memref<128x128xf32, #tpu.memory_space<vmem>>[vector<16xi32>, vector<16xi32>], vector<16xf32>,
        %add3A_91 = arith.addf %gather3A, %gather3A_90 : vector<16xf32>
        %mul3A_92 = arith.constant 2.000000e-01 : f32
        %mul3A_93 = vector.broadcast %mul3A_92 : f32 to vector<16xf32>
        %mul3A_94 = arith.mulf %mul3A_93, %add3A_91 : vector<16xf32>
        %max3A = arith.maximumf %add3A_91, %mul3A_94 : vector<16xf32>
        %mul3A_95 = arith.mulf %gather3A_89, %max3A : vector<16xf32>
        %exp3A = math.exp %mul3A_95 : vector<16xf32>
        %slice3A = vector.extract_strided_slice %exp3A {offsets = [0], sizes = [1], strides = [1]} : vector<16xf32> to vector<1xf32>
        %squeeze3A = vector.extract %slice3A[0] : f32 from vector<1xf32>
        %mul3A_96 = arith.constant 16 : i32
        %mul3A_97 = arith.muli %add3A_81, %mul3A_96 : i32
        %add3A_98 = arith.constant 0 : i32
        %add3A_99 = arith.addi %mul3A_97, %add3A_98 : i32
        %get3A_100 = arith.index_cast %add3A_99 : i32 to index
        %get3A_101 = arith.constant 0 : index
        %get3A_102 = tpu.vector_load %arg14[%get3A_100, %get3A_101] {strides = array<i32>} : memref<128x128xf32, #tpu.memory_space<vmem>>, vector<16xf32>,
        %mul3A_103 = vector.broadcast %squeeze3A : f32 to vector<16xf32>
        %mul3A_104 = arith.mulf %get3A_102, %mul3A_103 : vector<16xf32>
        %swap3A = arith.index_cast %add3A_99 : i32 to index
        %swap3A_105 = arith.constant 0 : index
        %swap3A_106 = tpu.vector_load %arg14[%swap3A, %swap3A_105] {strides = array<i32>} : memref<128x128xf32, #tpu.memory_space<vmem>>, vector<16xf32>,
        tpu.vector_store %arg14[%swap3A, %swap3A_105], %mul3A_104 {strides = array<i32>} : memref<128x128xf32, #tpu.memory_space<vmem>>, vector<16xf32>,
        %get3A_107 = arith.index_cast %add3A_99 : i32 to index
        %get3A_108 = arith.constant 16 : index
        %get3A_109 = tpu.vector_load %arg14[%get3A_107, %get3A_108] {strides = array<i32>} : memref<128x128xf32, #tpu.memory_space<vmem>>, vector<16xf32>,
        %mul3A_110 = vector.broadcast %squeeze3A : f32 to vector<16xf32>
        %mul3A_111 = arith.mulf %get3A_109, %mul3A_110 : vector<16xf32>
        %swap3A_112 = arith.index_cast %add3A_99 : i32 to index
        %swap3A_113 = arith.constant 16 : index
        %swap3A_114 = tpu.vector_load %arg14[%swap3A_112, %swap3A_113] {strides = array<i32>} : memref<128x128xf32, #tpu.memory_space<vmem>>, vector<16xf32>,
        tpu.vector_store %arg14[%swap3A_112, %swap3A_113], %mul3A_111 {strides = array<i32>} : memref<128x128xf32, #tpu.memory_space<vmem>>, vector<16xf32>,
        %get3A_115 = arith.index_cast %add3A_99 : i32 to index
        %get3A_116 = arith.constant 32 : index
        %get3A_117 = tpu.vector_load %arg14[%get3A_115, %get3A_116] {strides = array<i32>} : memref<128x128xf32, #tpu.memory_space<vmem>>, vector<16xf32>,
        %mul3A_118 = vector.broadcast %squeeze3A : f32 to vector<16xf32>
        %mul3A_119 = arith.mulf %get3A_117, %mul3A_118 : vector<16xf32>
        %swap3A_120 = arith.index_cast %add3A_99 : i32 to index
        %swap3A_121 = arith.constant 32 : index
        %swap3A_122 = tpu.vector_load %arg14[%swap3A_120, %swap3A_121] {strides = array<i32>} : memref<128x128xf32, #tpu.memory_space<vmem>>, vector<16xf32>,
        tpu.vector_store %arg14[%swap3A_120, %swap3A_121], %mul3A_119 {strides = array<i32>} : memref<128x128xf32, #tpu.memory_space<vmem>>, vector<16xf32>,
        %get3A_123 = arith.index_cast %add3A_99 : i32 to index
        %get3A_124 = arith.constant 48 : index
        %get3A_125 = tpu.vector_load %arg14[%get3A_123, %get3A_124] {strides = array<i32>} : memref<128x128xf32, #tpu.memory_space<vmem>>, vector<16xf32>,
        %mul3A_126 = vector.broadcast %squeeze3A : f32 to vector<16xf32>
        %mul3A_127 = arith.mulf %get3A_125, %mul3A_126 : vector<16xf32>
        %swap3A_128 = arith.index_cast %add3A_99 : i32 to index
        %swap3A_129 = arith.constant 48 : index
        %swap3A_130 = tpu.vector_load %arg14[%swap3A_128, %swap3A_129] {strides = array<i32>} : memref<128x128xf32, #tpu.memory_space<vmem>>, vector<16xf32>,
        tpu.vector_store %arg14[%swap3A_128, %swap3A_129], %mul3A_127 {strides = array<i32>} : memref<128x128xf32, #tpu.memory_space<vmem>>, vector<16xf32>,
        %get3A_131 = arith.index_cast %add3A_99 : i32 to index
        %get3A_132 = arith.constant 64 : index
        %get3A_133 = tpu.vector_load %arg14[%get3A_131, %get3A_132] {strides = array<i32>} : memref<128x128xf32, #tpu.memory_space<vmem>>, vector<16xf32>,
        %mul3A_134 = vector.broadcast %squeeze3A : f32 to vector<16xf32>
        %mul3A_135 = arith.mulf %get3A_133, %mul3A_134 : vector<16xf32>
        %swap3A_136 = arith.index_cast %add3A_99 : i32 to index
        %swap3A_137 = arith.constant 64 : index
        %swap3A_138 = tpu.vector_load %arg14[%swap3A_136, %swap3A_137] {strides = array<i32>} : memref<128x128xf32, #tpu.memory_space<vmem>>, vector<16xf32>,
        tpu.vector_store %arg14[%swap3A_136, %swap3A_137], %mul3A_135 {strides = array<i32>} : memref<128x128xf32, #tpu.memory_space<vmem>>, vector<16xf32>,
        %slice3A_139 = vector.extract_strided_slice %exp3A {offsets = [1], sizes = [1], strides = [1]} : vector<16xf32> to vector<1xf32>
        %squeeze3A_140 = vector.extract %slice3A_139[0] : f32 from vector<1xf32>
        %mul3A_141 = arith.constant 16 : i32
        %mul3A_142 = arith.muli %add3A_81, %mul3A_141 : i32
        %add3A_143 = arith.constant 1 : i32
        %add3A_144 = arith.addi %mul3A_142, %add3A_143 : i32
        %get3A_145 = arith.index_cast %add3A_144 : i32 to index
        %get3A_146 = arith.constant 0 : index
        %get3A_147 = tpu.vector_load %arg14[%get3A_145, %get3A_146] {strides = array<i32>} : memref<128x128xf32, #tpu.memory_space<vmem>>, vector<16xf32>,
        %mul3A_148 = vector.broadcast %squeeze3A_140 : f32 to vector<16xf32>
        %mul3A_149 = arith.mulf %get3A_147, %mul3A_148 : vector<16xf32>
        %swap3A_150 = arith.index_cast %add3A_144 : i32 to index
        %swap3A_151 = arith.constant 0 : index
        %swap3A_152 = tpu.vector_load %arg14[%swap3A_150, %swap3A_151] {strides = array<i32>} : memref<128x128xf32, #tpu.memory_space<vmem>>, vector<16xf32>,
        tpu.vector_store %arg14[%swap3A_150, %swap3A_151], %mul3A_149 {strides = array<i32>} : memref<128x128xf32, #tpu.memory_space<vmem>>, vector<16xf32>,
        %get3A_153 = arith.index_cast %add3A_144 : i32 to index
        %get3A_154 = arith.constant 16 : index
        %get3A_155 = tpu.vector_load %arg14[%get3A_153, %get3A_154] {strides = array<i32>} : memref<128x128xf32, #tpu.memory_space<vmem>>, vector<16xf32>,
        %mul3A_156 = vector.broadcast %squeeze3A_140 : f32 to vector<16xf32>
        %mul3A_157 = arith.mulf %get3A_155, %mul3A_156 : vector<16xf32>
        %swap3A_158 = arith.index_cast %add3A_144 : i32 to index
        %swap3A_159 = arith.constant 16 : index
        %swap3A_160 = tpu.vector_load %arg14[%swap3A_158, %swap3A_159] {strides = array<i32>} : memref<128x128xf32, #tpu.memory_space<vmem>>, vector<16xf32>,
        tpu.vector_store %arg14[%swap3A_158, %swap3A_159], %mul3A_157 {strides = array<i32>} : memref<128x128xf32, #tpu.memory_space<vmem>>, vector<16xf32>,
        %get3A_161 = arith.index_cast %add3A_144 : i32 to index
        %get3A_162 = arith.constant 32 : index
        %get3A_163 = tpu.vector_load %arg14[%get3A_161, %get3A_162] {strides = array<i32>} : memref<128x128xf32, #tpu.memory_space<vmem>>, vector<16xf32>,
        %mul3A_164 = vector.broadcast %squeeze3A_140 : f32 to vector<16xf32>
        %mul3A_165 = arith.mulf %get3A_163, %mul3A_164 : vector<16xf32>
        %swap3A_166 = arith.index_cast %add3A_144 : i32 to index
        %swap3A_167 = arith.constant 32 : index
        %swap3A_168 = tpu.vector_load %arg14[%swap3A_166, %swap3A_167] {strides = array<i32>} : memref<128x128xf32, #tpu.memory_space<vmem>>, vector<16xf32>,
        tpu.vector_store %arg14[%swap3A_166, %swap3A_167], %mul3A_165 {strides = array<i32>} : memref<128x128xf32, #tpu.memory_space<vmem>>, vector<16xf32>,
        %get3A_169 = arith.index_cast %add3A_144 : i32 to index
        %get3A_170 = arith.constant 48 : index
        %get3A_171 = tpu.vector_load %arg14[%get3A_169, %get3A_170] {strides = array<i32>} : memref<128x128xf32, #tpu.memory_space<vmem>>, vector<16xf32>,
        %mul3A_172 = vector.broadcast %squeeze3A_140 : f32 to vector<16xf32>
        %mul3A_173 = arith.mulf %get3A_171, %mul3A_172 : vector<16xf32>
        %swap3A_174 = arith.index_cast %add3A_144 : i32 to index
        %swap3A_175 = arith.constant 48 : index
        %swap3A_176 = tpu.vector_load %arg14[%swap3A_174, %swap3A_175] {strides = array<i32>} : memref<128x128xf32, #tpu.memory_space<vmem>>, vector<16xf32>,
        tpu.vector_store %arg14[%swap3A_174, %swap3A_175], %mul3A_173 {strides = array<i32>} : memref<128x128xf32, #tpu.memory_space<vmem>>, vector<16xf32>,
        %get3A_177 = arith.index_cast %add3A_144 : i32 to index
        %get3A_178 = arith.constant 64 : index
        %get3A_179 = tpu.vector_load %arg14[%get3A_177, %get3A_178] {strides = array<i32>} : memref<128x128xf32, #tpu.memory_space<vmem>>, vector<16xf32>,
        %mul3A_180 = vector.broadcast %squeeze3A_140 : f32 to vector<16xf32>
        %mul3A_181 = arith.mulf %get3A_179, %mul3A_180 : vector<16xf32>
        %swap3A_182 = arith.index_cast %add3A_144 : i32 to index
        %swap3A_183 = arith.constant 64 : index
        %swap3A_184 = tpu.vector_load %arg14[%swap3A_182, %swap3A_183] {strides = array<i32>} : memref<128x128xf32, #tpu.memory_space<vmem>>, vector<16xf32>,
        tpu.vector_store %arg14[%swap3A_182, %swap3A_183], %mul3A_181 {strides = array<i32>} : memref<128x128xf32, #tpu.memory_space<vmem>>, vector<16xf32>,
        %slice3A_185 = vector.extract_strided_slice %exp3A {offsets = [2], sizes = [1], strides = [1]} : vector<16xf32> to vector<1xf32>
        %squeeze3A_186 = vector.extract %slice3A_185[0] : f32 from vector<1xf32>
        %mul3A_187 = arith.constant 16 : i32
        %mul3A_188 = arith.muli %add3A_81, %mul3A_187 : i32
        %add3A_189 = arith.constant 2 : i32
        %add3A_190 = arith.addi %mul3A_188, %add3A_189 : i32
        %get3A_191 = arith.index_cast %add3A_190 : i32 to index
        %get3A_192 = arith.constant 0 : index
        %get3A_193 = tpu.vector_load %arg14[%get3A_191, %get3A_192] {strides = array<i32>} : memref<128x128xf32, #tpu.memory_space<vmem>>, vector<16xf32>,
        %mul3A_194 = vector.broadcast %squeeze3A_186 : f32 to vector<16xf32>
        %mul3A_195 = arith.mulf %get3A_193, %mul3A_194 : vector<16xf32>
        %swap3A_196 = arith.index_cast %add3A_190 : i32 to index
        %swap3A_197 = arith.constant 0 : index
        %swap3A_198 = tpu.vector_load %arg14[%swap3A_196, %swap3A_197] {strides = array<i32>} : memref<128x128xf32, #tpu.memory_space<vmem>>, vector<16xf32>,
        tpu.vector_store %arg14[%swap3A_196, %swap3A_197], %mul3A_195 {strides = array<i32>} : memref<128x128xf32, #tpu.memory_space<vmem>>, vector<16xf32>,
        %get3A_199 = arith.index_cast %add3A_190 : i32 to index
        %get3A_200 = arith.constant 16 : index
        %get3A_201 = tpu.vector_load %arg14[%get3A_199, %get3A_200] {strides = array<i32>} : memref<128x128xf32, #tpu.memory_space<vmem>>, vector<16xf32>,
        %mul3A_202 = vector.broadcast %squeeze3A_186 : f32 to vector<16xf32>
        %mul3A_203 = arith.mulf %get3A_201, %mul3A_202 : vector<16xf32>
        %swap3A_204 = arith.index_cast %add3A_190 : i32 to index
        %swap3A_205 = arith.constant 16 : index
        %swap3A_206 = tpu.vector_load %arg14[%swap3A_204, %swap3A_205] {strides = array<i32>} : memref<128x128xf32, #tpu.memory_space<vmem>>, vector<16xf32>,
        tpu.vector_store %arg14[%swap3A_204, %swap3A_205], %mul3A_203 {strides = array<i32>} : memref<128x128xf32, #tpu.memory_space<vmem>>, vector<16xf32>,
        %get3A_207 = arith.index_cast %add3A_190 : i32 to index
        %get3A_208 = arith.constant 32 : index
        %get3A_209 = tpu.vector_load %arg14[%get3A_207, %get3A_208] {strides = array<i32>} : memref<128x128xf32, #tpu.memory_space<vmem>>, vector<16xf32>,
        %mul3A_210 = vector.broadcast %squeeze3A_186 : f32 to vector<16xf32>
        %mul3A_211 = arith.mulf %get3A_209, %mul3A_210 : vector<16xf32>
        %swap3A_212 = arith.index_cast %add3A_190 : i32 to index
        %swap3A_213 = arith.constant 32 : index
        %swap3A_214 = tpu.vector_load %arg14[%swap3A_212, %swap3A_213] {strides = array<i32>} : memref<128x128xf32, #tpu.memory_space<vmem>>, vector<16xf32>,
        tpu.vector_store %arg14[%swap3A_212, %swap3A_213], %mul3A_211 {strides = array<i32>} : memref<128x128xf32, #tpu.memory_space<vmem>>, vector<16xf32>,
        %get3A_215 = arith.index_cast %add3A_190 : i32 to index
        %get3A_216 = arith.constant 48 : index
        %get3A_217 = tpu.vector_load %arg14[%get3A_215, %get3A_216] {strides = array<i32>} : memref<128x128xf32, #tpu.memory_space<vmem>>, vector<16xf32>,
        %mul3A_218 = vector.broadcast %squeeze3A_186 : f32 to vector<16xf32>
        %mul3A_219 = arith.mulf %get3A_217, %mul3A_218 : vector<16xf32>
        %swap3A_220 = arith.index_cast %add3A_190 : i32 to index
        %swap3A_221 = arith.constant 48 : index
        %swap3A_222 = tpu.vector_load %arg14[%swap3A_220, %swap3A_221] {strides = array<i32>} : memref<128x128xf32, #tpu.memory_space<vmem>>, vector<16xf32>,
        tpu.vector_store %arg14[%swap3A_220, %swap3A_221], %mul3A_219 {strides = array<i32>} : memref<128x128xf32, #tpu.memory_space<vmem>>, vector<16xf32>,
        %get3A_223 = arith.index_cast %add3A_190 : i32 to index
        %get3A_224 = arith.constant 64 : index
        %get3A_225 = tpu.vector_load %arg14[%get3A_223, %get3A_224] {strides = array<i32>} : memref<128x128xf32, #tpu.memory_space<vmem>>, vector<16xf32>,
        %mul3A_226 = vector.broadcast %squeeze3A_186 : f32 to vector<16xf32>
        %mul3A_227 = arith.mulf %get3A_225, %mul3A_226 : vector<16xf32>
        %swap3A_228 = arith.index_cast %add3A_190 : i32 to index
        %swap3A_229 = arith.constant 64 : index
        %swap3A_230 = tpu.vector_load %arg14[%swap3A_228, %swap3A_229] {strides = array<i32>} : memref<128x128xf32, #tpu.memory_space<vmem>>, vector<16xf32>,
        tpu.vector_store %arg14[%swap3A_228, %swap3A_229], %mul3A_227 {strides = array<i32>} : memref<128x128xf32, #tpu.memory_space<vmem>>, vector<16xf32>,
        %slice3A_231 = vector.extract_strided_slice %exp3A {offsets = [3], sizes = [1], strides = [1]} : vector<16xf32> to vector<1xf32>
        %squeeze3A_232 = vector.extract %slice3A_231[0] : f32 from vector<1xf32>
        %mul3A_233 = arith.constant 16 : i32
        %mul3A_234 = arith.muli %add3A_81, %mul3A_233 : i32
        %add3A_235 = arith.constant 3 : i32
        %add3A_236 = arith.addi %mul3A_234, %add3A_235 : i32
        %get3A_237 = arith.index_cast %add3A_236 : i32 to index
        %get3A_238 = arith.constant 0 : index
        %get3A_239 = tpu.vector_load %arg14[%get3A_237, %get3A_238] {strides = array<i32>} : memref<128x128xf32, #tpu.memory_space<vmem>>, vector<16xf32>,
        %mul3A_240 = vector.broadcast %squeeze3A_232 : f32 to vector<16xf32>
        %mul3A_241 = arith.mulf %get3A_239, %mul3A_240 : vector<16xf32>
        %swap3A_242 = arith.index_cast %add3A_236 : i32 to index
        %swap3A_243 = arith.constant 0 : index
        %swap3A_244 = tpu.vector_load %arg14[%swap3A_242, %swap3A_243] {strides = array<i32>} : memref<128x128xf32, #tpu.memory_space<vmem>>, vector<16xf32>,
        tpu.vector_store %arg14[%swap3A_242, %swap3A_243], %mul3A_241 {strides = array<i32>} : memref<128x128xf32, #tpu.memory_space<vmem>>, vector<16xf32>,
        %get3A_245 = arith.index_cast %add3A_236 : i32 to index
        %get3A_246 = arith.constant 16 : index
        %get3A_247 = tpu.vector_load %arg14[%get3A_245, %get3A_246] {strides = array<i32>} : memref<128x128xf32, #tpu.memory_space<vmem>>, vector<16xf32>,
        %mul3A_248 = vector.broadcast %squeeze3A_232 : f32 to vector<16xf32>
        %mul3A_249 = arith.mulf %get3A_247, %mul3A_248 : vector<16xf32>
        %swap3A_250 = arith.index_cast %add3A_236 : i32 to index
        %swap3A_251 = arith.constant 16 : index
        %swap3A_252 = tpu.vector_load %arg14[%swap3A_250, %swap3A_251] {strides = array<i32>} : memref<128x128xf32, #tpu.memory_space<vmem>>, vector<16xf32>,
        tpu.vector_store %arg14[%swap3A_250, %swap3A_251], %mul3A_249 {strides = array<i32>} : memref<128x128xf32, #tpu.memory_space<vmem>>, vector<16xf32>,
        %get3A_253 = arith.index_cast %add3A_236 : i32 to index
        %get3A_254 = arith.constant 32 : index
        %get3A_255 = tpu.vector_load %arg14[%get3A_253, %get3A_254] {strides = array<i32>} : memref<128x128xf32, #tpu.memory_space<vmem>>, vector<16xf32>,
        %mul3A_256 = vector.broadcast %squeeze3A_232 : f32 to vector<16xf32>
        %mul3A_257 = arith.mulf %get3A_255, %mul3A_256 : vector<16xf32>
        %swap3A_258 = arith.index_cast %add3A_236 : i32 to index
        %swap3A_259 = arith.constant 32 : index
        %swap3A_260 = tpu.vector_load %arg14[%swap3A_258, %swap3A_259] {strides = array<i32>} : memref<128x128xf32, #tpu.memory_space<vmem>>, vector<16xf32>,
        tpu.vector_store %arg14[%swap3A_258, %swap3A_259], %mul3A_257 {strides = array<i32>} : memref<128x128xf32, #tpu.memory_space<vmem>>, vector<16xf32>,
        %get3A_261 = arith.index_cast %add3A_236 : i32 to index
        %get3A_262 = arith.constant 48 : index
        %get3A_263 = tpu.vector_load %arg14[%get3A_261, %get3A_262] {strides = array<i32>} : memref<128x128xf32, #tpu.memory_space<vmem>>, vector<16xf32>,
        %mul3A_264 = vector.broadcast %squeeze3A_232 : f32 to vector<16xf32>
        %mul3A_265 = arith.mulf %get3A_263, %mul3A_264 : vector<16xf32>
        %swap3A_266 = arith.index_cast %add3A_236 : i32 to index
        %swap3A_267 = arith.constant 48 : index
        %swap3A_268 = tpu.vector_load %arg14[%swap3A_266, %swap3A_267] {strides = array<i32>} : memref<128x128xf32, #tpu.memory_space<vmem>>, vector<16xf32>,
        tpu.vector_store %arg14[%swap3A_266, %swap3A_267], %mul3A_265 {strides = array<i32>} : memref<128x128xf32, #tpu.memory_space<vmem>>, vector<16xf32>,
        %get3A_269 = arith.index_cast %add3A_236 : i32 to index
        %get3A_270 = arith.constant 64 : index
        %get3A_271 = tpu.vector_load %arg14[%get3A_269, %get3A_270] {strides = array<i32>} : memref<128x128xf32, #tpu.memory_space<vmem>>, vector<16xf32>,
        %mul3A_272 = vector.broadcast %squeeze3A_232 : f32 to vector<16xf32>
        %mul3A_273 = arith.mulf %get3A_271, %mul3A_272 : vector<16xf32>
        %swap3A_274 = arith.index_cast %add3A_236 : i32 to index
        %swap3A_275 = arith.constant 64 : index
        %swap3A_276 = tpu.vector_load %arg14[%swap3A_274, %swap3A_275] {strides = array<i32>} : memref<128x128xf32, #tpu.memory_space<vmem>>, vector<16xf32>,
        tpu.vector_store %arg14[%swap3A_274, %swap3A_275], %mul3A_273 {strides = array<i32>} : memref<128x128xf32, #tpu.memory_space<vmem>>, vector<16xf32>,
        %slice3A_277 = vector.extract_strided_slice %exp3A {offsets = [4], sizes = [1], strides = [1]} : vector<16xf32> to vector<1xf32>
        %squeeze3A_278 = vector.extract %slice3A_277[0] : f32 from vector<1xf32>
        %mul3A_279 = arith.constant 16 : i32
        %mul3A_280 = arith.muli %add3A_81, %mul3A_279 : i32
        %add3A_281 = arith.constant 4 : i32
        %add3A_282 = arith.addi %mul3A_280, %add3A_281 : i32
        %get3A_283 = arith.index_cast %add3A_282 : i32 to index
        %get3A_284 = arith.constant 0 : index
        %get3A_285 = tpu.vector_load %arg14[%get3A_283, %get3A_284] {strides = array<i32>} : memref<128x128xf32, #tpu.memory_space<vmem>>, vector<16xf32>,
        %mul3A_286 = vector.broadcast %squeeze3A_278 : f32 to vector<16xf32>
        %mul3A_287 = arith.mulf %get3A_285, %mul3A_286 : vector<16xf32>
        %swap3A_288 = arith.index_cast %add3A_282 : i32 to index
        %swap3A_289 = arith.constant 0 : index
        %swap3A_290 = tpu.vector_load %arg14[%swap3A_288, %swap3A_289] {strides = array<i32>} : memref<128x128xf32, #tpu.memory_space<vmem>>, vector<16xf32>,
        tpu.vector_store %arg14[%swap3A_288, %swap3A_289], %mul3A_287 {strides = array<i32>} : memref<128x128xf32, #tpu.memory_space<vmem>>, vector<16xf32>,
        %get3A_291 = arith.index_cast %add3A_282 : i32 to index
        %get3A_292 = arith.constant 16 : index
        %get3A_293 = tpu.vector_load %arg14[%get3A_291, %get3A_292] {strides = array<i32>} : memref<128x128xf32, #tpu.memory_space<vmem>>, vector<16xf32>,
        %mul3A_294 = vector.broadcast %squeeze3A_278 : f32 to vector<16xf32>
        %mul3A_295 = arith.mulf %get3A_293, %mul3A_294 : vector<16xf32>
        %swap3A_296 = arith.index_cast %add3A_282 : i32 to index
        %swap3A_297 = arith.constant 16 : index
        %swap3A_298 = tpu.vector_load %arg14[%swap3A_296, %swap3A_297] {strides = array<i32>} : memref<128x128xf32, #tpu.memory_space<vmem>>, vector<16xf32>,
        tpu.vector_store %arg14[%swap3A_296, %swap3A_297], %mul3A_295 {strides = array<i32>} : memref<128x128xf32, #tpu.memory_space<vmem>>, vector<16xf32>,
        %get3A_299 = arith.index_cast %add3A_282 : i32 to index
        %get3A_300 = arith.constant 32 : index
        %get3A_301 = tpu.vector_load %arg14[%get3A_299, %get3A_300] {strides = array<i32>} : memref<128x128xf32, #tpu.memory_space<vmem>>, vector<16xf32>,
        %mul3A_302 = vector.broadcast %squeeze3A_278 : f32 to vector<16xf32>
        %mul3A_303 = arith.mulf %get3A_301, %mul3A_302 : vector<16xf32>
        %swap3A_304 = arith.index_cast %add3A_282 : i32 to index
        %swap3A_305 = arith.constant 32 : index
        %swap3A_306 = tpu.vector_load %arg14[%swap3A_304, %swap3A_305] {strides = array<i32>} : memref<128x128xf32, #tpu.memory_space<vmem>>, vector<16xf32>,
        tpu.vector_store %arg14[%swap3A_304, %swap3A_305], %mul3A_303 {strides = array<i32>} : memref<128x128xf32, #tpu.memory_space<vmem>>, vector<16xf32>,
        %get3A_307 = arith.index_cast %add3A_282 : i32 to index
        %get3A_308 = arith.constant 48 : index
        %get3A_309 = tpu.vector_load %arg14[%get3A_307, %get3A_308] {strides = array<i32>} : memref<128x128xf32, #tpu.memory_space<vmem>>, vector<16xf32>,
        %mul3A_310 = vector.broadcast %squeeze3A_278 : f32 to vector<16xf32>
        %mul3A_311 = arith.mulf %get3A_309, %mul3A_310 : vector<16xf32>
        %swap3A_312 = arith.index_cast %add3A_282 : i32 to index
        %swap3A_313 = arith.constant 48 : index
        %swap3A_314 = tpu.vector_load %arg14[%swap3A_312, %swap3A_313] {strides = array<i32>} : memref<128x128xf32, #tpu.memory_space<vmem>>, vector<16xf32>,
        tpu.vector_store %arg14[%swap3A_312, %swap3A_313], %mul3A_311 {strides = array<i32>} : memref<128x128xf32, #tpu.memory_space<vmem>>, vector<16xf32>,
        %get3A_315 = arith.index_cast %add3A_282 : i32 to index
        %get3A_316 = arith.constant 64 : index
        %get3A_317 = tpu.vector_load %arg14[%get3A_315, %get3A_316] {strides = array<i32>} : memref<128x128xf32, #tpu.memory_space<vmem>>, vector<16xf32>,
        %mul3A_318 = vector.broadcast %squeeze3A_278 : f32 to vector<16xf32>
        %mul3A_319 = arith.mulf %get3A_317, %mul3A_318 : vector<16xf32>
        %swap3A_320 = arith.index_cast %add3A_282 : i32 to index
        %swap3A_321 = arith.constant 64 : index
        %swap3A_322 = tpu.vector_load %arg14[%swap3A_320, %swap3A_321] {strides = array<i32>} : memref<128x128xf32, #tpu.memory_space<vmem>>, vector<16xf32>,
        tpu.vector_store %arg14[%swap3A_320, %swap3A_321], %mul3A_319 {strides = array<i32>} : memref<128x128xf32, #tpu.memory_space<vmem>>, vector<16xf32>,
        %slice3A_323 = vector.extract_strided_slice %exp3A {offsets = [5], sizes = [1], strides = [1]} : vector<16xf32> to vector<1xf32>
        %squeeze3A_324 = vector.extract %slice3A_323[0] : f32 from vector<1xf32>
        %mul3A_325 = arith.constant 16 : i32
        %mul3A_326 = arith.muli %add3A_81, %mul3A_325 : i32
        %add3A_327 = arith.constant 5 : i32
        %add3A_328 = arith.addi %mul3A_326, %add3A_327 : i32
        %get3A_329 = arith.index_cast %add3A_328 : i32 to index
        %get3A_330 = arith.constant 0 : index
        %get3A_331 = tpu.vector_load %arg14[%get3A_329, %get3A_330] {strides = array<i32>} : memref<128x128xf32, #tpu.memory_space<vmem>>, vector<16xf32>,
        %mul3A_332 = vector.broadcast %squeeze3A_324 : f32 to vector<16xf32>
        %mul3A_333 = arith.mulf %get3A_331, %mul3A_332 : vector<16xf32>
        %swap3A_334 = arith.index_cast %add3A_328 : i32 to index
        %swap3A_335 = arith.constant 0 : index
        %swap3A_336 = tpu.vector_load %arg14[%swap3A_334, %swap3A_335] {strides = array<i32>} : memref<128x128xf32, #tpu.memory_space<vmem>>, vector<16xf32>,
        tpu.vector_store %arg14[%swap3A_334, %swap3A_335], %mul3A_333 {strides = array<i32>} : memref<128x128xf32, #tpu.memory_space<vmem>>, vector<16xf32>,
        %get3A_337 = arith.index_cast %add3A_328 : i32 to index
        %get3A_338 = arith.constant 16 : index
        %get3A_339 = tpu.vector_load %arg14[%get3A_337, %get3A_338] {strides = array<i32>} : memref<128x128xf32, #tpu.memory_space<vmem>>, vector<16xf32>,
        %mul3A_340 = vector.broadcast %squeeze3A_324 : f32 to vector<16xf32>
        %mul3A_341 = arith.mulf %get3A_339, %mul3A_340 : vector<16xf32>
        %swap3A_342 = arith.index_cast %add3A_328 : i32 to index
        %swap3A_343 = arith.constant 16 : index
        %swap3A_344 = tpu.vector_load %arg14[%swap3A_342, %swap3A_343] {strides = array<i32>} : memref<128x128xf32, #tpu.memory_space<vmem>>, vector<16xf32>,
        tpu.vector_store %arg14[%swap3A_342, %swap3A_343], %mul3A_341 {strides = array<i32>} : memref<128x128xf32, #tpu.memory_space<vmem>>, vector<16xf32>,
        %get3A_345 = arith.index_cast %add3A_328 : i32 to index
        %get3A_346 = arith.constant 32 : index
        %get3A_347 = tpu.vector_load %arg14[%get3A_345, %get3A_346] {strides = array<i32>} : memref<128x128xf32, #tpu.memory_space<vmem>>, vector<16xf32>,
        %mul3A_348 = vector.broadcast %squeeze3A_324 : f32 to vector<16xf32>
        %mul3A_349 = arith.mulf %get3A_347, %mul3A_348 : vector<16xf32>
        %swap3A_350 = arith.index_cast %add3A_328 : i32 to index
        %swap3A_351 = arith.constant 32 : index
        %swap3A_352 = tpu.vector_load %arg14[%swap3A_350, %swap3A_351] {strides = array<i32>} : memref<128x128xf32, #tpu.memory_space<vmem>>, vector<16xf32>,
        tpu.vector_store %arg14[%swap3A_350, %swap3A_351], %mul3A_349 {strides = array<i32>} : memref<128x128xf32, #tpu.memory_space<vmem>>, vector<16xf32>,
        %get3A_353 = arith.index_cast %add3A_328 : i32 to index
        %get3A_354 = arith.constant 48 : index
        %get3A_355 = tpu.vector_load %arg14[%get3A_353, %get3A_354] {strides = array<i32>} : memref<128x128xf32, #tpu.memory_space<vmem>>, vector<16xf32>,
        %mul3A_356 = vector.broadcast %squeeze3A_324 : f32 to vector<16xf32>
        %mul3A_357 = arith.mulf %get3A_355, %mul3A_356 : vector<16xf32>
        %swap3A_358 = arith.index_cast %add3A_328 : i32 to index
        %swap3A_359 = arith.constant 48 : index
        %swap3A_360 = tpu.vector_load %arg14[%swap3A_358, %swap3A_359] {strides = array<i32>} : memref<128x128xf32, #tpu.memory_space<vmem>>, vector<16xf32>,
        tpu.vector_store %arg14[%swap3A_358, %swap3A_359], %mul3A_357 {strides = array<i32>} : memref<128x128xf32, #tpu.memory_space<vmem>>, vector<16xf32>,
        %get3A_361 = arith.index_cast %add3A_328 : i32 to index
        %get3A_362 = arith.constant 64 : index
        %get3A_363 = tpu.vector_load %arg14[%get3A_361, %get3A_362] {strides = array<i32>} : memref<128x128xf32, #tpu.memory_space<vmem>>, vector<16xf32>,
        %mul3A_364 = vector.broadcast %squeeze3A_324 : f32 to vector<16xf32>
        %mul3A_365 = arith.mulf %get3A_363, %mul3A_364 : vector<16xf32>
        %swap3A_366 = arith.index_cast %add3A_328 : i32 to index
        %swap3A_367 = arith.constant 64 : index
        %swap3A_368 = tpu.vector_load %arg14[%swap3A_366, %swap3A_367] {strides = array<i32>} : memref<128x128xf32, #tpu.memory_space<vmem>>, vector<16xf32>,
        tpu.vector_store %arg14[%swap3A_366, %swap3A_367], %mul3A_365 {strides = array<i32>} : memref<128x128xf32, #tpu.memory_space<vmem>>, vector<16xf32>,
        %slice3A_369 = vector.extract_strided_slice %exp3A {offsets = [6], sizes = [1], strides = [1]} : vector<16xf32> to vector<1xf32>
        %squeeze3A_370 = vector.extract %slice3A_369[0] : f32 from vector<1xf32>
        %mul3A_371 = arith.constant 16 : i32
        %mul3A_372 = arith.muli %add3A_81, %mul3A_371 : i32
        %add3A_373 = arith.constant 6 : i32
        %add3A_374 = arith.addi %mul3A_372, %add3A_373 : i32
        %get3A_375 = arith.index_cast %add3A_374 : i32 to index
        %get3A_376 = arith.constant 0 : index
        %get3A_377 = tpu.vector_load %arg14[%get3A_375, %get3A_376] {strides = array<i32>} : memref<128x128xf32, #tpu.memory_space<vmem>>, vector<16xf32>,
        %mul3A_378 = vector.broadcast %squeeze3A_370 : f32 to vector<16xf32>
        %mul3A_379 = arith.mulf %get3A_377, %mul3A_378 : vector<16xf32>
        %swap3A_380 = arith.index_cast %add3A_374 : i32 to index
        %swap3A_381 = arith.constant 0 : index
        %swap3A_382 = tpu.vector_load %arg14[%swap3A_380, %swap3A_381] {strides = array<i32>} : memref<128x128xf32, #tpu.memory_space<vmem>>, vector<16xf32>,
        tpu.vector_store %arg14[%swap3A_380, %swap3A_381], %mul3A_379 {strides = array<i32>} : memref<128x128xf32, #tpu.memory_space<vmem>>, vector<16xf32>,
        %get3A_383 = arith.index_cast %add3A_374 : i32 to index
        %get3A_384 = arith.constant 16 : index
        %get3A_385 = tpu.vector_load %arg14[%get3A_383, %get3A_384] {strides = array<i32>} : memref<128x128xf32, #tpu.memory_space<vmem>>, vector<16xf32>,
        %mul3A_386 = vector.broadcast %squeeze3A_370 : f32 to vector<16xf32>
        %mul3A_387 = arith.mulf %get3A_385, %mul3A_386 : vector<16xf32>
        %swap3A_388 = arith.index_cast %add3A_374 : i32 to index
        %swap3A_389 = arith.constant 16 : index
        %swap3A_390 = tpu.vector_load %arg14[%swap3A_388, %swap3A_389] {strides = array<i32>} : memref<128x128xf32, #tpu.memory_space<vmem>>, vector<16xf32>,
        tpu.vector_store %arg14[%swap3A_388, %swap3A_389], %mul3A_387 {strides = array<i32>} : memref<128x128xf32, #tpu.memory_space<vmem>>, vector<16xf32>,
        %get3A_391 = arith.index_cast %add3A_374 : i32 to index
        %get3A_392 = arith.constant 32 : index
        %get3A_393 = tpu.vector_load %arg14[%get3A_391, %get3A_392] {strides = array<i32>} : memref<128x128xf32, #tpu.memory_space<vmem>>, vector<16xf32>,
        %mul3A_394 = vector.broadcast %squeeze3A_370 : f32 to vector<16xf32>
        %mul3A_395 = arith.mulf %get3A_393, %mul3A_394 : vector<16xf32>
        %swap3A_396 = arith.index_cast %add3A_374 : i32 to index
        %swap3A_397 = arith.constant 32 : index
        %swap3A_398 = tpu.vector_load %arg14[%swap3A_396, %swap3A_397] {strides = array<i32>} : memref<128x128xf32, #tpu.memory_space<vmem>>, vector<16xf32>,
        tpu.vector_store %arg14[%swap3A_396, %swap3A_397], %mul3A_395 {strides = array<i32>} : memref<128x128xf32, #tpu.memory_space<vmem>>, vector<16xf32>,
        %get3A_399 = arith.index_cast %add3A_374 : i32 to index
        %get3A_400 = arith.constant 48 : index
        %get3A_401 = tpu.vector_load %arg14[%get3A_399, %get3A_400] {strides = array<i32>} : memref<128x128xf32, #tpu.memory_space<vmem>>, vector<16xf32>,
        %mul3A_402 = vector.broadcast %squeeze3A_370 : f32 to vector<16xf32>
        %mul3A_403 = arith.mulf %get3A_401, %mul3A_402 : vector<16xf32>
        %swap3A_404 = arith.index_cast %add3A_374 : i32 to index
        %swap3A_405 = arith.constant 48 : index
        %swap3A_406 = tpu.vector_load %arg14[%swap3A_404, %swap3A_405] {strides = array<i32>} : memref<128x128xf32, #tpu.memory_space<vmem>>, vector<16xf32>,
        tpu.vector_store %arg14[%swap3A_404, %swap3A_405], %mul3A_403 {strides = array<i32>} : memref<128x128xf32, #tpu.memory_space<vmem>>, vector<16xf32>,
        %get3A_407 = arith.index_cast %add3A_374 : i32 to index
        %get3A_408 = arith.constant 64 : index
        %get3A_409 = tpu.vector_load %arg14[%get3A_407, %get3A_408] {strides = array<i32>} : memref<128x128xf32, #tpu.memory_space<vmem>>, vector<16xf32>,
        %mul3A_410 = vector.broadcast %squeeze3A_370 : f32 to vector<16xf32>
        %mul3A_411 = arith.mulf %get3A_409, %mul3A_410 : vector<16xf32>
        %swap3A_412 = arith.index_cast %add3A_374 : i32 to index
        %swap3A_413 = arith.constant 64 : index
        %swap3A_414 = tpu.vector_load %arg14[%swap3A_412, %swap3A_413] {strides = array<i32>} : memref<128x128xf32, #tpu.memory_space<vmem>>, vector<16xf32>,
        tpu.vector_store %arg14[%swap3A_412, %swap3A_413], %mul3A_411 {strides = array<i32>} : memref<128x128xf32, #tpu.memory_space<vmem>>, vector<16xf32>,
        %slice3A_415 = vector.extract_strided_slice %exp3A {offsets = [7], sizes = [1], strides = [1]} : vector<16xf32> to vector<1xf32>
        %squeeze3A_416 = vector.extract %slice3A_415[0] : f32 from vector<1xf32>
        %mul3A_417 = arith.constant 16 : i32
        %mul3A_418 = arith.muli %add3A_81, %mul3A_417 : i32
        %add3A_419 = arith.constant 7 : i32
        %add3A_420 = arith.addi %mul3A_418, %add3A_419 : i32
        %get3A_421 = arith.index_cast %add3A_420 : i32 to index
        %get3A_422 = arith.constant 0 : index
        %get3A_423 = tpu.vector_load %arg14[%get3A_421, %get3A_422] {strides = array<i32>} : memref<128x128xf32, #tpu.memory_space<vmem>>, vector<16xf32>,
        %mul3A_424 = vector.broadcast %squeeze3A_416 : f32 to vector<16xf32>
        %mul3A_425 = arith.mulf %get3A_423, %mul3A_424 : vector<16xf32>
        %swap3A_426 = arith.index_cast %add3A_420 : i32 to index
        %swap3A_427 = arith.constant 0 : index
        %swap3A_428 = tpu.vector_load %arg14[%swap3A_426, %swap3A_427] {strides = array<i32>} : memref<128x128xf32, #tpu.memory_space<vmem>>, vector<16xf32>,
        tpu.vector_store %arg14[%swap3A_426, %swap3A_427], %mul3A_425 {strides = array<i32>} : memref<128x128xf32, #tpu.memory_space<vmem>>, vector<16xf32>,
        %get3A_429 = arith.index_cast %add3A_420 : i32 to index
        %get3A_430 = arith.constant 16 : index
        %get3A_431 = tpu.vector_load %arg14[%get3A_429, %get3A_430] {strides = array<i32>} : memref<128x128xf32, #tpu.memory_space<vmem>>, vector<16xf32>,
        %mul3A_432 = vector.broadcast %squeeze3A_416 : f32 to vector<16xf32>
        %mul3A_433 = arith.mulf %get3A_431, %mul3A_432 : vector<16xf32>
        %swap3A_434 = arith.index_cast %add3A_420 : i32 to index
        %swap3A_435 = arith.constant 16 : index
        %swap3A_436 = tpu.vector_load %arg14[%swap3A_434, %swap3A_435] {strides = array<i32>} : memref<128x128xf32, #tpu.memory_space<vmem>>, vector<16xf32>,
        tpu.vector_store %arg14[%swap3A_434, %swap3A_435], %mul3A_433 {strides = array<i32>} : memref<128x128xf32, #tpu.memory_space<vmem>>, vector<16xf32>,
        %get3A_437 = arith.index_cast %add3A_420 : i32 to index
        %get3A_438 = arith.constant 32 : index
        %get3A_439 = tpu.vector_load %arg14[%get3A_437, %get3A_438] {strides = array<i32>} : memref<128x128xf32, #tpu.memory_space<vmem>>, vector<16xf32>,
        %mul3A_440 = vector.broadcast %squeeze3A_416 : f32 to vector<16xf32>
        %mul3A_441 = arith.mulf %get3A_439, %mul3A_440 : vector<16xf32>
        %swap3A_442 = arith.index_cast %add3A_420 : i32 to index
        %swap3A_443 = arith.constant 32 : index
        %swap3A_444 = tpu.vector_load %arg14[%swap3A_442, %swap3A_443] {strides = array<i32>} : memref<128x128xf32, #tpu.memory_space<vmem>>, vector<16xf32>,
        tpu.vector_store %arg14[%swap3A_442, %swap3A_443], %mul3A_441 {strides = array<i32>} : memref<128x128xf32, #tpu.memory_space<vmem>>, vector<16xf32>,
        %get3A_445 = arith.index_cast %add3A_420 : i32 to index
        %get3A_446 = arith.constant 48 : index
        %get3A_447 = tpu.vector_load %arg14[%get3A_445, %get3A_446] {strides = array<i32>} : memref<128x128xf32, #tpu.memory_space<vmem>>, vector<16xf32>,
        %mul3A_448 = vector.broadcast %squeeze3A_416 : f32 to vector<16xf32>
        %mul3A_449 = arith.mulf %get3A_447, %mul3A_448 : vector<16xf32>
        %swap3A_450 = arith.index_cast %add3A_420 : i32 to index
        %swap3A_451 = arith.constant 48 : index
        %swap3A_452 = tpu.vector_load %arg14[%swap3A_450, %swap3A_451] {strides = array<i32>} : memref<128x128xf32, #tpu.memory_space<vmem>>, vector<16xf32>,
        tpu.vector_store %arg14[%swap3A_450, %swap3A_451], %mul3A_449 {strides = array<i32>} : memref<128x128xf32, #tpu.memory_space<vmem>>, vector<16xf32>,
        %get3A_453 = arith.index_cast %add3A_420 : i32 to index
        %get3A_454 = arith.constant 64 : index
        %get3A_455 = tpu.vector_load %arg14[%get3A_453, %get3A_454] {strides = array<i32>} : memref<128x128xf32, #tpu.memory_space<vmem>>, vector<16xf32>,
        %mul3A_456 = vector.broadcast %squeeze3A_416 : f32 to vector<16xf32>
        %mul3A_457 = arith.mulf %get3A_455, %mul3A_456 : vector<16xf32>
        %swap3A_458 = arith.index_cast %add3A_420 : i32 to index
        %swap3A_459 = arith.constant 64 : index
        %swap3A_460 = tpu.vector_load %arg14[%swap3A_458, %swap3A_459] {strides = array<i32>} : memref<128x128xf32, #tpu.memory_space<vmem>>, vector<16xf32>,
        tpu.vector_store %arg14[%swap3A_458, %swap3A_459], %mul3A_457 {strides = array<i32>} : memref<128x128xf32, #tpu.memory_space<vmem>>, vector<16xf32>,
        %slice3A_461 = vector.extract_strided_slice %exp3A {offsets = [8], sizes = [1], strides = [1]} : vector<16xf32> to vector<1xf32>
        %squeeze3A_462 = vector.extract %slice3A_461[0] : f32 from vector<1xf32>
        %mul3A_463 = arith.constant 16 : i32
        %mul3A_464 = arith.muli %add3A_81, %mul3A_463 : i32
        %add3A_465 = arith.constant 8 : i32
        %add3A_466 = arith.addi %mul3A_464, %add3A_465 : i32
        %get3A_467 = arith.index_cast %add3A_466 : i32 to index
        %get3A_468 = arith.constant 0 : index
        %get3A_469 = tpu.vector_load %arg14[%get3A_467, %get3A_468] {strides = array<i32>} : memref<128x128xf32, #tpu.memory_space<vmem>>, vector<16xf32>,
        %mul3A_470 = vector.broadcast %squeeze3A_462 : f32 to vector<16xf32>
        %mul3A_471 = arith.mulf %get3A_469, %mul3A_470 : vector<16xf32>
        %swap3A_472 = arith.index_cast %add3A_466 : i32 to index
        %swap3A_473 = arith.constant 0 : index
        %swap3A_474 = tpu.vector_load %arg14[%swap3A_472, %swap3A_473] {strides = array<i32>} : memref<128x128xf32, #tpu.memory_space<vmem>>, vector<16xf32>,
        tpu.vector_store %arg14[%swap3A_472, %swap3A_473], %mul3A_471 {strides = array<i32>} : memref<128x128xf32, #tpu.memory_space<vmem>>, vector<16xf32>,
        %get3A_475 = arith.index_cast %add3A_466 : i32 to index
        %get3A_476 = arith.constant 16 : index
        %get3A_477 = tpu.vector_load %arg14[%get3A_475, %get3A_476] {strides = array<i32>} : memref<128x128xf32, #tpu.memory_space<vmem>>, vector<16xf32>,
        %mul3A_478 = vector.broadcast %squeeze3A_462 : f32 to vector<16xf32>
        %mul3A_479 = arith.mulf %get3A_477, %mul3A_478 : vector<16xf32>
        %swap3A_480 = arith.index_cast %add3A_466 : i32 to index
        %swap3A_481 = arith.constant 16 : index
        %swap3A_482 = tpu.vector_load %arg14[%swap3A_480, %swap3A_481] {strides = array<i32>} : memref<128x128xf32, #tpu.memory_space<vmem>>, vector<16xf32>,
        tpu.vector_store %arg14[%swap3A_480, %swap3A_481], %mul3A_479 {strides = array<i32>} : memref<128x128xf32, #tpu.memory_space<vmem>>, vector<16xf32>,
        %get3A_483 = arith.index_cast %add3A_466 : i32 to index
        %get3A_484 = arith.constant 32 : index
        %get3A_485 = tpu.vector_load %arg14[%get3A_483, %get3A_484] {strides = array<i32>} : memref<128x128xf32, #tpu.memory_space<vmem>>, vector<16xf32>,
        %mul3A_486 = vector.broadcast %squeeze3A_462 : f32 to vector<16xf32>
        %mul3A_487 = arith.mulf %get3A_485, %mul3A_486 : vector<16xf32>
        %swap3A_488 = arith.index_cast %add3A_466 : i32 to index
        %swap3A_489 = arith.constant 32 : index
        %swap3A_490 = tpu.vector_load %arg14[%swap3A_488, %swap3A_489] {strides = array<i32>} : memref<128x128xf32, #tpu.memory_space<vmem>>, vector<16xf32>,
        tpu.vector_store %arg14[%swap3A_488, %swap3A_489], %mul3A_487 {strides = array<i32>} : memref<128x128xf32, #tpu.memory_space<vmem>>, vector<16xf32>,
        %get3A_491 = arith.index_cast %add3A_466 : i32 to index
        %get3A_492 = arith.constant 48 : index
        %get3A_493 = tpu.vector_load %arg14[%get3A_491, %get3A_492] {strides = array<i32>} : memref<128x128xf32, #tpu.memory_space<vmem>>, vector<16xf32>,
        %mul3A_494 = vector.broadcast %squeeze3A_462 : f32 to vector<16xf32>
        %mul3A_495 = arith.mulf %get3A_493, %mul3A_494 : vector<16xf32>
        %swap3A_496 = arith.index_cast %add3A_466 : i32 to index
        %swap3A_497 = arith.constant 48 : index
        %swap3A_498 = tpu.vector_load %arg14[%swap3A_496, %swap3A_497] {strides = array<i32>} : memref<128x128xf32, #tpu.memory_space<vmem>>, vector<16xf32>,
        tpu.vector_store %arg14[%swap3A_496, %swap3A_497], %mul3A_495 {strides = array<i32>} : memref<128x128xf32, #tpu.memory_space<vmem>>, vector<16xf32>,
        %get3A_499 = arith.index_cast %add3A_466 : i32 to index
        %get3A_500 = arith.constant 64 : index
        %get3A_501 = tpu.vector_load %arg14[%get3A_499, %get3A_500] {strides = array<i32>} : memref<128x128xf32, #tpu.memory_space<vmem>>, vector<16xf32>,
        %mul3A_502 = vector.broadcast %squeeze3A_462 : f32 to vector<16xf32>
        %mul3A_503 = arith.mulf %get3A_501, %mul3A_502 : vector<16xf32>
        %swap3A_504 = arith.index_cast %add3A_466 : i32 to index
        %swap3A_505 = arith.constant 64 : index
        %swap3A_506 = tpu.vector_load %arg14[%swap3A_504, %swap3A_505] {strides = array<i32>} : memref<128x128xf32, #tpu.memory_space<vmem>>, vector<16xf32>,
        tpu.vector_store %arg14[%swap3A_504, %swap3A_505], %mul3A_503 {strides = array<i32>} : memref<128x128xf32, #tpu.memory_space<vmem>>, vector<16xf32>,
        %slice3A_507 = vector.extract_strided_slice %exp3A {offsets = [9], sizes = [1], strides = [1]} : vector<16xf32> to vector<1xf32>
        %squeeze3A_508 = vector.extract %slice3A_507[0] : f32 from vector<1xf32>
        %mul3A_509 = arith.constant 16 : i32
        %mul3A_510 = arith.muli %add3A_81, %mul3A_509 : i32
        %add3A_511 = arith.constant 9 : i32
        %add3A_512 = arith.addi %mul3A_510, %add3A_511 : i32
        %get3A_513 = arith.index_cast %add3A_512 : i32 to index
        %get3A_514 = arith.constant 0 : index
        %get3A_515 = tpu.vector_load %arg14[%get3A_513, %get3A_514] {strides = array<i32>} : memref<128x128xf32, #tpu.memory_space<vmem>>, vector<16xf32>,
        %mul3A_516 = vector.broadcast %squeeze3A_508 : f32 to vector<16xf32>
        %mul3A_517 = arith.mulf %get3A_515, %mul3A_516 : vector<16xf32>
        %swap3A_518 = arith.index_cast %add3A_512 : i32 to index
        %swap3A_519 = arith.constant 0 : index
        %swap3A_520 = tpu.vector_load %arg14[%swap3A_518, %swap3A_519] {strides = array<i32>} : memref<128x128xf32, #tpu.memory_space<vmem>>, vector<16xf32>,
        tpu.vector_store %arg14[%swap3A_518, %swap3A_519], %mul3A_517 {strides = array<i32>} : memref<128x128xf32, #tpu.memory_space<vmem>>, vector<16xf32>,
        %get3A_521 = arith.index_cast %add3A_512 : i32 to index
        %get3A_522 = arith.constant 16 : index
        %get3A_523 = tpu.vector_load %arg14[%get3A_521, %get3A_522] {strides = array<i32>} : memref<128x128xf32, #tpu.memory_space<vmem>>, vector<16xf32>,
        %mul3A_524 = vector.broadcast %squeeze3A_508 : f32 to vector<16xf32>
        %mul3A_525 = arith.mulf %get3A_523, %mul3A_524 : vector<16xf32>
        %swap3A_526 = arith.index_cast %add3A_512 : i32 to index
        %swap3A_527 = arith.constant 16 : index
        %swap3A_528 = tpu.vector_load %arg14[%swap3A_526, %swap3A_527] {strides = array<i32>} : memref<128x128xf32, #tpu.memory_space<vmem>>, vector<16xf32>,
        tpu.vector_store %arg14[%swap3A_526, %swap3A_527], %mul3A_525 {strides = array<i32>} : memref<128x128xf32, #tpu.memory_space<vmem>>, vector<16xf32>,
        %get3A_529 = arith.index_cast %add3A_512 : i32 to index
        %get3A_530 = arith.constant 32 : index
        %get3A_531 = tpu.vector_load %arg14[%get3A_529, %get3A_530] {strides = array<i32>} : memref<128x128xf32, #tpu.memory_space<vmem>>, vector<16xf32>,
        %mul3A_532 = vector.broadcast %squeeze3A_508 : f32 to vector<16xf32>
        %mul3A_533 = arith.mulf %get3A_531, %mul3A_532 : vector<16xf32>
        %swap3A_534 = arith.index_cast %add3A_512 : i32 to index
        %swap3A_535 = arith.constant 32 : index
        %swap3A_536 = tpu.vector_load %arg14[%swap3A_534, %swap3A_535] {strides = array<i32>} : memref<128x128xf32, #tpu.memory_space<vmem>>, vector<16xf32>,
        tpu.vector_store %arg14[%swap3A_534, %swap3A_535], %mul3A_533 {strides = array<i32>} : memref<128x128xf32, #tpu.memory_space<vmem>>, vector<16xf32>,
        %get3A_537 = arith.index_cast %add3A_512 : i32 to index
        %get3A_538 = arith.constant 48 : index
        %get3A_539 = tpu.vector_load %arg14[%get3A_537, %get3A_538] {strides = array<i32>} : memref<128x128xf32, #tpu.memory_space<vmem>>, vector<16xf32>,
        %mul3A_540 = vector.broadcast %squeeze3A_508 : f32 to vector<16xf32>
        %mul3A_541 = arith.mulf %get3A_539, %mul3A_540 : vector<16xf32>
        %swap3A_542 = arith.index_cast %add3A_512 : i32 to index
        %swap3A_543 = arith.constant 48 : index
        %swap3A_544 = tpu.vector_load %arg14[%swap3A_542, %swap3A_543] {strides = array<i32>} : memref<128x128xf32, #tpu.memory_space<vmem>>, vector<16xf32>,
        tpu.vector_store %arg14[%swap3A_542, %swap3A_543], %mul3A_541 {strides = array<i32>} : memref<128x128xf32, #tpu.memory_space<vmem>>, vector<16xf32>,
        %get3A_545 = arith.index_cast %add3A_512 : i32 to index
        %get3A_546 = arith.constant 64 : index
        %get3A_547 = tpu.vector_load %arg14[%get3A_545, %get3A_546] {strides = array<i32>} : memref<128x128xf32, #tpu.memory_space<vmem>>, vector<16xf32>,
        %mul3A_548 = vector.broadcast %squeeze3A_508 : f32 to vector<16xf32>
        %mul3A_549 = arith.mulf %get3A_547, %mul3A_548 : vector<16xf32>
        %swap3A_550 = arith.index_cast %add3A_512 : i32 to index
        %swap3A_551 = arith.constant 64 : index
        %swap3A_552 = tpu.vector_load %arg14[%swap3A_550, %swap3A_551] {strides = array<i32>} : memref<128x128xf32, #tpu.memory_space<vmem>>, vector<16xf32>,
        tpu.vector_store %arg14[%swap3A_550, %swap3A_551], %mul3A_549 {strides = array<i32>} : memref<128x128xf32, #tpu.memory_space<vmem>>, vector<16xf32>,
        %slice3A_553 = vector.extract_strided_slice %exp3A {offsets = [10], sizes = [1], strides = [1]} : vector<16xf32> to vector<1xf32>
        %squeeze3A_554 = vector.extract %slice3A_553[0] : f32 from vector<1xf32>
        %mul3A_555 = arith.constant 16 : i32
        %mul3A_556 = arith.muli %add3A_81, %mul3A_555 : i32
        %add3A_557 = arith.constant 10 : i32
        %add3A_558 = arith.addi %mul3A_556, %add3A_557 : i32
        %get3A_559 = arith.index_cast %add3A_558 : i32 to index
        %get3A_560 = arith.constant 0 : index
        %get3A_561 = tpu.vector_load %arg14[%get3A_559, %get3A_560] {strides = array<i32>} : memref<128x128xf32, #tpu.memory_space<vmem>>, vector<16xf32>,
        %mul3A_562 = vector.broadcast %squeeze3A_554 : f32 to vector<16xf32>
        %mul3A_563 = arith.mulf %get3A_561, %mul3A_562 : vector<16xf32>
        %swap3A_564 = arith.index_cast %add3A_558 : i32 to index
        %swap3A_565 = arith.constant 0 : index
        %swap3A_566 = tpu.vector_load %arg14[%swap3A_564, %swap3A_565] {strides = array<i32>} : memref<128x128xf32, #tpu.memory_space<vmem>>, vector<16xf32>,
        tpu.vector_store %arg14[%swap3A_564, %swap3A_565], %mul3A_563 {strides = array<i32>} : memref<128x128xf32, #tpu.memory_space<vmem>>, vector<16xf32>,
        %get3A_567 = arith.index_cast %add3A_558 : i32 to index
        %get3A_568 = arith.constant 16 : index
        %get3A_569 = tpu.vector_load %arg14[%get3A_567, %get3A_568] {strides = array<i32>} : memref<128x128xf32, #tpu.memory_space<vmem>>, vector<16xf32>,
        %mul3A_570 = vector.broadcast %squeeze3A_554 : f32 to vector<16xf32>
        %mul3A_571 = arith.mulf %get3A_569, %mul3A_570 : vector<16xf32>
        %swap3A_572 = arith.index_cast %add3A_558 : i32 to index
        %swap3A_573 = arith.constant 16 : index
        %swap3A_574 = tpu.vector_load %arg14[%swap3A_572, %swap3A_573] {strides = array<i32>} : memref<128x128xf32, #tpu.memory_space<vmem>>, vector<16xf32>,
        tpu.vector_store %arg14[%swap3A_572, %swap3A_573], %mul3A_571 {strides = array<i32>} : memref<128x128xf32, #tpu.memory_space<vmem>>, vector<16xf32>,
        %get3A_575 = arith.index_cast %add3A_558 : i32 to index
        %get3A_576 = arith.constant 32 : index
        %get3A_577 = tpu.vector_load %arg14[%get3A_575, %get3A_576] {strides = array<i32>} : memref<128x128xf32, #tpu.memory_space<vmem>>, vector<16xf32>,
        %mul3A_578 = vector.broadcast %squeeze3A_554 : f32 to vector<16xf32>
        %mul3A_579 = arith.mulf %get3A_577, %mul3A_578 : vector<16xf32>
        %swap3A_580 = arith.index_cast %add3A_558 : i32 to index
        %swap3A_581 = arith.constant 32 : index
        %swap3A_582 = tpu.vector_load %arg14[%swap3A_580, %swap3A_581] {strides = array<i32>} : memref<128x128xf32, #tpu.memory_space<vmem>>, vector<16xf32>,
        tpu.vector_store %arg14[%swap3A_580, %swap3A_581], %mul3A_579 {strides = array<i32>} : memref<128x128xf32, #tpu.memory_space<vmem>>, vector<16xf32>,
        %get3A_583 = arith.index_cast %add3A_558 : i32 to index
        %get3A_584 = arith.constant 48 : index
        %get3A_585 = tpu.vector_load %arg14[%get3A_583, %get3A_584] {strides = array<i32>} : memref<128x128xf32, #tpu.memory_space<vmem>>, vector<16xf32>,
        %mul3A_586 = vector.broadcast %squeeze3A_554 : f32 to vector<16xf32>
        %mul3A_587 = arith.mulf %get3A_585, %mul3A_586 : vector<16xf32>
        %swap3A_588 = arith.index_cast %add3A_558 : i32 to index
        %swap3A_589 = arith.constant 48 : index
        %swap3A_590 = tpu.vector_load %arg14[%swap3A_588, %swap3A_589] {strides = array<i32>} : memref<128x128xf32, #tpu.memory_space<vmem>>, vector<16xf32>,
        tpu.vector_store %arg14[%swap3A_588, %swap3A_589], %mul3A_587 {strides = array<i32>} : memref<128x128xf32, #tpu.memory_space<vmem>>, vector<16xf32>,
        %get3A_591 = arith.index_cast %add3A_558 : i32 to index
        %get3A_592 = arith.constant 64 : index
        %get3A_593 = tpu.vector_load %arg14[%get3A_591, %get3A_592] {strides = array<i32>} : memref<128x128xf32, #tpu.memory_space<vmem>>, vector<16xf32>,
        %mul3A_594 = vector.broadcast %squeeze3A_554 : f32 to vector<16xf32>
        %mul3A_595 = arith.mulf %get3A_593, %mul3A_594 : vector<16xf32>
        %swap3A_596 = arith.index_cast %add3A_558 : i32 to index
        %swap3A_597 = arith.constant 64 : index
        %swap3A_598 = tpu.vector_load %arg14[%swap3A_596, %swap3A_597] {strides = array<i32>} : memref<128x128xf32, #tpu.memory_space<vmem>>, vector<16xf32>,
        tpu.vector_store %arg14[%swap3A_596, %swap3A_597], %mul3A_595 {strides = array<i32>} : memref<128x128xf32, #tpu.memory_space<vmem>>, vector<16xf32>,
        %slice3A_599 = vector.extract_strided_slice %exp3A {offsets = [11], sizes = [1], strides = [1]} : vector<16xf32> to vector<1xf32>
        %squeeze3A_600 = vector.extract %slice3A_599[0] : f32 from vector<1xf32>
        %mul3A_601 = arith.constant 16 : i32
        %mul3A_602 = arith.muli %add3A_81, %mul3A_601 : i32
        %add3A_603 = arith.constant 11 : i32
        %add3A_604 = arith.addi %mul3A_602, %add3A_603 : i32
        %get3A_605 = arith.index_cast %add3A_604 : i32 to index
        %get3A_606 = arith.constant 0 : index
        %get3A_607 = tpu.vector_load %arg14[%get3A_605, %get3A_606] {strides = array<i32>} : memref<128x128xf32, #tpu.memory_space<vmem>>, vector<16xf32>,
        %mul3A_608 = vector.broadcast %squeeze3A_600 : f32 to vector<16xf32>
        %mul3A_609 = arith.mulf %get3A_607, %mul3A_608 : vector<16xf32>
        %swap3A_610 = arith.index_cast %add3A_604 : i32 to index
        %swap3A_611 = arith.constant 0 : index
        %swap3A_612 = tpu.vector_load %arg14[%swap3A_610, %swap3A_611] {strides = array<i32>} : memref<128x128xf32, #tpu.memory_space<vmem>>, vector<16xf32>,
        tpu.vector_store %arg14[%swap3A_610, %swap3A_611], %mul3A_609 {strides = array<i32>} : memref<128x128xf32, #tpu.memory_space<vmem>>, vector<16xf32>,
        %get3A_613 = arith.index_cast %add3A_604 : i32 to index
        %get3A_614 = arith.constant 16 : index
        %get3A_615 = tpu.vector_load %arg14[%get3A_613, %get3A_614] {strides = array<i32>} : memref<128x128xf32, #tpu.memory_space<vmem>>, vector<16xf32>,
        %mul3A_616 = vector.broadcast %squeeze3A_600 : f32 to vector<16xf32>
        %mul3A_617 = arith.mulf %get3A_615, %mul3A_616 : vector<16xf32>
        %swap3A_618 = arith.index_cast %add3A_604 : i32 to index
        %swap3A_619 = arith.constant 16 : index
        %swap3A_620 = tpu.vector_load %arg14[%swap3A_618, %swap3A_619] {strides = array<i32>} : memref<128x128xf32, #tpu.memory_space<vmem>>, vector<16xf32>,
        tpu.vector_store %arg14[%swap3A_618, %swap3A_619], %mul3A_617 {strides = array<i32>} : memref<128x128xf32, #tpu.memory_space<vmem>>, vector<16xf32>,
        %get3A_621 = arith.index_cast %add3A_604 : i32 to index
        %get3A_622 = arith.constant 32 : index
        %get3A_623 = tpu.vector_load %arg14[%get3A_621, %get3A_622] {strides = array<i32>} : memref<128x128xf32, #tpu.memory_space<vmem>>, vector<16xf32>,
        %mul3A_624 = vector.broadcast %squeeze3A_600 : f32 to vector<16xf32>
        %mul3A_625 = arith.mulf %get3A_623, %mul3A_624 : vector<16xf32>
        %swap3A_626 = arith.index_cast %add3A_604 : i32 to index
        %swap3A_627 = arith.constant 32 : index
        %swap3A_628 = tpu.vector_load %arg14[%swap3A_626, %swap3A_627] {strides = array<i32>} : memref<128x128xf32, #tpu.memory_space<vmem>>, vector<16xf32>,
        tpu.vector_store %arg14[%swap3A_626, %swap3A_627], %mul3A_625 {strides = array<i32>} : memref<128x128xf32, #tpu.memory_space<vmem>>, vector<16xf32>,
        %get3A_629 = arith.index_cast %add3A_604 : i32 to index
        %get3A_630 = arith.constant 48 : index
        %get3A_631 = tpu.vector_load %arg14[%get3A_629, %get3A_630] {strides = array<i32>} : memref<128x128xf32, #tpu.memory_space<vmem>>, vector<16xf32>,
        %mul3A_632 = vector.broadcast %squeeze3A_600 : f32 to vector<16xf32>
        %mul3A_633 = arith.mulf %get3A_631, %mul3A_632 : vector<16xf32>
        %swap3A_634 = arith.index_cast %add3A_604 : i32 to index
        %swap3A_635 = arith.constant 48 : index
        %swap3A_636 = tpu.vector_load %arg14[%swap3A_634, %swap3A_635] {strides = array<i32>} : memref<128x128xf32, #tpu.memory_space<vmem>>, vector<16xf32>,
        tpu.vector_store %arg14[%swap3A_634, %swap3A_635], %mul3A_633 {strides = array<i32>} : memref<128x128xf32, #tpu.memory_space<vmem>>, vector<16xf32>,
        %get3A_637 = arith.index_cast %add3A_604 : i32 to index
        %get3A_638 = arith.constant 64 : index
        %get3A_639 = tpu.vector_load %arg14[%get3A_637, %get3A_638] {strides = array<i32>} : memref<128x128xf32, #tpu.memory_space<vmem>>, vector<16xf32>,
        %mul3A_640 = vector.broadcast %squeeze3A_600 : f32 to vector<16xf32>
        %mul3A_641 = arith.mulf %get3A_639, %mul3A_640 : vector<16xf32>
        %swap3A_642 = arith.index_cast %add3A_604 : i32 to index
        %swap3A_643 = arith.constant 64 : index
        %swap3A_644 = tpu.vector_load %arg14[%swap3A_642, %swap3A_643] {strides = array<i32>} : memref<128x128xf32, #tpu.memory_space<vmem>>, vector<16xf32>,
        tpu.vector_store %arg14[%swap3A_642, %swap3A_643], %mul3A_641 {strides = array<i32>} : memref<128x128xf32, #tpu.memory_space<vmem>>, vector<16xf32>,
        %slice3A_645 = vector.extract_strided_slice %exp3A {offsets = [12], sizes = [1], strides = [1]} : vector<16xf32> to vector<1xf32>
        %squeeze3A_646 = vector.extract %slice3A_645[0] : f32 from vector<1xf32>
        %mul3A_647 = arith.constant 16 : i32
        %mul3A_648 = arith.muli %add3A_81, %mul3A_647 : i32
        %add3A_649 = arith.constant 12 : i32
        %add3A_650 = arith.addi %mul3A_648, %add3A_649 : i32
        %get3A_651 = arith.index_cast %add3A_650 : i32 to index
        %get3A_652 = arith.constant 0 : index
        %get3A_653 = tpu.vector_load %arg14[%get3A_651, %get3A_652] {strides = array<i32>} : memref<128x128xf32, #tpu.memory_space<vmem>>, vector<16xf32>,
        %mul3A_654 = vector.broadcast %squeeze3A_646 : f32 to vector<16xf32>
        %mul3A_655 = arith.mulf %get3A_653, %mul3A_654 : vector<16xf32>
        %swap3A_656 = arith.index_cast %add3A_650 : i32 to index
        %swap3A_657 = arith.constant 0 : index
        %swap3A_658 = tpu.vector_load %arg14[%swap3A_656, %swap3A_657] {strides = array<i32>} : memref<128x128xf32, #tpu.memory_space<vmem>>, vector<16xf32>,
        tpu.vector_store %arg14[%swap3A_656, %swap3A_657], %mul3A_655 {strides = array<i32>} : memref<128x128xf32, #tpu.memory_space<vmem>>, vector<16xf32>,
        %get3A_659 = arith.index_cast %add3A_650 : i32 to index
        %get3A_660 = arith.constant 16 : index
        %get3A_661 = tpu.vector_load %arg14[%get3A_659, %get3A_660] {strides = array<i32>} : memref<128x128xf32, #tpu.memory_space<vmem>>, vector<16xf32>,
        %mul3A_662 = vector.broadcast %squeeze3A_646 : f32 to vector<16xf32>
        %mul3A_663 = arith.mulf %get3A_661, %mul3A_662 : vector<16xf32>
        %swap3A_664 = arith.index_cast %add3A_650 : i32 to index
        %swap3A_665 = arith.constant 16 : index
        %swap3A_666 = tpu.vector_load %arg14[%swap3A_664, %swap3A_665] {strides = array<i32>} : memref<128x128xf32, #tpu.memory_space<vmem>>, vector<16xf32>,
        tpu.vector_store %arg14[%swap3A_664, %swap3A_665], %mul3A_663 {strides = array<i32>} : memref<128x128xf32, #tpu.memory_space<vmem>>, vector<16xf32>,
        %get3A_667 = arith.index_cast %add3A_650 : i32 to index
        %get3A_668 = arith.constant 32 : index
        %get3A_669 = tpu.vector_load %arg14[%get3A_667, %get3A_668] {strides = array<i32>} : memref<128x128xf32, #tpu.memory_space<vmem>>, vector<16xf32>,
        %mul3A_670 = vector.broadcast %squeeze3A_646 : f32 to vector<16xf32>
        %mul3A_671 = arith.mulf %get3A_669, %mul3A_670 : vector<16xf32>
        %swap3A_672 = arith.index_cast %add3A_650 : i32 to index
        %swap3A_673 = arith.constant 32 : index
        %swap3A_674 = tpu.vector_load %arg14[%swap3A_672, %swap3A_673] {strides = array<i32>} : memref<128x128xf32, #tpu.memory_space<vmem>>, vector<16xf32>,
        tpu.vector_store %arg14[%swap3A_672, %swap3A_673], %mul3A_671 {strides = array<i32>} : memref<128x128xf32, #tpu.memory_space<vmem>>, vector<16xf32>,
        %get3A_675 = arith.index_cast %add3A_650 : i32 to index
        %get3A_676 = arith.constant 48 : index
        %get3A_677 = tpu.vector_load %arg14[%get3A_675, %get3A_676] {strides = array<i32>} : memref<128x128xf32, #tpu.memory_space<vmem>>, vector<16xf32>,
        %mul3A_678 = vector.broadcast %squeeze3A_646 : f32 to vector<16xf32>
        %mul3A_679 = arith.mulf %get3A_677, %mul3A_678 : vector<16xf32>
        %swap3A_680 = arith.index_cast %add3A_650 : i32 to index
        %swap3A_681 = arith.constant 48 : index
        %swap3A_682 = tpu.vector_load %arg14[%swap3A_680, %swap3A_681] {strides = array<i32>} : memref<128x128xf32, #tpu.memory_space<vmem>>, vector<16xf32>,
        tpu.vector_store %arg14[%swap3A_680, %swap3A_681], %mul3A_679 {strides = array<i32>} : memref<128x128xf32, #tpu.memory_space<vmem>>, vector<16xf32>,
        %get3A_683 = arith.index_cast %add3A_650 : i32 to index
        %get3A_684 = arith.constant 64 : index
        %get3A_685 = tpu.vector_load %arg14[%get3A_683, %get3A_684] {strides = array<i32>} : memref<128x128xf32, #tpu.memory_space<vmem>>, vector<16xf32>,
        %mul3A_686 = vector.broadcast %squeeze3A_646 : f32 to vector<16xf32>
        %mul3A_687 = arith.mulf %get3A_685, %mul3A_686 : vector<16xf32>
        %swap3A_688 = arith.index_cast %add3A_650 : i32 to index
        %swap3A_689 = arith.constant 64 : index
        %swap3A_690 = tpu.vector_load %arg14[%swap3A_688, %swap3A_689] {strides = array<i32>} : memref<128x128xf32, #tpu.memory_space<vmem>>, vector<16xf32>,
        tpu.vector_store %arg14[%swap3A_688, %swap3A_689], %mul3A_687 {strides = array<i32>} : memref<128x128xf32, #tpu.memory_space<vmem>>, vector<16xf32>,
        %slice3A_691 = vector.extract_strided_slice %exp3A {offsets = [13], sizes = [1], strides = [1]} : vector<16xf32> to vector<1xf32>
        %squeeze3A_692 = vector.extract %slice3A_691[0] : f32 from vector<1xf32>
        %mul3A_693 = arith.constant 16 : i32
        %mul3A_694 = arith.muli %add3A_81, %mul3A_693 : i32
        %add3A_695 = arith.constant 13 : i32
        %add3A_696 = arith.addi %mul3A_694, %add3A_695 : i32
        %get3A_697 = arith.index_cast %add3A_696 : i32 to index
        %get3A_698 = arith.constant 0 : index
        %get3A_699 = tpu.vector_load %arg14[%get3A_697, %get3A_698] {strides = array<i32>} : memref<128x128xf32, #tpu.memory_space<vmem>>, vector<16xf32>,
        %mul3A_700 = vector.broadcast %squeeze3A_692 : f32 to vector<16xf32>
        %mul3A_701 = arith.mulf %get3A_699, %mul3A_700 : vector<16xf32>
        %swap3A_702 = arith.index_cast %add3A_696 : i32 to index
        %swap3A_703 = arith.constant 0 : index
        %swap3A_704 = tpu.vector_load %arg14[%swap3A_702, %swap3A_703] {strides = array<i32>} : memref<128x128xf32, #tpu.memory_space<vmem>>, vector<16xf32>,
        tpu.vector_store %arg14[%swap3A_702, %swap3A_703], %mul3A_701 {strides = array<i32>} : memref<128x128xf32, #tpu.memory_space<vmem>>, vector<16xf32>,
        %get3A_705 = arith.index_cast %add3A_696 : i32 to index
        %get3A_706 = arith.constant 16 : index
        %get3A_707 = tpu.vector_load %arg14[%get3A_705, %get3A_706] {strides = array<i32>} : memref<128x128xf32, #tpu.memory_space<vmem>>, vector<16xf32>,
        %mul3A_708 = vector.broadcast %squeeze3A_692 : f32 to vector<16xf32>
        %mul3A_709 = arith.mulf %get3A_707, %mul3A_708 : vector<16xf32>
        %swap3A_710 = arith.index_cast %add3A_696 : i32 to index
        %swap3A_711 = arith.constant 16 : index
        %swap3A_712 = tpu.vector_load %arg14[%swap3A_710, %swap3A_711] {strides = array<i32>} : memref<128x128xf32, #tpu.memory_space<vmem>>, vector<16xf32>,
        tpu.vector_store %arg14[%swap3A_710, %swap3A_711], %mul3A_709 {strides = array<i32>} : memref<128x128xf32, #tpu.memory_space<vmem>>, vector<16xf32>,
        %get3A_713 = arith.index_cast %add3A_696 : i32 to index
        %get3A_714 = arith.constant 32 : index
        %get3A_715 = tpu.vector_load %arg14[%get3A_713, %get3A_714] {strides = array<i32>} : memref<128x128xf32, #tpu.memory_space<vmem>>, vector<16xf32>,
        %mul3A_716 = vector.broadcast %squeeze3A_692 : f32 to vector<16xf32>
        %mul3A_717 = arith.mulf %get3A_715, %mul3A_716 : vector<16xf32>
        %swap3A_718 = arith.index_cast %add3A_696 : i32 to index
        %swap3A_719 = arith.constant 32 : index
        %swap3A_720 = tpu.vector_load %arg14[%swap3A_718, %swap3A_719] {strides = array<i32>} : memref<128x128xf32, #tpu.memory_space<vmem>>, vector<16xf32>,
        tpu.vector_store %arg14[%swap3A_718, %swap3A_719], %mul3A_717 {strides = array<i32>} : memref<128x128xf32, #tpu.memory_space<vmem>>, vector<16xf32>,
        %get3A_721 = arith.index_cast %add3A_696 : i32 to index
        %get3A_722 = arith.constant 48 : index
        %get3A_723 = tpu.vector_load %arg14[%get3A_721, %get3A_722] {strides = array<i32>} : memref<128x128xf32, #tpu.memory_space<vmem>>, vector<16xf32>,
        %mul3A_724 = vector.broadcast %squeeze3A_692 : f32 to vector<16xf32>
        %mul3A_725 = arith.mulf %get3A_723, %mul3A_724 : vector<16xf32>
        %swap3A_726 = arith.index_cast %add3A_696 : i32 to index
        %swap3A_727 = arith.constant 48 : index
        %swap3A_728 = tpu.vector_load %arg14[%swap3A_726, %swap3A_727] {strides = array<i32>} : memref<128x128xf32, #tpu.memory_space<vmem>>, vector<16xf32>,
        tpu.vector_store %arg14[%swap3A_726, %swap3A_727], %mul3A_725 {strides = array<i32>} : memref<128x128xf32, #tpu.memory_space<vmem>>, vector<16xf32>,
        %get3A_729 = arith.index_cast %add3A_696 : i32 to index
        %get3A_730 = arith.constant 64 : index
        %get3A_731 = tpu.vector_load %arg14[%get3A_729, %get3A_730] {strides = array<i32>} : memref<128x128xf32, #tpu.memory_space<vmem>>, vector<16xf32>,
        %mul3A_732 = vector.broadcast %squeeze3A_692 : f32 to vector<16xf32>
        %mul3A_733 = arith.mulf %get3A_731, %mul3A_732 : vector<16xf32>
        %swap3A_734 = arith.index_cast %add3A_696 : i32 to index
        %swap3A_735 = arith.constant 64 : index
        %swap3A_736 = tpu.vector_load %arg14[%swap3A_734, %swap3A_735] {strides = array<i32>} : memref<128x128xf32, #tpu.memory_space<vmem>>, vector<16xf32>,
        tpu.vector_store %arg14[%swap3A_734, %swap3A_735], %mul3A_733 {strides = array<i32>} : memref<128x128xf32, #tpu.memory_space<vmem>>, vector<16xf32>,
        %slice3A_737 = vector.extract_strided_slice %exp3A {offsets = [14], sizes = [1], strides = [1]} : vector<16xf32> to vector<1xf32>
        %squeeze3A_738 = vector.extract %slice3A_737[0] : f32 from vector<1xf32>
        %mul3A_739 = arith.constant 16 : i32
        %mul3A_740 = arith.muli %add3A_81, %mul3A_739 : i32
        %add3A_741 = arith.constant 14 : i32
        %add3A_742 = arith.addi %mul3A_740, %add3A_741 : i32
        %get3A_743 = arith.index_cast %add3A_742 : i32 to index
        %get3A_744 = arith.constant 0 : index
        %get3A_745 = tpu.vector_load %arg14[%get3A_743, %get3A_744] {strides = array<i32>} : memref<128x128xf32, #tpu.memory_space<vmem>>, vector<16xf32>,
        %mul3A_746 = vector.broadcast %squeeze3A_738 : f32 to vector<16xf32>
        %mul3A_747 = arith.mulf %get3A_745, %mul3A_746 : vector<16xf32>
        %swap3A_748 = arith.index_cast %add3A_742 : i32 to index
        %swap3A_749 = arith.constant 0 : index
        %swap3A_750 = tpu.vector_load %arg14[%swap3A_748, %swap3A_749] {strides = array<i32>} : memref<128x128xf32, #tpu.memory_space<vmem>>, vector<16xf32>,
        tpu.vector_store %arg14[%swap3A_748, %swap3A_749], %mul3A_747 {strides = array<i32>} : memref<128x128xf32, #tpu.memory_space<vmem>>, vector<16xf32>,
        %get3A_751 = arith.index_cast %add3A_742 : i32 to index
        %get3A_752 = arith.constant 16 : index
        %get3A_753 = tpu.vector_load %arg14[%get3A_751, %get3A_752] {strides = array<i32>} : memref<128x128xf32, #tpu.memory_space<vmem>>, vector<16xf32>,
        %mul3A_754 = vector.broadcast %squeeze3A_738 : f32 to vector<16xf32>
        %mul3A_755 = arith.mulf %get3A_753, %mul3A_754 : vector<16xf32>
        %swap3A_756 = arith.index_cast %add3A_742 : i32 to index
        %swap3A_757 = arith.constant 16 : index
        %swap3A_758 = tpu.vector_load %arg14[%swap3A_756, %swap3A_757] {strides = array<i32>} : memref<128x128xf32, #tpu.memory_space<vmem>>, vector<16xf32>,
        tpu.vector_store %arg14[%swap3A_756, %swap3A_757], %mul3A_755 {strides = array<i32>} : memref<128x128xf32, #tpu.memory_space<vmem>>, vector<16xf32>,
        %get3A_759 = arith.index_cast %add3A_742 : i32 to index
        %get3A_760 = arith.constant 32 : index
        %get3A_761 = tpu.vector_load %arg14[%get3A_759, %get3A_760] {strides = array<i32>} : memref<128x128xf32, #tpu.memory_space<vmem>>, vector<16xf32>,
        %mul3A_762 = vector.broadcast %squeeze3A_738 : f32 to vector<16xf32>
        %mul3A_763 = arith.mulf %get3A_761, %mul3A_762 : vector<16xf32>
        %swap3A_764 = arith.index_cast %add3A_742 : i32 to index
        %swap3A_765 = arith.constant 32 : index
        %swap3A_766 = tpu.vector_load %arg14[%swap3A_764, %swap3A_765] {strides = array<i32>} : memref<128x128xf32, #tpu.memory_space<vmem>>, vector<16xf32>,
        tpu.vector_store %arg14[%swap3A_764, %swap3A_765], %mul3A_763 {strides = array<i32>} : memref<128x128xf32, #tpu.memory_space<vmem>>, vector<16xf32>,
        %get3A_767 = arith.index_cast %add3A_742 : i32 to index
        %get3A_768 = arith.constant 48 : index
        %get3A_769 = tpu.vector_load %arg14[%get3A_767, %get3A_768] {strides = array<i32>} : memref<128x128xf32, #tpu.memory_space<vmem>>, vector<16xf32>,
        %mul3A_770 = vector.broadcast %squeeze3A_738 : f32 to vector<16xf32>
        %mul3A_771 = arith.mulf %get3A_769, %mul3A_770 : vector<16xf32>
        %swap3A_772 = arith.index_cast %add3A_742 : i32 to index
        %swap3A_773 = arith.constant 48 : index
        %swap3A_774 = tpu.vector_load %arg14[%swap3A_772, %swap3A_773] {strides = array<i32>} : memref<128x128xf32, #tpu.memory_space<vmem>>, vector<16xf32>,
        tpu.vector_store %arg14[%swap3A_772, %swap3A_773], %mul3A_771 {strides = array<i32>} : memref<128x128xf32, #tpu.memory_space<vmem>>, vector<16xf32>,
        %get3A_775 = arith.index_cast %add3A_742 : i32 to index
        %get3A_776 = arith.constant 64 : index
        %get3A_777 = tpu.vector_load %arg14[%get3A_775, %get3A_776] {strides = array<i32>} : memref<128x128xf32, #tpu.memory_space<vmem>>, vector<16xf32>,
        %mul3A_778 = vector.broadcast %squeeze3A_738 : f32 to vector<16xf32>
        %mul3A_779 = arith.mulf %get3A_777, %mul3A_778 : vector<16xf32>
        %swap3A_780 = arith.index_cast %add3A_742 : i32 to index
        %swap3A_781 = arith.constant 64 : index
        %swap3A_782 = tpu.vector_load %arg14[%swap3A_780, %swap3A_781] {strides = array<i32>} : memref<128x128xf32, #tpu.memory_space<vmem>>, vector<16xf32>,
        tpu.vector_store %arg14[%swap3A_780, %swap3A_781], %mul3A_779 {strides = array<i32>} : memref<128x128xf32, #tpu.memory_space<vmem>>, vector<16xf32>,
        %slice3A_783 = vector.extract_strided_slice %exp3A {offsets = [15], sizes = [1], strides = [1]} : vector<16xf32> to vector<1xf32>
        %squeeze3A_784 = vector.extract %slice3A_783[0] : f32 from vector<1xf32>
        %mul3A_785 = arith.constant 16 : i32
        %mul3A_786 = arith.muli %add3A_81, %mul3A_785 : i32
        %add3A_787 = arith.constant 15 : i32
        %add3A_788 = arith.addi %mul3A_786, %add3A_787 : i32
        %get3A_789 = arith.index_cast %add3A_788 : i32 to index
        %get3A_790 = arith.constant 0 : index
        %get3A_791 = tpu.vector_load %arg14[%get3A_789, %get3A_790] {strides = array<i32>} : memref<128x128xf32, #tpu.memory_space<vmem>>, vector<16xf32>,
        %mul3A_792 = vector.broadcast %squeeze3A_784 : f32 to vector<16xf32>
        %mul3A_793 = arith.mulf %get3A_791, %mul3A_792 : vector<16xf32>
        %swap3A_794 = arith.index_cast %add3A_788 : i32 to index
        %swap3A_795 = arith.constant 0 : index
        %swap3A_796 = tpu.vector_load %arg14[%swap3A_794, %swap3A_795] {strides = array<i32>} : memref<128x128xf32, #tpu.memory_space<vmem>>, vector<16xf32>,
        tpu.vector_store %arg14[%swap3A_794, %swap3A_795], %mul3A_793 {strides = array<i32>} : memref<128x128xf32, #tpu.memory_space<vmem>>, vector<16xf32>,
        %get3A_797 = arith.index_cast %add3A_788 : i32 to index
        %get3A_798 = arith.constant 16 : index
        %get3A_799 = tpu.vector_load %arg14[%get3A_797, %get3A_798] {strides = array<i32>} : memref<128x128xf32, #tpu.memory_space<vmem>>, vector<16xf32>,
        %mul3A_800 = vector.broadcast %squeeze3A_784 : f32 to vector<16xf32>
        %mul3A_801 = arith.mulf %get3A_799, %mul3A_800 : vector<16xf32>
        %swap3A_802 = arith.index_cast %add3A_788 : i32 to index
        %swap3A_803 = arith.constant 16 : index
        %swap3A_804 = tpu.vector_load %arg14[%swap3A_802, %swap3A_803] {strides = array<i32>} : memref<128x128xf32, #tpu.memory_space<vmem>>, vector<16xf32>,
        tpu.vector_store %arg14[%swap3A_802, %swap3A_803], %mul3A_801 {strides = array<i32>} : memref<128x128xf32, #tpu.memory_space<vmem>>, vector<16xf32>,
        %get3A_805 = arith.index_cast %add3A_788 : i32 to index
        %get3A_806 = arith.constant 32 : index
        %get3A_807 = tpu.vector_load %arg14[%get3A_805, %get3A_806] {strides = array<i32>} : memref<128x128xf32, #tpu.memory_space<vmem>>, vector<16xf32>,
        %mul3A_808 = vector.broadcast %squeeze3A_784 : f32 to vector<16xf32>
        %mul3A_809 = arith.mulf %get3A_807, %mul3A_808 : vector<16xf32>
        %swap3A_810 = arith.index_cast %add3A_788 : i32 to index
        %swap3A_811 = arith.constant 32 : index
        %swap3A_812 = tpu.vector_load %arg14[%swap3A_810, %swap3A_811] {strides = array<i32>} : memref<128x128xf32, #tpu.memory_space<vmem>>, vector<16xf32>,
        tpu.vector_store %arg14[%swap3A_810, %swap3A_811], %mul3A_809 {strides = array<i32>} : memref<128x128xf32, #tpu.memory_space<vmem>>, vector<16xf32>,
        %get3A_813 = arith.index_cast %add3A_788 : i32 to index
        %get3A_814 = arith.constant 48 : index
        %get3A_815 = tpu.vector_load %arg14[%get3A_813, %get3A_814] {strides = array<i32>} : memref<128x128xf32, #tpu.memory_space<vmem>>, vector<16xf32>,
        %mul3A_816 = vector.broadcast %squeeze3A_784 : f32 to vector<16xf32>
        %mul3A_817 = arith.mulf %get3A_815, %mul3A_816 : vector<16xf32>
        %swap3A_818 = arith.index_cast %add3A_788 : i32 to index
        %swap3A_819 = arith.constant 48 : index
        %swap3A_820 = tpu.vector_load %arg14[%swap3A_818, %swap3A_819] {strides = array<i32>} : memref<128x128xf32, #tpu.memory_space<vmem>>, vector<16xf32>,
        tpu.vector_store %arg14[%swap3A_818, %swap3A_819], %mul3A_817 {strides = array<i32>} : memref<128x128xf32, #tpu.memory_space<vmem>>, vector<16xf32>,
        %get3A_821 = arith.index_cast %add3A_788 : i32 to index
        %get3A_822 = arith.constant 64 : index
        %get3A_823 = tpu.vector_load %arg14[%get3A_821, %get3A_822] {strides = array<i32>} : memref<128x128xf32, #tpu.memory_space<vmem>>, vector<16xf32>,
        %mul3A_824 = vector.broadcast %squeeze3A_784 : f32 to vector<16xf32>
        %mul3A_825 = arith.mulf %get3A_823, %mul3A_824 : vector<16xf32>
        %swap3A_826 = arith.index_cast %add3A_788 : i32 to index
        %swap3A_827 = arith.constant 64 : index
        %swap3A_828 = tpu.vector_load %arg14[%swap3A_826, %swap3A_827] {strides = array<i32>} : memref<128x128xf32, #tpu.memory_space<vmem>>, vector<16xf32>,
        tpu.vector_store %arg14[%swap3A_826, %swap3A_827], %mul3A_825 {strides = array<i32>} : memref<128x128xf32, #tpu.memory_space<vmem>>, vector<16xf32>,
      }
      %scan3A_76 = arith.constant 8 : i32
      "tpu.region"() ({
        %run_scoped3A_77 = tpu.sem_alloc : memref<!tpu.dma_semaphore, #tpu.memory_space<semaphore_mem>>
        %dma_start3A_78 = arith.constant 0 : i32
        %dma_start3A_79 = arith.constant 0 : i32
        %dma_start3A_80 = tpu.memref_slice %arg8[%dma_start3A_78, %dma_start3A_79] : memref<10240x128xf32, #tpu.memory_space<vmem_shared>> -> memref<10240x128xf32, #tpu.memory_space<vmem_shared>>
        tpu.enqueue_indirect_dma source(%arg14 : memref<128x128xf32, #tpu.memory_space<vmem>>) target(%dma_start3A_80 : memref<10240x128xf32, #tpu.memory_space<vmem_shared>>) offsets(%arg12 : memref<128xi32, #tpu.memory_space<vmem>>) semaphore(%run_scoped3A_77 : memref<!tpu.dma_semaphore, #tpu.memory_space<semaphore_mem>>) {add = true}
        %dma_wait3A_81 = arith.constant 0 : i32
        %dma_wait3A_82 = arith.constant 0 : i32
        %dma_wait3A_83 = tpu.memref_slice %arg8[%dma_wait3A_81, %dma_wait3A_82] : memref<10240x128xf32, #tpu.memory_space<vmem_shared>> -> memref<10240x128xf32, #tpu.memory_space<vmem_shared>>
        tpu.wait_indirect_dma semaphore(%run_scoped3A_77 : memref<!tpu.dma_semaphore, #tpu.memory_space<semaphore_mem>>) src(%arg14 : memref<128x128xf32, #tpu.memory_space<vmem>>) dst(%dma_wait3A_83 : memref<10240x128xf32, #tpu.memory_space<vmem_shared>>)
        tpu.yield
      }) : () -> ()
    }
    %scan3A_36 = arith.constant 160 : i32
    %barrier3A_37 = arith.constant 0 : index
    tpu.barrier barrier_id(%barrier3A_37)
    %mul3A_38 = arith.constant 640 : i32
    %mul3A_39 = arith.muli %arg1, %mul3A_38 : i32
    %add3A_40 = arith.constant 0 : i32
    %add3A_41 = arith.addi %mul3A_39, %add3A_40 : i32
    "tpu.region"() ({
      %run_scoped3A_58 = tpu.sem_alloc : memref<!tpu.dma_semaphore, #tpu.memory_space<semaphore_mem>>
      %dma_start3A = arith.constant 0 : i32
      %dma_start3A_59 = tpu.memref_slice %arg8[%add3A_41, %dma_start3A] : memref<10240x128xf32, #tpu.memory_space<vmem_shared>> -> memref<128x128xf32, #tpu.memory_space<vmem_shared>>
      %dma_start3A_60 = arith.constant 0 : i32
      %dma_start3A_61 = tpu.memref_slice %arg8[%add3A_41, %dma_start3A_60] : memref<10240x128xf32, #tpu.memory_space<vmem_shared>> -> memref<128x128xf32, #tpu.memory_space<vmem_shared>>
      tpu.enqueue_dma source(%dma_start3A_61 : memref<128x128xf32, #tpu.memory_space<vmem_shared>>) target(%arg14 : memref<128x128xf32, #tpu.memory_space<vmem>>) target_semaphore(%run_scoped3A_58 : memref<!tpu.dma_semaphore, #tpu.memory_space<semaphore_mem>>)
      %dma_wait3A = arith.constant 0 : i32
      %dma_wait3A_62 = tpu.memref_slice %arg8[%add3A_41, %dma_wait3A] : memref<10240x128xf32, #tpu.memory_space<vmem_shared>> -> memref<128x128xf32, #tpu.memory_space<vmem_shared>>
      %dma_wait3A_63 = arith.constant 0 : i32
      %dma_wait3A_64 = tpu.memref_slice %arg8[%add3A_41, %dma_wait3A_63] : memref<10240x128xf32, #tpu.memory_space<vmem_shared>> -> memref<128x128xf32, #tpu.memory_space<vmem_shared>>
      tpu.wait_dma2 semaphore(%run_scoped3A_58 : memref<!tpu.dma_semaphore, #tpu.memory_space<semaphore_mem>>) src(%dma_wait3A_64 : memref<128x128xf32, #tpu.memory_space<vmem_shared>>) dst(%arg14 : memref<128x128xf32, #tpu.memory_space<vmem>>)
      tpu.yield
    }) : () -> ()
    "tpu.region"() ({
      %run_scoped3A_58 = tpu.sem_alloc : memref<!tpu.dma_semaphore, #tpu.memory_space<semaphore_mem>>
      %dma_start3A = arith.constant 0 : i32
      %dma_start3A_59 = tpu.memref_slice %arg7[%arg0, %add3A_41, %dma_start3A] : memref<2x10240x128xf32, #tpu.memory_space<hbm>> -> memref<1x128x128xf32, #tpu.memory_space<hbm>>
      %dma_start3A_60 = tpu.memref_squeeze %dma_start3A_59 : memref<1x128x128xf32, #tpu.memory_space<hbm>> -> memref<128x128xf32, #tpu.memory_space<hbm>>
      %dma_start3A_61 = arith.constant 0 : i32
      %dma_start3A_62 = tpu.memref_slice %arg7[%arg0, %add3A_41, %dma_start3A_61] : memref<2x10240x128xf32, #tpu.memory_space<hbm>> -> memref<1x128x128xf32, #tpu.memory_space<hbm>>
      %dma_start3A_63 = tpu.memref_squeeze %dma_start3A_62 : memref<1x128x128xf32, #tpu.memory_space<hbm>> -> memref<128x128xf32, #tpu.memory_space<hbm>>
      tpu.enqueue_dma source(%arg14 : memref<128x128xf32, #tpu.memory_space<vmem>>) target(%dma_start3A_63 : memref<128x128xf32, #tpu.memory_space<hbm>>) target_semaphore(%run_scoped3A_58 : memref<!tpu.dma_semaphore, #tpu.memory_space<semaphore_mem>>)
      %dma_wait3A = arith.constant 0 : i32
      %dma_wait3A_64 = tpu.memref_slice %arg7[%arg0, %add3A_41, %dma_wait3A] : memref<2x10240x128xf32, #tpu.memory_space<hbm>> -> memref<1x128x128xf32, #tpu.memory_space<hbm>>
      %dma_wait3A_65 = tpu.memref_squeeze %dma_wait3A_64 : memref<1x128x128xf32, #tpu.memory_space<hbm>> -> memref<128x128xf32, #tpu.memory_space<hbm>>
      %dma_wait3A_66 = arith.constant 0 : i32
      %dma_wait3A_67 = tpu.memref_slice %arg7[%arg0, %add3A_41, %dma_wait3A_66] : memref<2x10240x128xf32, #tpu.memory_space<hbm>> -> memref<1x128x128xf32, #tpu.memory_space<hbm>>
      %dma_wait3A_68 = tpu.memref_squeeze %dma_wait3A_67 : memref<1x128x128xf32, #tpu.memory_space<hbm>> -> memref<128x128xf32, #tpu.memory_space<hbm>>
      tpu.wait_dma2 semaphore(%run_scoped3A_58 : memref<!tpu.dma_semaphore, #tpu.memory_space<semaphore_mem>>) src(%arg14 : memref<128x128xf32, #tpu.memory_space<vmem>>) dst(%dma_wait3A_68 : memref<128x128xf32, #tpu.memory_space<hbm>>)
      tpu.yield
    }) : () -> ()
    %mul3A_42 = arith.constant 640 : i32
    %mul3A_43 = arith.muli %arg1, %mul3A_42 : i32
    %add3A_44 = arith.constant 128 : i32
    %add3A_45 = arith.addi %mul3A_43, %add3A_44 : i32
    "tpu.region"() ({
      %run_scoped3A_58 = tpu.sem_alloc : memref<!tpu.dma_semaphore, #tpu.memory_space<semaphore_mem>>
      %dma_start3A = arith.constant 0 : i32
      %dma_start3A_59 = tpu.memref_slice %arg8[%add3A_45, %dma_start3A] : memref<10240x128xf32, #tpu.memory_space<vmem_shared>> -> memref<128x128xf32, #tpu.memory_space<vmem_shared>>
      %dma_start3A_60 = arith.constant 0 : i32
      %dma_start3A_61 = tpu.memref_slice %arg8[%add3A_45, %dma_start3A_60] : memref<10240x128xf32, #tpu.memory_space<vmem_shared>> -> memref<128x128xf32, #tpu.memory_space<vmem_shared>>
      tpu.enqueue_dma source(%dma_start3A_61 : memref<128x128xf32, #tpu.memory_space<vmem_shared>>) target(%arg14 : memref<128x128xf32, #tpu.memory_space<vmem>>) target_semaphore(%run_scoped3A_58 : memref<!tpu.dma_semaphore, #tpu.memory_space<semaphore_mem>>)
      %dma_wait3A = arith.constant 0 : i32
      %dma_wait3A_62 = tpu.memref_slice %arg8[%add3A_45, %dma_wait3A] : memref<10240x128xf32, #tpu.memory_space<vmem_shared>> -> memref<128x128xf32, #tpu.memory_space<vmem_shared>>
      %dma_wait3A_63 = arith.constant 0 : i32
      %dma_wait3A_64 = tpu.memref_slice %arg8[%add3A_45, %dma_wait3A_63] : memref<10240x128xf32, #tpu.memory_space<vmem_shared>> -> memref<128x128xf32, #tpu.memory_space<vmem_shared>>
      tpu.wait_dma2 semaphore(%run_scoped3A_58 : memref<!tpu.dma_semaphore, #tpu.memory_space<semaphore_mem>>) src(%dma_wait3A_64 : memref<128x128xf32, #tpu.memory_space<vmem_shared>>) dst(%arg14 : memref<128x128xf32, #tpu.memory_space<vmem>>)
      tpu.yield
    }) : () -> ()
    "tpu.region"() ({
      %run_scoped3A_58 = tpu.sem_alloc : memref<!tpu.dma_semaphore, #tpu.memory_space<semaphore_mem>>
      %dma_start3A = arith.constant 0 : i32
      %dma_start3A_59 = tpu.memref_slice %arg7[%arg0, %add3A_45, %dma_start3A] : memref<2x10240x128xf32, #tpu.memory_space<hbm>> -> memref<1x128x128xf32, #tpu.memory_space<hbm>>
      %dma_start3A_60 = tpu.memref_squeeze %dma_start3A_59 : memref<1x128x128xf32, #tpu.memory_space<hbm>> -> memref<128x128xf32, #tpu.memory_space<hbm>>
      %dma_start3A_61 = arith.constant 0 : i32
      %dma_start3A_62 = tpu.memref_slice %arg7[%arg0, %add3A_45, %dma_start3A_61] : memref<2x10240x128xf32, #tpu.memory_space<hbm>> -> memref<1x128x128xf32, #tpu.memory_space<hbm>>
      %dma_start3A_63 = tpu.memref_squeeze %dma_start3A_62 : memref<1x128x128xf32, #tpu.memory_space<hbm>> -> memref<128x128xf32, #tpu.memory_space<hbm>>
      tpu.enqueue_dma source(%arg14 : memref<128x128xf32, #tpu.memory_space<vmem>>) target(%dma_start3A_63 : memref<128x128xf32, #tpu.memory_space<hbm>>) target_semaphore(%run_scoped3A_58 : memref<!tpu.dma_semaphore, #tpu.memory_space<semaphore_mem>>)
      %dma_wait3A = arith.constant 0 : i32
      %dma_wait3A_64 = tpu.memref_slice %arg7[%arg0, %add3A_45, %dma_wait3A] : memref<2x10240x128xf32, #tpu.memory_space<hbm>> -> memref<1x128x128xf32, #tpu.memory_space<hbm>>
      %dma_wait3A_65 = tpu.memref_squeeze %dma_wait3A_64 : memref<1x128x128xf32, #tpu.memory_space<hbm>> -> memref<128x128xf32, #tpu.memory_space<hbm>>
      %dma_wait3A_66 = arith.constant 0 : i32
      %dma_wait3A_67 = tpu.memref_slice %arg7[%arg0, %add3A_45, %dma_wait3A_66] : memref<2x10240x128xf32, #tpu.memory_space<hbm>> -> memref<1x128x128xf32, #tpu.memory_space<hbm>>
      %dma_wait3A_68 = tpu.memref_squeeze %dma_wait3A_67 : memref<1x128x128xf32, #tpu.memory_space<hbm>> -> memref<128x128xf32, #tpu.memory_space<hbm>>
      tpu.wait_dma2 semaphore(%run_scoped3A_58 : memref<!tpu.dma_semaphore, #tpu.memory_space<semaphore_mem>>) src(%arg14 : memref<128x128xf32, #tpu.memory_space<vmem>>) dst(%dma_wait3A_68 : memref<128x128xf32, #tpu.memory_space<hbm>>)
      tpu.yield
    }) : () -> ()
    %mul3A_46 = arith.constant 640 : i32
    %mul3A_47 = arith.muli %arg1, %mul3A_46 : i32
    %add3A_48 = arith.constant 256 : i32
    %add3A_49 = arith.addi %mul3A_47, %add3A_48 : i32
    "tpu.region"() ({
      %run_scoped3A_58 = tpu.sem_alloc : memref<!tpu.dma_semaphore, #tpu.memory_space<semaphore_mem>>
      %dma_start3A = arith.constant 0 : i32
      %dma_start3A_59 = tpu.memref_slice %arg8[%add3A_49, %dma_start3A] : memref<10240x128xf32, #tpu.memory_space<vmem_shared>> -> memref<128x128xf32, #tpu.memory_space<vmem_shared>>
      %dma_start3A_60 = arith.constant 0 : i32
      %dma_start3A_61 = tpu.memref_slice %arg8[%add3A_49, %dma_start3A_60] : memref<10240x128xf32, #tpu.memory_space<vmem_shared>> -> memref<128x128xf32, #tpu.memory_space<vmem_shared>>
      tpu.enqueue_dma source(%dma_start3A_61 : memref<128x128xf32, #tpu.memory_space<vmem_shared>>) target(%arg14 : memref<128x128xf32, #tpu.memory_space<vmem>>) target_semaphore(%run_scoped3A_58 : memref<!tpu.dma_semaphore, #tpu.memory_space<semaphore_mem>>)
      %dma_wait3A = arith.constant 0 : i32
      %dma_wait3A_62 = tpu.memref_slice %arg8[%add3A_49, %dma_wait3A] : memref<10240x128xf32, #tpu.memory_space<vmem_shared>> -> memref<128x128xf32, #tpu.memory_space<vmem_shared>>
      %dma_wait3A_63 = arith.constant 0 : i32
      %dma_wait3A_64 = tpu.memref_slice %arg8[%add3A_49, %dma_wait3A_63] : memref<10240x128xf32, #tpu.memory_space<vmem_shared>> -> memref<128x128xf32, #tpu.memory_space<vmem_shared>>
      tpu.wait_dma2 semaphore(%run_scoped3A_58 : memref<!tpu.dma_semaphore, #tpu.memory_space<semaphore_mem>>) src(%dma_wait3A_64 : memref<128x128xf32, #tpu.memory_space<vmem_shared>>) dst(%arg14 : memref<128x128xf32, #tpu.memory_space<vmem>>)
      tpu.yield
    }) : () -> ()
    "tpu.region"() ({
      %run_scoped3A_58 = tpu.sem_alloc : memref<!tpu.dma_semaphore, #tpu.memory_space<semaphore_mem>>
      %dma_start3A = arith.constant 0 : i32
      %dma_start3A_59 = tpu.memref_slice %arg7[%arg0, %add3A_49, %dma_start3A] : memref<2x10240x128xf32, #tpu.memory_space<hbm>> -> memref<1x128x128xf32, #tpu.memory_space<hbm>>
      %dma_start3A_60 = tpu.memref_squeeze %dma_start3A_59 : memref<1x128x128xf32, #tpu.memory_space<hbm>> -> memref<128x128xf32, #tpu.memory_space<hbm>>
      %dma_start3A_61 = arith.constant 0 : i32
      %dma_start3A_62 = tpu.memref_slice %arg7[%arg0, %add3A_49, %dma_start3A_61] : memref<2x10240x128xf32, #tpu.memory_space<hbm>> -> memref<1x128x128xf32, #tpu.memory_space<hbm>>
      %dma_start3A_63 = tpu.memref_squeeze %dma_start3A_62 : memref<1x128x128xf32, #tpu.memory_space<hbm>> -> memref<128x128xf32, #tpu.memory_space<hbm>>
      tpu.enqueue_dma source(%arg14 : memref<128x128xf32, #tpu.memory_space<vmem>>) target(%dma_start3A_63 : memref<128x128xf32, #tpu.memory_space<hbm>>) target_semaphore(%run_scoped3A_58 : memref<!tpu.dma_semaphore, #tpu.memory_space<semaphore_mem>>)
      %dma_wait3A = arith.constant 0 : i32
      %dma_wait3A_64 = tpu.memref_slice %arg7[%arg0, %add3A_49, %dma_wait3A] : memref<2x10240x128xf32, #tpu.memory_space<hbm>> -> memref<1x128x128xf32, #tpu.memory_space<hbm>>
      %dma_wait3A_65 = tpu.memref_squeeze %dma_wait3A_64 : memref<1x128x128xf32, #tpu.memory_space<hbm>> -> memref<128x128xf32, #tpu.memory_space<hbm>>
      %dma_wait3A_66 = arith.constant 0 : i32
      %dma_wait3A_67 = tpu.memref_slice %arg7[%arg0, %add3A_49, %dma_wait3A_66] : memref<2x10240x128xf32, #tpu.memory_space<hbm>> -> memref<1x128x128xf32, #tpu.memory_space<hbm>>
      %dma_wait3A_68 = tpu.memref_squeeze %dma_wait3A_67 : memref<1x128x128xf32, #tpu.memory_space<hbm>> -> memref<128x128xf32, #tpu.memory_space<hbm>>
      tpu.wait_dma2 semaphore(%run_scoped3A_58 : memref<!tpu.dma_semaphore, #tpu.memory_space<semaphore_mem>>) src(%arg14 : memref<128x128xf32, #tpu.memory_space<vmem>>) dst(%dma_wait3A_68 : memref<128x128xf32, #tpu.memory_space<hbm>>)
      tpu.yield
    }) : () -> ()
    %mul3A_50 = arith.constant 640 : i32
    %mul3A_51 = arith.muli %arg1, %mul3A_50 : i32
    %add3A_52 = arith.constant 384 : i32
    %add3A_53 = arith.addi %mul3A_51, %add3A_52 : i32
    "tpu.region"() ({
      %run_scoped3A_58 = tpu.sem_alloc : memref<!tpu.dma_semaphore, #tpu.memory_space<semaphore_mem>>
      %dma_start3A = arith.constant 0 : i32
      %dma_start3A_59 = tpu.memref_slice %arg8[%add3A_53, %dma_start3A] : memref<10240x128xf32, #tpu.memory_space<vmem_shared>> -> memref<128x128xf32, #tpu.memory_space<vmem_shared>>
      %dma_start3A_60 = arith.constant 0 : i32
      %dma_start3A_61 = tpu.memref_slice %arg8[%add3A_53, %dma_start3A_60] : memref<10240x128xf32, #tpu.memory_space<vmem_shared>> -> memref<128x128xf32, #tpu.memory_space<vmem_shared>>
      tpu.enqueue_dma source(%dma_start3A_61 : memref<128x128xf32, #tpu.memory_space<vmem_shared>>) target(%arg14 : memref<128x128xf32, #tpu.memory_space<vmem>>) target_semaphore(%run_scoped3A_58 : memref<!tpu.dma_semaphore, #tpu.memory_space<semaphore_mem>>)
      %dma_wait3A = arith.constant 0 : i32
      %dma_wait3A_62 = tpu.memref_slice %arg8[%add3A_53, %dma_wait3A] : memref<10240x128xf32, #tpu.memory_space<vmem_shared>> -> memref<128x128xf32, #tpu.memory_space<vmem_shared>>
      %dma_wait3A_63 = arith.constant 0 : i32
      %dma_wait3A_64 = tpu.memref_slice %arg8[%add3A_53, %dma_wait3A_63] : memref<10240x128xf32, #tpu.memory_space<vmem_shared>> -> memref<128x128xf32, #tpu.memory_space<vmem_shared>>
      tpu.wait_dma2 semaphore(%run_scoped3A_58 : memref<!tpu.dma_semaphore, #tpu.memory_space<semaphore_mem>>) src(%dma_wait3A_64 : memref<128x128xf32, #tpu.memory_space<vmem_shared>>) dst(%arg14 : memref<128x128xf32, #tpu.memory_space<vmem>>)
      tpu.yield
    }) : () -> ()
    "tpu.region"() ({
      %run_scoped3A_58 = tpu.sem_alloc : memref<!tpu.dma_semaphore, #tpu.memory_space<semaphore_mem>>
      %dma_start3A = arith.constant 0 : i32
      %dma_start3A_59 = tpu.memref_slice %arg7[%arg0, %add3A_53, %dma_start3A] : memref<2x10240x128xf32, #tpu.memory_space<hbm>> -> memref<1x128x128xf32, #tpu.memory_space<hbm>>
      %dma_start3A_60 = tpu.memref_squeeze %dma_start3A_59 : memref<1x128x128xf32, #tpu.memory_space<hbm>> -> memref<128x128xf32, #tpu.memory_space<hbm>>
      %dma_start3A_61 = arith.constant 0 : i32
      %dma_start3A_62 = tpu.memref_slice %arg7[%arg0, %add3A_53, %dma_start3A_61] : memref<2x10240x128xf32, #tpu.memory_space<hbm>> -> memref<1x128x128xf32, #tpu.memory_space<hbm>>
      %dma_start3A_63 = tpu.memref_squeeze %dma_start3A_62 : memref<1x128x128xf32, #tpu.memory_space<hbm>> -> memref<128x128xf32, #tpu.memory_space<hbm>>
      tpu.enqueue_dma source(%arg14 : memref<128x128xf32, #tpu.memory_space<vmem>>) target(%dma_start3A_63 : memref<128x128xf32, #tpu.memory_space<hbm>>) target_semaphore(%run_scoped3A_58 : memref<!tpu.dma_semaphore, #tpu.memory_space<semaphore_mem>>)
      %dma_wait3A = arith.constant 0 : i32
      %dma_wait3A_64 = tpu.memref_slice %arg7[%arg0, %add3A_53, %dma_wait3A] : memref<2x10240x128xf32, #tpu.memory_space<hbm>> -> memref<1x128x128xf32, #tpu.memory_space<hbm>>
      %dma_wait3A_65 = tpu.memref_squeeze %dma_wait3A_64 : memref<1x128x128xf32, #tpu.memory_space<hbm>> -> memref<128x128xf32, #tpu.memory_space<hbm>>
      %dma_wait3A_66 = arith.constant 0 : i32
      %dma_wait3A_67 = tpu.memref_slice %arg7[%arg0, %add3A_53, %dma_wait3A_66] : memref<2x10240x128xf32, #tpu.memory_space<hbm>> -> memref<1x128x128xf32, #tpu.memory_space<hbm>>
      %dma_wait3A_68 = tpu.memref_squeeze %dma_wait3A_67 : memref<1x128x128xf32, #tpu.memory_space<hbm>> -> memref<128x128xf32, #tpu.memory_space<hbm>>
      tpu.wait_dma2 semaphore(%run_scoped3A_58 : memref<!tpu.dma_semaphore, #tpu.memory_space<semaphore_mem>>) src(%arg14 : memref<128x128xf32, #tpu.memory_space<vmem>>) dst(%dma_wait3A_68 : memref<128x128xf32, #tpu.memory_space<hbm>>)
      tpu.yield
    }) : () -> ()
    %mul3A_54 = arith.constant 640 : i32
    %mul3A_55 = arith.muli %arg1, %mul3A_54 : i32
    %add3A_56 = arith.constant 512 : i32
    %add3A_57 = arith.addi %mul3A_55, %add3A_56 : i32
    "tpu.region"() ({
      %run_scoped3A_58 = tpu.sem_alloc : memref<!tpu.dma_semaphore, #tpu.memory_space<semaphore_mem>>
      %dma_start3A = arith.constant 0 : i32
      %dma_start3A_59 = tpu.memref_slice %arg8[%add3A_57, %dma_start3A] : memref<10240x128xf32, #tpu.memory_space<vmem_shared>> -> memref<128x128xf32, #tpu.memory_space<vmem_shared>>
      %dma_start3A_60 = arith.constant 0 : i32
      %dma_start3A_61 = tpu.memref_slice %arg8[%add3A_57, %dma_start3A_60] : memref<10240x128xf32, #tpu.memory_space<vmem_shared>> -> memref<128x128xf32, #tpu.memory_space<vmem_shared>>
      tpu.enqueue_dma source(%dma_start3A_61 : memref<128x128xf32, #tpu.memory_space<vmem_shared>>) target(%arg14 : memref<128x128xf32, #tpu.memory_space<vmem>>) target_semaphore(%run_scoped3A_58 : memref<!tpu.dma_semaphore, #tpu.memory_space<semaphore_mem>>)
      %dma_wait3A = arith.constant 0 : i32
      %dma_wait3A_62 = tpu.memref_slice %arg8[%add3A_57, %dma_wait3A] : memref<10240x128xf32, #tpu.memory_space<vmem_shared>> -> memref<128x128xf32, #tpu.memory_space<vmem_shared>>
      %dma_wait3A_63 = arith.constant 0 : i32
      %dma_wait3A_64 = tpu.memref_slice %arg8[%add3A_57, %dma_wait3A_63] : memref<10240x128xf32, #tpu.memory_space<vmem_shared>> -> memref<128x128xf32, #tpu.memory_space<vmem_shared>>
      tpu.wait_dma2 semaphore(%run_scoped3A_58 : memref<!tpu.dma_semaphore, #tpu.memory_space<semaphore_mem>>) src(%dma_wait3A_64 : memref<128x128xf32, #tpu.memory_space<vmem_shared>>) dst(%arg14 : memref<128x128xf32, #tpu.memory_space<vmem>>)
      tpu.yield
    }) : () -> ()
    "tpu.region"() ({
      %run_scoped3A_58 = tpu.sem_alloc : memref<!tpu.dma_semaphore, #tpu.memory_space<semaphore_mem>>
      %dma_start3A = arith.constant 0 : i32
      %dma_start3A_59 = tpu.memref_slice %arg7[%arg0, %add3A_57, %dma_start3A] : memref<2x10240x128xf32, #tpu.memory_space<hbm>> -> memref<1x128x128xf32, #tpu.memory_space<hbm>>
      %dma_start3A_60 = tpu.memref_squeeze %dma_start3A_59 : memref<1x128x128xf32, #tpu.memory_space<hbm>> -> memref<128x128xf32, #tpu.memory_space<hbm>>
      %dma_start3A_61 = arith.constant 0 : i32
      %dma_start3A_62 = tpu.memref_slice %arg7[%arg0, %add3A_57, %dma_start3A_61] : memref<2x10240x128xf32, #tpu.memory_space<hbm>> -> memref<1x128x128xf32, #tpu.memory_space<hbm>>
      %dma_start3A_63 = tpu.memref_squeeze %dma_start3A_62 : memref<1x128x128xf32, #tpu.memory_space<hbm>> -> memref<128x128xf32, #tpu.memory_space<hbm>>
      tpu.enqueue_dma source(%arg14 : memref<128x128xf32, #tpu.memory_space<vmem>>) target(%dma_start3A_63 : memref<128x128xf32, #tpu.memory_space<hbm>>) target_semaphore(%run_scoped3A_58 : memref<!tpu.dma_semaphore, #tpu.memory_space<semaphore_mem>>)
      %dma_wait3A = arith.constant 0 : i32
      %dma_wait3A_64 = tpu.memref_slice %arg7[%arg0, %add3A_57, %dma_wait3A] : memref<2x10240x128xf32, #tpu.memory_space<hbm>> -> memref<1x128x128xf32, #tpu.memory_space<hbm>>
      %dma_wait3A_65 = tpu.memref_squeeze %dma_wait3A_64 : memref<1x128x128xf32, #tpu.memory_space<hbm>> -> memref<128x128xf32, #tpu.memory_space<hbm>>
      %dma_wait3A_66 = arith.constant 0 : i32
      %dma_wait3A_67 = tpu.memref_slice %arg7[%arg0, %add3A_57, %dma_wait3A_66] : memref<2x10240x128xf32, #tpu.memory_space<hbm>> -> memref<1x128x128xf32, #tpu.memory_space<hbm>>
      %dma_wait3A_68 = tpu.memref_squeeze %dma_wait3A_67 : memref<1x128x128xf32, #tpu.memory_space<hbm>> -> memref<128x128xf32, #tpu.memory_space<hbm>>
      tpu.wait_dma2 semaphore(%run_scoped3A_58 : memref<!tpu.dma_semaphore, #tpu.memory_space<semaphore_mem>>) src(%arg14 : memref<128x128xf32, #tpu.memory_space<vmem>>) dst(%dma_wait3A_68 : memref<128x128xf32, #tpu.memory_space<hbm>>)
      tpu.yield
    }) : () -> ()
    return
  }
}

#map = affine_map<(d0, d1) -> (0)>
#map1 = affine_map<(d0, d1) -> (0, 0)>
module attributes {stable_mosaic.version = 14 : i64} {
  func.func @_deg_kernel(%arg0: i32, %arg1: i32, %arg2: memref<655360xi32, #tpu.memory_space<hbm>>, %arg3: memref<2x10240xf32, #tpu.memory_space<hbm>>, %arg4: memref<10240xf32, #tpu.memory_space<vmem_shared>>, %arg5: memref<128xi32, #tpu.memory_space<vmem>>, %arg6: memref<128xf32, #tpu.memory_space<vmem>>, %arg7: memref<640xf32, #tpu.memory_space<vmem>>) attributes {dimension_semantics = [#tpu.dimension_semantics<core_parallel>, #tpu.dimension_semantics<subcore_parallel>], iteration_bounds = array<i64: 2, 16>, scalar_prefetch = 0 : i64, scratch_operands = 4 : i64, tpu.core_type = #tpu.core_type<sc_vector_subcore>, window_params = [{transform_indices = #map}, {transform_indices = #map1}]} {
    %mul3A = arith.constant 2 : i32
    %mul3A_0 = arith.muli %arg1, %mul3A : i32
    %add3A = arith.addi %mul3A_0, %arg0 : i32
    %mul3A_1 = arith.constant 640 : i32
    %mul3A_2 = arith.muli %arg1, %mul3A_1 : i32
    %scan3A = arith.constant 0 : i32
    %scan3A_3 = arith.constant 40 : i32
    %scan3A_4 = arith.addi %scan3A, %scan3A_3 : i32
    %scan3A_5 = arith.constant 1 : i32
    scf.for %scan3A_18 = %scan3A to %scan3A_4 step %scan3A_5  : i32 {
      %mul3A_19 = arith.constant 1 : i32
      %mul3A_20 = arith.muli %scan3A_18, %mul3A_19 : i32
      %add3A_21 = arith.constant 0 : i32
      %add3A_22 = arith.addi %add3A_21, %mul3A_20 : i32
      %broadcast_in_dim3A = arith.constant 0.000000e+00 : f32
      %broadcast_in_dim3A_23 = vector.broadcast %broadcast_in_dim3A : f32 to vector<16xf32>
      %mul3A_24 = arith.constant 16 : i32
      %mul3A_25 = arith.muli %add3A_22, %mul3A_24 : i32
      %swap3A = arith.index_cast %mul3A_25 : i32 to index
      %swap3A_26 = tpu.vector_load %arg7[%swap3A] {strides = array<i32>} : memref<640xf32, #tpu.memory_space<vmem>>, vector<16xf32>,
      tpu.vector_store %arg7[%swap3A], %broadcast_in_dim3A_23 {strides = array<i32>} : memref<640xf32, #tpu.memory_space<vmem>>, vector<16xf32>,
    }
    %scan3A_6 = arith.constant 40 : i32
    %scan3A_7 = arith.constant 0 : i32
    %scan3A_8 = arith.constant 8 : i32
    %scan3A_9 = arith.addi %scan3A_7, %scan3A_8 : i32
    %scan3A_10 = arith.constant 1 : i32
    scf.for %scan3A_18 = %scan3A_7 to %scan3A_9 step %scan3A_10  : i32 {
      %mul3A_19 = arith.constant 1 : i32
      %mul3A_20 = arith.muli %scan3A_18, %mul3A_19 : i32
      %add3A_21 = arith.constant 0 : i32
      %add3A_22 = arith.addi %add3A_21, %mul3A_20 : i32
      %broadcast_in_dim3A = arith.constant 1.000000e+00 : f32
      %broadcast_in_dim3A_23 = vector.broadcast %broadcast_in_dim3A : f32 to vector<16xf32>
      %mul3A_24 = arith.constant 16 : i32
      %mul3A_25 = arith.muli %add3A_22, %mul3A_24 : i32
      %swap3A = arith.index_cast %mul3A_25 : i32 to index
      %swap3A_26 = tpu.vector_load %arg6[%swap3A] {strides = array<i32>} : memref<128xf32, #tpu.memory_space<vmem>>, vector<16xf32>,
      tpu.vector_store %arg6[%swap3A], %broadcast_in_dim3A_23 {strides = array<i32>} : memref<128xf32, #tpu.memory_space<vmem>>, vector<16xf32>,
    }
    %scan3A_11 = arith.constant 8 : i32
    "tpu.region"() ({
      %run_scoped3A = tpu.sem_alloc : memref<!tpu.dma_semaphore, #tpu.memory_space<semaphore_mem>>
      %dma_start3A = tpu.memref_slice %arg4[%mul3A_2] : memref<10240xf32, #tpu.memory_space<vmem_shared>> -> memref<640xf32, #tpu.memory_space<vmem_shared>>
      %dma_start3A_18 = tpu.memref_slice %arg4[%mul3A_2] : memref<10240xf32, #tpu.memory_space<vmem_shared>> -> memref<640xf32, #tpu.memory_space<vmem_shared>>
      tpu.enqueue_dma source(%arg7 : memref<640xf32, #tpu.memory_space<vmem>>) target(%dma_start3A_18 : memref<640xf32, #tpu.memory_space<vmem_shared>>) target_semaphore(%run_scoped3A : memref<!tpu.dma_semaphore, #tpu.memory_space<semaphore_mem>>)
      %dma_wait3A = tpu.memref_slice %arg4[%mul3A_2] : memref<10240xf32, #tpu.memory_space<vmem_shared>> -> memref<640xf32, #tpu.memory_space<vmem_shared>>
      %dma_wait3A_19 = tpu.memref_slice %arg4[%mul3A_2] : memref<10240xf32, #tpu.memory_space<vmem_shared>> -> memref<640xf32, #tpu.memory_space<vmem_shared>>
      tpu.wait_dma2 semaphore(%run_scoped3A : memref<!tpu.dma_semaphore, #tpu.memory_space<semaphore_mem>>) src(%arg7 : memref<640xf32, #tpu.memory_space<vmem>>) dst(%dma_wait3A_19 : memref<640xf32, #tpu.memory_space<vmem_shared>>)
      tpu.yield
    }) : () -> ()
    %barrier3A = arith.constant 0 : index
    tpu.barrier barrier_id(%barrier3A)
    %scan3A_12 = arith.constant 0 : i32
    %scan3A_13 = arith.constant 160 : i32
    %scan3A_14 = arith.addi %scan3A_12, %scan3A_13 : i32
    %scan3A_15 = arith.constant 1 : i32
    scf.for %scan3A_18 = %scan3A_12 to %scan3A_14 step %scan3A_15  : i32 {
      %mul3A_19 = arith.constant 1 : i32
      %mul3A_20 = arith.muli %scan3A_18, %mul3A_19 : i32
      %add3A_21 = arith.constant 0 : i32
      %add3A_22 = arith.addi %add3A_21, %mul3A_20 : i32
      %mul3A_23 = arith.constant 20480 : i32
      %mul3A_24 = arith.muli %add3A, %mul3A_23 : i32
      %mul3A_25 = arith.constant 128 : i32
      %mul3A_26 = arith.muli %add3A_22, %mul3A_25 : i32
      %add3A_27 = arith.addi %mul3A_24, %mul3A_26 : i32
      "tpu.region"() ({
        %run_scoped3A = tpu.sem_alloc : memref<!tpu.dma_semaphore, #tpu.memory_space<semaphore_mem>>
        %dma_start3A = tpu.memref_slice %arg2[%add3A_27] : memref<655360xi32, #tpu.memory_space<hbm>> -> memref<128xi32, #tpu.memory_space<hbm>>
        %dma_start3A_28 = tpu.memref_slice %arg2[%add3A_27] : memref<655360xi32, #tpu.memory_space<hbm>> -> memref<128xi32, #tpu.memory_space<hbm>>
        tpu.enqueue_dma source(%dma_start3A_28 : memref<128xi32, #tpu.memory_space<hbm>>) target(%arg5 : memref<128xi32, #tpu.memory_space<vmem>>) target_semaphore(%run_scoped3A : memref<!tpu.dma_semaphore, #tpu.memory_space<semaphore_mem>>)
        %dma_wait3A = tpu.memref_slice %arg2[%add3A_27] : memref<655360xi32, #tpu.memory_space<hbm>> -> memref<128xi32, #tpu.memory_space<hbm>>
        %dma_wait3A_29 = tpu.memref_slice %arg2[%add3A_27] : memref<655360xi32, #tpu.memory_space<hbm>> -> memref<128xi32, #tpu.memory_space<hbm>>
        tpu.wait_dma2 semaphore(%run_scoped3A : memref<!tpu.dma_semaphore, #tpu.memory_space<semaphore_mem>>) src(%dma_wait3A_29 : memref<128xi32, #tpu.memory_space<hbm>>) dst(%arg5 : memref<128xi32, #tpu.memory_space<vmem>>)
        tpu.yield
      }) : () -> ()
      "tpu.region"() ({
        %run_scoped3A = tpu.sem_alloc : memref<!tpu.dma_semaphore, #tpu.memory_space<semaphore_mem>>
        %dma_start3A = arith.constant 0 : i32
        %dma_start3A_28 = tpu.memref_slice %arg4[%dma_start3A] : memref<10240xf32, #tpu.memory_space<vmem_shared>> -> memref<10240xf32, #tpu.memory_space<vmem_shared>>
        tpu.enqueue_indirect_dma source(%arg6 : memref<128xf32, #tpu.memory_space<vmem>>) target(%dma_start3A_28 : memref<10240xf32, #tpu.memory_space<vmem_shared>>) offsets(%arg5 : memref<128xi32, #tpu.memory_space<vmem>>) semaphore(%run_scoped3A : memref<!tpu.dma_semaphore, #tpu.memory_space<semaphore_mem>>) {add = true}
        %dma_wait3A = arith.constant 0 : i32
        %dma_wait3A_29 = tpu.memref_slice %arg4[%dma_wait3A] : memref<10240xf32, #tpu.memory_space<vmem_shared>> -> memref<10240xf32, #tpu.memory_space<vmem_shared>>
        tpu.wait_indirect_dma semaphore(%run_scoped3A : memref<!tpu.dma_semaphore, #tpu.memory_space<semaphore_mem>>) src(%arg6 : memref<128xf32, #tpu.memory_space<vmem>>) dst(%dma_wait3A_29 : memref<10240xf32, #tpu.memory_space<vmem_shared>>)
        tpu.yield
      }) : () -> ()
    }
    %scan3A_16 = arith.constant 160 : i32
    %barrier3A_17 = arith.constant 0 : index
    tpu.barrier barrier_id(%barrier3A_17)
    "tpu.region"() ({
      %run_scoped3A = tpu.sem_alloc : memref<!tpu.dma_semaphore, #tpu.memory_space<semaphore_mem>>
      %dma_start3A = tpu.memref_slice %arg4[%mul3A_2] : memref<10240xf32, #tpu.memory_space<vmem_shared>> -> memref<640xf32, #tpu.memory_space<vmem_shared>>
      %dma_start3A_18 = tpu.memref_slice %arg4[%mul3A_2] : memref<10240xf32, #tpu.memory_space<vmem_shared>> -> memref<640xf32, #tpu.memory_space<vmem_shared>>
      tpu.enqueue_dma source(%dma_start3A_18 : memref<640xf32, #tpu.memory_space<vmem_shared>>) target(%arg7 : memref<640xf32, #tpu.memory_space<vmem>>) target_semaphore(%run_scoped3A : memref<!tpu.dma_semaphore, #tpu.memory_space<semaphore_mem>>)
      %dma_wait3A = tpu.memref_slice %arg4[%mul3A_2] : memref<10240xf32, #tpu.memory_space<vmem_shared>> -> memref<640xf32, #tpu.memory_space<vmem_shared>>
      %dma_wait3A_19 = tpu.memref_slice %arg4[%mul3A_2] : memref<10240xf32, #tpu.memory_space<vmem_shared>> -> memref<640xf32, #tpu.memory_space<vmem_shared>>
      tpu.wait_dma2 semaphore(%run_scoped3A : memref<!tpu.dma_semaphore, #tpu.memory_space<semaphore_mem>>) src(%dma_wait3A_19 : memref<640xf32, #tpu.memory_space<vmem_shared>>) dst(%arg7 : memref<640xf32, #tpu.memory_space<vmem>>)
      tpu.yield
    }) : () -> ()
    "tpu.region"() ({
      %run_scoped3A = tpu.sem_alloc : memref<!tpu.dma_semaphore, #tpu.memory_space<semaphore_mem>>
      %dma_start3A = tpu.memref_slice %arg3[%arg0, %mul3A_2] : memref<2x10240xf32, #tpu.memory_space<hbm>> -> memref<1x640xf32, #tpu.memory_space<hbm>>
      %dma_start3A_18 = tpu.memref_squeeze %dma_start3A : memref<1x640xf32, #tpu.memory_space<hbm>> -> memref<640xf32, #tpu.memory_space<hbm>>
      %dma_start3A_19 = tpu.memref_slice %arg3[%arg0, %mul3A_2] : memref<2x10240xf32, #tpu.memory_space<hbm>> -> memref<1x640xf32, #tpu.memory_space<hbm>>
      %dma_start3A_20 = tpu.memref_squeeze %dma_start3A_19 : memref<1x640xf32, #tpu.memory_space<hbm>> -> memref<640xf32, #tpu.memory_space<hbm>>
      tpu.enqueue_dma source(%arg7 : memref<640xf32, #tpu.memory_space<vmem>>) target(%dma_start3A_20 : memref<640xf32, #tpu.memory_space<hbm>>) target_semaphore(%run_scoped3A : memref<!tpu.dma_semaphore, #tpu.memory_space<semaphore_mem>>)
      %dma_wait3A = tpu.memref_slice %arg3[%arg0, %mul3A_2] : memref<2x10240xf32, #tpu.memory_space<hbm>> -> memref<1x640xf32, #tpu.memory_space<hbm>>
      %dma_wait3A_21 = tpu.memref_squeeze %dma_wait3A : memref<1x640xf32, #tpu.memory_space<hbm>> -> memref<640xf32, #tpu.memory_space<hbm>>
      %dma_wait3A_22 = tpu.memref_slice %arg3[%arg0, %mul3A_2] : memref<2x10240xf32, #tpu.memory_space<hbm>> -> memref<1x640xf32, #tpu.memory_space<hbm>>
      %dma_wait3A_23 = tpu.memref_squeeze %dma_wait3A_22 : memref<1x640xf32, #tpu.memory_space<hbm>> -> memref<640xf32, #tpu.memory_space<hbm>>
      tpu.wait_dma2 semaphore(%run_scoped3A : memref<!tpu.dma_semaphore, #tpu.memory_space<semaphore_mem>>) src(%arg7 : memref<640xf32, #tpu.memory_space<vmem>>) dst(%dma_wait3A_23 : memref<640xf32, #tpu.memory_space<hbm>>)
      tpu.yield
    }) : () -> ()
    return
  }
}

#map = affine_map<(d0, d1) -> (0)>
#map1 = affine_map<(d0, d1) -> (0, 0)>
#map2 = affine_map<(d0, d1) -> (0, 0, 0)>
module attributes {stable_mosaic.version = 14 : i64} {
  func.func @_edge_kernel(%arg0: i32, %arg1: i32, %arg2: memref<655360xi32, #tpu.memory_space<hbm>>, %arg3: memref<655360xi32, #tpu.memory_space<hbm>>, %arg4: memref<2x10240xf32, #tpu.memory_space<hbm>>, %arg5: memref<10240xf32, #tpu.memory_space<hbm>>, %arg6: memref<10240x128xf32, #tpu.memory_space<hbm>>, %arg7: memref<2x10240x128xf32, #tpu.memory_space<hbm>>, %arg8: memref<10240x128xf32, #tpu.memory_space<vmem_shared>>, %arg9: memref<10240xf32, #tpu.memory_space<vmem>>, %arg10: memref<10240xf32, #tpu.memory_space<vmem>>, %arg11: memref<10240xf32, #tpu.memory_space<vmem>>, %arg12: memref<128xi32, #tpu.memory_space<vmem>>, %arg13: memref<128xi32, #tpu.memory_space<vmem>>, %arg14: memref<128x128xf32, #tpu.memory_space<vmem>>, %arg15: memref<!tpu.dma_semaphore, #tpu.memory_space<semaphore_mem>>) attributes {dimension_semantics = [#tpu.dimension_semantics<core_parallel>, #tpu.dimension_semantics<subcore_parallel>], iteration_bounds = array<i64: 2, 16>, scalar_prefetch = 0 : i64, scratch_operands = 8 : i64, tpu.core_type = #tpu.core_type<sc_vector_subcore>, window_params = [{transform_indices = #map}, {transform_indices = #map}, {transform_indices = #map1}, {transform_indices = #map}, {transform_indices = #map1}, {transform_indices = #map2}]} {
    %mul3A = arith.constant 2 : i32
    %mul3A_0 = arith.muli %arg1, %mul3A : i32
    %add3A = arith.addi %mul3A_0, %arg0 : i32
    "tpu.region"() ({
      %run_scoped3A_58 = tpu.sem_alloc : memref<!tpu.dma_semaphore, #tpu.memory_space<semaphore_mem>>
      tpu.enqueue_dma source(%arg5 : memref<10240xf32, #tpu.memory_space<hbm>>) target(%arg9 : memref<10240xf32, #tpu.memory_space<vmem>>) target_semaphore(%run_scoped3A_58 : memref<!tpu.dma_semaphore, #tpu.memory_space<semaphore_mem>>)
      tpu.wait_dma2 semaphore(%run_scoped3A_58 : memref<!tpu.dma_semaphore, #tpu.memory_space<semaphore_mem>>) src(%arg5 : memref<10240xf32, #tpu.memory_space<hbm>>) dst(%arg9 : memref<10240xf32, #tpu.memory_space<vmem>>)
      tpu.yield
    }) : () -> ()
    %run_scoped3A = arith.constant 0 : i32
    "tpu.region"() ({
      %run_scoped3A_58 = tpu.sem_alloc : memref<!tpu.dma_semaphore, #tpu.memory_space<semaphore_mem>>
      %dma_start3A = arith.constant 0 : i32
      %dma_start3A_59 = tpu.memref_slice %arg4[%run_scoped3A, %dma_start3A] : memref<2x10240xf32, #tpu.memory_space<hbm>> -> memref<1x10240xf32, #tpu.memory_space<hbm>>
      %dma_start3A_60 = tpu.memref_squeeze %dma_start3A_59 : memref<1x10240xf32, #tpu.memory_space<hbm>> -> memref<10240xf32, #tpu.memory_space<hbm>>
      %dma_start3A_61 = arith.constant 0 : i32
      %dma_start3A_62 = tpu.memref_slice %arg4[%run_scoped3A, %dma_start3A_61] : memref<2x10240xf32, #tpu.memory_space<hbm>> -> memref<1x10240xf32, #tpu.memory_space<hbm>>
      %dma_start3A_63 = tpu.memref_squeeze %dma_start3A_62 : memref<1x10240xf32, #tpu.memory_space<hbm>> -> memref<10240xf32, #tpu.memory_space<hbm>>
      tpu.enqueue_dma source(%dma_start3A_63 : memref<10240xf32, #tpu.memory_space<hbm>>) target(%arg10 : memref<10240xf32, #tpu.memory_space<vmem>>) target_semaphore(%run_scoped3A_58 : memref<!tpu.dma_semaphore, #tpu.memory_space<semaphore_mem>>)
      %dma_wait3A = arith.constant 0 : i32
      %dma_wait3A_64 = tpu.memref_slice %arg4[%run_scoped3A, %dma_wait3A] : memref<2x10240xf32, #tpu.memory_space<hbm>> -> memref<1x10240xf32, #tpu.memory_space<hbm>>
      %dma_wait3A_65 = tpu.memref_squeeze %dma_wait3A_64 : memref<1x10240xf32, #tpu.memory_space<hbm>> -> memref<10240xf32, #tpu.memory_space<hbm>>
      %dma_wait3A_66 = arith.constant 0 : i32
      %dma_wait3A_67 = tpu.memref_slice %arg4[%run_scoped3A, %dma_wait3A_66] : memref<2x10240xf32, #tpu.memory_space<hbm>> -> memref<1x10240xf32, #tpu.memory_space<hbm>>
      %dma_wait3A_68 = tpu.memref_squeeze %dma_wait3A_67 : memref<1x10240xf32, #tpu.memory_space<hbm>> -> memref<10240xf32, #tpu.memory_space<hbm>>
      tpu.wait_dma2 semaphore(%run_scoped3A_58 : memref<!tpu.dma_semaphore, #tpu.memory_space<semaphore_mem>>) src(%dma_wait3A_68 : memref<10240xf32, #tpu.memory_space<hbm>>) dst(%arg10 : memref<10240xf32, #tpu.memory_space<vmem>>)
      tpu.yield
    }) : () -> ()
    %run_scoped3A_1 = arith.constant 1 : i32
    "tpu.region"() ({
      %run_scoped3A_58 = tpu.sem_alloc : memref<!tpu.dma_semaphore, #tpu.memory_space<semaphore_mem>>
      %dma_start3A = arith.constant 0 : i32
      %dma_start3A_59 = tpu.memref_slice %arg4[%run_scoped3A_1, %dma_start3A] : memref<2x10240xf32, #tpu.memory_space<hbm>> -> memref<1x10240xf32, #tpu.memory_space<hbm>>
      %dma_start3A_60 = tpu.memref_squeeze %dma_start3A_59 : memref<1x10240xf32, #tpu.memory_space<hbm>> -> memref<10240xf32, #tpu.memory_space<hbm>>
      %dma_start3A_61 = arith.constant 0 : i32
      %dma_start3A_62 = tpu.memref_slice %arg4[%run_scoped3A_1, %dma_start3A_61] : memref<2x10240xf32, #tpu.memory_space<hbm>> -> memref<1x10240xf32, #tpu.memory_space<hbm>>
      %dma_start3A_63 = tpu.memref_squeeze %dma_start3A_62 : memref<1x10240xf32, #tpu.memory_space<hbm>> -> memref<10240xf32, #tpu.memory_space<hbm>>
      tpu.enqueue_dma source(%dma_start3A_63 : memref<10240xf32, #tpu.memory_space<hbm>>) target(%arg11 : memref<10240xf32, #tpu.memory_space<vmem>>) target_semaphore(%run_scoped3A_58 : memref<!tpu.dma_semaphore, #tpu.memory_space<semaphore_mem>>)
      %dma_wait3A = arith.constant 0 : i32
      %dma_wait3A_64 = tpu.memref_slice %arg4[%run_scoped3A_1, %dma_wait3A] : memref<2x10240xf32, #tpu.memory_space<hbm>> -> memref<1x10240xf32, #tpu.memory_space<hbm>>
      %dma_wait3A_65 = tpu.memref_squeeze %dma_wait3A_64 : memref<1x10240xf32, #tpu.memory_space<hbm>> -> memref<10240xf32, #tpu.memory_space<hbm>>
      %dma_wait3A_66 = arith.constant 0 : i32
      %dma_wait3A_67 = tpu.memref_slice %arg4[%run_scoped3A_1, %dma_wait3A_66] : memref<2x10240xf32, #tpu.memory_space<hbm>> -> memref<1x10240xf32, #tpu.memory_space<hbm>>
      %dma_wait3A_68 = tpu.memref_squeeze %dma_wait3A_67 : memref<1x10240xf32, #tpu.memory_space<hbm>> -> memref<10240xf32, #tpu.memory_space<hbm>>
      tpu.wait_dma2 semaphore(%run_scoped3A_58 : memref<!tpu.dma_semaphore, #tpu.memory_space<semaphore_mem>>) src(%dma_wait3A_68 : memref<10240xf32, #tpu.memory_space<hbm>>) dst(%arg11 : memref<10240xf32, #tpu.memory_space<vmem>>)
      tpu.yield
    }) : () -> ()
    %scan3A = arith.constant 0 : i32
    %scan3A_2 = arith.constant 640 : i32
    %scan3A_3 = arith.addi %scan3A, %scan3A_2 : i32
    %scan3A_4 = arith.constant 1 : i32
    scf.for %scan3A_58 = %scan3A to %scan3A_3 step %scan3A_4  : i32 {
      %mul3A_59 = arith.constant 1 : i32
      %mul3A_60 = arith.muli %scan3A_58, %mul3A_59 : i32
      %add3A_61 = arith.constant 0 : i32
      %add3A_62 = arith.addi %add3A_61, %mul3A_60 : i32
      %mul3A_63 = arith.constant 16 : i32
      %mul3A_64 = arith.muli %add3A_62, %mul3A_63 : i32
      %get3A = arith.index_cast %mul3A_64 : i32 to index
      %get3A_65 = tpu.vector_load %arg10[%get3A] {strides = array<i32>} : memref<10240xf32, #tpu.memory_space<vmem>>, vector<16xf32>,
      %get3A_66 = arith.index_cast %mul3A_64 : i32 to index
      %get3A_67 = tpu.vector_load %arg11[%get3A_66] {strides = array<i32>} : memref<10240xf32, #tpu.memory_space<vmem>>, vector<16xf32>,
      %add3A_68 = arith.addf %get3A_65, %get3A_67 : vector<16xf32>
      %max3A = arith.constant 1.000000e+00 : f32
      %max3A_69 = vector.broadcast %max3A : f32 to vector<16xf32>
      %max3A_70 = arith.maximumf %add3A_68, %max3A_69 : vector<16xf32>
      %div3A = arith.constant 1.000000e+00 : f32
      %div3A_71 = vector.broadcast %div3A : f32 to vector<16xf32>
      %div3A_72 = arith.divf %div3A_71, %max3A_70 : vector<16xf32>
      %swap3A = arith.index_cast %mul3A_64 : i32 to index
      %swap3A_73 = tpu.vector_load %arg10[%swap3A] {strides = array<i32>} : memref<10240xf32, #tpu.memory_space<vmem>>, vector<16xf32>,
      tpu.vector_store %arg10[%swap3A], %div3A_72 {strides = array<i32>} : memref<10240xf32, #tpu.memory_space<vmem>>, vector<16xf32>,
    }
    %scan3A_5 = arith.constant 640 : i32
    %scan3A_6 = arith.constant 0 : i32
    %scan3A_7 = arith.constant 128 : i32
    %scan3A_8 = arith.addi %scan3A_6, %scan3A_7 : i32
    %scan3A_9 = arith.constant 1 : i32
    scf.for %scan3A_58 = %scan3A_6 to %scan3A_8 step %scan3A_9  : i32 {
      %mul3A_59 = arith.constant 1 : i32
      %mul3A_60 = arith.muli %scan3A_58, %mul3A_59 : i32
      %add3A_61 = arith.constant 0 : i32
      %add3A_62 = arith.addi %add3A_61, %mul3A_60 : i32
      %broadcast_in_dim3A_63 = arith.constant 0.000000e+00 : f32
      %broadcast_in_dim3A_64 = vector.broadcast %broadcast_in_dim3A_63 : f32 to vector<16xf32>
      %swap3A = arith.index_cast %add3A_62 : i32 to index
      %swap3A_65 = arith.constant 0 : index
      %swap3A_66 = tpu.vector_load %arg14[%swap3A, %swap3A_65] {strides = array<i32>} : memref<128x128xf32, #tpu.memory_space<vmem>>, vector<16xf32>,
      tpu.vector_store %arg14[%swap3A, %swap3A_65], %broadcast_in_dim3A_64 {strides = array<i32>} : memref<128x128xf32, #tpu.memory_space<vmem>>, vector<16xf32>,
      %broadcast_in_dim3A_67 = arith.constant 0.000000e+00 : f32
      %broadcast_in_dim3A_68 = vector.broadcast %broadcast_in_dim3A_67 : f32 to vector<16xf32>
      %swap3A_69 = arith.index_cast %add3A_62 : i32 to index
      %swap3A_70 = arith.constant 16 : index
      %swap3A_71 = tpu.vector_load %arg14[%swap3A_69, %swap3A_70] {strides = array<i32>} : memref<128x128xf32, #tpu.memory_space<vmem>>, vector<16xf32>,
      tpu.vector_store %arg14[%swap3A_69, %swap3A_70], %broadcast_in_dim3A_68 {strides = array<i32>} : memref<128x128xf32, #tpu.memory_space<vmem>>, vector<16xf32>,
      %broadcast_in_dim3A_72 = arith.constant 0.000000e+00 : f32
      %broadcast_in_dim3A_73 = vector.broadcast %broadcast_in_dim3A_72 : f32 to vector<16xf32>
      %swap3A_74 = arith.index_cast %add3A_62 : i32 to index
      %swap3A_75 = arith.constant 32 : index
      %swap3A_76 = tpu.vector_load %arg14[%swap3A_74, %swap3A_75] {strides = array<i32>} : memref<128x128xf32, #tpu.memory_space<vmem>>, vector<16xf32>,
      tpu.vector_store %arg14[%swap3A_74, %swap3A_75], %broadcast_in_dim3A_73 {strides = array<i32>} : memref<128x128xf32, #tpu.memory_space<vmem>>, vector<16xf32>,
      %broadcast_in_dim3A_77 = arith.constant 0.000000e+00 : f32
      %broadcast_in_dim3A_78 = vector.broadcast %broadcast_in_dim3A_77 : f32 to vector<16xf32>
      %swap3A_79 = arith.index_cast %add3A_62 : i32 to index
      %swap3A_80 = arith.constant 48 : index
      %swap3A_81 = tpu.vector_load %arg14[%swap3A_79, %swap3A_80] {strides = array<i32>} : memref<128x128xf32, #tpu.memory_space<vmem>>, vector<16xf32>,
      tpu.vector_store %arg14[%swap3A_79, %swap3A_80], %broadcast_in_dim3A_78 {strides = array<i32>} : memref<128x128xf32, #tpu.memory_space<vmem>>, vector<16xf32>,
      %broadcast_in_dim3A_82 = arith.constant 0.000000e+00 : f32
      %broadcast_in_dim3A_83 = vector.broadcast %broadcast_in_dim3A_82 : f32 to vector<16xf32>
      %swap3A_84 = arith.index_cast %add3A_62 : i32 to index
      %swap3A_85 = arith.constant 64 : index
      %swap3A_86 = tpu.vector_load %arg14[%swap3A_84, %swap3A_85] {strides = array<i32>} : memref<128x128xf32, #tpu.memory_space<vmem>>, vector<16xf32>,
      tpu.vector_store %arg14[%swap3A_84, %swap3A_85], %broadcast_in_dim3A_83 {strides = array<i32>} : memref<128x128xf32, #tpu.memory_space<vmem>>, vector<16xf32>,
      %broadcast_in_dim3A_87 = arith.constant 0.000000e+00 : f32
      %broadcast_in_dim3A_88 = vector.broadcast %broadcast_in_dim3A_87 : f32 to vector<16xf32>
      %swap3A_89 = arith.index_cast %add3A_62 : i32 to index
      %swap3A_90 = arith.constant 80 : index
      %swap3A_91 = tpu.vector_load %arg14[%swap3A_89, %swap3A_90] {strides = array<i32>} : memref<128x128xf32, #tpu.memory_space<vmem>>, vector<16xf32>,
      tpu.vector_store %arg14[%swap3A_89, %swap3A_90], %broadcast_in_dim3A_88 {strides = array<i32>} : memref<128x128xf32, #tpu.memory_space<vmem>>, vector<16xf32>,
      %broadcast_in_dim3A_92 = arith.constant 0.000000e+00 : f32
      %broadcast_in_dim3A_93 = vector.broadcast %broadcast_in_dim3A_92 : f32 to vector<16xf32>
      %swap3A_94 = arith.index_cast %add3A_62 : i32 to index
      %swap3A_95 = arith.constant 96 : index
      %swap3A_96 = tpu.vector_load %arg14[%swap3A_94, %swap3A_95] {strides = array<i32>} : memref<128x128xf32, #tpu.memory_space<vmem>>, vector<16xf32>,
      tpu.vector_store %arg14[%swap3A_94, %swap3A_95], %broadcast_in_dim3A_93 {strides = array<i32>} : memref<128x128xf32, #tpu.memory_space<vmem>>, vector<16xf32>,
      %broadcast_in_dim3A_97 = arith.constant 0.000000e+00 : f32
      %broadcast_in_dim3A_98 = vector.broadcast %broadcast_in_dim3A_97 : f32 to vector<16xf32>
      %swap3A_99 = arith.index_cast %add3A_62 : i32 to index
      %swap3A_100 = arith.constant 112 : index
      %swap3A_101 = tpu.vector_load %arg14[%swap3A_99, %swap3A_100] {strides = array<i32>} : memref<128x128xf32, #tpu.memory_space<vmem>>, vector<16xf32>,
      tpu.vector_store %arg14[%swap3A_99, %swap3A_100], %broadcast_in_dim3A_98 {strides = array<i32>} : memref<128x128xf32, #tpu.memory_space<vmem>>, vector<16xf32>,
    }
    %scan3A_10 = arith.constant 128 : i32
    %mul3A_11 = arith.constant 640 : i32
    %mul3A_12 = arith.muli %arg1, %mul3A_11 : i32
    %add3A_13 = arith.constant 0 : i32
    %add3A_14 = arith.addi %mul3A_12, %add3A_13 : i32
    "tpu.region"() ({
      %run_scoped3A_58 = tpu.sem_alloc : memref<!tpu.dma_semaphore, #tpu.memory_space<semaphore_mem>>
      %dma_start3A = arith.constant 0 : i32
      %dma_start3A_59 = tpu.memref_slice %arg8[%add3A_14, %dma_start3A] : memref<10240x128xf32, #tpu.memory_space<vmem_shared>> -> memref<128x128xf32, #tpu.memory_space<vmem_shared>>
      %dma_start3A_60 = arith.constant 0 : i32
      %dma_start3A_61 = tpu.memref_slice %arg8[%add3A_14, %dma_start3A_60] : memref<10240x128xf32, #tpu.memory_space<vmem_shared>> -> memref<128x128xf32, #tpu.memory_space<vmem_shared>>
      tpu.enqueue_dma source(%arg14 : memref<128x128xf32, #tpu.memory_space<vmem>>) target(%dma_start3A_61 : memref<128x128xf32, #tpu.memory_space<vmem_shared>>) target_semaphore(%run_scoped3A_58 : memref<!tpu.dma_semaphore, #tpu.memory_space<semaphore_mem>>)
      %dma_wait3A = arith.constant 0 : i32
      %dma_wait3A_62 = tpu.memref_slice %arg8[%add3A_14, %dma_wait3A] : memref<10240x128xf32, #tpu.memory_space<vmem_shared>> -> memref<128x128xf32, #tpu.memory_space<vmem_shared>>
      %dma_wait3A_63 = arith.constant 0 : i32
      %dma_wait3A_64 = tpu.memref_slice %arg8[%add3A_14, %dma_wait3A_63] : memref<10240x128xf32, #tpu.memory_space<vmem_shared>> -> memref<128x128xf32, #tpu.memory_space<vmem_shared>>
      tpu.wait_dma2 semaphore(%run_scoped3A_58 : memref<!tpu.dma_semaphore, #tpu.memory_space<semaphore_mem>>) src(%arg14 : memref<128x128xf32, #tpu.memory_space<vmem>>) dst(%dma_wait3A_64 : memref<128x128xf32, #tpu.memory_space<vmem_shared>>)
      tpu.yield
    }) : () -> ()
    %mul3A_15 = arith.constant 640 : i32
    %mul3A_16 = arith.muli %arg1, %mul3A_15 : i32
    %add3A_17 = arith.constant 128 : i32
    %add3A_18 = arith.addi %mul3A_16, %add3A_17 : i32
    "tpu.region"() ({
      %run_scoped3A_58 = tpu.sem_alloc : memref<!tpu.dma_semaphore, #tpu.memory_space<semaphore_mem>>
      %dma_start3A = arith.constant 0 : i32
      %dma_start3A_59 = tpu.memref_slice %arg8[%add3A_18, %dma_start3A] : memref<10240x128xf32, #tpu.memory_space<vmem_shared>> -> memref<128x128xf32, #tpu.memory_space<vmem_shared>>
      %dma_start3A_60 = arith.constant 0 : i32
      %dma_start3A_61 = tpu.memref_slice %arg8[%add3A_18, %dma_start3A_60] : memref<10240x128xf32, #tpu.memory_space<vmem_shared>> -> memref<128x128xf32, #tpu.memory_space<vmem_shared>>
      tpu.enqueue_dma source(%arg14 : memref<128x128xf32, #tpu.memory_space<vmem>>) target(%dma_start3A_61 : memref<128x128xf32, #tpu.memory_space<vmem_shared>>) target_semaphore(%run_scoped3A_58 : memref<!tpu.dma_semaphore, #tpu.memory_space<semaphore_mem>>)
      %dma_wait3A = arith.constant 0 : i32
      %dma_wait3A_62 = tpu.memref_slice %arg8[%add3A_18, %dma_wait3A] : memref<10240x128xf32, #tpu.memory_space<vmem_shared>> -> memref<128x128xf32, #tpu.memory_space<vmem_shared>>
      %dma_wait3A_63 = arith.constant 0 : i32
      %dma_wait3A_64 = tpu.memref_slice %arg8[%add3A_18, %dma_wait3A_63] : memref<10240x128xf32, #tpu.memory_space<vmem_shared>> -> memref<128x128xf32, #tpu.memory_space<vmem_shared>>
      tpu.wait_dma2 semaphore(%run_scoped3A_58 : memref<!tpu.dma_semaphore, #tpu.memory_space<semaphore_mem>>) src(%arg14 : memref<128x128xf32, #tpu.memory_space<vmem>>) dst(%dma_wait3A_64 : memref<128x128xf32, #tpu.memory_space<vmem_shared>>)
      tpu.yield
    }) : () -> ()
    %mul3A_19 = arith.constant 640 : i32
    %mul3A_20 = arith.muli %arg1, %mul3A_19 : i32
    %add3A_21 = arith.constant 256 : i32
    %add3A_22 = arith.addi %mul3A_20, %add3A_21 : i32
    "tpu.region"() ({
      %run_scoped3A_58 = tpu.sem_alloc : memref<!tpu.dma_semaphore, #tpu.memory_space<semaphore_mem>>
      %dma_start3A = arith.constant 0 : i32
      %dma_start3A_59 = tpu.memref_slice %arg8[%add3A_22, %dma_start3A] : memref<10240x128xf32, #tpu.memory_space<vmem_shared>> -> memref<128x128xf32, #tpu.memory_space<vmem_shared>>
      %dma_start3A_60 = arith.constant 0 : i32
      %dma_start3A_61 = tpu.memref_slice %arg8[%add3A_22, %dma_start3A_60] : memref<10240x128xf32, #tpu.memory_space<vmem_shared>> -> memref<128x128xf32, #tpu.memory_space<vmem_shared>>
      tpu.enqueue_dma source(%arg14 : memref<128x128xf32, #tpu.memory_space<vmem>>) target(%dma_start3A_61 : memref<128x128xf32, #tpu.memory_space<vmem_shared>>) target_semaphore(%run_scoped3A_58 : memref<!tpu.dma_semaphore, #tpu.memory_space<semaphore_mem>>)
      %dma_wait3A = arith.constant 0 : i32
      %dma_wait3A_62 = tpu.memref_slice %arg8[%add3A_22, %dma_wait3A] : memref<10240x128xf32, #tpu.memory_space<vmem_shared>> -> memref<128x128xf32, #tpu.memory_space<vmem_shared>>
      %dma_wait3A_63 = arith.constant 0 : i32
      %dma_wait3A_64 = tpu.memref_slice %arg8[%add3A_22, %dma_wait3A_63] : memref<10240x128xf32, #tpu.memory_space<vmem_shared>> -> memref<128x128xf32, #tpu.memory_space<vmem_shared>>
      tpu.wait_dma2 semaphore(%run_scoped3A_58 : memref<!tpu.dma_semaphore, #tpu.memory_space<semaphore_mem>>) src(%arg14 : memref<128x128xf32, #tpu.memory_space<vmem>>) dst(%dma_wait3A_64 : memref<128x128xf32, #tpu.memory_space<vmem_shared>>)
      tpu.yield
    }) : () -> ()
    %mul3A_23 = arith.constant 640 : i32
    %mul3A_24 = arith.muli %arg1, %mul3A_23 : i32
    %add3A_25 = arith.constant 384 : i32
    %add3A_26 = arith.addi %mul3A_24, %add3A_25 : i32
    "tpu.region"() ({
      %run_scoped3A_58 = tpu.sem_alloc : memref<!tpu.dma_semaphore, #tpu.memory_space<semaphore_mem>>
      %dma_start3A = arith.constant 0 : i32
      %dma_start3A_59 = tpu.memref_slice %arg8[%add3A_26, %dma_start3A] : memref<10240x128xf32, #tpu.memory_space<vmem_shared>> -> memref<128x128xf32, #tpu.memory_space<vmem_shared>>
      %dma_start3A_60 = arith.constant 0 : i32
      %dma_start3A_61 = tpu.memref_slice %arg8[%add3A_26, %dma_start3A_60] : memref<10240x128xf32, #tpu.memory_space<vmem_shared>> -> memref<128x128xf32, #tpu.memory_space<vmem_shared>>
      tpu.enqueue_dma source(%arg14 : memref<128x128xf32, #tpu.memory_space<vmem>>) target(%dma_start3A_61 : memref<128x128xf32, #tpu.memory_space<vmem_shared>>) target_semaphore(%run_scoped3A_58 : memref<!tpu.dma_semaphore, #tpu.memory_space<semaphore_mem>>)
      %dma_wait3A = arith.constant 0 : i32
      %dma_wait3A_62 = tpu.memref_slice %arg8[%add3A_26, %dma_wait3A] : memref<10240x128xf32, #tpu.memory_space<vmem_shared>> -> memref<128x128xf32, #tpu.memory_space<vmem_shared>>
      %dma_wait3A_63 = arith.constant 0 : i32
      %dma_wait3A_64 = tpu.memref_slice %arg8[%add3A_26, %dma_wait3A_63] : memref<10240x128xf32, #tpu.memory_space<vmem_shared>> -> memref<128x128xf32, #tpu.memory_space<vmem_shared>>
      tpu.wait_dma2 semaphore(%run_scoped3A_58 : memref<!tpu.dma_semaphore, #tpu.memory_space<semaphore_mem>>) src(%arg14 : memref<128x128xf32, #tpu.memory_space<vmem>>) dst(%dma_wait3A_64 : memref<128x128xf32, #tpu.memory_space<vmem_shared>>)
      tpu.yield
    }) : () -> ()
    %mul3A_27 = arith.constant 640 : i32
    %mul3A_28 = arith.muli %arg1, %mul3A_27 : i32
    %add3A_29 = arith.constant 512 : i32
    %add3A_30 = arith.addi %mul3A_28, %add3A_29 : i32
    "tpu.region"() ({
      %run_scoped3A_58 = tpu.sem_alloc : memref<!tpu.dma_semaphore, #tpu.memory_space<semaphore_mem>>
      %dma_start3A = arith.constant 0 : i32
      %dma_start3A_59 = tpu.memref_slice %arg8[%add3A_30, %dma_start3A] : memref<10240x128xf32, #tpu.memory_space<vmem_shared>> -> memref<128x128xf32, #tpu.memory_space<vmem_shared>>
      %dma_start3A_60 = arith.constant 0 : i32
      %dma_start3A_61 = tpu.memref_slice %arg8[%add3A_30, %dma_start3A_60] : memref<10240x128xf32, #tpu.memory_space<vmem_shared>> -> memref<128x128xf32, #tpu.memory_space<vmem_shared>>
      tpu.enqueue_dma source(%arg14 : memref<128x128xf32, #tpu.memory_space<vmem>>) target(%dma_start3A_61 : memref<128x128xf32, #tpu.memory_space<vmem_shared>>) target_semaphore(%run_scoped3A_58 : memref<!tpu.dma_semaphore, #tpu.memory_space<semaphore_mem>>)
      %dma_wait3A = arith.constant 0 : i32
      %dma_wait3A_62 = tpu.memref_slice %arg8[%add3A_30, %dma_wait3A] : memref<10240x128xf32, #tpu.memory_space<vmem_shared>> -> memref<128x128xf32, #tpu.memory_space<vmem_shared>>
      %dma_wait3A_63 = arith.constant 0 : i32
      %dma_wait3A_64 = tpu.memref_slice %arg8[%add3A_30, %dma_wait3A_63] : memref<10240x128xf32, #tpu.memory_space<vmem_shared>> -> memref<128x128xf32, #tpu.memory_space<vmem_shared>>
      tpu.wait_dma2 semaphore(%run_scoped3A_58 : memref<!tpu.dma_semaphore, #tpu.memory_space<semaphore_mem>>) src(%arg14 : memref<128x128xf32, #tpu.memory_space<vmem>>) dst(%dma_wait3A_64 : memref<128x128xf32, #tpu.memory_space<vmem_shared>>)
      tpu.yield
    }) : () -> ()
    %barrier3A = arith.constant 0 : index
    tpu.barrier barrier_id(%barrier3A)
    %iota3A = tpu.iota {dimensions = array<i32: 0>} : vector<16xi32>
    %broadcast_in_dim3A = arith.constant 33 : i32
    %broadcast_in_dim3A_31 = vector.broadcast %broadcast_in_dim3A : i32 to vector<16xi32>
    %scan3A_32 = arith.constant 0 : i32
    %scan3A_33 = arith.constant 160 : i32
    %scan3A_34 = arith.addi %scan3A_32, %scan3A_33 : i32
    %scan3A_35 = arith.constant 1 : i32
    scf.for %scan3A_58 = %scan3A_32 to %scan3A_34 step %scan3A_35  : i32 {
      %mul3A_59 = arith.constant 1 : i32
      %mul3A_60 = arith.muli %scan3A_58, %mul3A_59 : i32
      %add3A_61 = arith.constant 0 : i32
      %add3A_62 = arith.addi %add3A_61, %mul3A_60 : i32
      %mul3A_63 = arith.constant 20480 : i32
      %mul3A_64 = arith.muli %add3A, %mul3A_63 : i32
      %mul3A_65 = arith.constant 128 : i32
      %mul3A_66 = arith.muli %add3A_62, %mul3A_65 : i32
      %add3A_67 = arith.addi %mul3A_64, %mul3A_66 : i32
      "tpu.region"() ({
        %run_scoped3A_77 = tpu.sem_alloc : memref<!tpu.dma_semaphore, #tpu.memory_space<semaphore_mem>>
        %dma_start3A_78 = tpu.memref_slice %arg2[%add3A_67] : memref<655360xi32, #tpu.memory_space<hbm>> -> memref<128xi32, #tpu.memory_space<hbm>>
        %dma_start3A_79 = tpu.memref_slice %arg2[%add3A_67] : memref<655360xi32, #tpu.memory_space<hbm>> -> memref<128xi32, #tpu.memory_space<hbm>>
        tpu.enqueue_dma source(%dma_start3A_79 : memref<128xi32, #tpu.memory_space<hbm>>) target(%arg12 : memref<128xi32, #tpu.memory_space<vmem>>) target_semaphore(%run_scoped3A_77 : memref<!tpu.dma_semaphore, #tpu.memory_space<semaphore_mem>>)
        %dma_wait3A_80 = tpu.memref_slice %arg2[%add3A_67] : memref<655360xi32, #tpu.memory_space<hbm>> -> memref<128xi32, #tpu.memory_space<hbm>>
        %dma_wait3A_81 = tpu.memref_slice %arg2[%add3A_67] : memref<655360xi32, #tpu.memory_space<hbm>> -> memref<128xi32, #tpu.memory_space<hbm>>
        tpu.wait_dma2 semaphore(%run_scoped3A_77 : memref<!tpu.dma_semaphore, #tpu.memory_space<semaphore_mem>>) src(%dma_wait3A_81 : memref<128xi32, #tpu.memory_space<hbm>>) dst(%arg12 : memref<128xi32, #tpu.memory_space<vmem>>)
        tpu.yield
      }) : () -> ()
      "tpu.region"() ({
        %run_scoped3A_77 = tpu.sem_alloc : memref<!tpu.dma_semaphore, #tpu.memory_space<semaphore_mem>>
        %dma_start3A_78 = tpu.memref_slice %arg3[%add3A_67] : memref<655360xi32, #tpu.memory_space<hbm>> -> memref<128xi32, #tpu.memory_space<hbm>>
        %dma_start3A_79 = tpu.memref_slice %arg3[%add3A_67] : memref<655360xi32, #tpu.memory_space<hbm>> -> memref<128xi32, #tpu.memory_space<hbm>>
        tpu.enqueue_dma source(%dma_start3A_79 : memref<128xi32, #tpu.memory_space<hbm>>) target(%arg13 : memref<128xi32, #tpu.memory_space<vmem>>) target_semaphore(%run_scoped3A_77 : memref<!tpu.dma_semaphore, #tpu.memory_space<semaphore_mem>>)
        %dma_wait3A_80 = tpu.memref_slice %arg3[%add3A_67] : memref<655360xi32, #tpu.memory_space<hbm>> -> memref<128xi32, #tpu.memory_space<hbm>>
        %dma_wait3A_81 = tpu.memref_slice %arg3[%add3A_67] : memref<655360xi32, #tpu.memory_space<hbm>> -> memref<128xi32, #tpu.memory_space<hbm>>
        tpu.wait_dma2 semaphore(%run_scoped3A_77 : memref<!tpu.dma_semaphore, #tpu.memory_space<semaphore_mem>>) src(%dma_wait3A_81 : memref<128xi32, #tpu.memory_space<hbm>>) dst(%arg13 : memref<128xi32, #tpu.memory_space<vmem>>)
        tpu.yield
      }) : () -> ()
      %dma_start3A = arith.constant 0 : i32
      %dma_start3A_68 = arith.constant 0 : i32
      %dma_start3A_69 = tpu.memref_slice %arg6[%dma_start3A, %dma_start3A_68] : memref<10240x128xf32, #tpu.memory_space<hbm>> -> memref<10240x128xf32, #tpu.memory_space<hbm>>
      tpu.enqueue_indirect_dma source(%dma_start3A_69 : memref<10240x128xf32, #tpu.memory_space<hbm>>) target(%arg14 : memref<128x128xf32, #tpu.memory_space<vmem>>) offsets(%arg13 : memref<128xi32, #tpu.memory_space<vmem>>) semaphore(%arg15 : memref<!tpu.dma_semaphore, #tpu.memory_space<semaphore_mem>>)
      %dma_wait3A = arith.constant 0 : i32
      %dma_wait3A_70 = arith.constant 0 : i32
      %dma_wait3A_71 = tpu.memref_slice %arg6[%dma_wait3A, %dma_wait3A_70] : memref<10240x128xf32, #tpu.memory_space<hbm>> -> memref<10240x128xf32, #tpu.memory_space<hbm>>
      tpu.wait_indirect_dma semaphore(%arg15 : memref<!tpu.dma_semaphore, #tpu.memory_space<semaphore_mem>>) src(%dma_wait3A_71 : memref<10240x128xf32, #tpu.memory_space<hbm>>) dst(%arg14 : memref<128x128xf32, #tpu.memory_space<vmem>>)
      %scan3A_72 = arith.constant 0 : i32
      %scan3A_73 = arith.constant 8 : i32
      %scan3A_74 = arith.addi %scan3A_72, %scan3A_73 : i32
      %scan3A_75 = arith.constant 1 : i32
      scf.for %scan3A_77 = %scan3A_72 to %scan3A_74 step %scan3A_75  : i32 {
        %mul3A_78 = arith.constant 1 : i32
        %mul3A_79 = arith.muli %scan3A_77, %mul3A_78 : i32
        %add3A_80 = arith.constant 0 : i32
        %add3A_81 = arith.addi %add3A_80, %mul3A_79 : i32
        %mul3A_82 = arith.constant 16 : i32
        %mul3A_83 = arith.muli %add3A_81, %mul3A_82 : i32
        %get3A = arith.index_cast %mul3A_83 : i32 to index
        %get3A_84 = tpu.vector_load %arg12[%get3A] {strides = array<i32>} : memref<128xi32, #tpu.memory_space<vmem>>, vector<16xi32>,
        %mul3A_85 = arith.constant 16 : i32
        %mul3A_86 = arith.muli %add3A_81, %mul3A_85 : i32
        %add3A_87 = vector.broadcast %mul3A_86 : i32 to vector<16xi32>
        %add3A_88 = arith.addi %iota3A, %add3A_87 : vector<16xi32>
        %gather3A = tpu.vector_load_idx %arg9[%get3A_84] : memref<10240xf32, #tpu.memory_space<vmem>>[vector<16xi32>], vector<16xf32>,
        %gather3A_89 = tpu.vector_load_idx %arg10[%get3A_84] : memref<10240xf32, #tpu.memory_space<vmem>>[vector<16xi32>], vector<16xf32>,
        %gather3A_90 = tpu.vector_load_idx %arg14[%add3A_88, %broadcast_in_dim3A_31] : memref<128x128xf32, #tpu.memory_space<vmem>>[vector<16xi32>, vector<16xi32>], vector<16xf32>,
        %add3A_91 = arith.addf %gather3A, %gather3A_90 : vector<16xf32>
        %mul3A_92 = arith.constant 2.000000e-01 : f32
        %mul3A_93 = vector.broadcast %mul3A_92 : f32 to vector<16xf32>
        %mul3A_94 = arith.mulf %mul3A_93, %add3A_91 : vector<16xf32>
        %max3A = arith.maximumf %add3A_91, %mul3A_94 : vector<16xf32>
        %mul3A_95 = arith.mulf %gather3A_89, %max3A : vector<16xf32>
        %exp3A = math.exp %mul3A_95 : vector<16xf32>
        %slice3A = vector.extract_strided_slice %exp3A {offsets = [0], sizes = [1], strides = [1]} : vector<16xf32> to vector<1xf32>
        %squeeze3A = vector.extract %slice3A[0] : f32 from vector<1xf32>
        %mul3A_96 = arith.constant 16 : i32
        %mul3A_97 = arith.muli %add3A_81, %mul3A_96 : i32
        %add3A_98 = arith.constant 0 : i32
        %add3A_99 = arith.addi %mul3A_97, %add3A_98 : i32
        %get3A_100 = arith.index_cast %add3A_99 : i32 to index
        %get3A_101 = arith.constant 0 : index
        %get3A_102 = tpu.vector_load %arg14[%get3A_100, %get3A_101] {strides = array<i32>} : memref<128x128xf32, #tpu.memory_space<vmem>>, vector<16xf32>,
        %mul3A_103 = vector.broadcast %squeeze3A : f32 to vector<16xf32>
        %mul3A_104 = arith.mulf %get3A_102, %mul3A_103 : vector<16xf32>
        %swap3A = arith.index_cast %add3A_99 : i32 to index
        %swap3A_105 = arith.constant 0 : index
        %swap3A_106 = tpu.vector_load %arg14[%swap3A, %swap3A_105] {strides = array<i32>} : memref<128x128xf32, #tpu.memory_space<vmem>>, vector<16xf32>,
        tpu.vector_store %arg14[%swap3A, %swap3A_105], %mul3A_104 {strides = array<i32>} : memref<128x128xf32, #tpu.memory_space<vmem>>, vector<16xf32>,
        %get3A_107 = arith.index_cast %add3A_99 : i32 to index
        %get3A_108 = arith.constant 16 : index
        %get3A_109 = tpu.vector_load %arg14[%get3A_107, %get3A_108] {strides = array<i32>} : memref<128x128xf32, #tpu.memory_space<vmem>>, vector<16xf32>,
        %mul3A_110 = vector.broadcast %squeeze3A : f32 to vector<16xf32>
        %mul3A_111 = arith.mulf %get3A_109, %mul3A_110 : vector<16xf32>
        %swap3A_112 = arith.index_cast %add3A_99 : i32 to index
        %swap3A_113 = arith.constant 16 : index
        %swap3A_114 = tpu.vector_load %arg14[%swap3A_112, %swap3A_113] {strides = array<i32>} : memref<128x128xf32, #tpu.memory_space<vmem>>, vector<16xf32>,
        tpu.vector_store %arg14[%swap3A_112, %swap3A_113], %mul3A_111 {strides = array<i32>} : memref<128x128xf32, #tpu.memory_space<vmem>>, vector<16xf32>,
        %get3A_115 = arith.index_cast %add3A_99 : i32 to index
        %get3A_116 = arith.constant 32 : index
        %get3A_117 = tpu.vector_load %arg14[%get3A_115, %get3A_116] {strides = array<i32>} : memref<128x128xf32, #tpu.memory_space<vmem>>, vector<16xf32>,
        %mul3A_118 = vector.broadcast %squeeze3A : f32 to vector<16xf32>
        %mul3A_119 = arith.mulf %get3A_117, %mul3A_118 : vector<16xf32>
        %swap3A_120 = arith.index_cast %add3A_99 : i32 to index
        %swap3A_121 = arith.constant 32 : index
        %swap3A_122 = tpu.vector_load %arg14[%swap3A_120, %swap3A_121] {strides = array<i32>} : memref<128x128xf32, #tpu.memory_space<vmem>>, vector<16xf32>,
        tpu.vector_store %arg14[%swap3A_120, %swap3A_121], %mul3A_119 {strides = array<i32>} : memref<128x128xf32, #tpu.memory_space<vmem>>, vector<16xf32>,
        %slice3A_123 = vector.extract_strided_slice %exp3A {offsets = [1], sizes = [1], strides = [1]} : vector<16xf32> to vector<1xf32>
        %squeeze3A_124 = vector.extract %slice3A_123[0] : f32 from vector<1xf32>
        %mul3A_125 = arith.constant 16 : i32
        %mul3A_126 = arith.muli %add3A_81, %mul3A_125 : i32
        %add3A_127 = arith.constant 1 : i32
        %add3A_128 = arith.addi %mul3A_126, %add3A_127 : i32
        %get3A_129 = arith.index_cast %add3A_128 : i32 to index
        %get3A_130 = arith.constant 0 : index
        %get3A_131 = tpu.vector_load %arg14[%get3A_129, %get3A_130] {strides = array<i32>} : memref<128x128xf32, #tpu.memory_space<vmem>>, vector<16xf32>,
        %mul3A_132 = vector.broadcast %squeeze3A_124 : f32 to vector<16xf32>
        %mul3A_133 = arith.mulf %get3A_131, %mul3A_132 : vector<16xf32>
        %swap3A_134 = arith.index_cast %add3A_128 : i32 to index
        %swap3A_135 = arith.constant 0 : index
        %swap3A_136 = tpu.vector_load %arg14[%swap3A_134, %swap3A_135] {strides = array<i32>} : memref<128x128xf32, #tpu.memory_space<vmem>>, vector<16xf32>,
        tpu.vector_store %arg14[%swap3A_134, %swap3A_135], %mul3A_133 {strides = array<i32>} : memref<128x128xf32, #tpu.memory_space<vmem>>, vector<16xf32>,
        %get3A_137 = arith.index_cast %add3A_128 : i32 to index
        %get3A_138 = arith.constant 16 : index
        %get3A_139 = tpu.vector_load %arg14[%get3A_137, %get3A_138] {strides = array<i32>} : memref<128x128xf32, #tpu.memory_space<vmem>>, vector<16xf32>,
        %mul3A_140 = vector.broadcast %squeeze3A_124 : f32 to vector<16xf32>
        %mul3A_141 = arith.mulf %get3A_139, %mul3A_140 : vector<16xf32>
        %swap3A_142 = arith.index_cast %add3A_128 : i32 to index
        %swap3A_143 = arith.constant 16 : index
        %swap3A_144 = tpu.vector_load %arg14[%swap3A_142, %swap3A_143] {strides = array<i32>} : memref<128x128xf32, #tpu.memory_space<vmem>>, vector<16xf32>,
        tpu.vector_store %arg14[%swap3A_142, %swap3A_143], %mul3A_141 {strides = array<i32>} : memref<128x128xf32, #tpu.memory_space<vmem>>, vector<16xf32>,
        %get3A_145 = arith.index_cast %add3A_128 : i32 to index
        %get3A_146 = arith.constant 32 : index
        %get3A_147 = tpu.vector_load %arg14[%get3A_145, %get3A_146] {strides = array<i32>} : memref<128x128xf32, #tpu.memory_space<vmem>>, vector<16xf32>,
        %mul3A_148 = vector.broadcast %squeeze3A_124 : f32 to vector<16xf32>
        %mul3A_149 = arith.mulf %get3A_147, %mul3A_148 : vector<16xf32>
        %swap3A_150 = arith.index_cast %add3A_128 : i32 to index
        %swap3A_151 = arith.constant 32 : index
        %swap3A_152 = tpu.vector_load %arg14[%swap3A_150, %swap3A_151] {strides = array<i32>} : memref<128x128xf32, #tpu.memory_space<vmem>>, vector<16xf32>,
        tpu.vector_store %arg14[%swap3A_150, %swap3A_151], %mul3A_149 {strides = array<i32>} : memref<128x128xf32, #tpu.memory_space<vmem>>, vector<16xf32>,
        %slice3A_153 = vector.extract_strided_slice %exp3A {offsets = [2], sizes = [1], strides = [1]} : vector<16xf32> to vector<1xf32>
        %squeeze3A_154 = vector.extract %slice3A_153[0] : f32 from vector<1xf32>
        %mul3A_155 = arith.constant 16 : i32
        %mul3A_156 = arith.muli %add3A_81, %mul3A_155 : i32
        %add3A_157 = arith.constant 2 : i32
        %add3A_158 = arith.addi %mul3A_156, %add3A_157 : i32
        %get3A_159 = arith.index_cast %add3A_158 : i32 to index
        %get3A_160 = arith.constant 0 : index
        %get3A_161 = tpu.vector_load %arg14[%get3A_159, %get3A_160] {strides = array<i32>} : memref<128x128xf32, #tpu.memory_space<vmem>>, vector<16xf32>,
        %mul3A_162 = vector.broadcast %squeeze3A_154 : f32 to vector<16xf32>
        %mul3A_163 = arith.mulf %get3A_161, %mul3A_162 : vector<16xf32>
        %swap3A_164 = arith.index_cast %add3A_158 : i32 to index
        %swap3A_165 = arith.constant 0 : index
        %swap3A_166 = tpu.vector_load %arg14[%swap3A_164, %swap3A_165] {strides = array<i32>} : memref<128x128xf32, #tpu.memory_space<vmem>>, vector<16xf32>,
        tpu.vector_store %arg14[%swap3A_164, %swap3A_165], %mul3A_163 {strides = array<i32>} : memref<128x128xf32, #tpu.memory_space<vmem>>, vector<16xf32>,
        %get3A_167 = arith.index_cast %add3A_158 : i32 to index
        %get3A_168 = arith.constant 16 : index
        %get3A_169 = tpu.vector_load %arg14[%get3A_167, %get3A_168] {strides = array<i32>} : memref<128x128xf32, #tpu.memory_space<vmem>>, vector<16xf32>,
        %mul3A_170 = vector.broadcast %squeeze3A_154 : f32 to vector<16xf32>
        %mul3A_171 = arith.mulf %get3A_169, %mul3A_170 : vector<16xf32>
        %swap3A_172 = arith.index_cast %add3A_158 : i32 to index
        %swap3A_173 = arith.constant 16 : index
        %swap3A_174 = tpu.vector_load %arg14[%swap3A_172, %swap3A_173] {strides = array<i32>} : memref<128x128xf32, #tpu.memory_space<vmem>>, vector<16xf32>,
        tpu.vector_store %arg14[%swap3A_172, %swap3A_173], %mul3A_171 {strides = array<i32>} : memref<128x128xf32, #tpu.memory_space<vmem>>, vector<16xf32>,
        %get3A_175 = arith.index_cast %add3A_158 : i32 to index
        %get3A_176 = arith.constant 32 : index
        %get3A_177 = tpu.vector_load %arg14[%get3A_175, %get3A_176] {strides = array<i32>} : memref<128x128xf32, #tpu.memory_space<vmem>>, vector<16xf32>,
        %mul3A_178 = vector.broadcast %squeeze3A_154 : f32 to vector<16xf32>
        %mul3A_179 = arith.mulf %get3A_177, %mul3A_178 : vector<16xf32>
        %swap3A_180 = arith.index_cast %add3A_158 : i32 to index
        %swap3A_181 = arith.constant 32 : index
        %swap3A_182 = tpu.vector_load %arg14[%swap3A_180, %swap3A_181] {strides = array<i32>} : memref<128x128xf32, #tpu.memory_space<vmem>>, vector<16xf32>,
        tpu.vector_store %arg14[%swap3A_180, %swap3A_181], %mul3A_179 {strides = array<i32>} : memref<128x128xf32, #tpu.memory_space<vmem>>, vector<16xf32>,
        %slice3A_183 = vector.extract_strided_slice %exp3A {offsets = [3], sizes = [1], strides = [1]} : vector<16xf32> to vector<1xf32>
        %squeeze3A_184 = vector.extract %slice3A_183[0] : f32 from vector<1xf32>
        %mul3A_185 = arith.constant 16 : i32
        %mul3A_186 = arith.muli %add3A_81, %mul3A_185 : i32
        %add3A_187 = arith.constant 3 : i32
        %add3A_188 = arith.addi %mul3A_186, %add3A_187 : i32
        %get3A_189 = arith.index_cast %add3A_188 : i32 to index
        %get3A_190 = arith.constant 0 : index
        %get3A_191 = tpu.vector_load %arg14[%get3A_189, %get3A_190] {strides = array<i32>} : memref<128x128xf32, #tpu.memory_space<vmem>>, vector<16xf32>,
        %mul3A_192 = vector.broadcast %squeeze3A_184 : f32 to vector<16xf32>
        %mul3A_193 = arith.mulf %get3A_191, %mul3A_192 : vector<16xf32>
        %swap3A_194 = arith.index_cast %add3A_188 : i32 to index
        %swap3A_195 = arith.constant 0 : index
        %swap3A_196 = tpu.vector_load %arg14[%swap3A_194, %swap3A_195] {strides = array<i32>} : memref<128x128xf32, #tpu.memory_space<vmem>>, vector<16xf32>,
        tpu.vector_store %arg14[%swap3A_194, %swap3A_195], %mul3A_193 {strides = array<i32>} : memref<128x128xf32, #tpu.memory_space<vmem>>, vector<16xf32>,
        %get3A_197 = arith.index_cast %add3A_188 : i32 to index
        %get3A_198 = arith.constant 16 : index
        %get3A_199 = tpu.vector_load %arg14[%get3A_197, %get3A_198] {strides = array<i32>} : memref<128x128xf32, #tpu.memory_space<vmem>>, vector<16xf32>,
        %mul3A_200 = vector.broadcast %squeeze3A_184 : f32 to vector<16xf32>
        %mul3A_201 = arith.mulf %get3A_199, %mul3A_200 : vector<16xf32>
        %swap3A_202 = arith.index_cast %add3A_188 : i32 to index
        %swap3A_203 = arith.constant 16 : index
        %swap3A_204 = tpu.vector_load %arg14[%swap3A_202, %swap3A_203] {strides = array<i32>} : memref<128x128xf32, #tpu.memory_space<vmem>>, vector<16xf32>,
        tpu.vector_store %arg14[%swap3A_202, %swap3A_203], %mul3A_201 {strides = array<i32>} : memref<128x128xf32, #tpu.memory_space<vmem>>, vector<16xf32>,
        %get3A_205 = arith.index_cast %add3A_188 : i32 to index
        %get3A_206 = arith.constant 32 : index
        %get3A_207 = tpu.vector_load %arg14[%get3A_205, %get3A_206] {strides = array<i32>} : memref<128x128xf32, #tpu.memory_space<vmem>>, vector<16xf32>,
        %mul3A_208 = vector.broadcast %squeeze3A_184 : f32 to vector<16xf32>
        %mul3A_209 = arith.mulf %get3A_207, %mul3A_208 : vector<16xf32>
        %swap3A_210 = arith.index_cast %add3A_188 : i32 to index
        %swap3A_211 = arith.constant 32 : index
        %swap3A_212 = tpu.vector_load %arg14[%swap3A_210, %swap3A_211] {strides = array<i32>} : memref<128x128xf32, #tpu.memory_space<vmem>>, vector<16xf32>,
        tpu.vector_store %arg14[%swap3A_210, %swap3A_211], %mul3A_209 {strides = array<i32>} : memref<128x128xf32, #tpu.memory_space<vmem>>, vector<16xf32>,
        %slice3A_213 = vector.extract_strided_slice %exp3A {offsets = [4], sizes = [1], strides = [1]} : vector<16xf32> to vector<1xf32>
        %squeeze3A_214 = vector.extract %slice3A_213[0] : f32 from vector<1xf32>
        %mul3A_215 = arith.constant 16 : i32
        %mul3A_216 = arith.muli %add3A_81, %mul3A_215 : i32
        %add3A_217 = arith.constant 4 : i32
        %add3A_218 = arith.addi %mul3A_216, %add3A_217 : i32
        %get3A_219 = arith.index_cast %add3A_218 : i32 to index
        %get3A_220 = arith.constant 0 : index
        %get3A_221 = tpu.vector_load %arg14[%get3A_219, %get3A_220] {strides = array<i32>} : memref<128x128xf32, #tpu.memory_space<vmem>>, vector<16xf32>,
        %mul3A_222 = vector.broadcast %squeeze3A_214 : f32 to vector<16xf32>
        %mul3A_223 = arith.mulf %get3A_221, %mul3A_222 : vector<16xf32>
        %swap3A_224 = arith.index_cast %add3A_218 : i32 to index
        %swap3A_225 = arith.constant 0 : index
        %swap3A_226 = tpu.vector_load %arg14[%swap3A_224, %swap3A_225] {strides = array<i32>} : memref<128x128xf32, #tpu.memory_space<vmem>>, vector<16xf32>,
        tpu.vector_store %arg14[%swap3A_224, %swap3A_225], %mul3A_223 {strides = array<i32>} : memref<128x128xf32, #tpu.memory_space<vmem>>, vector<16xf32>,
        %get3A_227 = arith.index_cast %add3A_218 : i32 to index
        %get3A_228 = arith.constant 16 : index
        %get3A_229 = tpu.vector_load %arg14[%get3A_227, %get3A_228] {strides = array<i32>} : memref<128x128xf32, #tpu.memory_space<vmem>>, vector<16xf32>,
        %mul3A_230 = vector.broadcast %squeeze3A_214 : f32 to vector<16xf32>
        %mul3A_231 = arith.mulf %get3A_229, %mul3A_230 : vector<16xf32>
        %swap3A_232 = arith.index_cast %add3A_218 : i32 to index
        %swap3A_233 = arith.constant 16 : index
        %swap3A_234 = tpu.vector_load %arg14[%swap3A_232, %swap3A_233] {strides = array<i32>} : memref<128x128xf32, #tpu.memory_space<vmem>>, vector<16xf32>,
        tpu.vector_store %arg14[%swap3A_232, %swap3A_233], %mul3A_231 {strides = array<i32>} : memref<128x128xf32, #tpu.memory_space<vmem>>, vector<16xf32>,
        %get3A_235 = arith.index_cast %add3A_218 : i32 to index
        %get3A_236 = arith.constant 32 : index
        %get3A_237 = tpu.vector_load %arg14[%get3A_235, %get3A_236] {strides = array<i32>} : memref<128x128xf32, #tpu.memory_space<vmem>>, vector<16xf32>,
        %mul3A_238 = vector.broadcast %squeeze3A_214 : f32 to vector<16xf32>
        %mul3A_239 = arith.mulf %get3A_237, %mul3A_238 : vector<16xf32>
        %swap3A_240 = arith.index_cast %add3A_218 : i32 to index
        %swap3A_241 = arith.constant 32 : index
        %swap3A_242 = tpu.vector_load %arg14[%swap3A_240, %swap3A_241] {strides = array<i32>} : memref<128x128xf32, #tpu.memory_space<vmem>>, vector<16xf32>,
        tpu.vector_store %arg14[%swap3A_240, %swap3A_241], %mul3A_239 {strides = array<i32>} : memref<128x128xf32, #tpu.memory_space<vmem>>, vector<16xf32>,
        %slice3A_243 = vector.extract_strided_slice %exp3A {offsets = [5], sizes = [1], strides = [1]} : vector<16xf32> to vector<1xf32>
        %squeeze3A_244 = vector.extract %slice3A_243[0] : f32 from vector<1xf32>
        %mul3A_245 = arith.constant 16 : i32
        %mul3A_246 = arith.muli %add3A_81, %mul3A_245 : i32
        %add3A_247 = arith.constant 5 : i32
        %add3A_248 = arith.addi %mul3A_246, %add3A_247 : i32
        %get3A_249 = arith.index_cast %add3A_248 : i32 to index
        %get3A_250 = arith.constant 0 : index
        %get3A_251 = tpu.vector_load %arg14[%get3A_249, %get3A_250] {strides = array<i32>} : memref<128x128xf32, #tpu.memory_space<vmem>>, vector<16xf32>,
        %mul3A_252 = vector.broadcast %squeeze3A_244 : f32 to vector<16xf32>
        %mul3A_253 = arith.mulf %get3A_251, %mul3A_252 : vector<16xf32>
        %swap3A_254 = arith.index_cast %add3A_248 : i32 to index
        %swap3A_255 = arith.constant 0 : index
        %swap3A_256 = tpu.vector_load %arg14[%swap3A_254, %swap3A_255] {strides = array<i32>} : memref<128x128xf32, #tpu.memory_space<vmem>>, vector<16xf32>,
        tpu.vector_store %arg14[%swap3A_254, %swap3A_255], %mul3A_253 {strides = array<i32>} : memref<128x128xf32, #tpu.memory_space<vmem>>, vector<16xf32>,
        %get3A_257 = arith.index_cast %add3A_248 : i32 to index
        %get3A_258 = arith.constant 16 : index
        %get3A_259 = tpu.vector_load %arg14[%get3A_257, %get3A_258] {strides = array<i32>} : memref<128x128xf32, #tpu.memory_space<vmem>>, vector<16xf32>,
        %mul3A_260 = vector.broadcast %squeeze3A_244 : f32 to vector<16xf32>
        %mul3A_261 = arith.mulf %get3A_259, %mul3A_260 : vector<16xf32>
        %swap3A_262 = arith.index_cast %add3A_248 : i32 to index
        %swap3A_263 = arith.constant 16 : index
        %swap3A_264 = tpu.vector_load %arg14[%swap3A_262, %swap3A_263] {strides = array<i32>} : memref<128x128xf32, #tpu.memory_space<vmem>>, vector<16xf32>,
        tpu.vector_store %arg14[%swap3A_262, %swap3A_263], %mul3A_261 {strides = array<i32>} : memref<128x128xf32, #tpu.memory_space<vmem>>, vector<16xf32>,
        %get3A_265 = arith.index_cast %add3A_248 : i32 to index
        %get3A_266 = arith.constant 32 : index
        %get3A_267 = tpu.vector_load %arg14[%get3A_265, %get3A_266] {strides = array<i32>} : memref<128x128xf32, #tpu.memory_space<vmem>>, vector<16xf32>,
        %mul3A_268 = vector.broadcast %squeeze3A_244 : f32 to vector<16xf32>
        %mul3A_269 = arith.mulf %get3A_267, %mul3A_268 : vector<16xf32>
        %swap3A_270 = arith.index_cast %add3A_248 : i32 to index
        %swap3A_271 = arith.constant 32 : index
        %swap3A_272 = tpu.vector_load %arg14[%swap3A_270, %swap3A_271] {strides = array<i32>} : memref<128x128xf32, #tpu.memory_space<vmem>>, vector<16xf32>,
        tpu.vector_store %arg14[%swap3A_270, %swap3A_271], %mul3A_269 {strides = array<i32>} : memref<128x128xf32, #tpu.memory_space<vmem>>, vector<16xf32>,
        %slice3A_273 = vector.extract_strided_slice %exp3A {offsets = [6], sizes = [1], strides = [1]} : vector<16xf32> to vector<1xf32>
        %squeeze3A_274 = vector.extract %slice3A_273[0] : f32 from vector<1xf32>
        %mul3A_275 = arith.constant 16 : i32
        %mul3A_276 = arith.muli %add3A_81, %mul3A_275 : i32
        %add3A_277 = arith.constant 6 : i32
        %add3A_278 = arith.addi %mul3A_276, %add3A_277 : i32
        %get3A_279 = arith.index_cast %add3A_278 : i32 to index
        %get3A_280 = arith.constant 0 : index
        %get3A_281 = tpu.vector_load %arg14[%get3A_279, %get3A_280] {strides = array<i32>} : memref<128x128xf32, #tpu.memory_space<vmem>>, vector<16xf32>,
        %mul3A_282 = vector.broadcast %squeeze3A_274 : f32 to vector<16xf32>
        %mul3A_283 = arith.mulf %get3A_281, %mul3A_282 : vector<16xf32>
        %swap3A_284 = arith.index_cast %add3A_278 : i32 to index
        %swap3A_285 = arith.constant 0 : index
        %swap3A_286 = tpu.vector_load %arg14[%swap3A_284, %swap3A_285] {strides = array<i32>} : memref<128x128xf32, #tpu.memory_space<vmem>>, vector<16xf32>,
        tpu.vector_store %arg14[%swap3A_284, %swap3A_285], %mul3A_283 {strides = array<i32>} : memref<128x128xf32, #tpu.memory_space<vmem>>, vector<16xf32>,
        %get3A_287 = arith.index_cast %add3A_278 : i32 to index
        %get3A_288 = arith.constant 16 : index
        %get3A_289 = tpu.vector_load %arg14[%get3A_287, %get3A_288] {strides = array<i32>} : memref<128x128xf32, #tpu.memory_space<vmem>>, vector<16xf32>,
        %mul3A_290 = vector.broadcast %squeeze3A_274 : f32 to vector<16xf32>
        %mul3A_291 = arith.mulf %get3A_289, %mul3A_290 : vector<16xf32>
        %swap3A_292 = arith.index_cast %add3A_278 : i32 to index
        %swap3A_293 = arith.constant 16 : index
        %swap3A_294 = tpu.vector_load %arg14[%swap3A_292, %swap3A_293] {strides = array<i32>} : memref<128x128xf32, #tpu.memory_space<vmem>>, vector<16xf32>,
        tpu.vector_store %arg14[%swap3A_292, %swap3A_293], %mul3A_291 {strides = array<i32>} : memref<128x128xf32, #tpu.memory_space<vmem>>, vector<16xf32>,
        %get3A_295 = arith.index_cast %add3A_278 : i32 to index
        %get3A_296 = arith.constant 32 : index
        %get3A_297 = tpu.vector_load %arg14[%get3A_295, %get3A_296] {strides = array<i32>} : memref<128x128xf32, #tpu.memory_space<vmem>>, vector<16xf32>,
        %mul3A_298 = vector.broadcast %squeeze3A_274 : f32 to vector<16xf32>
        %mul3A_299 = arith.mulf %get3A_297, %mul3A_298 : vector<16xf32>
        %swap3A_300 = arith.index_cast %add3A_278 : i32 to index
        %swap3A_301 = arith.constant 32 : index
        %swap3A_302 = tpu.vector_load %arg14[%swap3A_300, %swap3A_301] {strides = array<i32>} : memref<128x128xf32, #tpu.memory_space<vmem>>, vector<16xf32>,
        tpu.vector_store %arg14[%swap3A_300, %swap3A_301], %mul3A_299 {strides = array<i32>} : memref<128x128xf32, #tpu.memory_space<vmem>>, vector<16xf32>,
        %slice3A_303 = vector.extract_strided_slice %exp3A {offsets = [7], sizes = [1], strides = [1]} : vector<16xf32> to vector<1xf32>
        %squeeze3A_304 = vector.extract %slice3A_303[0] : f32 from vector<1xf32>
        %mul3A_305 = arith.constant 16 : i32
        %mul3A_306 = arith.muli %add3A_81, %mul3A_305 : i32
        %add3A_307 = arith.constant 7 : i32
        %add3A_308 = arith.addi %mul3A_306, %add3A_307 : i32
        %get3A_309 = arith.index_cast %add3A_308 : i32 to index
        %get3A_310 = arith.constant 0 : index
        %get3A_311 = tpu.vector_load %arg14[%get3A_309, %get3A_310] {strides = array<i32>} : memref<128x128xf32, #tpu.memory_space<vmem>>, vector<16xf32>,
        %mul3A_312 = vector.broadcast %squeeze3A_304 : f32 to vector<16xf32>
        %mul3A_313 = arith.mulf %get3A_311, %mul3A_312 : vector<16xf32>
        %swap3A_314 = arith.index_cast %add3A_308 : i32 to index
        %swap3A_315 = arith.constant 0 : index
        %swap3A_316 = tpu.vector_load %arg14[%swap3A_314, %swap3A_315] {strides = array<i32>} : memref<128x128xf32, #tpu.memory_space<vmem>>, vector<16xf32>,
        tpu.vector_store %arg14[%swap3A_314, %swap3A_315], %mul3A_313 {strides = array<i32>} : memref<128x128xf32, #tpu.memory_space<vmem>>, vector<16xf32>,
        %get3A_317 = arith.index_cast %add3A_308 : i32 to index
        %get3A_318 = arith.constant 16 : index
        %get3A_319 = tpu.vector_load %arg14[%get3A_317, %get3A_318] {strides = array<i32>} : memref<128x128xf32, #tpu.memory_space<vmem>>, vector<16xf32>,
        %mul3A_320 = vector.broadcast %squeeze3A_304 : f32 to vector<16xf32>
        %mul3A_321 = arith.mulf %get3A_319, %mul3A_320 : vector<16xf32>
        %swap3A_322 = arith.index_cast %add3A_308 : i32 to index
        %swap3A_323 = arith.constant 16 : index
        %swap3A_324 = tpu.vector_load %arg14[%swap3A_322, %swap3A_323] {strides = array<i32>} : memref<128x128xf32, #tpu.memory_space<vmem>>, vector<16xf32>,
        tpu.vector_store %arg14[%swap3A_322, %swap3A_323], %mul3A_321 {strides = array<i32>} : memref<128x128xf32, #tpu.memory_space<vmem>>, vector<16xf32>,
        %get3A_325 = arith.index_cast %add3A_308 : i32 to index
        %get3A_326 = arith.constant 32 : index
        %get3A_327 = tpu.vector_load %arg14[%get3A_325, %get3A_326] {strides = array<i32>} : memref<128x128xf32, #tpu.memory_space<vmem>>, vector<16xf32>,
        %mul3A_328 = vector.broadcast %squeeze3A_304 : f32 to vector<16xf32>
        %mul3A_329 = arith.mulf %get3A_327, %mul3A_328 : vector<16xf32>
        %swap3A_330 = arith.index_cast %add3A_308 : i32 to index
        %swap3A_331 = arith.constant 32 : index
        %swap3A_332 = tpu.vector_load %arg14[%swap3A_330, %swap3A_331] {strides = array<i32>} : memref<128x128xf32, #tpu.memory_space<vmem>>, vector<16xf32>,
        tpu.vector_store %arg14[%swap3A_330, %swap3A_331], %mul3A_329 {strides = array<i32>} : memref<128x128xf32, #tpu.memory_space<vmem>>, vector<16xf32>,
        %slice3A_333 = vector.extract_strided_slice %exp3A {offsets = [8], sizes = [1], strides = [1]} : vector<16xf32> to vector<1xf32>
        %squeeze3A_334 = vector.extract %slice3A_333[0] : f32 from vector<1xf32>
        %mul3A_335 = arith.constant 16 : i32
        %mul3A_336 = arith.muli %add3A_81, %mul3A_335 : i32
        %add3A_337 = arith.constant 8 : i32
        %add3A_338 = arith.addi %mul3A_336, %add3A_337 : i32
        %get3A_339 = arith.index_cast %add3A_338 : i32 to index
        %get3A_340 = arith.constant 0 : index
        %get3A_341 = tpu.vector_load %arg14[%get3A_339, %get3A_340] {strides = array<i32>} : memref<128x128xf32, #tpu.memory_space<vmem>>, vector<16xf32>,
        %mul3A_342 = vector.broadcast %squeeze3A_334 : f32 to vector<16xf32>
        %mul3A_343 = arith.mulf %get3A_341, %mul3A_342 : vector<16xf32>
        %swap3A_344 = arith.index_cast %add3A_338 : i32 to index
        %swap3A_345 = arith.constant 0 : index
        %swap3A_346 = tpu.vector_load %arg14[%swap3A_344, %swap3A_345] {strides = array<i32>} : memref<128x128xf32, #tpu.memory_space<vmem>>, vector<16xf32>,
        tpu.vector_store %arg14[%swap3A_344, %swap3A_345], %mul3A_343 {strides = array<i32>} : memref<128x128xf32, #tpu.memory_space<vmem>>, vector<16xf32>,
        %get3A_347 = arith.index_cast %add3A_338 : i32 to index
        %get3A_348 = arith.constant 16 : index
        %get3A_349 = tpu.vector_load %arg14[%get3A_347, %get3A_348] {strides = array<i32>} : memref<128x128xf32, #tpu.memory_space<vmem>>, vector<16xf32>,
        %mul3A_350 = vector.broadcast %squeeze3A_334 : f32 to vector<16xf32>
        %mul3A_351 = arith.mulf %get3A_349, %mul3A_350 : vector<16xf32>
        %swap3A_352 = arith.index_cast %add3A_338 : i32 to index
        %swap3A_353 = arith.constant 16 : index
        %swap3A_354 = tpu.vector_load %arg14[%swap3A_352, %swap3A_353] {strides = array<i32>} : memref<128x128xf32, #tpu.memory_space<vmem>>, vector<16xf32>,
        tpu.vector_store %arg14[%swap3A_352, %swap3A_353], %mul3A_351 {strides = array<i32>} : memref<128x128xf32, #tpu.memory_space<vmem>>, vector<16xf32>,
        %get3A_355 = arith.index_cast %add3A_338 : i32 to index
        %get3A_356 = arith.constant 32 : index
        %get3A_357 = tpu.vector_load %arg14[%get3A_355, %get3A_356] {strides = array<i32>} : memref<128x128xf32, #tpu.memory_space<vmem>>, vector<16xf32>,
        %mul3A_358 = vector.broadcast %squeeze3A_334 : f32 to vector<16xf32>
        %mul3A_359 = arith.mulf %get3A_357, %mul3A_358 : vector<16xf32>
        %swap3A_360 = arith.index_cast %add3A_338 : i32 to index
        %swap3A_361 = arith.constant 32 : index
        %swap3A_362 = tpu.vector_load %arg14[%swap3A_360, %swap3A_361] {strides = array<i32>} : memref<128x128xf32, #tpu.memory_space<vmem>>, vector<16xf32>,
        tpu.vector_store %arg14[%swap3A_360, %swap3A_361], %mul3A_359 {strides = array<i32>} : memref<128x128xf32, #tpu.memory_space<vmem>>, vector<16xf32>,
        %slice3A_363 = vector.extract_strided_slice %exp3A {offsets = [9], sizes = [1], strides = [1]} : vector<16xf32> to vector<1xf32>
        %squeeze3A_364 = vector.extract %slice3A_363[0] : f32 from vector<1xf32>
        %mul3A_365 = arith.constant 16 : i32
        %mul3A_366 = arith.muli %add3A_81, %mul3A_365 : i32
        %add3A_367 = arith.constant 9 : i32
        %add3A_368 = arith.addi %mul3A_366, %add3A_367 : i32
        %get3A_369 = arith.index_cast %add3A_368 : i32 to index
        %get3A_370 = arith.constant 0 : index
        %get3A_371 = tpu.vector_load %arg14[%get3A_369, %get3A_370] {strides = array<i32>} : memref<128x128xf32, #tpu.memory_space<vmem>>, vector<16xf32>,
        %mul3A_372 = vector.broadcast %squeeze3A_364 : f32 to vector<16xf32>
        %mul3A_373 = arith.mulf %get3A_371, %mul3A_372 : vector<16xf32>
        %swap3A_374 = arith.index_cast %add3A_368 : i32 to index
        %swap3A_375 = arith.constant 0 : index
        %swap3A_376 = tpu.vector_load %arg14[%swap3A_374, %swap3A_375] {strides = array<i32>} : memref<128x128xf32, #tpu.memory_space<vmem>>, vector<16xf32>,
        tpu.vector_store %arg14[%swap3A_374, %swap3A_375], %mul3A_373 {strides = array<i32>} : memref<128x128xf32, #tpu.memory_space<vmem>>, vector<16xf32>,
        %get3A_377 = arith.index_cast %add3A_368 : i32 to index
        %get3A_378 = arith.constant 16 : index
        %get3A_379 = tpu.vector_load %arg14[%get3A_377, %get3A_378] {strides = array<i32>} : memref<128x128xf32, #tpu.memory_space<vmem>>, vector<16xf32>,
        %mul3A_380 = vector.broadcast %squeeze3A_364 : f32 to vector<16xf32>
        %mul3A_381 = arith.mulf %get3A_379, %mul3A_380 : vector<16xf32>
        %swap3A_382 = arith.index_cast %add3A_368 : i32 to index
        %swap3A_383 = arith.constant 16 : index
        %swap3A_384 = tpu.vector_load %arg14[%swap3A_382, %swap3A_383] {strides = array<i32>} : memref<128x128xf32, #tpu.memory_space<vmem>>, vector<16xf32>,
        tpu.vector_store %arg14[%swap3A_382, %swap3A_383], %mul3A_381 {strides = array<i32>} : memref<128x128xf32, #tpu.memory_space<vmem>>, vector<16xf32>,
        %get3A_385 = arith.index_cast %add3A_368 : i32 to index
        %get3A_386 = arith.constant 32 : index
        %get3A_387 = tpu.vector_load %arg14[%get3A_385, %get3A_386] {strides = array<i32>} : memref<128x128xf32, #tpu.memory_space<vmem>>, vector<16xf32>,
        %mul3A_388 = vector.broadcast %squeeze3A_364 : f32 to vector<16xf32>
        %mul3A_389 = arith.mulf %get3A_387, %mul3A_388 : vector<16xf32>
        %swap3A_390 = arith.index_cast %add3A_368 : i32 to index
        %swap3A_391 = arith.constant 32 : index
        %swap3A_392 = tpu.vector_load %arg14[%swap3A_390, %swap3A_391] {strides = array<i32>} : memref<128x128xf32, #tpu.memory_space<vmem>>, vector<16xf32>,
        tpu.vector_store %arg14[%swap3A_390, %swap3A_391], %mul3A_389 {strides = array<i32>} : memref<128x128xf32, #tpu.memory_space<vmem>>, vector<16xf32>,
        %slice3A_393 = vector.extract_strided_slice %exp3A {offsets = [10], sizes = [1], strides = [1]} : vector<16xf32> to vector<1xf32>
        %squeeze3A_394 = vector.extract %slice3A_393[0] : f32 from vector<1xf32>
        %mul3A_395 = arith.constant 16 : i32
        %mul3A_396 = arith.muli %add3A_81, %mul3A_395 : i32
        %add3A_397 = arith.constant 10 : i32
        %add3A_398 = arith.addi %mul3A_396, %add3A_397 : i32
        %get3A_399 = arith.index_cast %add3A_398 : i32 to index
        %get3A_400 = arith.constant 0 : index
        %get3A_401 = tpu.vector_load %arg14[%get3A_399, %get3A_400] {strides = array<i32>} : memref<128x128xf32, #tpu.memory_space<vmem>>, vector<16xf32>,
        %mul3A_402 = vector.broadcast %squeeze3A_394 : f32 to vector<16xf32>
        %mul3A_403 = arith.mulf %get3A_401, %mul3A_402 : vector<16xf32>
        %swap3A_404 = arith.index_cast %add3A_398 : i32 to index
        %swap3A_405 = arith.constant 0 : index
        %swap3A_406 = tpu.vector_load %arg14[%swap3A_404, %swap3A_405] {strides = array<i32>} : memref<128x128xf32, #tpu.memory_space<vmem>>, vector<16xf32>,
        tpu.vector_store %arg14[%swap3A_404, %swap3A_405], %mul3A_403 {strides = array<i32>} : memref<128x128xf32, #tpu.memory_space<vmem>>, vector<16xf32>,
        %get3A_407 = arith.index_cast %add3A_398 : i32 to index
        %get3A_408 = arith.constant 16 : index
        %get3A_409 = tpu.vector_load %arg14[%get3A_407, %get3A_408] {strides = array<i32>} : memref<128x128xf32, #tpu.memory_space<vmem>>, vector<16xf32>,
        %mul3A_410 = vector.broadcast %squeeze3A_394 : f32 to vector<16xf32>
        %mul3A_411 = arith.mulf %get3A_409, %mul3A_410 : vector<16xf32>
        %swap3A_412 = arith.index_cast %add3A_398 : i32 to index
        %swap3A_413 = arith.constant 16 : index
        %swap3A_414 = tpu.vector_load %arg14[%swap3A_412, %swap3A_413] {strides = array<i32>} : memref<128x128xf32, #tpu.memory_space<vmem>>, vector<16xf32>,
        tpu.vector_store %arg14[%swap3A_412, %swap3A_413], %mul3A_411 {strides = array<i32>} : memref<128x128xf32, #tpu.memory_space<vmem>>, vector<16xf32>,
        %get3A_415 = arith.index_cast %add3A_398 : i32 to index
        %get3A_416 = arith.constant 32 : index
        %get3A_417 = tpu.vector_load %arg14[%get3A_415, %get3A_416] {strides = array<i32>} : memref<128x128xf32, #tpu.memory_space<vmem>>, vector<16xf32>,
        %mul3A_418 = vector.broadcast %squeeze3A_394 : f32 to vector<16xf32>
        %mul3A_419 = arith.mulf %get3A_417, %mul3A_418 : vector<16xf32>
        %swap3A_420 = arith.index_cast %add3A_398 : i32 to index
        %swap3A_421 = arith.constant 32 : index
        %swap3A_422 = tpu.vector_load %arg14[%swap3A_420, %swap3A_421] {strides = array<i32>} : memref<128x128xf32, #tpu.memory_space<vmem>>, vector<16xf32>,
        tpu.vector_store %arg14[%swap3A_420, %swap3A_421], %mul3A_419 {strides = array<i32>} : memref<128x128xf32, #tpu.memory_space<vmem>>, vector<16xf32>,
        %slice3A_423 = vector.extract_strided_slice %exp3A {offsets = [11], sizes = [1], strides = [1]} : vector<16xf32> to vector<1xf32>
        %squeeze3A_424 = vector.extract %slice3A_423[0] : f32 from vector<1xf32>
        %mul3A_425 = arith.constant 16 : i32
        %mul3A_426 = arith.muli %add3A_81, %mul3A_425 : i32
        %add3A_427 = arith.constant 11 : i32
        %add3A_428 = arith.addi %mul3A_426, %add3A_427 : i32
        %get3A_429 = arith.index_cast %add3A_428 : i32 to index
        %get3A_430 = arith.constant 0 : index
        %get3A_431 = tpu.vector_load %arg14[%get3A_429, %get3A_430] {strides = array<i32>} : memref<128x128xf32, #tpu.memory_space<vmem>>, vector<16xf32>,
        %mul3A_432 = vector.broadcast %squeeze3A_424 : f32 to vector<16xf32>
        %mul3A_433 = arith.mulf %get3A_431, %mul3A_432 : vector<16xf32>
        %swap3A_434 = arith.index_cast %add3A_428 : i32 to index
        %swap3A_435 = arith.constant 0 : index
        %swap3A_436 = tpu.vector_load %arg14[%swap3A_434, %swap3A_435] {strides = array<i32>} : memref<128x128xf32, #tpu.memory_space<vmem>>, vector<16xf32>,
        tpu.vector_store %arg14[%swap3A_434, %swap3A_435], %mul3A_433 {strides = array<i32>} : memref<128x128xf32, #tpu.memory_space<vmem>>, vector<16xf32>,
        %get3A_437 = arith.index_cast %add3A_428 : i32 to index
        %get3A_438 = arith.constant 16 : index
        %get3A_439 = tpu.vector_load %arg14[%get3A_437, %get3A_438] {strides = array<i32>} : memref<128x128xf32, #tpu.memory_space<vmem>>, vector<16xf32>,
        %mul3A_440 = vector.broadcast %squeeze3A_424 : f32 to vector<16xf32>
        %mul3A_441 = arith.mulf %get3A_439, %mul3A_440 : vector<16xf32>
        %swap3A_442 = arith.index_cast %add3A_428 : i32 to index
        %swap3A_443 = arith.constant 16 : index
        %swap3A_444 = tpu.vector_load %arg14[%swap3A_442, %swap3A_443] {strides = array<i32>} : memref<128x128xf32, #tpu.memory_space<vmem>>, vector<16xf32>,
        tpu.vector_store %arg14[%swap3A_442, %swap3A_443], %mul3A_441 {strides = array<i32>} : memref<128x128xf32, #tpu.memory_space<vmem>>, vector<16xf32>,
        %get3A_445 = arith.index_cast %add3A_428 : i32 to index
        %get3A_446 = arith.constant 32 : index
        %get3A_447 = tpu.vector_load %arg14[%get3A_445, %get3A_446] {strides = array<i32>} : memref<128x128xf32, #tpu.memory_space<vmem>>, vector<16xf32>,
        %mul3A_448 = vector.broadcast %squeeze3A_424 : f32 to vector<16xf32>
        %mul3A_449 = arith.mulf %get3A_447, %mul3A_448 : vector<16xf32>
        %swap3A_450 = arith.index_cast %add3A_428 : i32 to index
        %swap3A_451 = arith.constant 32 : index
        %swap3A_452 = tpu.vector_load %arg14[%swap3A_450, %swap3A_451] {strides = array<i32>} : memref<128x128xf32, #tpu.memory_space<vmem>>, vector<16xf32>,
        tpu.vector_store %arg14[%swap3A_450, %swap3A_451], %mul3A_449 {strides = array<i32>} : memref<128x128xf32, #tpu.memory_space<vmem>>, vector<16xf32>,
        %slice3A_453 = vector.extract_strided_slice %exp3A {offsets = [12], sizes = [1], strides = [1]} : vector<16xf32> to vector<1xf32>
        %squeeze3A_454 = vector.extract %slice3A_453[0] : f32 from vector<1xf32>
        %mul3A_455 = arith.constant 16 : i32
        %mul3A_456 = arith.muli %add3A_81, %mul3A_455 : i32
        %add3A_457 = arith.constant 12 : i32
        %add3A_458 = arith.addi %mul3A_456, %add3A_457 : i32
        %get3A_459 = arith.index_cast %add3A_458 : i32 to index
        %get3A_460 = arith.constant 0 : index
        %get3A_461 = tpu.vector_load %arg14[%get3A_459, %get3A_460] {strides = array<i32>} : memref<128x128xf32, #tpu.memory_space<vmem>>, vector<16xf32>,
        %mul3A_462 = vector.broadcast %squeeze3A_454 : f32 to vector<16xf32>
        %mul3A_463 = arith.mulf %get3A_461, %mul3A_462 : vector<16xf32>
        %swap3A_464 = arith.index_cast %add3A_458 : i32 to index
        %swap3A_465 = arith.constant 0 : index
        %swap3A_466 = tpu.vector_load %arg14[%swap3A_464, %swap3A_465] {strides = array<i32>} : memref<128x128xf32, #tpu.memory_space<vmem>>, vector<16xf32>,
        tpu.vector_store %arg14[%swap3A_464, %swap3A_465], %mul3A_463 {strides = array<i32>} : memref<128x128xf32, #tpu.memory_space<vmem>>, vector<16xf32>,
        %get3A_467 = arith.index_cast %add3A_458 : i32 to index
        %get3A_468 = arith.constant 16 : index
        %get3A_469 = tpu.vector_load %arg14[%get3A_467, %get3A_468] {strides = array<i32>} : memref<128x128xf32, #tpu.memory_space<vmem>>, vector<16xf32>,
        %mul3A_470 = vector.broadcast %squeeze3A_454 : f32 to vector<16xf32>
        %mul3A_471 = arith.mulf %get3A_469, %mul3A_470 : vector<16xf32>
        %swap3A_472 = arith.index_cast %add3A_458 : i32 to index
        %swap3A_473 = arith.constant 16 : index
        %swap3A_474 = tpu.vector_load %arg14[%swap3A_472, %swap3A_473] {strides = array<i32>} : memref<128x128xf32, #tpu.memory_space<vmem>>, vector<16xf32>,
        tpu.vector_store %arg14[%swap3A_472, %swap3A_473], %mul3A_471 {strides = array<i32>} : memref<128x128xf32, #tpu.memory_space<vmem>>, vector<16xf32>,
        %get3A_475 = arith.index_cast %add3A_458 : i32 to index
        %get3A_476 = arith.constant 32 : index
        %get3A_477 = tpu.vector_load %arg14[%get3A_475, %get3A_476] {strides = array<i32>} : memref<128x128xf32, #tpu.memory_space<vmem>>, vector<16xf32>,
        %mul3A_478 = vector.broadcast %squeeze3A_454 : f32 to vector<16xf32>
        %mul3A_479 = arith.mulf %get3A_477, %mul3A_478 : vector<16xf32>
        %swap3A_480 = arith.index_cast %add3A_458 : i32 to index
        %swap3A_481 = arith.constant 32 : index
        %swap3A_482 = tpu.vector_load %arg14[%swap3A_480, %swap3A_481] {strides = array<i32>} : memref<128x128xf32, #tpu.memory_space<vmem>>, vector<16xf32>,
        tpu.vector_store %arg14[%swap3A_480, %swap3A_481], %mul3A_479 {strides = array<i32>} : memref<128x128xf32, #tpu.memory_space<vmem>>, vector<16xf32>,
        %slice3A_483 = vector.extract_strided_slice %exp3A {offsets = [13], sizes = [1], strides = [1]} : vector<16xf32> to vector<1xf32>
        %squeeze3A_484 = vector.extract %slice3A_483[0] : f32 from vector<1xf32>
        %mul3A_485 = arith.constant 16 : i32
        %mul3A_486 = arith.muli %add3A_81, %mul3A_485 : i32
        %add3A_487 = arith.constant 13 : i32
        %add3A_488 = arith.addi %mul3A_486, %add3A_487 : i32
        %get3A_489 = arith.index_cast %add3A_488 : i32 to index
        %get3A_490 = arith.constant 0 : index
        %get3A_491 = tpu.vector_load %arg14[%get3A_489, %get3A_490] {strides = array<i32>} : memref<128x128xf32, #tpu.memory_space<vmem>>, vector<16xf32>,
        %mul3A_492 = vector.broadcast %squeeze3A_484 : f32 to vector<16xf32>
        %mul3A_493 = arith.mulf %get3A_491, %mul3A_492 : vector<16xf32>
        %swap3A_494 = arith.index_cast %add3A_488 : i32 to index
        %swap3A_495 = arith.constant 0 : index
        %swap3A_496 = tpu.vector_load %arg14[%swap3A_494, %swap3A_495] {strides = array<i32>} : memref<128x128xf32, #tpu.memory_space<vmem>>, vector<16xf32>,
        tpu.vector_store %arg14[%swap3A_494, %swap3A_495], %mul3A_493 {strides = array<i32>} : memref<128x128xf32, #tpu.memory_space<vmem>>, vector<16xf32>,
        %get3A_497 = arith.index_cast %add3A_488 : i32 to index
        %get3A_498 = arith.constant 16 : index
        %get3A_499 = tpu.vector_load %arg14[%get3A_497, %get3A_498] {strides = array<i32>} : memref<128x128xf32, #tpu.memory_space<vmem>>, vector<16xf32>,
        %mul3A_500 = vector.broadcast %squeeze3A_484 : f32 to vector<16xf32>
        %mul3A_501 = arith.mulf %get3A_499, %mul3A_500 : vector<16xf32>
        %swap3A_502 = arith.index_cast %add3A_488 : i32 to index
        %swap3A_503 = arith.constant 16 : index
        %swap3A_504 = tpu.vector_load %arg14[%swap3A_502, %swap3A_503] {strides = array<i32>} : memref<128x128xf32, #tpu.memory_space<vmem>>, vector<16xf32>,
        tpu.vector_store %arg14[%swap3A_502, %swap3A_503], %mul3A_501 {strides = array<i32>} : memref<128x128xf32, #tpu.memory_space<vmem>>, vector<16xf32>,
        %get3A_505 = arith.index_cast %add3A_488 : i32 to index
        %get3A_506 = arith.constant 32 : index
        %get3A_507 = tpu.vector_load %arg14[%get3A_505, %get3A_506] {strides = array<i32>} : memref<128x128xf32, #tpu.memory_space<vmem>>, vector<16xf32>,
        %mul3A_508 = vector.broadcast %squeeze3A_484 : f32 to vector<16xf32>
        %mul3A_509 = arith.mulf %get3A_507, %mul3A_508 : vector<16xf32>
        %swap3A_510 = arith.index_cast %add3A_488 : i32 to index
        %swap3A_511 = arith.constant 32 : index
        %swap3A_512 = tpu.vector_load %arg14[%swap3A_510, %swap3A_511] {strides = array<i32>} : memref<128x128xf32, #tpu.memory_space<vmem>>, vector<16xf32>,
        tpu.vector_store %arg14[%swap3A_510, %swap3A_511], %mul3A_509 {strides = array<i32>} : memref<128x128xf32, #tpu.memory_space<vmem>>, vector<16xf32>,
        %slice3A_513 = vector.extract_strided_slice %exp3A {offsets = [14], sizes = [1], strides = [1]} : vector<16xf32> to vector<1xf32>
        %squeeze3A_514 = vector.extract %slice3A_513[0] : f32 from vector<1xf32>
        %mul3A_515 = arith.constant 16 : i32
        %mul3A_516 = arith.muli %add3A_81, %mul3A_515 : i32
        %add3A_517 = arith.constant 14 : i32
        %add3A_518 = arith.addi %mul3A_516, %add3A_517 : i32
        %get3A_519 = arith.index_cast %add3A_518 : i32 to index
        %get3A_520 = arith.constant 0 : index
        %get3A_521 = tpu.vector_load %arg14[%get3A_519, %get3A_520] {strides = array<i32>} : memref<128x128xf32, #tpu.memory_space<vmem>>, vector<16xf32>,
        %mul3A_522 = vector.broadcast %squeeze3A_514 : f32 to vector<16xf32>
        %mul3A_523 = arith.mulf %get3A_521, %mul3A_522 : vector<16xf32>
        %swap3A_524 = arith.index_cast %add3A_518 : i32 to index
        %swap3A_525 = arith.constant 0 : index
        %swap3A_526 = tpu.vector_load %arg14[%swap3A_524, %swap3A_525] {strides = array<i32>} : memref<128x128xf32, #tpu.memory_space<vmem>>, vector<16xf32>,
        tpu.vector_store %arg14[%swap3A_524, %swap3A_525], %mul3A_523 {strides = array<i32>} : memref<128x128xf32, #tpu.memory_space<vmem>>, vector<16xf32>,
        %get3A_527 = arith.index_cast %add3A_518 : i32 to index
        %get3A_528 = arith.constant 16 : index
        %get3A_529 = tpu.vector_load %arg14[%get3A_527, %get3A_528] {strides = array<i32>} : memref<128x128xf32, #tpu.memory_space<vmem>>, vector<16xf32>,
        %mul3A_530 = vector.broadcast %squeeze3A_514 : f32 to vector<16xf32>
        %mul3A_531 = arith.mulf %get3A_529, %mul3A_530 : vector<16xf32>
        %swap3A_532 = arith.index_cast %add3A_518 : i32 to index
        %swap3A_533 = arith.constant 16 : index
        %swap3A_534 = tpu.vector_load %arg14[%swap3A_532, %swap3A_533] {strides = array<i32>} : memref<128x128xf32, #tpu.memory_space<vmem>>, vector<16xf32>,
        tpu.vector_store %arg14[%swap3A_532, %swap3A_533], %mul3A_531 {strides = array<i32>} : memref<128x128xf32, #tpu.memory_space<vmem>>, vector<16xf32>,
        %get3A_535 = arith.index_cast %add3A_518 : i32 to index
        %get3A_536 = arith.constant 32 : index
        %get3A_537 = tpu.vector_load %arg14[%get3A_535, %get3A_536] {strides = array<i32>} : memref<128x128xf32, #tpu.memory_space<vmem>>, vector<16xf32>,
        %mul3A_538 = vector.broadcast %squeeze3A_514 : f32 to vector<16xf32>
        %mul3A_539 = arith.mulf %get3A_537, %mul3A_538 : vector<16xf32>
        %swap3A_540 = arith.index_cast %add3A_518 : i32 to index
        %swap3A_541 = arith.constant 32 : index
        %swap3A_542 = tpu.vector_load %arg14[%swap3A_540, %swap3A_541] {strides = array<i32>} : memref<128x128xf32, #tpu.memory_space<vmem>>, vector<16xf32>,
        tpu.vector_store %arg14[%swap3A_540, %swap3A_541], %mul3A_539 {strides = array<i32>} : memref<128x128xf32, #tpu.memory_space<vmem>>, vector<16xf32>,
        %slice3A_543 = vector.extract_strided_slice %exp3A {offsets = [15], sizes = [1], strides = [1]} : vector<16xf32> to vector<1xf32>
        %squeeze3A_544 = vector.extract %slice3A_543[0] : f32 from vector<1xf32>
        %mul3A_545 = arith.constant 16 : i32
        %mul3A_546 = arith.muli %add3A_81, %mul3A_545 : i32
        %add3A_547 = arith.constant 15 : i32
        %add3A_548 = arith.addi %mul3A_546, %add3A_547 : i32
        %get3A_549 = arith.index_cast %add3A_548 : i32 to index
        %get3A_550 = arith.constant 0 : index
        %get3A_551 = tpu.vector_load %arg14[%get3A_549, %get3A_550] {strides = array<i32>} : memref<128x128xf32, #tpu.memory_space<vmem>>, vector<16xf32>,
        %mul3A_552 = vector.broadcast %squeeze3A_544 : f32 to vector<16xf32>
        %mul3A_553 = arith.mulf %get3A_551, %mul3A_552 : vector<16xf32>
        %swap3A_554 = arith.index_cast %add3A_548 : i32 to index
        %swap3A_555 = arith.constant 0 : index
        %swap3A_556 = tpu.vector_load %arg14[%swap3A_554, %swap3A_555] {strides = array<i32>} : memref<128x128xf32, #tpu.memory_space<vmem>>, vector<16xf32>,
        tpu.vector_store %arg14[%swap3A_554, %swap3A_555], %mul3A_553 {strides = array<i32>} : memref<128x128xf32, #tpu.memory_space<vmem>>, vector<16xf32>,
        %get3A_557 = arith.index_cast %add3A_548 : i32 to index
        %get3A_558 = arith.constant 16 : index
        %get3A_559 = tpu.vector_load %arg14[%get3A_557, %get3A_558] {strides = array<i32>} : memref<128x128xf32, #tpu.memory_space<vmem>>, vector<16xf32>,
        %mul3A_560 = vector.broadcast %squeeze3A_544 : f32 to vector<16xf32>
        %mul3A_561 = arith.mulf %get3A_559, %mul3A_560 : vector<16xf32>
        %swap3A_562 = arith.index_cast %add3A_548 : i32 to index
        %swap3A_563 = arith.constant 16 : index
        %swap3A_564 = tpu.vector_load %arg14[%swap3A_562, %swap3A_563] {strides = array<i32>} : memref<128x128xf32, #tpu.memory_space<vmem>>, vector<16xf32>,
        tpu.vector_store %arg14[%swap3A_562, %swap3A_563], %mul3A_561 {strides = array<i32>} : memref<128x128xf32, #tpu.memory_space<vmem>>, vector<16xf32>,
        %get3A_565 = arith.index_cast %add3A_548 : i32 to index
        %get3A_566 = arith.constant 32 : index
        %get3A_567 = tpu.vector_load %arg14[%get3A_565, %get3A_566] {strides = array<i32>} : memref<128x128xf32, #tpu.memory_space<vmem>>, vector<16xf32>,
        %mul3A_568 = vector.broadcast %squeeze3A_544 : f32 to vector<16xf32>
        %mul3A_569 = arith.mulf %get3A_567, %mul3A_568 : vector<16xf32>
        %swap3A_570 = arith.index_cast %add3A_548 : i32 to index
        %swap3A_571 = arith.constant 32 : index
        %swap3A_572 = tpu.vector_load %arg14[%swap3A_570, %swap3A_571] {strides = array<i32>} : memref<128x128xf32, #tpu.memory_space<vmem>>, vector<16xf32>,
        tpu.vector_store %arg14[%swap3A_570, %swap3A_571], %mul3A_569 {strides = array<i32>} : memref<128x128xf32, #tpu.memory_space<vmem>>, vector<16xf32>,
      }
      %scan3A_76 = arith.constant 8 : i32
      "tpu.region"() ({
        %run_scoped3A_77 = tpu.sem_alloc : memref<!tpu.dma_semaphore, #tpu.memory_space<semaphore_mem>>
        %dma_start3A_78 = arith.constant 0 : i32
        %dma_start3A_79 = arith.constant 0 : i32
        %dma_start3A_80 = tpu.memref_slice %arg8[%dma_start3A_78, %dma_start3A_79] : memref<10240x128xf32, #tpu.memory_space<vmem_shared>> -> memref<10240x128xf32, #tpu.memory_space<vmem_shared>>
        tpu.enqueue_indirect_dma source(%arg14 : memref<128x128xf32, #tpu.memory_space<vmem>>) target(%dma_start3A_80 : memref<10240x128xf32, #tpu.memory_space<vmem_shared>>) offsets(%arg12 : memref<128xi32, #tpu.memory_space<vmem>>) semaphore(%run_scoped3A_77 : memref<!tpu.dma_semaphore, #tpu.memory_space<semaphore_mem>>) {add = true}
        %dma_wait3A_81 = arith.constant 0 : i32
        %dma_wait3A_82 = arith.constant 0 : i32
        %dma_wait3A_83 = tpu.memref_slice %arg8[%dma_wait3A_81, %dma_wait3A_82] : memref<10240x128xf32, #tpu.memory_space<vmem_shared>> -> memref<10240x128xf32, #tpu.memory_space<vmem_shared>>
        tpu.wait_indirect_dma semaphore(%run_scoped3A_77 : memref<!tpu.dma_semaphore, #tpu.memory_space<semaphore_mem>>) src(%arg14 : memref<128x128xf32, #tpu.memory_space<vmem>>) dst(%dma_wait3A_83 : memref<10240x128xf32, #tpu.memory_space<vmem_shared>>)
        tpu.yield
      }) : () -> ()
    }
    %scan3A_36 = arith.constant 160 : i32
    %barrier3A_37 = arith.constant 0 : index
    tpu.barrier barrier_id(%barrier3A_37)
    %mul3A_38 = arith.constant 640 : i32
    %mul3A_39 = arith.muli %arg1, %mul3A_38 : i32
    %add3A_40 = arith.constant 0 : i32
    %add3A_41 = arith.addi %mul3A_39, %add3A_40 : i32
    "tpu.region"() ({
      %run_scoped3A_58 = tpu.sem_alloc : memref<!tpu.dma_semaphore, #tpu.memory_space<semaphore_mem>>
      %dma_start3A = arith.constant 0 : i32
      %dma_start3A_59 = tpu.memref_slice %arg8[%add3A_41, %dma_start3A] : memref<10240x128xf32, #tpu.memory_space<vmem_shared>> -> memref<128x128xf32, #tpu.memory_space<vmem_shared>>
      %dma_start3A_60 = arith.constant 0 : i32
      %dma_start3A_61 = tpu.memref_slice %arg8[%add3A_41, %dma_start3A_60] : memref<10240x128xf32, #tpu.memory_space<vmem_shared>> -> memref<128x128xf32, #tpu.memory_space<vmem_shared>>
      tpu.enqueue_dma source(%dma_start3A_61 : memref<128x128xf32, #tpu.memory_space<vmem_shared>>) target(%arg14 : memref<128x128xf32, #tpu.memory_space<vmem>>) target_semaphore(%run_scoped3A_58 : memref<!tpu.dma_semaphore, #tpu.memory_space<semaphore_mem>>)
      %dma_wait3A = arith.constant 0 : i32
      %dma_wait3A_62 = tpu.memref_slice %arg8[%add3A_41, %dma_wait3A] : memref<10240x128xf32, #tpu.memory_space<vmem_shared>> -> memref<128x128xf32, #tpu.memory_space<vmem_shared>>
      %dma_wait3A_63 = arith.constant 0 : i32
      %dma_wait3A_64 = tpu.memref_slice %arg8[%add3A_41, %dma_wait3A_63] : memref<10240x128xf32, #tpu.memory_space<vmem_shared>> -> memref<128x128xf32, #tpu.memory_space<vmem_shared>>
      tpu.wait_dma2 semaphore(%run_scoped3A_58 : memref<!tpu.dma_semaphore, #tpu.memory_space<semaphore_mem>>) src(%dma_wait3A_64 : memref<128x128xf32, #tpu.memory_space<vmem_shared>>) dst(%arg14 : memref<128x128xf32, #tpu.memory_space<vmem>>)
      tpu.yield
    }) : () -> ()
    "tpu.region"() ({
      %run_scoped3A_58 = tpu.sem_alloc : memref<!tpu.dma_semaphore, #tpu.memory_space<semaphore_mem>>
      %dma_start3A = arith.constant 0 : i32
      %dma_start3A_59 = tpu.memref_slice %arg7[%arg0, %add3A_41, %dma_start3A] : memref<2x10240x128xf32, #tpu.memory_space<hbm>> -> memref<1x128x128xf32, #tpu.memory_space<hbm>>
      %dma_start3A_60 = tpu.memref_squeeze %dma_start3A_59 : memref<1x128x128xf32, #tpu.memory_space<hbm>> -> memref<128x128xf32, #tpu.memory_space<hbm>>
      %dma_start3A_61 = arith.constant 0 : i32
      %dma_start3A_62 = tpu.memref_slice %arg7[%arg0, %add3A_41, %dma_start3A_61] : memref<2x10240x128xf32, #tpu.memory_space<hbm>> -> memref<1x128x128xf32, #tpu.memory_space<hbm>>
      %dma_start3A_63 = tpu.memref_squeeze %dma_start3A_62 : memref<1x128x128xf32, #tpu.memory_space<hbm>> -> memref<128x128xf32, #tpu.memory_space<hbm>>
      tpu.enqueue_dma source(%arg14 : memref<128x128xf32, #tpu.memory_space<vmem>>) target(%dma_start3A_63 : memref<128x128xf32, #tpu.memory_space<hbm>>) target_semaphore(%run_scoped3A_58 : memref<!tpu.dma_semaphore, #tpu.memory_space<semaphore_mem>>)
      %dma_wait3A = arith.constant 0 : i32
      %dma_wait3A_64 = tpu.memref_slice %arg7[%arg0, %add3A_41, %dma_wait3A] : memref<2x10240x128xf32, #tpu.memory_space<hbm>> -> memref<1x128x128xf32, #tpu.memory_space<hbm>>
      %dma_wait3A_65 = tpu.memref_squeeze %dma_wait3A_64 : memref<1x128x128xf32, #tpu.memory_space<hbm>> -> memref<128x128xf32, #tpu.memory_space<hbm>>
      %dma_wait3A_66 = arith.constant 0 : i32
      %dma_wait3A_67 = tpu.memref_slice %arg7[%arg0, %add3A_41, %dma_wait3A_66] : memref<2x10240x128xf32, #tpu.memory_space<hbm>> -> memref<1x128x128xf32, #tpu.memory_space<hbm>>
      %dma_wait3A_68 = tpu.memref_squeeze %dma_wait3A_67 : memref<1x128x128xf32, #tpu.memory_space<hbm>> -> memref<128x128xf32, #tpu.memory_space<hbm>>
      tpu.wait_dma2 semaphore(%run_scoped3A_58 : memref<!tpu.dma_semaphore, #tpu.memory_space<semaphore_mem>>) src(%arg14 : memref<128x128xf32, #tpu.memory_space<vmem>>) dst(%dma_wait3A_68 : memref<128x128xf32, #tpu.memory_space<hbm>>)
      tpu.yield
    }) : () -> ()
    %mul3A_42 = arith.constant 640 : i32
    %mul3A_43 = arith.muli %arg1, %mul3A_42 : i32
    %add3A_44 = arith.constant 128 : i32
    %add3A_45 = arith.addi %mul3A_43, %add3A_44 : i32
    "tpu.region"() ({
      %run_scoped3A_58 = tpu.sem_alloc : memref<!tpu.dma_semaphore, #tpu.memory_space<semaphore_mem>>
      %dma_start3A = arith.constant 0 : i32
      %dma_start3A_59 = tpu.memref_slice %arg8[%add3A_45, %dma_start3A] : memref<10240x128xf32, #tpu.memory_space<vmem_shared>> -> memref<128x128xf32, #tpu.memory_space<vmem_shared>>
      %dma_start3A_60 = arith.constant 0 : i32
      %dma_start3A_61 = tpu.memref_slice %arg8[%add3A_45, %dma_start3A_60] : memref<10240x128xf32, #tpu.memory_space<vmem_shared>> -> memref<128x128xf32, #tpu.memory_space<vmem_shared>>
      tpu.enqueue_dma source(%dma_start3A_61 : memref<128x128xf32, #tpu.memory_space<vmem_shared>>) target(%arg14 : memref<128x128xf32, #tpu.memory_space<vmem>>) target_semaphore(%run_scoped3A_58 : memref<!tpu.dma_semaphore, #tpu.memory_space<semaphore_mem>>)
      %dma_wait3A = arith.constant 0 : i32
      %dma_wait3A_62 = tpu.memref_slice %arg8[%add3A_45, %dma_wait3A] : memref<10240x128xf32, #tpu.memory_space<vmem_shared>> -> memref<128x128xf32, #tpu.memory_space<vmem_shared>>
      %dma_wait3A_63 = arith.constant 0 : i32
      %dma_wait3A_64 = tpu.memref_slice %arg8[%add3A_45, %dma_wait3A_63] : memref<10240x128xf32, #tpu.memory_space<vmem_shared>> -> memref<128x128xf32, #tpu.memory_space<vmem_shared>>
      tpu.wait_dma2 semaphore(%run_scoped3A_58 : memref<!tpu.dma_semaphore, #tpu.memory_space<semaphore_mem>>) src(%dma_wait3A_64 : memref<128x128xf32, #tpu.memory_space<vmem_shared>>) dst(%arg14 : memref<128x128xf32, #tpu.memory_space<vmem>>)
      tpu.yield
    }) : () -> ()
    "tpu.region"() ({
      %run_scoped3A_58 = tpu.sem_alloc : memref<!tpu.dma_semaphore, #tpu.memory_space<semaphore_mem>>
      %dma_start3A = arith.constant 0 : i32
      %dma_start3A_59 = tpu.memref_slice %arg7[%arg0, %add3A_45, %dma_start3A] : memref<2x10240x128xf32, #tpu.memory_space<hbm>> -> memref<1x128x128xf32, #tpu.memory_space<hbm>>
      %dma_start3A_60 = tpu.memref_squeeze %dma_start3A_59 : memref<1x128x128xf32, #tpu.memory_space<hbm>> -> memref<128x128xf32, #tpu.memory_space<hbm>>
      %dma_start3A_61 = arith.constant 0 : i32
      %dma_start3A_62 = tpu.memref_slice %arg7[%arg0, %add3A_45, %dma_start3A_61] : memref<2x10240x128xf32, #tpu.memory_space<hbm>> -> memref<1x128x128xf32, #tpu.memory_space<hbm>>
      %dma_start3A_63 = tpu.memref_squeeze %dma_start3A_62 : memref<1x128x128xf32, #tpu.memory_space<hbm>> -> memref<128x128xf32, #tpu.memory_space<hbm>>
      tpu.enqueue_dma source(%arg14 : memref<128x128xf32, #tpu.memory_space<vmem>>) target(%dma_start3A_63 : memref<128x128xf32, #tpu.memory_space<hbm>>) target_semaphore(%run_scoped3A_58 : memref<!tpu.dma_semaphore, #tpu.memory_space<semaphore_mem>>)
      %dma_wait3A = arith.constant 0 : i32
      %dma_wait3A_64 = tpu.memref_slice %arg7[%arg0, %add3A_45, %dma_wait3A] : memref<2x10240x128xf32, #tpu.memory_space<hbm>> -> memref<1x128x128xf32, #tpu.memory_space<hbm>>
      %dma_wait3A_65 = tpu.memref_squeeze %dma_wait3A_64 : memref<1x128x128xf32, #tpu.memory_space<hbm>> -> memref<128x128xf32, #tpu.memory_space<hbm>>
      %dma_wait3A_66 = arith.constant 0 : i32
      %dma_wait3A_67 = tpu.memref_slice %arg7[%arg0, %add3A_45, %dma_wait3A_66] : memref<2x10240x128xf32, #tpu.memory_space<hbm>> -> memref<1x128x128xf32, #tpu.memory_space<hbm>>
      %dma_wait3A_68 = tpu.memref_squeeze %dma_wait3A_67 : memref<1x128x128xf32, #tpu.memory_space<hbm>> -> memref<128x128xf32, #tpu.memory_space<hbm>>
      tpu.wait_dma2 semaphore(%run_scoped3A_58 : memref<!tpu.dma_semaphore, #tpu.memory_space<semaphore_mem>>) src(%arg14 : memref<128x128xf32, #tpu.memory_space<vmem>>) dst(%dma_wait3A_68 : memref<128x128xf32, #tpu.memory_space<hbm>>)
      tpu.yield
    }) : () -> ()
    %mul3A_46 = arith.constant 640 : i32
    %mul3A_47 = arith.muli %arg1, %mul3A_46 : i32
    %add3A_48 = arith.constant 256 : i32
    %add3A_49 = arith.addi %mul3A_47, %add3A_48 : i32
    "tpu.region"() ({
      %run_scoped3A_58 = tpu.sem_alloc : memref<!tpu.dma_semaphore, #tpu.memory_space<semaphore_mem>>
      %dma_start3A = arith.constant 0 : i32
      %dma_start3A_59 = tpu.memref_slice %arg8[%add3A_49, %dma_start3A] : memref<10240x128xf32, #tpu.memory_space<vmem_shared>> -> memref<128x128xf32, #tpu.memory_space<vmem_shared>>
      %dma_start3A_60 = arith.constant 0 : i32
      %dma_start3A_61 = tpu.memref_slice %arg8[%add3A_49, %dma_start3A_60] : memref<10240x128xf32, #tpu.memory_space<vmem_shared>> -> memref<128x128xf32, #tpu.memory_space<vmem_shared>>
      tpu.enqueue_dma source(%dma_start3A_61 : memref<128x128xf32, #tpu.memory_space<vmem_shared>>) target(%arg14 : memref<128x128xf32, #tpu.memory_space<vmem>>) target_semaphore(%run_scoped3A_58 : memref<!tpu.dma_semaphore, #tpu.memory_space<semaphore_mem>>)
      %dma_wait3A = arith.constant 0 : i32
      %dma_wait3A_62 = tpu.memref_slice %arg8[%add3A_49, %dma_wait3A] : memref<10240x128xf32, #tpu.memory_space<vmem_shared>> -> memref<128x128xf32, #tpu.memory_space<vmem_shared>>
      %dma_wait3A_63 = arith.constant 0 : i32
      %dma_wait3A_64 = tpu.memref_slice %arg8[%add3A_49, %dma_wait3A_63] : memref<10240x128xf32, #tpu.memory_space<vmem_shared>> -> memref<128x128xf32, #tpu.memory_space<vmem_shared>>
      tpu.wait_dma2 semaphore(%run_scoped3A_58 : memref<!tpu.dma_semaphore, #tpu.memory_space<semaphore_mem>>) src(%dma_wait3A_64 : memref<128x128xf32, #tpu.memory_space<vmem_shared>>) dst(%arg14 : memref<128x128xf32, #tpu.memory_space<vmem>>)
      tpu.yield
    }) : () -> ()
    "tpu.region"() ({
      %run_scoped3A_58 = tpu.sem_alloc : memref<!tpu.dma_semaphore, #tpu.memory_space<semaphore_mem>>
      %dma_start3A = arith.constant 0 : i32
      %dma_start3A_59 = tpu.memref_slice %arg7[%arg0, %add3A_49, %dma_start3A] : memref<2x10240x128xf32, #tpu.memory_space<hbm>> -> memref<1x128x128xf32, #tpu.memory_space<hbm>>
      %dma_start3A_60 = tpu.memref_squeeze %dma_start3A_59 : memref<1x128x128xf32, #tpu.memory_space<hbm>> -> memref<128x128xf32, #tpu.memory_space<hbm>>
      %dma_start3A_61 = arith.constant 0 : i32
      %dma_start3A_62 = tpu.memref_slice %arg7[%arg0, %add3A_49, %dma_start3A_61] : memref<2x10240x128xf32, #tpu.memory_space<hbm>> -> memref<1x128x128xf32, #tpu.memory_space<hbm>>
      %dma_start3A_63 = tpu.memref_squeeze %dma_start3A_62 : memref<1x128x128xf32, #tpu.memory_space<hbm>> -> memref<128x128xf32, #tpu.memory_space<hbm>>
      tpu.enqueue_dma source(%arg14 : memref<128x128xf32, #tpu.memory_space<vmem>>) target(%dma_start3A_63 : memref<128x128xf32, #tpu.memory_space<hbm>>) target_semaphore(%run_scoped3A_58 : memref<!tpu.dma_semaphore, #tpu.memory_space<semaphore_mem>>)
      %dma_wait3A = arith.constant 0 : i32
      %dma_wait3A_64 = tpu.memref_slice %arg7[%arg0, %add3A_49, %dma_wait3A] : memref<2x10240x128xf32, #tpu.memory_space<hbm>> -> memref<1x128x128xf32, #tpu.memory_space<hbm>>
      %dma_wait3A_65 = tpu.memref_squeeze %dma_wait3A_64 : memref<1x128x128xf32, #tpu.memory_space<hbm>> -> memref<128x128xf32, #tpu.memory_space<hbm>>
      %dma_wait3A_66 = arith.constant 0 : i32
      %dma_wait3A_67 = tpu.memref_slice %arg7[%arg0, %add3A_49, %dma_wait3A_66] : memref<2x10240x128xf32, #tpu.memory_space<hbm>> -> memref<1x128x128xf32, #tpu.memory_space<hbm>>
      %dma_wait3A_68 = tpu.memref_squeeze %dma_wait3A_67 : memref<1x128x128xf32, #tpu.memory_space<hbm>> -> memref<128x128xf32, #tpu.memory_space<hbm>>
      tpu.wait_dma2 semaphore(%run_scoped3A_58 : memref<!tpu.dma_semaphore, #tpu.memory_space<semaphore_mem>>) src(%arg14 : memref<128x128xf32, #tpu.memory_space<vmem>>) dst(%dma_wait3A_68 : memref<128x128xf32, #tpu.memory_space<hbm>>)
      tpu.yield
    }) : () -> ()
    %mul3A_50 = arith.constant 640 : i32
    %mul3A_51 = arith.muli %arg1, %mul3A_50 : i32
    %add3A_52 = arith.constant 384 : i32
    %add3A_53 = arith.addi %mul3A_51, %add3A_52 : i32
    "tpu.region"() ({
      %run_scoped3A_58 = tpu.sem_alloc : memref<!tpu.dma_semaphore, #tpu.memory_space<semaphore_mem>>
      %dma_start3A = arith.constant 0 : i32
      %dma_start3A_59 = tpu.memref_slice %arg8[%add3A_53, %dma_start3A] : memref<10240x128xf32, #tpu.memory_space<vmem_shared>> -> memref<128x128xf32, #tpu.memory_space<vmem_shared>>
      %dma_start3A_60 = arith.constant 0 : i32
      %dma_start3A_61 = tpu.memref_slice %arg8[%add3A_53, %dma_start3A_60] : memref<10240x128xf32, #tpu.memory_space<vmem_shared>> -> memref<128x128xf32, #tpu.memory_space<vmem_shared>>
      tpu.enqueue_dma source(%dma_start3A_61 : memref<128x128xf32, #tpu.memory_space<vmem_shared>>) target(%arg14 : memref<128x128xf32, #tpu.memory_space<vmem>>) target_semaphore(%run_scoped3A_58 : memref<!tpu.dma_semaphore, #tpu.memory_space<semaphore_mem>>)
      %dma_wait3A = arith.constant 0 : i32
      %dma_wait3A_62 = tpu.memref_slice %arg8[%add3A_53, %dma_wait3A] : memref<10240x128xf32, #tpu.memory_space<vmem_shared>> -> memref<128x128xf32, #tpu.memory_space<vmem_shared>>
      %dma_wait3A_63 = arith.constant 0 : i32
      %dma_wait3A_64 = tpu.memref_slice %arg8[%add3A_53, %dma_wait3A_63] : memref<10240x128xf32, #tpu.memory_space<vmem_shared>> -> memref<128x128xf32, #tpu.memory_space<vmem_shared>>
      tpu.wait_dma2 semaphore(%run_scoped3A_58 : memref<!tpu.dma_semaphore, #tpu.memory_space<semaphore_mem>>) src(%dma_wait3A_64 : memref<128x128xf32, #tpu.memory_space<vmem_shared>>) dst(%arg14 : memref<128x128xf32, #tpu.memory_space<vmem>>)
      tpu.yield
    }) : () -> ()
    "tpu.region"() ({
      %run_scoped3A_58 = tpu.sem_alloc : memref<!tpu.dma_semaphore, #tpu.memory_space<semaphore_mem>>
      %dma_start3A = arith.constant 0 : i32
      %dma_start3A_59 = tpu.memref_slice %arg7[%arg0, %add3A_53, %dma_start3A] : memref<2x10240x128xf32, #tpu.memory_space<hbm>> -> memref<1x128x128xf32, #tpu.memory_space<hbm>>
      %dma_start3A_60 = tpu.memref_squeeze %dma_start3A_59 : memref<1x128x128xf32, #tpu.memory_space<hbm>> -> memref<128x128xf32, #tpu.memory_space<hbm>>
      %dma_start3A_61 = arith.constant 0 : i32
      %dma_start3A_62 = tpu.memref_slice %arg7[%arg0, %add3A_53, %dma_start3A_61] : memref<2x10240x128xf32, #tpu.memory_space<hbm>> -> memref<1x128x128xf32, #tpu.memory_space<hbm>>
      %dma_start3A_63 = tpu.memref_squeeze %dma_start3A_62 : memref<1x128x128xf32, #tpu.memory_space<hbm>> -> memref<128x128xf32, #tpu.memory_space<hbm>>
      tpu.enqueue_dma source(%arg14 : memref<128x128xf32, #tpu.memory_space<vmem>>) target(%dma_start3A_63 : memref<128x128xf32, #tpu.memory_space<hbm>>) target_semaphore(%run_scoped3A_58 : memref<!tpu.dma_semaphore, #tpu.memory_space<semaphore_mem>>)
      %dma_wait3A = arith.constant 0 : i32
      %dma_wait3A_64 = tpu.memref_slice %arg7[%arg0, %add3A_53, %dma_wait3A] : memref<2x10240x128xf32, #tpu.memory_space<hbm>> -> memref<1x128x128xf32, #tpu.memory_space<hbm>>
      %dma_wait3A_65 = tpu.memref_squeeze %dma_wait3A_64 : memref<1x128x128xf32, #tpu.memory_space<hbm>> -> memref<128x128xf32, #tpu.memory_space<hbm>>
      %dma_wait3A_66 = arith.constant 0 : i32
      %dma_wait3A_67 = tpu.memref_slice %arg7[%arg0, %add3A_53, %dma_wait3A_66] : memref<2x10240x128xf32, #tpu.memory_space<hbm>> -> memref<1x128x128xf32, #tpu.memory_space<hbm>>
      %dma_wait3A_68 = tpu.memref_squeeze %dma_wait3A_67 : memref<1x128x128xf32, #tpu.memory_space<hbm>> -> memref<128x128xf32, #tpu.memory_space<hbm>>
      tpu.wait_dma2 semaphore(%run_scoped3A_58 : memref<!tpu.dma_semaphore, #tpu.memory_space<semaphore_mem>>) src(%arg14 : memref<128x128xf32, #tpu.memory_space<vmem>>) dst(%dma_wait3A_68 : memref<128x128xf32, #tpu.memory_space<hbm>>)
      tpu.yield
    }) : () -> ()
    %mul3A_54 = arith.constant 640 : i32
    %mul3A_55 = arith.muli %arg1, %mul3A_54 : i32
    %add3A_56 = arith.constant 512 : i32
    %add3A_57 = arith.addi %mul3A_55, %add3A_56 : i32
    "tpu.region"() ({
      %run_scoped3A_58 = tpu.sem_alloc : memref<!tpu.dma_semaphore, #tpu.memory_space<semaphore_mem>>
      %dma_start3A = arith.constant 0 : i32
      %dma_start3A_59 = tpu.memref_slice %arg8[%add3A_57, %dma_start3A] : memref<10240x128xf32, #tpu.memory_space<vmem_shared>> -> memref<128x128xf32, #tpu.memory_space<vmem_shared>>
      %dma_start3A_60 = arith.constant 0 : i32
      %dma_start3A_61 = tpu.memref_slice %arg8[%add3A_57, %dma_start3A_60] : memref<10240x128xf32, #tpu.memory_space<vmem_shared>> -> memref<128x128xf32, #tpu.memory_space<vmem_shared>>
      tpu.enqueue_dma source(%dma_start3A_61 : memref<128x128xf32, #tpu.memory_space<vmem_shared>>) target(%arg14 : memref<128x128xf32, #tpu.memory_space<vmem>>) target_semaphore(%run_scoped3A_58 : memref<!tpu.dma_semaphore, #tpu.memory_space<semaphore_mem>>)
      %dma_wait3A = arith.constant 0 : i32
      %dma_wait3A_62 = tpu.memref_slice %arg8[%add3A_57, %dma_wait3A] : memref<10240x128xf32, #tpu.memory_space<vmem_shared>> -> memref<128x128xf32, #tpu.memory_space<vmem_shared>>
      %dma_wait3A_63 = arith.constant 0 : i32
      %dma_wait3A_64 = tpu.memref_slice %arg8[%add3A_57, %dma_wait3A_63] : memref<10240x128xf32, #tpu.memory_space<vmem_shared>> -> memref<128x128xf32, #tpu.memory_space<vmem_shared>>
      tpu.wait_dma2 semaphore(%run_scoped3A_58 : memref<!tpu.dma_semaphore, #tpu.memory_space<semaphore_mem>>) src(%dma_wait3A_64 : memref<128x128xf32, #tpu.memory_space<vmem_shared>>) dst(%arg14 : memref<128x128xf32, #tpu.memory_space<vmem>>)
      tpu.yield
    }) : () -> ()
    "tpu.region"() ({
      %run_scoped3A_58 = tpu.sem_alloc : memref<!tpu.dma_semaphore, #tpu.memory_space<semaphore_mem>>
      %dma_start3A = arith.constant 0 : i32
      %dma_start3A_59 = tpu.memref_slice %arg7[%arg0, %add3A_57, %dma_start3A] : memref<2x10240x128xf32, #tpu.memory_space<hbm>> -> memref<1x128x128xf32, #tpu.memory_space<hbm>>
      %dma_start3A_60 = tpu.memref_squeeze %dma_start3A_59 : memref<1x128x128xf32, #tpu.memory_space<hbm>> -> memref<128x128xf32, #tpu.memory_space<hbm>>
      %dma_start3A_61 = arith.constant 0 : i32
      %dma_start3A_62 = tpu.memref_slice %arg7[%arg0, %add3A_57, %dma_start3A_61] : memref<2x10240x128xf32, #tpu.memory_space<hbm>> -> memref<1x128x128xf32, #tpu.memory_space<hbm>>
      %dma_start3A_63 = tpu.memref_squeeze %dma_start3A_62 : memref<1x128x128xf32, #tpu.memory_space<hbm>> -> memref<128x128xf32, #tpu.memory_space<hbm>>
      tpu.enqueue_dma source(%arg14 : memref<128x128xf32, #tpu.memory_space<vmem>>) target(%dma_start3A_63 : memref<128x128xf32, #tpu.memory_space<hbm>>) target_semaphore(%run_scoped3A_58 : memref<!tpu.dma_semaphore, #tpu.memory_space<semaphore_mem>>)
      %dma_wait3A = arith.constant 0 : i32
      %dma_wait3A_64 = tpu.memref_slice %arg7[%arg0, %add3A_57, %dma_wait3A] : memref<2x10240x128xf32, #tpu.memory_space<hbm>> -> memref<1x128x128xf32, #tpu.memory_space<hbm>>
      %dma_wait3A_65 = tpu.memref_squeeze %dma_wait3A_64 : memref<1x128x128xf32, #tpu.memory_space<hbm>> -> memref<128x128xf32, #tpu.memory_space<hbm>>
      %dma_wait3A_66 = arith.constant 0 : i32
      %dma_wait3A_67 = tpu.memref_slice %arg7[%arg0, %add3A_57, %dma_wait3A_66] : memref<2x10240x128xf32, #tpu.memory_space<hbm>> -> memref<1x128x128xf32, #tpu.memory_space<hbm>>
      %dma_wait3A_68 = tpu.memref_squeeze %dma_wait3A_67 : memref<1x128x128xf32, #tpu.memory_space<hbm>> -> memref<128x128xf32, #tpu.memory_space<hbm>>
      tpu.wait_dma2 semaphore(%run_scoped3A_58 : memref<!tpu.dma_semaphore, #tpu.memory_space<semaphore_mem>>) src(%arg14 : memref<128x128xf32, #tpu.memory_space<vmem>>) dst(%dma_wait3A_68 : memref<128x128xf32, #tpu.memory_space<hbm>>)
      tpu.yield
    }) : () -> ()
    return
  }
}

#map = affine_map<(d0, d1) -> (0)>
#map1 = affine_map<(d0, d1) -> (0, 0)>
module attributes {stable_mosaic.version = 14 : i64} {
  func.func @_decoder_kernel(%arg0: i32, %arg1: i32, %arg2: memref<655360xi32, #tpu.memory_space<hbm>>, %arg3: memref<655360xi32, #tpu.memory_space<hbm>>, %arg4: memref<10240x128xf32, #tpu.memory_space<hbm>>, %arg5: memref<655360xf32, #tpu.memory_space<hbm>>, %arg6: memref<128xi32, #tpu.memory_space<vmem>>, %arg7: memref<128xi32, #tpu.memory_space<vmem>>, %arg8: memref<128x128xf32, #tpu.memory_space<vmem>>, %arg9: memref<128x128xf32, #tpu.memory_space<vmem>>, %arg10: memref<128xf32, #tpu.memory_space<vmem>>, %arg11: memref<!tpu.dma_semaphore, #tpu.memory_space<semaphore_mem>>) attributes {dimension_semantics = [#tpu.dimension_semantics<core_parallel>, #tpu.dimension_semantics<subcore_parallel>], iteration_bounds = array<i64: 2, 16>, scalar_prefetch = 0 : i64, scratch_operands = 6 : i64, tpu.core_type = #tpu.core_type<sc_vector_subcore>, window_params = [{transform_indices = #map}, {transform_indices = #map}, {transform_indices = #map1}, {transform_indices = #map}]} {
    %mul3A = arith.constant 2 : i32
    %mul3A_0 = arith.muli %arg1, %mul3A : i32
    %add3A = arith.addi %mul3A_0, %arg0 : i32
    %iota3A = tpu.iota {dimensions = array<i32: 0>} : vector<16xi32>
    %scan3A = arith.constant 0 : i32
    %scan3A_1 = arith.constant 160 : i32
    %scan3A_2 = arith.addi %scan3A, %scan3A_1 : i32
    %scan3A_3 = arith.constant 1 : i32
    scf.for %scan3A_5 = %scan3A to %scan3A_2 step %scan3A_3  : i32 {
      %mul3A_6 = arith.constant 1 : i32
      %mul3A_7 = arith.muli %scan3A_5, %mul3A_6 : i32
      %add3A_8 = arith.constant 0 : i32
      %add3A_9 = arith.addi %add3A_8, %mul3A_7 : i32
      %mul3A_10 = arith.constant 20480 : i32
      %mul3A_11 = arith.muli %add3A, %mul3A_10 : i32
      %mul3A_12 = arith.constant 128 : i32
      %mul3A_13 = arith.muli %add3A_9, %mul3A_12 : i32
      %add3A_14 = arith.addi %mul3A_11, %mul3A_13 : i32
      "tpu.region"() ({
        %run_scoped3A = tpu.sem_alloc : memref<!tpu.dma_semaphore, #tpu.memory_space<semaphore_mem>>
        %dma_start3A_30 = tpu.memref_slice %arg2[%add3A_14] : memref<655360xi32, #tpu.memory_space<hbm>> -> memref<128xi32, #tpu.memory_space<hbm>>
        %dma_start3A_31 = tpu.memref_slice %arg2[%add3A_14] : memref<655360xi32, #tpu.memory_space<hbm>> -> memref<128xi32, #tpu.memory_space<hbm>>
        tpu.enqueue_dma source(%dma_start3A_31 : memref<128xi32, #tpu.memory_space<hbm>>) target(%arg6 : memref<128xi32, #tpu.memory_space<vmem>>) target_semaphore(%run_scoped3A : memref<!tpu.dma_semaphore, #tpu.memory_space<semaphore_mem>>)
        %dma_wait3A_32 = tpu.memref_slice %arg2[%add3A_14] : memref<655360xi32, #tpu.memory_space<hbm>> -> memref<128xi32, #tpu.memory_space<hbm>>
        %dma_wait3A_33 = tpu.memref_slice %arg2[%add3A_14] : memref<655360xi32, #tpu.memory_space<hbm>> -> memref<128xi32, #tpu.memory_space<hbm>>
        tpu.wait_dma2 semaphore(%run_scoped3A : memref<!tpu.dma_semaphore, #tpu.memory_space<semaphore_mem>>) src(%dma_wait3A_33 : memref<128xi32, #tpu.memory_space<hbm>>) dst(%arg6 : memref<128xi32, #tpu.memory_space<vmem>>)
        tpu.yield
      }) : () -> ()
      "tpu.region"() ({
        %run_scoped3A = tpu.sem_alloc : memref<!tpu.dma_semaphore, #tpu.memory_space<semaphore_mem>>
        %dma_start3A_30 = tpu.memref_slice %arg3[%add3A_14] : memref<655360xi32, #tpu.memory_space<hbm>> -> memref<128xi32, #tpu.memory_space<hbm>>
        %dma_start3A_31 = tpu.memref_slice %arg3[%add3A_14] : memref<655360xi32, #tpu.memory_space<hbm>> -> memref<128xi32, #tpu.memory_space<hbm>>
        tpu.enqueue_dma source(%dma_start3A_31 : memref<128xi32, #tpu.memory_space<hbm>>) target(%arg7 : memref<128xi32, #tpu.memory_space<vmem>>) target_semaphore(%run_scoped3A : memref<!tpu.dma_semaphore, #tpu.memory_space<semaphore_mem>>)
        %dma_wait3A_32 = tpu.memref_slice %arg3[%add3A_14] : memref<655360xi32, #tpu.memory_space<hbm>> -> memref<128xi32, #tpu.memory_space<hbm>>
        %dma_wait3A_33 = tpu.memref_slice %arg3[%add3A_14] : memref<655360xi32, #tpu.memory_space<hbm>> -> memref<128xi32, #tpu.memory_space<hbm>>
        tpu.wait_dma2 semaphore(%run_scoped3A : memref<!tpu.dma_semaphore, #tpu.memory_space<semaphore_mem>>) src(%dma_wait3A_33 : memref<128xi32, #tpu.memory_space<hbm>>) dst(%arg7 : memref<128xi32, #tpu.memory_space<vmem>>)
        tpu.yield
      }) : () -> ()
      %dma_start3A = arith.constant 0 : i32
      %dma_start3A_15 = arith.constant 0 : i32
      %dma_start3A_16 = tpu.memref_slice %arg4[%dma_start3A, %dma_start3A_15] : memref<10240x128xf32, #tpu.memory_space<hbm>> -> memref<10240x128xf32, #tpu.memory_space<hbm>>
      tpu.enqueue_indirect_dma source(%dma_start3A_16 : memref<10240x128xf32, #tpu.memory_space<hbm>>) target(%arg8 : memref<128x128xf32, #tpu.memory_space<vmem>>) offsets(%arg6 : memref<128xi32, #tpu.memory_space<vmem>>) semaphore(%arg11 : memref<!tpu.dma_semaphore, #tpu.memory_space<semaphore_mem>>)
      %dma_wait3A = arith.constant 0 : i32
      %dma_wait3A_17 = arith.constant 0 : i32
      %dma_wait3A_18 = tpu.memref_slice %arg4[%dma_wait3A, %dma_wait3A_17] : memref<10240x128xf32, #tpu.memory_space<hbm>> -> memref<10240x128xf32, #tpu.memory_space<hbm>>
      tpu.wait_indirect_dma semaphore(%arg11 : memref<!tpu.dma_semaphore, #tpu.memory_space<semaphore_mem>>) src(%dma_wait3A_18 : memref<10240x128xf32, #tpu.memory_space<hbm>>) dst(%arg8 : memref<128x128xf32, #tpu.memory_space<vmem>>)
      %dma_start3A_19 = arith.constant 0 : i32
      %dma_start3A_20 = arith.constant 0 : i32
      %dma_start3A_21 = tpu.memref_slice %arg4[%dma_start3A_19, %dma_start3A_20] : memref<10240x128xf32, #tpu.memory_space<hbm>> -> memref<10240x128xf32, #tpu.memory_space<hbm>>
      tpu.enqueue_indirect_dma source(%dma_start3A_21 : memref<10240x128xf32, #tpu.memory_space<hbm>>) target(%arg9 : memref<128x128xf32, #tpu.memory_space<vmem>>) offsets(%arg7 : memref<128xi32, #tpu.memory_space<vmem>>) semaphore(%arg11 : memref<!tpu.dma_semaphore, #tpu.memory_space<semaphore_mem>>)
      %dma_wait3A_22 = arith.constant 0 : i32
      %dma_wait3A_23 = arith.constant 0 : i32
      %dma_wait3A_24 = tpu.memref_slice %arg4[%dma_wait3A_22, %dma_wait3A_23] : memref<10240x128xf32, #tpu.memory_space<hbm>> -> memref<10240x128xf32, #tpu.memory_space<hbm>>
      tpu.wait_indirect_dma semaphore(%arg11 : memref<!tpu.dma_semaphore, #tpu.memory_space<semaphore_mem>>) src(%dma_wait3A_24 : memref<10240x128xf32, #tpu.memory_space<hbm>>) dst(%arg9 : memref<128x128xf32, #tpu.memory_space<vmem>>)
      %scan3A_25 = arith.constant 0 : i32
      %scan3A_26 = arith.constant 8 : i32
      %scan3A_27 = arith.addi %scan3A_25, %scan3A_26 : i32
      %scan3A_28 = arith.constant 1 : i32
      scf.for %scan3A_30 = %scan3A_25 to %scan3A_27 step %scan3A_28  : i32 {
        %mul3A_31 = arith.constant 1 : i32
        %mul3A_32 = arith.muli %scan3A_30, %mul3A_31 : i32
        %add3A_33 = arith.constant 0 : i32
        %add3A_34 = arith.addi %add3A_33, %mul3A_32 : i32
        %mul3A_35 = arith.constant 16 : i32
        %mul3A_36 = arith.muli %add3A_34, %mul3A_35 : i32
        %add3A_37 = vector.broadcast %mul3A_36 : i32 to vector<16xi32>
        %add3A_38 = arith.addi %iota3A, %add3A_37 : vector<16xi32>
        %broadcast_in_dim3A = arith.constant 0.000000e+00 : f32
        %broadcast_in_dim3A_39 = vector.broadcast %broadcast_in_dim3A : f32 to vector<16xf32>
        %broadcast_in_dim3A_40 = arith.constant 0 : i32
        %broadcast_in_dim3A_41 = vector.broadcast %broadcast_in_dim3A_40 : i32 to vector<16xi32>
        %gather3A = tpu.vector_load_idx %arg8[%add3A_38, %broadcast_in_dim3A_41] : memref<128x128xf32, #tpu.memory_space<vmem>>[vector<16xi32>, vector<16xi32>], vector<16xf32>,
        %gather3A_42 = tpu.vector_load_idx %arg9[%add3A_38, %broadcast_in_dim3A_41] : memref<128x128xf32, #tpu.memory_space<vmem>>[vector<16xi32>, vector<16xi32>], vector<16xf32>,
        %mul3A_43 = arith.mulf %gather3A, %gather3A_42 : vector<16xf32>
        %add3A_44 = arith.addf %broadcast_in_dim3A_39, %mul3A_43 : vector<16xf32>
        %broadcast_in_dim3A_45 = arith.constant 1 : i32
        %broadcast_in_dim3A_46 = vector.broadcast %broadcast_in_dim3A_45 : i32 to vector<16xi32>
        %gather3A_47 = tpu.vector_load_idx %arg8[%add3A_38, %broadcast_in_dim3A_46] : memref<128x128xf32, #tpu.memory_space<vmem>>[vector<16xi32>, vector<16xi32>], vector<16xf32>,
        %gather3A_48 = tpu.vector_load_idx %arg9[%add3A_38, %broadcast_in_dim3A_46] : memref<128x128xf32, #tpu.memory_space<vmem>>[vector<16xi32>, vector<16xi32>], vector<16xf32>,
        %mul3A_49 = arith.mulf %gather3A_47, %gather3A_48 : vector<16xf32>
        %add3A_50 = arith.addf %add3A_44, %mul3A_49 : vector<16xf32>
        %broadcast_in_dim3A_51 = arith.constant 2 : i32
        %broadcast_in_dim3A_52 = vector.broadcast %broadcast_in_dim3A_51 : i32 to vector<16xi32>
        %gather3A_53 = tpu.vector_load_idx %arg8[%add3A_38, %broadcast_in_dim3A_52] : memref<128x128xf32, #tpu.memory_space<vmem>>[vector<16xi32>, vector<16xi32>], vector<16xf32>,
        %gather3A_54 = tpu.vector_load_idx %arg9[%add3A_38, %broadcast_in_dim3A_52] : memref<128x128xf32, #tpu.memory_space<vmem>>[vector<16xi32>, vector<16xi32>], vector<16xf32>,
        %mul3A_55 = arith.mulf %gather3A_53, %gather3A_54 : vector<16xf32>
        %add3A_56 = arith.addf %add3A_50, %mul3A_55 : vector<16xf32>
        %broadcast_in_dim3A_57 = arith.constant 3 : i32
        %broadcast_in_dim3A_58 = vector.broadcast %broadcast_in_dim3A_57 : i32 to vector<16xi32>
        %gather3A_59 = tpu.vector_load_idx %arg8[%add3A_38, %broadcast_in_dim3A_58] : memref<128x128xf32, #tpu.memory_space<vmem>>[vector<16xi32>, vector<16xi32>], vector<16xf32>,
        %gather3A_60 = tpu.vector_load_idx %arg9[%add3A_38, %broadcast_in_dim3A_58] : memref<128x128xf32, #tpu.memory_space<vmem>>[vector<16xi32>, vector<16xi32>], vector<16xf32>,
        %mul3A_61 = arith.mulf %gather3A_59, %gather3A_60 : vector<16xf32>
        %add3A_62 = arith.addf %add3A_56, %mul3A_61 : vector<16xf32>
        %broadcast_in_dim3A_63 = arith.constant 4 : i32
        %broadcast_in_dim3A_64 = vector.broadcast %broadcast_in_dim3A_63 : i32 to vector<16xi32>
        %gather3A_65 = tpu.vector_load_idx %arg8[%add3A_38, %broadcast_in_dim3A_64] : memref<128x128xf32, #tpu.memory_space<vmem>>[vector<16xi32>, vector<16xi32>], vector<16xf32>,
        %gather3A_66 = tpu.vector_load_idx %arg9[%add3A_38, %broadcast_in_dim3A_64] : memref<128x128xf32, #tpu.memory_space<vmem>>[vector<16xi32>, vector<16xi32>], vector<16xf32>,
        %mul3A_67 = arith.mulf %gather3A_65, %gather3A_66 : vector<16xf32>
        %add3A_68 = arith.addf %add3A_62, %mul3A_67 : vector<16xf32>
        %broadcast_in_dim3A_69 = arith.constant 5 : i32
        %broadcast_in_dim3A_70 = vector.broadcast %broadcast_in_dim3A_69 : i32 to vector<16xi32>
        %gather3A_71 = tpu.vector_load_idx %arg8[%add3A_38, %broadcast_in_dim3A_70] : memref<128x128xf32, #tpu.memory_space<vmem>>[vector<16xi32>, vector<16xi32>], vector<16xf32>,
        %gather3A_72 = tpu.vector_load_idx %arg9[%add3A_38, %broadcast_in_dim3A_70] : memref<128x128xf32, #tpu.memory_space<vmem>>[vector<16xi32>, vector<16xi32>], vector<16xf32>,
        %mul3A_73 = arith.mulf %gather3A_71, %gather3A_72 : vector<16xf32>
        %add3A_74 = arith.addf %add3A_68, %mul3A_73 : vector<16xf32>
        %broadcast_in_dim3A_75 = arith.constant 6 : i32
        %broadcast_in_dim3A_76 = vector.broadcast %broadcast_in_dim3A_75 : i32 to vector<16xi32>
        %gather3A_77 = tpu.vector_load_idx %arg8[%add3A_38, %broadcast_in_dim3A_76] : memref<128x128xf32, #tpu.memory_space<vmem>>[vector<16xi32>, vector<16xi32>], vector<16xf32>,
        %gather3A_78 = tpu.vector_load_idx %arg9[%add3A_38, %broadcast_in_dim3A_76] : memref<128x128xf32, #tpu.memory_space<vmem>>[vector<16xi32>, vector<16xi32>], vector<16xf32>,
        %mul3A_79 = arith.mulf %gather3A_77, %gather3A_78 : vector<16xf32>
        %add3A_80 = arith.addf %add3A_74, %mul3A_79 : vector<16xf32>
        %broadcast_in_dim3A_81 = arith.constant 7 : i32
        %broadcast_in_dim3A_82 = vector.broadcast %broadcast_in_dim3A_81 : i32 to vector<16xi32>
        %gather3A_83 = tpu.vector_load_idx %arg8[%add3A_38, %broadcast_in_dim3A_82] : memref<128x128xf32, #tpu.memory_space<vmem>>[vector<16xi32>, vector<16xi32>], vector<16xf32>,
        %gather3A_84 = tpu.vector_load_idx %arg9[%add3A_38, %broadcast_in_dim3A_82] : memref<128x128xf32, #tpu.memory_space<vmem>>[vector<16xi32>, vector<16xi32>], vector<16xf32>,
        %mul3A_85 = arith.mulf %gather3A_83, %gather3A_84 : vector<16xf32>
        %add3A_86 = arith.addf %add3A_80, %mul3A_85 : vector<16xf32>
        %broadcast_in_dim3A_87 = arith.constant 8 : i32
        %broadcast_in_dim3A_88 = vector.broadcast %broadcast_in_dim3A_87 : i32 to vector<16xi32>
        %gather3A_89 = tpu.vector_load_idx %arg8[%add3A_38, %broadcast_in_dim3A_88] : memref<128x128xf32, #tpu.memory_space<vmem>>[vector<16xi32>, vector<16xi32>], vector<16xf32>,
        %gather3A_90 = tpu.vector_load_idx %arg9[%add3A_38, %broadcast_in_dim3A_88] : memref<128x128xf32, #tpu.memory_space<vmem>>[vector<16xi32>, vector<16xi32>], vector<16xf32>,
        %mul3A_91 = arith.mulf %gather3A_89, %gather3A_90 : vector<16xf32>
        %add3A_92 = arith.addf %add3A_86, %mul3A_91 : vector<16xf32>
        %broadcast_in_dim3A_93 = arith.constant 9 : i32
        %broadcast_in_dim3A_94 = vector.broadcast %broadcast_in_dim3A_93 : i32 to vector<16xi32>
        %gather3A_95 = tpu.vector_load_idx %arg8[%add3A_38, %broadcast_in_dim3A_94] : memref<128x128xf32, #tpu.memory_space<vmem>>[vector<16xi32>, vector<16xi32>], vector<16xf32>,
        %gather3A_96 = tpu.vector_load_idx %arg9[%add3A_38, %broadcast_in_dim3A_94] : memref<128x128xf32, #tpu.memory_space<vmem>>[vector<16xi32>, vector<16xi32>], vector<16xf32>,
        %mul3A_97 = arith.mulf %gather3A_95, %gather3A_96 : vector<16xf32>
        %add3A_98 = arith.addf %add3A_92, %mul3A_97 : vector<16xf32>
        %broadcast_in_dim3A_99 = arith.constant 10 : i32
        %broadcast_in_dim3A_100 = vector.broadcast %broadcast_in_dim3A_99 : i32 to vector<16xi32>
        %gather3A_101 = tpu.vector_load_idx %arg8[%add3A_38, %broadcast_in_dim3A_100] : memref<128x128xf32, #tpu.memory_space<vmem>>[vector<16xi32>, vector<16xi32>], vector<16xf32>,
        %gather3A_102 = tpu.vector_load_idx %arg9[%add3A_38, %broadcast_in_dim3A_100] : memref<128x128xf32, #tpu.memory_space<vmem>>[vector<16xi32>, vector<16xi32>], vector<16xf32>,
        %mul3A_103 = arith.mulf %gather3A_101, %gather3A_102 : vector<16xf32>
        %add3A_104 = arith.addf %add3A_98, %mul3A_103 : vector<16xf32>
        %broadcast_in_dim3A_105 = arith.constant 11 : i32
        %broadcast_in_dim3A_106 = vector.broadcast %broadcast_in_dim3A_105 : i32 to vector<16xi32>
        %gather3A_107 = tpu.vector_load_idx %arg8[%add3A_38, %broadcast_in_dim3A_106] : memref<128x128xf32, #tpu.memory_space<vmem>>[vector<16xi32>, vector<16xi32>], vector<16xf32>,
        %gather3A_108 = tpu.vector_load_idx %arg9[%add3A_38, %broadcast_in_dim3A_106] : memref<128x128xf32, #tpu.memory_space<vmem>>[vector<16xi32>, vector<16xi32>], vector<16xf32>,
        %mul3A_109 = arith.mulf %gather3A_107, %gather3A_108 : vector<16xf32>
        %add3A_110 = arith.addf %add3A_104, %mul3A_109 : vector<16xf32>
        %broadcast_in_dim3A_111 = arith.constant 12 : i32
        %broadcast_in_dim3A_112 = vector.broadcast %broadcast_in_dim3A_111 : i32 to vector<16xi32>
        %gather3A_113 = tpu.vector_load_idx %arg8[%add3A_38, %broadcast_in_dim3A_112] : memref<128x128xf32, #tpu.memory_space<vmem>>[vector<16xi32>, vector<16xi32>], vector<16xf32>,
        %gather3A_114 = tpu.vector_load_idx %arg9[%add3A_38, %broadcast_in_dim3A_112] : memref<128x128xf32, #tpu.memory_space<vmem>>[vector<16xi32>, vector<16xi32>], vector<16xf32>,
        %mul3A_115 = arith.mulf %gather3A_113, %gather3A_114 : vector<16xf32>
        %add3A_116 = arith.addf %add3A_110, %mul3A_115 : vector<16xf32>
        %broadcast_in_dim3A_117 = arith.constant 13 : i32
        %broadcast_in_dim3A_118 = vector.broadcast %broadcast_in_dim3A_117 : i32 to vector<16xi32>
        %gather3A_119 = tpu.vector_load_idx %arg8[%add3A_38, %broadcast_in_dim3A_118] : memref<128x128xf32, #tpu.memory_space<vmem>>[vector<16xi32>, vector<16xi32>], vector<16xf32>,
        %gather3A_120 = tpu.vector_load_idx %arg9[%add3A_38, %broadcast_in_dim3A_118] : memref<128x128xf32, #tpu.memory_space<vmem>>[vector<16xi32>, vector<16xi32>], vector<16xf32>,
        %mul3A_121 = arith.mulf %gather3A_119, %gather3A_120 : vector<16xf32>
        %add3A_122 = arith.addf %add3A_116, %mul3A_121 : vector<16xf32>
        %broadcast_in_dim3A_123 = arith.constant 14 : i32
        %broadcast_in_dim3A_124 = vector.broadcast %broadcast_in_dim3A_123 : i32 to vector<16xi32>
        %gather3A_125 = tpu.vector_load_idx %arg8[%add3A_38, %broadcast_in_dim3A_124] : memref<128x128xf32, #tpu.memory_space<vmem>>[vector<16xi32>, vector<16xi32>], vector<16xf32>,
        %gather3A_126 = tpu.vector_load_idx %arg9[%add3A_38, %broadcast_in_dim3A_124] : memref<128x128xf32, #tpu.memory_space<vmem>>[vector<16xi32>, vector<16xi32>], vector<16xf32>,
        %mul3A_127 = arith.mulf %gather3A_125, %gather3A_126 : vector<16xf32>
        %add3A_128 = arith.addf %add3A_122, %mul3A_127 : vector<16xf32>
        %broadcast_in_dim3A_129 = arith.constant 15 : i32
        %broadcast_in_dim3A_130 = vector.broadcast %broadcast_in_dim3A_129 : i32 to vector<16xi32>
        %gather3A_131 = tpu.vector_load_idx %arg8[%add3A_38, %broadcast_in_dim3A_130] : memref<128x128xf32, #tpu.memory_space<vmem>>[vector<16xi32>, vector<16xi32>], vector<16xf32>,
        %gather3A_132 = tpu.vector_load_idx %arg9[%add3A_38, %broadcast_in_dim3A_130] : memref<128x128xf32, #tpu.memory_space<vmem>>[vector<16xi32>, vector<16xi32>], vector<16xf32>,
        %mul3A_133 = arith.mulf %gather3A_131, %gather3A_132 : vector<16xf32>
        %add3A_134 = arith.addf %add3A_128, %mul3A_133 : vector<16xf32>
        %broadcast_in_dim3A_135 = arith.constant 16 : i32
        %broadcast_in_dim3A_136 = vector.broadcast %broadcast_in_dim3A_135 : i32 to vector<16xi32>
        %gather3A_137 = tpu.vector_load_idx %arg8[%add3A_38, %broadcast_in_dim3A_136] : memref<128x128xf32, #tpu.memory_space<vmem>>[vector<16xi32>, vector<16xi32>], vector<16xf32>,
        %gather3A_138 = tpu.vector_load_idx %arg9[%add3A_38, %broadcast_in_dim3A_136] : memref<128x128xf32, #tpu.memory_space<vmem>>[vector<16xi32>, vector<16xi32>], vector<16xf32>,
        %mul3A_139 = arith.mulf %gather3A_137, %gather3A_138 : vector<16xf32>
        %add3A_140 = arith.addf %add3A_134, %mul3A_139 : vector<16xf32>
        %broadcast_in_dim3A_141 = arith.constant 17 : i32
        %broadcast_in_dim3A_142 = vector.broadcast %broadcast_in_dim3A_141 : i32 to vector<16xi32>
        %gather3A_143 = tpu.vector_load_idx %arg8[%add3A_38, %broadcast_in_dim3A_142] : memref<128x128xf32, #tpu.memory_space<vmem>>[vector<16xi32>, vector<16xi32>], vector<16xf32>,
        %gather3A_144 = tpu.vector_load_idx %arg9[%add3A_38, %broadcast_in_dim3A_142] : memref<128x128xf32, #tpu.memory_space<vmem>>[vector<16xi32>, vector<16xi32>], vector<16xf32>,
        %mul3A_145 = arith.mulf %gather3A_143, %gather3A_144 : vector<16xf32>
        %add3A_146 = arith.addf %add3A_140, %mul3A_145 : vector<16xf32>
        %broadcast_in_dim3A_147 = arith.constant 18 : i32
        %broadcast_in_dim3A_148 = vector.broadcast %broadcast_in_dim3A_147 : i32 to vector<16xi32>
        %gather3A_149 = tpu.vector_load_idx %arg8[%add3A_38, %broadcast_in_dim3A_148] : memref<128x128xf32, #tpu.memory_space<vmem>>[vector<16xi32>, vector<16xi32>], vector<16xf32>,
        %gather3A_150 = tpu.vector_load_idx %arg9[%add3A_38, %broadcast_in_dim3A_148] : memref<128x128xf32, #tpu.memory_space<vmem>>[vector<16xi32>, vector<16xi32>], vector<16xf32>,
        %mul3A_151 = arith.mulf %gather3A_149, %gather3A_150 : vector<16xf32>
        %add3A_152 = arith.addf %add3A_146, %mul3A_151 : vector<16xf32>
        %broadcast_in_dim3A_153 = arith.constant 19 : i32
        %broadcast_in_dim3A_154 = vector.broadcast %broadcast_in_dim3A_153 : i32 to vector<16xi32>
        %gather3A_155 = tpu.vector_load_idx %arg8[%add3A_38, %broadcast_in_dim3A_154] : memref<128x128xf32, #tpu.memory_space<vmem>>[vector<16xi32>, vector<16xi32>], vector<16xf32>,
        %gather3A_156 = tpu.vector_load_idx %arg9[%add3A_38, %broadcast_in_dim3A_154] : memref<128x128xf32, #tpu.memory_space<vmem>>[vector<16xi32>, vector<16xi32>], vector<16xf32>,
        %mul3A_157 = arith.mulf %gather3A_155, %gather3A_156 : vector<16xf32>
        %add3A_158 = arith.addf %add3A_152, %mul3A_157 : vector<16xf32>
        %broadcast_in_dim3A_159 = arith.constant 20 : i32
        %broadcast_in_dim3A_160 = vector.broadcast %broadcast_in_dim3A_159 : i32 to vector<16xi32>
        %gather3A_161 = tpu.vector_load_idx %arg8[%add3A_38, %broadcast_in_dim3A_160] : memref<128x128xf32, #tpu.memory_space<vmem>>[vector<16xi32>, vector<16xi32>], vector<16xf32>,
        %gather3A_162 = tpu.vector_load_idx %arg9[%add3A_38, %broadcast_in_dim3A_160] : memref<128x128xf32, #tpu.memory_space<vmem>>[vector<16xi32>, vector<16xi32>], vector<16xf32>,
        %mul3A_163 = arith.mulf %gather3A_161, %gather3A_162 : vector<16xf32>
        %add3A_164 = arith.addf %add3A_158, %mul3A_163 : vector<16xf32>
        %broadcast_in_dim3A_165 = arith.constant 21 : i32
        %broadcast_in_dim3A_166 = vector.broadcast %broadcast_in_dim3A_165 : i32 to vector<16xi32>
        %gather3A_167 = tpu.vector_load_idx %arg8[%add3A_38, %broadcast_in_dim3A_166] : memref<128x128xf32, #tpu.memory_space<vmem>>[vector<16xi32>, vector<16xi32>], vector<16xf32>,
        %gather3A_168 = tpu.vector_load_idx %arg9[%add3A_38, %broadcast_in_dim3A_166] : memref<128x128xf32, #tpu.memory_space<vmem>>[vector<16xi32>, vector<16xi32>], vector<16xf32>,
        %mul3A_169 = arith.mulf %gather3A_167, %gather3A_168 : vector<16xf32>
        %add3A_170 = arith.addf %add3A_164, %mul3A_169 : vector<16xf32>
        %broadcast_in_dim3A_171 = arith.constant 22 : i32
        %broadcast_in_dim3A_172 = vector.broadcast %broadcast_in_dim3A_171 : i32 to vector<16xi32>
        %gather3A_173 = tpu.vector_load_idx %arg8[%add3A_38, %broadcast_in_dim3A_172] : memref<128x128xf32, #tpu.memory_space<vmem>>[vector<16xi32>, vector<16xi32>], vector<16xf32>,
        %gather3A_174 = tpu.vector_load_idx %arg9[%add3A_38, %broadcast_in_dim3A_172] : memref<128x128xf32, #tpu.memory_space<vmem>>[vector<16xi32>, vector<16xi32>], vector<16xf32>,
        %mul3A_175 = arith.mulf %gather3A_173, %gather3A_174 : vector<16xf32>
        %add3A_176 = arith.addf %add3A_170, %mul3A_175 : vector<16xf32>
        %broadcast_in_dim3A_177 = arith.constant 23 : i32
        %broadcast_in_dim3A_178 = vector.broadcast %broadcast_in_dim3A_177 : i32 to vector<16xi32>
        %gather3A_179 = tpu.vector_load_idx %arg8[%add3A_38, %broadcast_in_dim3A_178] : memref<128x128xf32, #tpu.memory_space<vmem>>[vector<16xi32>, vector<16xi32>], vector<16xf32>,
        %gather3A_180 = tpu.vector_load_idx %arg9[%add3A_38, %broadcast_in_dim3A_178] : memref<128x128xf32, #tpu.memory_space<vmem>>[vector<16xi32>, vector<16xi32>], vector<16xf32>,
        %mul3A_181 = arith.mulf %gather3A_179, %gather3A_180 : vector<16xf32>
        %add3A_182 = arith.addf %add3A_176, %mul3A_181 : vector<16xf32>
        %broadcast_in_dim3A_183 = arith.constant 24 : i32
        %broadcast_in_dim3A_184 = vector.broadcast %broadcast_in_dim3A_183 : i32 to vector<16xi32>
        %gather3A_185 = tpu.vector_load_idx %arg8[%add3A_38, %broadcast_in_dim3A_184] : memref<128x128xf32, #tpu.memory_space<vmem>>[vector<16xi32>, vector<16xi32>], vector<16xf32>,
        %gather3A_186 = tpu.vector_load_idx %arg9[%add3A_38, %broadcast_in_dim3A_184] : memref<128x128xf32, #tpu.memory_space<vmem>>[vector<16xi32>, vector<16xi32>], vector<16xf32>,
        %mul3A_187 = arith.mulf %gather3A_185, %gather3A_186 : vector<16xf32>
        %add3A_188 = arith.addf %add3A_182, %mul3A_187 : vector<16xf32>
        %broadcast_in_dim3A_189 = arith.constant 25 : i32
        %broadcast_in_dim3A_190 = vector.broadcast %broadcast_in_dim3A_189 : i32 to vector<16xi32>
        %gather3A_191 = tpu.vector_load_idx %arg8[%add3A_38, %broadcast_in_dim3A_190] : memref<128x128xf32, #tpu.memory_space<vmem>>[vector<16xi32>, vector<16xi32>], vector<16xf32>,
        %gather3A_192 = tpu.vector_load_idx %arg9[%add3A_38, %broadcast_in_dim3A_190] : memref<128x128xf32, #tpu.memory_space<vmem>>[vector<16xi32>, vector<16xi32>], vector<16xf32>,
        %mul3A_193 = arith.mulf %gather3A_191, %gather3A_192 : vector<16xf32>
        %add3A_194 = arith.addf %add3A_188, %mul3A_193 : vector<16xf32>
        %broadcast_in_dim3A_195 = arith.constant 26 : i32
        %broadcast_in_dim3A_196 = vector.broadcast %broadcast_in_dim3A_195 : i32 to vector<16xi32>
        %gather3A_197 = tpu.vector_load_idx %arg8[%add3A_38, %broadcast_in_dim3A_196] : memref<128x128xf32, #tpu.memory_space<vmem>>[vector<16xi32>, vector<16xi32>], vector<16xf32>,
        %gather3A_198 = tpu.vector_load_idx %arg9[%add3A_38, %broadcast_in_dim3A_196] : memref<128x128xf32, #tpu.memory_space<vmem>>[vector<16xi32>, vector<16xi32>], vector<16xf32>,
        %mul3A_199 = arith.mulf %gather3A_197, %gather3A_198 : vector<16xf32>
        %add3A_200 = arith.addf %add3A_194, %mul3A_199 : vector<16xf32>
        %broadcast_in_dim3A_201 = arith.constant 27 : i32
        %broadcast_in_dim3A_202 = vector.broadcast %broadcast_in_dim3A_201 : i32 to vector<16xi32>
        %gather3A_203 = tpu.vector_load_idx %arg8[%add3A_38, %broadcast_in_dim3A_202] : memref<128x128xf32, #tpu.memory_space<vmem>>[vector<16xi32>, vector<16xi32>], vector<16xf32>,
        %gather3A_204 = tpu.vector_load_idx %arg9[%add3A_38, %broadcast_in_dim3A_202] : memref<128x128xf32, #tpu.memory_space<vmem>>[vector<16xi32>, vector<16xi32>], vector<16xf32>,
        %mul3A_205 = arith.mulf %gather3A_203, %gather3A_204 : vector<16xf32>
        %add3A_206 = arith.addf %add3A_200, %mul3A_205 : vector<16xf32>
        %broadcast_in_dim3A_207 = arith.constant 28 : i32
        %broadcast_in_dim3A_208 = vector.broadcast %broadcast_in_dim3A_207 : i32 to vector<16xi32>
        %gather3A_209 = tpu.vector_load_idx %arg8[%add3A_38, %broadcast_in_dim3A_208] : memref<128x128xf32, #tpu.memory_space<vmem>>[vector<16xi32>, vector<16xi32>], vector<16xf32>,
        %gather3A_210 = tpu.vector_load_idx %arg9[%add3A_38, %broadcast_in_dim3A_208] : memref<128x128xf32, #tpu.memory_space<vmem>>[vector<16xi32>, vector<16xi32>], vector<16xf32>,
        %mul3A_211 = arith.mulf %gather3A_209, %gather3A_210 : vector<16xf32>
        %add3A_212 = arith.addf %add3A_206, %mul3A_211 : vector<16xf32>
        %broadcast_in_dim3A_213 = arith.constant 29 : i32
        %broadcast_in_dim3A_214 = vector.broadcast %broadcast_in_dim3A_213 : i32 to vector<16xi32>
        %gather3A_215 = tpu.vector_load_idx %arg8[%add3A_38, %broadcast_in_dim3A_214] : memref<128x128xf32, #tpu.memory_space<vmem>>[vector<16xi32>, vector<16xi32>], vector<16xf32>,
        %gather3A_216 = tpu.vector_load_idx %arg9[%add3A_38, %broadcast_in_dim3A_214] : memref<128x128xf32, #tpu.memory_space<vmem>>[vector<16xi32>, vector<16xi32>], vector<16xf32>,
        %mul3A_217 = arith.mulf %gather3A_215, %gather3A_216 : vector<16xf32>
        %add3A_218 = arith.addf %add3A_212, %mul3A_217 : vector<16xf32>
        %broadcast_in_dim3A_219 = arith.constant 30 : i32
        %broadcast_in_dim3A_220 = vector.broadcast %broadcast_in_dim3A_219 : i32 to vector<16xi32>
        %gather3A_221 = tpu.vector_load_idx %arg8[%add3A_38, %broadcast_in_dim3A_220] : memref<128x128xf32, #tpu.memory_space<vmem>>[vector<16xi32>, vector<16xi32>], vector<16xf32>,
        %gather3A_222 = tpu.vector_load_idx %arg9[%add3A_38, %broadcast_in_dim3A_220] : memref<128x128xf32, #tpu.memory_space<vmem>>[vector<16xi32>, vector<16xi32>], vector<16xf32>,
        %mul3A_223 = arith.mulf %gather3A_221, %gather3A_222 : vector<16xf32>
        %add3A_224 = arith.addf %add3A_218, %mul3A_223 : vector<16xf32>
        %broadcast_in_dim3A_225 = arith.constant 31 : i32
        %broadcast_in_dim3A_226 = vector.broadcast %broadcast_in_dim3A_225 : i32 to vector<16xi32>
        %gather3A_227 = tpu.vector_load_idx %arg8[%add3A_38, %broadcast_in_dim3A_226] : memref<128x128xf32, #tpu.memory_space<vmem>>[vector<16xi32>, vector<16xi32>], vector<16xf32>,
        %gather3A_228 = tpu.vector_load_idx %arg9[%add3A_38, %broadcast_in_dim3A_226] : memref<128x128xf32, #tpu.memory_space<vmem>>[vector<16xi32>, vector<16xi32>], vector<16xf32>,
        %mul3A_229 = arith.mulf %gather3A_227, %gather3A_228 : vector<16xf32>
        %add3A_230 = arith.addf %add3A_224, %mul3A_229 : vector<16xf32>
        %neg3A = arith.constant 0.000000e+00 : f32
        %neg3A_231 = vector.broadcast %neg3A : f32 to vector<16xf32>
        %neg3A_232 = arith.subf %neg3A_231, %add3A_230 : vector<16xf32>
        %exp3A = math.exp %neg3A_232 : vector<16xf32>
        %add3A_233 = arith.constant 1.000000e+00 : f32
        %add3A_234 = vector.broadcast %add3A_233 : f32 to vector<16xf32>
        %add3A_235 = arith.addf %add3A_234, %exp3A : vector<16xf32>
        %div3A = arith.constant 1.000000e+00 : f32
        %div3A_236 = vector.broadcast %div3A : f32 to vector<16xf32>
        %div3A_237 = arith.divf %div3A_236, %add3A_235 : vector<16xf32>
        %mul3A_238 = arith.constant 16 : i32
        %mul3A_239 = arith.muli %add3A_34, %mul3A_238 : i32
        %swap3A = arith.index_cast %mul3A_239 : i32 to index
        %swap3A_240 = tpu.vector_load %arg10[%swap3A] {strides = array<i32>} : memref<128xf32, #tpu.memory_space<vmem>>, vector<16xf32>,
        tpu.vector_store %arg10[%swap3A], %div3A_237 {strides = array<i32>} : memref<128xf32, #tpu.memory_space<vmem>>, vector<16xf32>,
      }
      %scan3A_29 = arith.constant 8 : i32
      "tpu.region"() ({
        %run_scoped3A = tpu.sem_alloc : memref<!tpu.dma_semaphore, #tpu.memory_space<semaphore_mem>>
        %dma_start3A_30 = tpu.memref_slice %arg5[%add3A_14] : memref<655360xf32, #tpu.memory_space<hbm>> -> memref<128xf32, #tpu.memory_space<hbm>>
        %dma_start3A_31 = tpu.memref_slice %arg5[%add3A_14] : memref<655360xf32, #tpu.memory_space<hbm>> -> memref<128xf32, #tpu.memory_space<hbm>>
        tpu.enqueue_dma source(%arg10 : memref<128xf32, #tpu.memory_space<vmem>>) target(%dma_start3A_31 : memref<128xf32, #tpu.memory_space<hbm>>) target_semaphore(%run_scoped3A : memref<!tpu.dma_semaphore, #tpu.memory_space<semaphore_mem>>)
        %dma_wait3A_32 = tpu.memref_slice %arg5[%add3A_14] : memref<655360xf32, #tpu.memory_space<hbm>> -> memref<128xf32, #tpu.memory_space<hbm>>
        %dma_wait3A_33 = tpu.memref_slice %arg5[%add3A_14] : memref<655360xf32, #tpu.memory_space<hbm>> -> memref<128xf32, #tpu.memory_space<hbm>>
        tpu.wait_dma2 semaphore(%run_scoped3A : memref<!tpu.dma_semaphore, #tpu.memory_space<semaphore_mem>>) src(%arg10 : memref<128xf32, #tpu.memory_space<vmem>>) dst(%dma_wait3A_33 : memref<128xf32, #tpu.memory_space<hbm>>)
        tpu.yield
      }) : () -> ()
    }
    %scan3A_4 = arith.constant 160 : i32
    return
  }
}

module attributes {stable_mosaic.version = 14 : i64} {
  func.func @_tc_a_body(%arg0: i32, %arg1: memref<1024x128xf32, #tpu.memory_space<vmem>>, %arg2: memref<128x64xf32, #tpu.memory_space<vmem>>, %arg3: memref<128x64xf32, #tpu.memory_space<vmem>>, %arg4: memref<1x64xf32, #tpu.memory_space<vmem>>, %arg5: memref<1x64xf32, #tpu.memory_space<vmem>>, %arg6: memref<1024x128xf32, #tpu.memory_space<vmem>>, %arg7: memref<1024x64xf32, #tpu.memory_space<vmem>>, %arg8: memref<1024x1xf32, #tpu.memory_space<vmem>>) attributes {dimension_semantics = [#tpu.dimension_semantics<arbitrary>], iteration_bounds = array<i64: 10>, scalar_prefetch = 0 : i64, scratch_operands = 0 : i64, tpu.core_type = #tpu.core_type<tc>, window_params = [{transform_indices = @transform_0, window_bounds = array<i64: 1024, 128>}, {pipeline_mode = #tpu.pipeline_mode<synchronous>, transform_indices = @transform_1, window_bounds = array<i64: 128, 64>}, {pipeline_mode = #tpu.pipeline_mode<synchronous>, transform_indices = @transform_2, window_bounds = array<i64: 128, 64>}, {pipeline_mode = #tpu.pipeline_mode<synchronous>, transform_indices = @transform_3, window_bounds = array<i64: 1, 64>}, {pipeline_mode = #tpu.pipeline_mode<synchronous>, transform_indices = @transform_4, window_bounds = array<i64: 1, 64>}, {transform_indices = @transform_5, window_bounds = array<i64: 1024, 128>}, {transform_indices = @transform_6, window_bounds = array<i64: 1024, 64>}, {transform_indices = @transform_7, window_bounds = array<i64: 1024, 1>}]} {
    %get3A = arith.constant 0 : index
    %get3A_0 = arith.constant 0 : index
    %get3A_1 = vector.load %arg1[%get3A, %get3A_0] : memref<1024x128xf32, #tpu.memory_space<vmem>>, vector<1024x128xf32>
    %get3A_2 = arith.constant 0 : index
    %get3A_3 = arith.constant 0 : index
    %get3A_4 = vector.load %arg2[%get3A_2, %get3A_3] : memref<128x64xf32, #tpu.memory_space<vmem>>, vector<128x64xf32>
    %dot_general3A = arith.constant dense<0.000000e+00> : vector<1024x64xf32>
    %dot_general3A_5 = tpu.matmul %get3A_1, %get3A_4, %dot_general3A {dimension_numbers = #tpu.dot_dimension_numbers<[1], [0], [0], [1], [0, 0, 1, 1], [], []>, precision = #tpu.contract_precision<fp32>, transpose_lhs_hint = false} : vector<1024x128xf32>, vector<128x64xf32>, vector<1024x64xf32> -> vector<1024x64xf32>
    %get3A_6 = arith.constant 0 : index
    %get3A_7 = arith.constant 0 : index
    %get3A_8 = vector.load %arg3[%get3A_6, %get3A_7] : memref<128x64xf32, #tpu.memory_space<vmem>>, vector<128x64xf32>
    %dot_general3A_9 = arith.constant dense<0.000000e+00> : vector<1024x64xf32>
    %dot_general3A_10 = tpu.matmul %get3A_1, %get3A_8, %dot_general3A_9 {dimension_numbers = #tpu.dot_dimension_numbers<[1], [0], [0], [1], [0, 0, 1, 1], [], []>, precision = #tpu.contract_precision<fp32>, transpose_lhs_hint = false} : vector<1024x128xf32>, vector<128x64xf32>, vector<1024x64xf32> -> vector<1024x64xf32>
    %swap3A = arith.constant 0 : index
    %swap3A_11 = arith.constant 0 : index
    %swap3A_12 = vector.load %arg7[%swap3A, %swap3A_11] : memref<1024x64xf32, #tpu.memory_space<vmem>>, vector<1024x64xf32>
    tpu.vector_store %arg7[%swap3A, %swap3A_11], %dot_general3A_10 {strides = array<i32>} : memref<1024x64xf32, #tpu.memory_space<vmem>>, vector<1024x64xf32>,
    %get3A_13 = arith.constant 0 : index
    %get3A_14 = arith.constant 0 : index
    %get3A_15 = vector.load %arg4[%get3A_13, %get3A_14] : memref<1x64xf32, #tpu.memory_space<vmem>>, vector<1x64xf32>
    %mul3A = vector.broadcast %get3A_15 : vector<1x64xf32> to vector<1024x64xf32>
    %mul3A_16 = arith.mulf %dot_general3A_5, %mul3A : vector<1024x64xf32>
    %reduce_sum3A = arith.constant dense<0.000000e+00> : vector<1024xf32>
    %reduce_sum3A_17 = vector.multi_reduction <add>, %mul3A_16, %reduce_sum3A [1] : vector<1024x64xf32> to vector<1024xf32>
    %broadcast_in_dim3A = vector.shape_cast %reduce_sum3A_17 : vector<1024xf32> to vector<1024x1xf32>
    %swap3A_18 = arith.constant 0 : index
    %swap3A_19 = arith.constant 0 : index
    %swap3A_20 = vector.load %arg8[%swap3A_18, %swap3A_19] : memref<1024x1xf32, #tpu.memory_space<vmem>>, vector<1024x1xf32>
    tpu.vector_store %arg8[%swap3A_18, %swap3A_19], %broadcast_in_dim3A {strides = array<i32>} : memref<1024x1xf32, #tpu.memory_space<vmem>>, vector<1024x1xf32>,
    %get3A_21 = arith.constant 0 : index
    %get3A_22 = arith.constant 0 : index
    %get3A_23 = vector.load %arg5[%get3A_21, %get3A_22] : memref<1x64xf32, #tpu.memory_space<vmem>>, vector<1x64xf32>
    %mul3A_24 = vector.broadcast %get3A_23 : vector<1x64xf32> to vector<1024x64xf32>
    %mul3A_25 = arith.mulf %dot_general3A_5, %mul3A_24 : vector<1024x64xf32>
    %reduce_sum3A_26 = arith.constant dense<0.000000e+00> : vector<1024xf32>
    %reduce_sum3A_27 = vector.multi_reduction <add>, %mul3A_25, %reduce_sum3A_26 [1] : vector<1024x64xf32> to vector<1024xf32>
    %broadcast_in_dim3A_28 = vector.shape_cast %reduce_sum3A_27 : vector<1024xf32> to vector<1024x1xf32>
    %broadcast_in_dim3A_29 = arith.constant 1.000000e+00 : f32
    %broadcast_in_dim3A_30 = vector.broadcast %broadcast_in_dim3A_29 : f32 to vector<1024x1xf32>
    %broadcast_in_dim3A_31 = arith.constant 0.000000e+00 : f32
    %broadcast_in_dim3A_32 = vector.broadcast %broadcast_in_dim3A_31 : f32 to vector<1024x62xf32>
    %concatenate3A = tpu.concatenate %dot_general3A_5, %broadcast_in_dim3A_30, %broadcast_in_dim3A_28, %broadcast_in_dim3A_32 in 1 : vector<1024x64xf32>, vector<1024x1xf32>, vector<1024x1xf32>, vector<1024x62xf32> -> vector<1024x128xf32>
    %swap3A_33 = arith.constant 0 : index
    %swap3A_34 = arith.constant 0 : index
    %swap3A_35 = vector.load %arg6[%swap3A_33, %swap3A_34] : memref<1024x128xf32, #tpu.memory_space<vmem>>, vector<1024x128xf32>
    tpu.vector_store %arg6[%swap3A_33, %swap3A_34], %concatenate3A {strides = array<i32>} : memref<1024x128xf32, #tpu.memory_space<vmem>>, vector<1024x128xf32>,
    return
  }
  func.func @transform_0(%arg0: i32) -> (i32, i32) {
    %c0_i32 = arith.constant 0 : i32
    %c0_i32_0 = arith.constant 0 : i32
    return %arg0, %c0_i32 : i32, i32
  }
  func.func @transform_1(%arg0: i32) -> (i32, i32) {
    %c0_i32 = arith.constant 0 : i32
    %c0_i32_0 = arith.constant 0 : i32
    %c0_i32_1 = arith.constant 0 : i32
    return %c0_i32, %c0_i32_0 : i32, i32
  }
  func.func @transform_2(%arg0: i32) -> (i32, i32) {
    %c0_i32 = arith.constant 0 : i32
    %c0_i32_0 = arith.constant 0 : i32
    %c0_i32_1 = arith.constant 0 : i32
    return %c0_i32, %c0_i32_0 : i32, i32
  }
  func.func @transform_3(%arg0: i32) -> (i32, i32) {
    %c0_i32 = arith.constant 0 : i32
    %c0_i32_0 = arith.constant 0 : i32
    %c0_i32_1 = arith.constant 0 : i32
    return %c0_i32, %c0_i32_0 : i32, i32
  }
  func.func @transform_4(%arg0: i32) -> (i32, i32) {
    %c0_i32 = arith.constant 0 : i32
    %c0_i32_0 = arith.constant 0 : i32
    %c0_i32_1 = arith.constant 0 : i32
    return %c0_i32, %c0_i32_0 : i32, i32
  }
  func.func @transform_5(%arg0: i32) -> (i32, i32) {
    %c0_i32 = arith.constant 0 : i32
    %c0_i32_0 = arith.constant 0 : i32
    return %arg0, %c0_i32 : i32, i32
  }
  func.func @transform_6(%arg0: i32) -> (i32, i32) {
    %c0_i32 = arith.constant 0 : i32
    %c0_i32_0 = arith.constant 0 : i32
    return %arg0, %c0_i32 : i32, i32
  }
  func.func @transform_7(%arg0: i32) -> (i32, i32) {
    %c0_i32 = arith.constant 0 : i32
    %c0_i32_0 = arith.constant 0 : i32
    return %arg0, %c0_i32 : i32, i32
  }
}

module attributes {stable_mosaic.version = 14 : i64} {
  func.func @_tc_b_body(%arg0: i32, %arg1: memref<2x1024x128xf32, #tpu.memory_space<vmem>>, %arg2: memref<1024x64xf32, #tpu.memory_space<vmem>>, %arg3: memref<1x64xf32, #tpu.memory_space<vmem>>, %arg4: memref<1x64xf32, #tpu.memory_space<vmem>>, %arg5: memref<64x32xf32, #tpu.memory_space<vmem>>, %arg6: memref<64x32xf32, #tpu.memory_space<vmem>>, %arg7: memref<1x32xf32, #tpu.memory_space<vmem>>, %arg8: memref<1x32xf32, #tpu.memory_space<vmem>>, %arg9: memref<1024x128xf32, #tpu.memory_space<vmem>>, %arg10: memref<1024x32xf32, #tpu.memory_space<vmem>>, %arg11: memref<1024x1xf32, #tpu.memory_space<vmem>>) attributes {dimension_semantics = [#tpu.dimension_semantics<arbitrary>], iteration_bounds = array<i64: 10>, scalar_prefetch = 0 : i64, scratch_operands = 0 : i64, tpu.core_type = #tpu.core_type<tc>, window_params = [{transform_indices = @transform_0, window_bounds = array<i64: 2, 1024, 128>}, {transform_indices = @transform_1, window_bounds = array<i64: 1024, 64>}, {pipeline_mode = #tpu.pipeline_mode<synchronous>, transform_indices = @transform_2, window_bounds = array<i64: 1, 64>}, {pipeline_mode = #tpu.pipeline_mode<synchronous>, transform_indices = @transform_3, window_bounds = array<i64: 1, 64>}, {pipeline_mode = #tpu.pipeline_mode<synchronous>, transform_indices = @transform_4, window_bounds = array<i64: 64, 32>}, {pipeline_mode = #tpu.pipeline_mode<synchronous>, transform_indices = @transform_5, window_bounds = array<i64: 64, 32>}, {pipeline_mode = #tpu.pipeline_mode<synchronous>, transform_indices = @transform_6, window_bounds = array<i64: 1, 32>}, {pipeline_mode = #tpu.pipeline_mode<synchronous>, transform_indices = @transform_7, window_bounds = array<i64: 1, 32>}, {transform_indices = @transform_8, window_bounds = array<i64: 1024, 128>}, {transform_indices = @transform_9, window_bounds = array<i64: 1024, 32>}, {transform_indices = @transform_10, window_bounds = array<i64: 1024, 1>}]} {
    %get3A = arith.constant 0 : index
    %get3A_0 = arith.constant 0 : index
    %get3A_1 = arith.constant 0 : index
    %get3A_2 = vector.load %arg1[%get3A, %get3A_0, %get3A_1] : memref<2x1024x128xf32, #tpu.memory_space<vmem>>, vector<1x1024x128xf32>
    %get3A_3 = vector.shape_cast %get3A_2 : vector<1x1024x128xf32> to vector<1024x128xf32>
    %get3A_4 = arith.constant 1 : index
    %get3A_5 = arith.constant 0 : index
    %get3A_6 = arith.constant 0 : index
    %get3A_7 = vector.load %arg1[%get3A_4, %get3A_5, %get3A_6] : memref<2x1024x128xf32, #tpu.memory_space<vmem>>, vector<1x1024x128xf32>
    %get3A_8 = vector.shape_cast %get3A_7 : vector<1x1024x128xf32> to vector<1024x128xf32>
    %add3A = arith.addf %get3A_3, %get3A_8 : vector<1024x128xf32>
    %get3A_9 = arith.constant 0 : index
    %get3A_10 = arith.constant 0 : index
    %get3A_11 = vector.load %arg2[%get3A_9, %get3A_10] : memref<1024x64xf32, #tpu.memory_space<vmem>>, vector<1024x64xf32>
    %get3A_12 = arith.constant 0 : index
    %get3A_13 = arith.constant 0 : index
    %get3A_14 = vector.load %arg3[%get3A_12, %get3A_13] : memref<1x64xf32, #tpu.memory_space<vmem>>, vector<1x64xf32>
    %get3A_15 = arith.constant 0 : index
    %get3A_16 = arith.constant 0 : index
    %get3A_17 = vector.load %arg4[%get3A_15, %get3A_16] : memref<1x64xf32, #tpu.memory_space<vmem>>, vector<1x64xf32>
    %slice3A = vector.extract_strided_slice %add3A {offsets = [0, 0], sizes = [1024, 64], strides = [1, 1]} : vector<1024x128xf32> to vector<1024x64xf32>
    %slice3A_18 = vector.extract_strided_slice %add3A {offsets = [0, 64], sizes = [1024, 1], strides = [1, 1]} : vector<1024x128xf32> to vector<1024x1xf32>
    %add3A_19 = arith.constant 1.000000e-16 : f32
    %add3A_20 = vector.broadcast %add3A_19 : f32 to vector<1024x1xf32>
    %add3A_21 = arith.addf %slice3A_18, %add3A_20 : vector<1024x1xf32>
    %div3A = vector.broadcast %add3A_21 : vector<1024x1xf32> to vector<1024x64xf32>
    %div3A_22 = arith.divf %slice3A, %div3A : vector<1024x64xf32>
    %add3A_23 = arith.addf %div3A_22, %get3A_11 : vector<1024x64xf32>
    %reduce_sum3A = arith.constant dense<0.000000e+00> : vector<1024xf32>
    %reduce_sum3A_24 = vector.multi_reduction <add>, %add3A_23, %reduce_sum3A [1] : vector<1024x64xf32> to vector<1024xf32>
    %broadcast_in_dim3A = vector.shape_cast %reduce_sum3A_24 : vector<1024xf32> to vector<1024x1xf32>
    %div3A_25 = arith.constant 6.400000e+01 : f32
    %div3A_26 = vector.broadcast %div3A_25 : f32 to vector<1024x1xf32>
    %div3A_27 = arith.divf %broadcast_in_dim3A, %div3A_26 : vector<1024x1xf32>
    %sub3A = vector.broadcast %div3A_27 : vector<1024x1xf32> to vector<1024x64xf32>
    %sub3A_28 = arith.subf %add3A_23, %sub3A : vector<1024x64xf32>
    %mul3A = arith.mulf %sub3A_28, %sub3A_28 : vector<1024x64xf32>
    %reduce_sum3A_29 = arith.constant dense<0.000000e+00> : vector<1024xf32>
    %reduce_sum3A_30 = vector.multi_reduction <add>, %mul3A, %reduce_sum3A_29 [1] : vector<1024x64xf32> to vector<1024xf32>
    %broadcast_in_dim3A_31 = vector.shape_cast %reduce_sum3A_30 : vector<1024xf32> to vector<1024x1xf32>
    %div3A_32 = arith.constant 6.400000e+01 : f32
    %div3A_33 = vector.broadcast %div3A_32 : f32 to vector<1024x1xf32>
    %div3A_34 = arith.divf %broadcast_in_dim3A_31, %div3A_33 : vector<1024x1xf32>
    %add3A_35 = arith.constant 9.99999974E-6 : f32
    %add3A_36 = vector.broadcast %add3A_35 : f32 to vector<1024x1xf32>
    %add3A_37 = arith.addf %div3A_34, %add3A_36 : vector<1024x1xf32>
    %rsqrt3A = math.rsqrt %add3A_37 : vector<1024x1xf32>
    %mul3A_38 = vector.broadcast %rsqrt3A : vector<1024x1xf32> to vector<1024x64xf32>
    %mul3A_39 = arith.mulf %sub3A_28, %mul3A_38 : vector<1024x64xf32>
    %mul3A_40 = vector.broadcast %get3A_14 : vector<1x64xf32> to vector<1024x64xf32>
    %mul3A_41 = arith.mulf %mul3A_39, %mul3A_40 : vector<1024x64xf32>
    %add3A_42 = vector.broadcast %get3A_17 : vector<1x64xf32> to vector<1024x64xf32>
    %add3A_43 = arith.addf %mul3A_41, %add3A_42 : vector<1024x64xf32>
    %gt3A = arith.constant 0.000000e+00 : f32
    %gt3A_44 = vector.broadcast %gt3A : f32 to vector<1024x64xf32>
    %gt3A_45 = arith.cmpf ogt, %add3A_43, %gt3A_44 : vector<1024x64xf32>
    %exp3A = math.exp %add3A_43 : vector<1024x64xf32>
    %sub3A_46 = arith.constant 1.000000e+00 : f32
    %sub3A_47 = vector.broadcast %sub3A_46 : f32 to vector<1024x64xf32>
    %sub3A_48 = arith.subf %exp3A, %sub3A_47 : vector<1024x64xf32>
    %select_n3A = arith.select %gt3A_45, %add3A_43, %sub3A_48 : vector<1024x64xi1>, vector<1024x64xf32>
    %get3A_49 = arith.constant 0 : index
    %get3A_50 = arith.constant 0 : index
    %get3A_51 = vector.load %arg5[%get3A_49, %get3A_50] : memref<64x32xf32, #tpu.memory_space<vmem>>, vector<64x32xf32>
    %dot_general3A = arith.constant dense<0.000000e+00> : vector<1024x32xf32>
    %dot_general3A_52 = tpu.matmul %select_n3A, %get3A_51, %dot_general3A {dimension_numbers = #tpu.dot_dimension_numbers<[1], [0], [0], [1], [0, 0, 1, 1], [], []>, precision = #tpu.contract_precision<fp32>, transpose_lhs_hint = false} : vector<1024x64xf32>, vector<64x32xf32>, vector<1024x32xf32> -> vector<1024x32xf32>
    %get3A_53 = arith.constant 0 : index
    %get3A_54 = arith.constant 0 : index
    %get3A_55 = vector.load %arg6[%get3A_53, %get3A_54] : memref<64x32xf32, #tpu.memory_space<vmem>>, vector<64x32xf32>
    %dot_general3A_56 = arith.constant dense<0.000000e+00> : vector<1024x32xf32>
    %dot_general3A_57 = tpu.matmul %select_n3A, %get3A_55, %dot_general3A_56 {dimension_numbers = #tpu.dot_dimension_numbers<[1], [0], [0], [1], [0, 0, 1, 1], [], []>, precision = #tpu.contract_precision<fp32>, transpose_lhs_hint = false} : vector<1024x64xf32>, vector<64x32xf32>, vector<1024x32xf32> -> vector<1024x32xf32>
    %swap3A = arith.constant 0 : index
    %swap3A_58 = arith.constant 0 : index
    %swap3A_59 = vector.load %arg10[%swap3A, %swap3A_58] : memref<1024x32xf32, #tpu.memory_space<vmem>>, vector<1024x32xf32>
    tpu.vector_store %arg10[%swap3A, %swap3A_58], %dot_general3A_57 {strides = array<i32>} : memref<1024x32xf32, #tpu.memory_space<vmem>>, vector<1024x32xf32>,
    %get3A_60 = arith.constant 0 : index
    %get3A_61 = arith.constant 0 : index
    %get3A_62 = vector.load %arg7[%get3A_60, %get3A_61] : memref<1x32xf32, #tpu.memory_space<vmem>>, vector<1x32xf32>
    %mul3A_63 = vector.broadcast %get3A_62 : vector<1x32xf32> to vector<1024x32xf32>
    %mul3A_64 = arith.mulf %dot_general3A_52, %mul3A_63 : vector<1024x32xf32>
    %reduce_sum3A_65 = arith.constant dense<0.000000e+00> : vector<1024xf32>
    %reduce_sum3A_66 = vector.multi_reduction <add>, %mul3A_64, %reduce_sum3A_65 [1] : vector<1024x32xf32> to vector<1024xf32>
    %broadcast_in_dim3A_67 = vector.shape_cast %reduce_sum3A_66 : vector<1024xf32> to vector<1024x1xf32>
    %swap3A_68 = arith.constant 0 : index
    %swap3A_69 = arith.constant 0 : index
    %swap3A_70 = vector.load %arg11[%swap3A_68, %swap3A_69] : memref<1024x1xf32, #tpu.memory_space<vmem>>, vector<1024x1xf32>
    tpu.vector_store %arg11[%swap3A_68, %swap3A_69], %broadcast_in_dim3A_67 {strides = array<i32>} : memref<1024x1xf32, #tpu.memory_space<vmem>>, vector<1024x1xf32>,
    %get3A_71 = arith.constant 0 : index
    %get3A_72 = arith.constant 0 : index
    %get3A_73 = vector.load %arg8[%get3A_71, %get3A_72] : memref<1x32xf32, #tpu.memory_space<vmem>>, vector<1x32xf32>
    %mul3A_74 = vector.broadcast %get3A_73 : vector<1x32xf32> to vector<1024x32xf32>
    %mul3A_75 = arith.mulf %dot_general3A_52, %mul3A_74 : vector<1024x32xf32>
    %reduce_sum3A_76 = arith.constant dense<0.000000e+00> : vector<1024xf32>
    %reduce_sum3A_77 = vector.multi_reduction <add>, %mul3A_75, %reduce_sum3A_76 [1] : vector<1024x32xf32> to vector<1024xf32>
    %broadcast_in_dim3A_78 = vector.shape_cast %reduce_sum3A_77 : vector<1024xf32> to vector<1024x1xf32>
    %broadcast_in_dim3A_79 = arith.constant 1.000000e+00 : f32
    %broadcast_in_dim3A_80 = vector.broadcast %broadcast_in_dim3A_79 : f32 to vector<1024x1xf32>
    %broadcast_in_dim3A_81 = arith.constant 0.000000e+00 : f32
    %broadcast_in_dim3A_82 = vector.broadcast %broadcast_in_dim3A_81 : f32 to vector<1024x94xf32>
    %concatenate3A = tpu.concatenate %dot_general3A_52, %broadcast_in_dim3A_80, %broadcast_in_dim3A_78, %broadcast_in_dim3A_82 in 1 : vector<1024x32xf32>, vector<1024x1xf32>, vector<1024x1xf32>, vector<1024x94xf32> -> vector<1024x128xf32>
    %swap3A_83 = arith.constant 0 : index
    %swap3A_84 = arith.constant 0 : index
    %swap3A_85 = vector.load %arg9[%swap3A_83, %swap3A_84] : memref<1024x128xf32, #tpu.memory_space<vmem>>, vector<1024x128xf32>
    tpu.vector_store %arg9[%swap3A_83, %swap3A_84], %concatenate3A {strides = array<i32>} : memref<1024x128xf32, #tpu.memory_space<vmem>>, vector<1024x128xf32>,
    return
  }
  func.func @transform_0(%arg0: i32) -> (i32, i32, i32) {
    %c0_i32 = arith.constant 0 : i32
    %c0_i32_0 = arith.constant 0 : i32
    %c0_i32_1 = arith.constant 0 : i32
    return %c0_i32, %arg0, %c0_i32_0 : i32, i32, i32
  }
  func.func @transform_1(%arg0: i32) -> (i32, i32) {
    %c0_i32 = arith.constant 0 : i32
    %c0_i32_0 = arith.constant 0 : i32
    return %arg0, %c0_i32 : i32, i32
  }
  func.func @transform_2(%arg0: i32) -> (i32, i32) {
    %c0_i32 = arith.constant 0 : i32
    %c0_i32_0 = arith.constant 0 : i32
    %c0_i32_1 = arith.constant 0 : i32
    return %c0_i32, %c0_i32_0 : i32, i32
  }
  func.func @transform_3(%arg0: i32) -> (i32, i32) {
    %c0_i32 = arith.constant 0 : i32
    %c0_i32_0 = arith.constant 0 : i32
    %c0_i32_1 = arith.constant 0 : i32
    return %c0_i32, %c0_i32_0 : i32, i32
  }
  func.func @transform_4(%arg0: i32) -> (i32, i32) {
    %c0_i32 = arith.constant 0 : i32
    %c0_i32_0 = arith.constant 0 : i32
    %c0_i32_1 = arith.constant 0 : i32
    return %c0_i32, %c0_i32_0 : i32, i32
  }
  func.func @transform_5(%arg0: i32) -> (i32, i32) {
    %c0_i32 = arith.constant 0 : i32
    %c0_i32_0 = arith.constant 0 : i32
    %c0_i32_1 = arith.constant 0 : i32
    return %c0_i32, %c0_i32_0 : i32, i32
  }
  func.func @transform_6(%arg0: i32) -> (i32, i32) {
    %c0_i32 = arith.constant 0 : i32
    %c0_i32_0 = arith.constant 0 : i32
    %c0_i32_1 = arith.constant 0 : i32
    return %c0_i32, %c0_i32_0 : i32, i32
  }
  func.func @transform_7(%arg0: i32) -> (i32, i32) {
    %c0_i32 = arith.constant 0 : i32
    %c0_i32_0 = arith.constant 0 : i32
    %c0_i32_1 = arith.constant 0 : i32
    return %c0_i32, %c0_i32_0 : i32, i32
  }
  func.func @transform_8(%arg0: i32) -> (i32, i32) {
    %c0_i32 = arith.constant 0 : i32
    %c0_i32_0 = arith.constant 0 : i32
    return %arg0, %c0_i32 : i32, i32
  }
  func.func @transform_9(%arg0: i32) -> (i32, i32) {
    %c0_i32 = arith.constant 0 : i32
    %c0_i32_0 = arith.constant 0 : i32
    return %arg0, %c0_i32 : i32, i32
  }
  func.func @transform_10(%arg0: i32) -> (i32, i32) {
    %c0_i32 = arith.constant 0 : i32
    %c0_i32_0 = arith.constant 0 : i32
    return %arg0, %c0_i32 : i32, i32
  }
}

module attributes {stable_mosaic.version = 14 : i64} {
  func.func @_tc_c_body(%arg0: i32, %arg1: memref<2x1024x128xf32, #tpu.memory_space<vmem>>, %arg2: memref<1024x32xf32, #tpu.memory_space<vmem>>, %arg3: memref<1x32xf32, #tpu.memory_space<vmem>>, %arg4: memref<1x32xf32, #tpu.memory_space<vmem>>, %arg5: memref<1024x128xf32, #tpu.memory_space<vmem>>) attributes {dimension_semantics = [#tpu.dimension_semantics<arbitrary>], iteration_bounds = array<i64: 10>, scalar_prefetch = 0 : i64, scratch_operands = 0 : i64, tpu.core_type = #tpu.core_type<tc>, window_params = [{transform_indices = @transform_0, window_bounds = array<i64: 2, 1024, 128>}, {transform_indices = @transform_1, window_bounds = array<i64: 1024, 32>}, {pipeline_mode = #tpu.pipeline_mode<synchronous>, transform_indices = @transform_2, window_bounds = array<i64: 1, 32>}, {pipeline_mode = #tpu.pipeline_mode<synchronous>, transform_indices = @transform_3, window_bounds = array<i64: 1, 32>}, {transform_indices = @transform_4, window_bounds = array<i64: 1024, 128>}]} {
    %get3A = arith.constant 0 : index
    %get3A_0 = arith.constant 0 : index
    %get3A_1 = arith.constant 0 : index
    %get3A_2 = vector.load %arg1[%get3A, %get3A_0, %get3A_1] : memref<2x1024x128xf32, #tpu.memory_space<vmem>>, vector<1x1024x128xf32>
    %get3A_3 = vector.shape_cast %get3A_2 : vector<1x1024x128xf32> to vector<1024x128xf32>
    %get3A_4 = arith.constant 1 : index
    %get3A_5 = arith.constant 0 : index
    %get3A_6 = arith.constant 0 : index
    %get3A_7 = vector.load %arg1[%get3A_4, %get3A_5, %get3A_6] : memref<2x1024x128xf32, #tpu.memory_space<vmem>>, vector<1x1024x128xf32>
    %get3A_8 = vector.shape_cast %get3A_7 : vector<1x1024x128xf32> to vector<1024x128xf32>
    %add3A = arith.addf %get3A_3, %get3A_8 : vector<1024x128xf32>
    %get3A_9 = arith.constant 0 : index
    %get3A_10 = arith.constant 0 : index
    %get3A_11 = vector.load %arg2[%get3A_9, %get3A_10] : memref<1024x32xf32, #tpu.memory_space<vmem>>, vector<1024x32xf32>
    %get3A_12 = arith.constant 0 : index
    %get3A_13 = arith.constant 0 : index
    %get3A_14 = vector.load %arg3[%get3A_12, %get3A_13] : memref<1x32xf32, #tpu.memory_space<vmem>>, vector<1x32xf32>
    %get3A_15 = arith.constant 0 : index
    %get3A_16 = arith.constant 0 : index
    %get3A_17 = vector.load %arg4[%get3A_15, %get3A_16] : memref<1x32xf32, #tpu.memory_space<vmem>>, vector<1x32xf32>
    %slice3A = vector.extract_strided_slice %add3A {offsets = [0, 0], sizes = [1024, 32], strides = [1, 1]} : vector<1024x128xf32> to vector<1024x32xf32>
    %slice3A_18 = vector.extract_strided_slice %add3A {offsets = [0, 32], sizes = [1024, 1], strides = [1, 1]} : vector<1024x128xf32> to vector<1024x1xf32>
    %add3A_19 = arith.constant 1.000000e-16 : f32
    %add3A_20 = vector.broadcast %add3A_19 : f32 to vector<1024x1xf32>
    %add3A_21 = arith.addf %slice3A_18, %add3A_20 : vector<1024x1xf32>
    %div3A = vector.broadcast %add3A_21 : vector<1024x1xf32> to vector<1024x32xf32>
    %div3A_22 = arith.divf %slice3A, %div3A : vector<1024x32xf32>
    %add3A_23 = arith.addf %div3A_22, %get3A_11 : vector<1024x32xf32>
    %reduce_sum3A = arith.constant dense<0.000000e+00> : vector<1024xf32>
    %reduce_sum3A_24 = vector.multi_reduction <add>, %add3A_23, %reduce_sum3A [1] : vector<1024x32xf32> to vector<1024xf32>
    %broadcast_in_dim3A = vector.shape_cast %reduce_sum3A_24 : vector<1024xf32> to vector<1024x1xf32>
    %div3A_25 = arith.constant 3.200000e+01 : f32
    %div3A_26 = vector.broadcast %div3A_25 : f32 to vector<1024x1xf32>
    %div3A_27 = arith.divf %broadcast_in_dim3A, %div3A_26 : vector<1024x1xf32>
    %sub3A = vector.broadcast %div3A_27 : vector<1024x1xf32> to vector<1024x32xf32>
    %sub3A_28 = arith.subf %add3A_23, %sub3A : vector<1024x32xf32>
    %mul3A = arith.mulf %sub3A_28, %sub3A_28 : vector<1024x32xf32>
    %reduce_sum3A_29 = arith.constant dense<0.000000e+00> : vector<1024xf32>
    %reduce_sum3A_30 = vector.multi_reduction <add>, %mul3A, %reduce_sum3A_29 [1] : vector<1024x32xf32> to vector<1024xf32>
    %broadcast_in_dim3A_31 = vector.shape_cast %reduce_sum3A_30 : vector<1024xf32> to vector<1024x1xf32>
    %div3A_32 = arith.constant 3.200000e+01 : f32
    %div3A_33 = vector.broadcast %div3A_32 : f32 to vector<1024x1xf32>
    %div3A_34 = arith.divf %broadcast_in_dim3A_31, %div3A_33 : vector<1024x1xf32>
    %add3A_35 = arith.constant 9.99999974E-6 : f32
    %add3A_36 = vector.broadcast %add3A_35 : f32 to vector<1024x1xf32>
    %add3A_37 = arith.addf %div3A_34, %add3A_36 : vector<1024x1xf32>
    %rsqrt3A = math.rsqrt %add3A_37 : vector<1024x1xf32>
    %mul3A_38 = vector.broadcast %rsqrt3A : vector<1024x1xf32> to vector<1024x32xf32>
    %mul3A_39 = arith.mulf %sub3A_28, %mul3A_38 : vector<1024x32xf32>
    %mul3A_40 = vector.broadcast %get3A_14 : vector<1x32xf32> to vector<1024x32xf32>
    %mul3A_41 = arith.mulf %mul3A_39, %mul3A_40 : vector<1024x32xf32>
    %add3A_42 = vector.broadcast %get3A_17 : vector<1x32xf32> to vector<1024x32xf32>
    %add3A_43 = arith.addf %mul3A_41, %add3A_42 : vector<1024x32xf32>
    %gt3A = arith.constant 0.000000e+00 : f32
    %gt3A_44 = vector.broadcast %gt3A : f32 to vector<1024x32xf32>
    %gt3A_45 = arith.cmpf ogt, %add3A_43, %gt3A_44 : vector<1024x32xf32>
    %exp3A = math.exp %add3A_43 : vector<1024x32xf32>
    %sub3A_46 = arith.constant 1.000000e+00 : f32
    %sub3A_47 = vector.broadcast %sub3A_46 : f32 to vector<1024x32xf32>
    %sub3A_48 = arith.subf %exp3A, %sub3A_47 : vector<1024x32xf32>
    %select_n3A = arith.select %gt3A_45, %add3A_43, %sub3A_48 : vector<1024x32xi1>, vector<1024x32xf32>
    %broadcast_in_dim3A_49 = arith.constant 0.000000e+00 : f32
    %broadcast_in_dim3A_50 = vector.broadcast %broadcast_in_dim3A_49 : f32 to vector<1024x96xf32>
    %concatenate3A = tpu.concatenate %select_n3A, %broadcast_in_dim3A_50 in 1 : vector<1024x32xf32>, vector<1024x96xf32> -> vector<1024x128xf32>
    %swap3A = arith.constant 0 : index
    %swap3A_51 = arith.constant 0 : index
    %swap3A_52 = vector.load %arg5[%swap3A, %swap3A_51] : memref<1024x128xf32, #tpu.memory_space<vmem>>, vector<1024x128xf32>
    tpu.vector_store %arg5[%swap3A, %swap3A_51], %concatenate3A {strides = array<i32>} : memref<1024x128xf32, #tpu.memory_space<vmem>>, vector<1024x128xf32>,
    return
  }
  func.func @transform_0(%arg0: i32) -> (i32, i32, i32) {
    %c0_i32 = arith.constant 0 : i32
    %c0_i32_0 = arith.constant 0 : i32
    %c0_i32_1 = arith.constant 0 : i32
    return %c0_i32, %arg0, %c0_i32_0 : i32, i32, i32
  }
  func.func @transform_1(%arg0: i32) -> (i32, i32) {
    %c0_i32 = arith.constant 0 : i32
    %c0_i32_0 = arith.constant 0 : i32
    return %arg0, %c0_i32 : i32, i32
  }
  func.func @transform_2(%arg0: i32) -> (i32, i32) {
    %c0_i32 = arith.constant 0 : i32
    %c0_i32_0 = arith.constant 0 : i32
    %c0_i32_1 = arith.constant 0 : i32
    return %c0_i32, %c0_i32_0 : i32, i32
  }
  func.func @transform_3(%arg0: i32) -> (i32, i32) {
    %c0_i32 = arith.constant 0 : i32
    %c0_i32_0 = arith.constant 0 : i32
    %c0_i32_1 = arith.constant 0 : i32
    return %c0_i32, %c0_i32_0 : i32, i32
  }
  func.func @transform_4(%arg0: i32) -> (i32, i32) {
    %c0_i32 = arith.constant 0 : i32
    %c0_i32_0 = arith.constant 0 : i32
    return %arg0, %c0_i32 : i32, i32
  }
}

</mosaic_0001>

<sc_bundles>
// kernel: kernel.12.cloned.1.call-start
scs
__scs_entry_jumppad:
0x0: {  	(pc) =	sbr.rel $0x88, $3  }
0x1: {  	(tag) =	ssettag $0x0;
	lr =	simm.s32 $0x1  }
0x2: {  	[smem:$0x3F93] =	sst lr;
	_ =	strace $0xD0000000  }
0x3: {  	_ = 	snop  }
0x4: {  	_ = 	snop  }
0x5: {  	_ = 	snop  }
0x6: {  	_ = 	snop  }
0x7: {  	_ = 	snop  }
__scs_overlays_trampoline_lowered:
0x8: {  	[smem:$0x3FA2] =	sst s0  }
0x9: {  	[smem:$0x3FA3] =	sst s1  }
0xa: {  	[smem:$0x3FA4] =	sst s2  }
0xb: {  	[smem:$0x3FA5] =	sst s3  }
0xc: {  	[smem:$0x3FA6] =	sst s4  }
0xd: {  	[smem:$0x3FA7] =	sst s5  }
0xe: {  	[smem:$0x3FA8] =	sst s6  }
0xf: {  	[smem:$0x3FA9] =	sst s7  }
0x10: {  	[smem:$0x3FAA] =	sst s8  }
0x11: {  	[smem:$0x3FAB] =	sst s9;
	s0 =	simm.s32 @!p0 $0x0  }
0x12: {  	s1 =	sld [smem:$0x3F91];
	s0 =	simm.s32 @p0 $0x1  }
0x13: {  	[smem:$0x3FAC] =	sst s0;
	s0 =	simm.s32 @!p1 $0x0  }
0x14: {  	s2 =	sld [smem:$0x3F90];
	s0 =	simm.s32 @p1 $0x1  }
0x15: {  	[smem:$0x3FAD] =	sst s0;
	s0 =	simm.s32 @!p2 $0x0  }
0x16: {  	s3 =	sld [smem:$0x3FDB];
	s0 =	simm.s32 @p2 $0x1  }
0x17: {  	s4 =	simm.s32 $0x1BF5;
	[smem:$0x3FAF] =	sst s0  }
0x18: {  	s0 =	sld [smem:$0x3F92];
	_ =	swait.ge [sflag:s4], $0x0  }
0x19: {  	s7 =	sld [smem:$0x3F93]  }
0x1a: {  	s8 =	sadd.s32 $0xFFFFE003, lr  }
0x1b: {  	s9 =	sadd.s32 $0xFFFFFEF7, lr;
	s5 =	simm.s32 $0xFFFFFFFF;
	p2 =	slt.u32 s8, $0xFFFFF086  }
0x1c: {  	p1 =	slt.u32 s9, $0xF7A;
	s5 =	simm.s32 @!p2 $0x0  }
0x1d: {  	s5 =	simm.s32 @p1 $0x1;
	p0 =	seq.s32 s7, s2  }
0x1e: {  	s7 =	smul.u32 @!p0 $0xF7A, s2;
	p2 =	seq.s32 @!p0 s5, $0x0  }
0x1f: {  	s9 =	smul.u32 $0xF7A, s1;
	s8 =	simm.s32 @!p0 $0x1BF5;
	p2 =	por !p2, p0  }
0x20: {  	[sflag:s8] =	ssyncset.s32 @!p0 $0xFFFFF086;
	s6 =	sadd.s32 @!p0 s3, s7;
	s7 =	simm.s32 @!p0 $0x108  }
0x21: {  	s3 =	sadd.s32 s3, s9;
	s6 =	sadd.s32 @!p0 $0x88, s6;
	s7 =	simm.s32 @p2 $0x1082  }
0x22: {  	[simem:s7], [sflag:s8] =	dma.local @!p0 [hbm:s6], $0xF7A  }
0x23: {  	s9 =	sor.u32 $0xD0000000, s2;
	s6 =	simm.s32 $0x108;
	_ =	swait.ge @!p0 [sflag:s8], $0x0  }
0x24: {  	s3 =	sadd.s32 $0x88, s3;
	s6 =	simm.s32 @!p1 $0x1082;
	[sflag:s4] =	ssyncset.s32 $0xFFFFF086  }
0x25: {  	[simem:s6], [sflag:s4] =	dma.local [hbm:s3], $0xF7A  }
0x26: {  	[smem:$0x3F93] =	sst s1;
	(tag) =	ssettag s2;
	_ =	strace s9  }
0x27: {  	s1 =	sld [smem:$0x3FA3]  }
0x28: {  	s2 =	sld [smem:$0x3FA4]  }
0x29: {  	s4 =	sld [smem:$0x3FA6]  }
0x2a: {  	p0 =	seq.s32 s5, $0x0;
	s5 =	sld [smem:$0x3FA7]  }
0x2b: {  	s6 =	sld [smem:$0x3FA8]  }
0x2c: {  	s7 =	sld [smem:$0x3FA9]  }
0x2d: {  	s3 =	simm.s32 $0x108;
	s8 =	sld [smem:$0x3FAA]  }
0x2e: {  	s3 =	simm.s32 @!p0 $0x1082;
	s9 =	sld [smem:$0x3FAB]  }
0x2f: {  	lr =	sadd.s32 s0, s3;
	s0 =	sld [smem:$0x3FA2]  }
0x30: {  	s3 =	sld [smem:$0x3FA5]  }
0x31: {  	[smem:$0x3FAE] =	sst s10  }
0x32: {  	s10 =	sld [smem:$0x3FAC];
	_ =	sdelay $0x3  }
0x33: {  	p0 =	seq.s32 s10, $0x1;
	s10 =	sld [smem:$0x3FAE];
	_ =	sdelay $0x3  }
0x34: {  	[smem:$0x3FAE] =	sst s10  }
0x35: {  	s10 =	sld [smem:$0x3FAD];
	_ =	sdelay $0x3  }
0x36: {  	p1 =	seq.s32 s10, $0x1;
	s10 =	sld [smem:$0x3FAE];
	_ =	sdelay $0x3  }
0x37: {  	[smem:$0x3FAE] =	sst s10  }
0x38: {  	s10 =	sld [smem:$0x3FAF]  }
0x39: {  	_ = 	snop;
	(pc) =	sbr.ind lr, $3  }
0x3a: {  	_ = 	snop  }
0x3b: {  	_ = 	snop  }
0x3c: {  	p2 =	seq.s32 s10, $0x1;
	s10 =	sld [smem:$0x3FAE]  }
0x3d: {  	_ =	shalt  }
0x3e: {  	_ =	shalt  }
0x3f: {  	_ =	shalt  }
0x40: {  	_ =	shalt  }
0x41: {  	_ =	shalt  }
0x42: {  	_ =	shalt  }
0x43: {  	_ =	shalt  }
0x44: {  	_ =	shalt  }
0x45: {  	_ =	shalt  }
0x46: {  	_ =	shalt  }
0x47: {  	_ =	shalt  }
0x48: {  	_ =	shalt  }
0x49: {  	_ =	shalt  }
0x4a: {  	_ =	shalt  }
0x4b: {  	_ =	shalt  }
0x4c: {  	_ =	shalt  }
0x4d: {  	_ =	shalt  }
0x4e: {  	_ =	shalt  }
0x4f: {  	_ =	shalt  }
0x50: {  	_ =	shalt  }
0x51: {  	_ =	shalt  }
0x52: {  	_ =	shalt  }
0x53: {  	_ =	shalt  }
0x54: {  	_ =	shalt  }
0x55: {  	_ =	shalt  }
0x56: {  	_ =	shalt  }
0x57: {  	_ =	shalt  }
0x58: {  	_ =	shalt  }
0x59: {  	_ =	shalt  }
0x5a: {  	_ =	shalt  }
0x5b: {  	_ =	shalt  }
0x5c: {  	_ =	shalt  }
0x5d: {  	_ =	shalt  }
0x5e: {  	_ =	shalt  }
0x5f: {  	_ =	shalt  }
0x60: {  	_ =	shalt  }
0x61: {  	_ =	shalt  }
0x62: {  	_ =	shalt  }
0x63: {  	_ =	shalt  }
0x64: {  	_ =	shalt  }
0x65: {  	_ =	shalt  }
0x66: {  	_ =	shalt  }
0x67: {  	_ =	shalt  }
0x68: {  	_ =	shalt  }
0x69: {  	_ =	shalt  }
0x6a: {  	_ =	shalt  }
0x6b: {  	_ =	shalt  }
0x6c: {  	_ =	shalt  }
0x6d: {  	_ =	shalt  }
0x6e: {  	_ =	shalt  }
0x6f: {  	_ =	shalt  }
0x70: {  	_ =	shalt  }
0x71: {  	_ =	shalt  }
0x72: {  	_ =	shalt  }
0x73: {  	_ =	shalt  }
0x74: {  	_ =	shalt  }
0x75: {  	_ =	shalt  }
0x76: {  	_ =	shalt  }
0x77: {  	_ =	shalt  }
0x78: {  	_ =	shalt  }
0x79: {  	_ =	shalt  }
0x7a: {  	_ =	shalt  }
0x7b: {  	_ =	shalt  }
0x7c: {  	_ =	shalt  }
0x7d: {  	_ =	shalt  }
0x7e: {  	_ =	shalt  }
0x7f: {  	_ =	shalt  }
0x80: {  	_ =	shalt  }
0x81: {  	_ =	shalt  }
0x82: {  	_ =	shalt  }
0x83: {  	_ =	shalt  }
0x84: {  	_ =	shalt  }
0x85: {  	_ =	shalt  }
0x86: {  	_ =	shalt  }
0x87: {  	_ =	shalt  }
.Lfunc_end0:
.L_simem_size_0:
called_computation.1_lowered:
.L_overlay_start_0:
0x88: {  	s2 =	sld [smem:$0x3FD9]  }
0x89: {  	s3 =	sld [smem:$0x3FFE];
	_ =	sdelay $0x1  }
0x8a: {  	s1 =	srdreg.scid  }
0x8b: {  	s0 =	sand.u32 $0x1, s1  }
0x8c: {  	s17 =	sshll.u32 s0, $0xA;
	s2 =	sadd.s32 s3, s2  }
0x8d: {  	s2 =	sadd.s32 s2, s17  }
0x8e: {  	[smem:$0x3FBA] =	sst s2  }
0x8f: {  	_ = 	snop  }
0x90: {  	s2 =	sld [smem:$0x3FD0];
	(tm) =	ssettm $0x1  }
0x91: {  	s18 =	sld [smem:$0x3FFB];
	_ =	sdelay $0x3  }
0x92: {  	_ =	strace s18  }
0x93: {  	s3 =	sld [smem:$0x3FFC];
	_ =	sdelay $0x3  }
0x94: {  	_ =	strace s3  }
0x95: {  	s3 =	sld [smem:$0x3FFD];
	_ =	sdelay $0x3  }
0x96: {  	_ =	strace s3  }
0x97: {  	_ =	strace $0x8FFFFFFF  }
0x98: {  	s19 =	sld [smem:$0x3FDB];
	_ =	sdelay $0x1  }
0x99: {  	s4 =	simm.s32 $_scs_section_size  }
0x9a: {  	s5 =	simm.s32 $_size__tile_overlayer_lowered;
	s6 =	simm.s32 $_tile_overlayer_lowered  }
0x9b: {  	s22 =	simm.s32 $0x1BFF;
	s21 =	sshll.u32 s6, $0x1;
	s3 =	sadd.s32 s4, s19  }
0x9c: {  	s7 =	simm.s32 $0x0;
	s20 =	sshll.u32 s5, $0x1;
	s5 =	sadd.s32 s21, s3  }
0x9d: {  	[timem:s7], [sflag:s22] =	dma.local [hbm:s5], s20  }
0x9e: {  	_ =	swait.ge [sflag:s22], s20  }
0x9f: {  	s4 =	ssub.s32 $0x0, s20;
	[sflag:s22] =	ssyncset.done $0x0  }
0xa0: {  	[sflag:s22] =	ssyncadd.s32 s4;
	_ =	sdelay $0x1  }
0xa1: {  	s23 =	simm.s32 $0x1B8B  }
0xa2: {  	_ =	swait.ge [sflag:s23], $0x1  }
0xa3: {  	[sflag:s23] =	ssyncset.done $0x0  }
0xa4: {  	s25 =	simm.s32 $0x1B8E;
	s24 =	sld [smem:$0x3FFE];
	[sflag:s23] =	ssyncadd.s32 $0xFFFFFFFF  }
0xa5: {  	s26 =	simm.s32 $execute0_lowered;
	[smem:$0x3FD2] =	sst s25  }
0xa6: {  	s5 =	sshll.u32 s26, $0x1;
	_ =	strace $0x80000049;
	[dreg:$0x1] =	wrdreg $0xFFFFFFFF  }
0xa7: {  	s28 =	simm.s32 $_size_execute0_lowered;
	s3 =	sadd.s32 s3, s5;
	[dreg:$0x0] =	wrdreg $0x0  }
0xa8: {  	s5 =	sshll.u32 s28, $0x1;
	[dreg:$0x2] =	wrdreg s3  }
0xa9: {  	[dreg:$0x3] =	wrdreg s5  }
0xaa: {  	[dreg:$0x4] =	wrdreg $0xC0  }
0xab: {  	_ =	task [dreg:s7], $0x5FFFF  }
0xac: {  	[dreg:$0x1] =	wrdreg $0xFFFFFFFF  }
0xad: {  	[dreg:$0x0] =	wrdreg $0x60  }
0xae: {  	[dreg:$0x2] =	wrdreg s24  }
0xaf: {  	[dreg:$0x3] =	wrdreg s2  }
0xb0: {  	[dreg:$0x4] =	wrdreg $0x0  }
0xb1: {  	[dreg:$0x5] =	wrdreg $0x9  }
0xb2: {  	_ =	task.clear_ibuf [dreg:s7], $0x6FFFF;
	_ =	strace $0x90000049  }
0xb3: {  	s29 =	simm.s32 $0x9;
	_ =	strace $0x8000004B  }
0xb4: {  	_ =	swait.ge [sflag:s29], $0x1  }
0xb5: {  	[sflag:s29] =	ssyncadd.s32 $0xFFFFFFFF  }
0xb6: {  	_ =	strace $0x9000004B  }
0xb7: {  	_ =	sfence  }
0xb8: {  	s30 =	sld [smem:$0x0];
	_ =	sdelay $0x2  }
0xb9: {  	s31 =	sshll.u32 s1, $0xD;
	s1 =	sshrl.u32 s1, $0x2  }
0xba: {  	s3 =	sand.u32 $0x4000, s31;
	s1 =	sadd.s32 s1, s30  }
0xbb: {  	s0 =	sor.u32 s3, s0;
	s1 =	sshll.u32 s1, $0x11  }
0xbc: {  	s0 =	sor.u32 s1, s0  }
0xbd: {  	s0 =	sadd.s32 $0x8F2B, s0  }
0xbe: {  	[sflag:s0] =	ssyncadd.remote.s32 $0x1  }
0xbf: {  	_ =	sfence.sel $0xFFFF  }
0xc0: {  	[dreg:$0x0] =	wrdreg $0xFFFFFFFF;
	(pc) =	sbr.abs _section_cstart, $3  }
0xc1: {  	[dreg:$0x1] =	wrdreg $0xFFFFFFFF  }
0xc2: {  	_ =	task.clear_ibuf [dreg:s7], $0x2FFFF;
	_ =	strace $0x9FFFFFFF  }
0xc3: {  	(tm) =	ssettm $0x7FFFFFFF  }
tec
execute0_lowered:
.L_overlay_start_1:
0x0: {  	(tag) =	ssettag $0x1  }
0x1: {  	s0 =	rddreg [dreg:$0x0]  }
0x2: {  	s11 =	rddreg [dreg:$0x1]  }
0x3: {  	s2 =	rddreg [dreg:$0x2]  }
0x4: {  	s3 =	simm.s32 $0x0;
	s21 =	srdreg.scid;
	s12 =	stileid.u32  }
0x5: {  	s29 =	simm.s32 $0x1B900;
	s30 =	simm.s32 $0x1B880;
	s31 =	simm.s32 $0x1  }
0x6: {  	[smem:$0x7FF] =	sst s3;
	s4 =	sadd.s32 $0x16A00, s0;
	s6 =	sadd.s32 $0x2A00, s0  }
0x7: {  	s1 =	sadd.s32 $0x52A00, s0;
	s8 =	sadd.s32 $0x2AA00, s0;
	s7 =	smul.u32 $0x50000, s12  }
0x8: {  	s0 =	sadd.s32 $0x53000, s0;
	s10 =	sshll.u32 s12, $0x1;
	s14 =	smul.u32 $0x14000, s12  }
0x9: {  	s23 =	sadd.s32 $0x10, s11;
	_ =	strace $0x8000004A;
	[dreg:$0x4] =	wrdreg s1  }
0xa: {  	s1 =	sand.u32 $0x1, s21;
	[dreg:$0x5] =	wrdreg s23;
	s23 =	simm.s32 $0x2  }
0xb: {  	s5 =	ssub.s32 $0x2, s1;
	s22 =	sor.u32 s1, s10;
	s7 =	sshrl.u32 s7, $0x2  }
0xc: {  	s24 =	sadd.s32 $0x4000, s14;
	s16 =	sadd.s32 $0x8000, s14;
	s18 =	sadd.s32 $0xC000, s14  }
0xd: {  	s1 =	smul.u32 $0x140000, s1;
	s19 =	sadd.s32 $0x10000, s14;
	s9 =	sshrl.u32 s5, $0x1  }
0xe: {  	s10 =	sadd.s32 s7, s2;
	s11 =	sadd.s32 s24, s2;
	s12 =	sadd.s32 s16, s2  }
0xf: {  	s13 =	sadd.s32 s18, s2;
	s5 =	ssub.s32 s5, s9;
	s15 =	sadd.s32 s14, s1  }
0x10: {  	s7 =	sadd.s32 s1, s24;
	s14 =	sadd.s32 s19, s2;
	s26 =	sadd.s32 s1, s16  }
0x11: {  	s28 =	sadd.s32 s1, s18;
	s1 =	sadd.s32 s1, s19;
	s24 =	simm.s32 $0x80  }
0x12: {  	s17 =	sshrl.u32 s15, $0x3;
	s7 =	sshrl.u32 s7, $0x3;
	s15 =	smul.u32 $0xA0, s22  }
0x13: {  	s9 =	sshrl.u32 s28, $0x3;
	s1 =	sshrl.u32 s1, $0x3;
	s21 =	smax.u32 s5, $0x1  }
0x14: {  	s22 =	simm.s32 $0x14000;
	s5 =	simm.s32 $0x0;
	s25 =	sadd.s32 s0, s17  }
0x15: {  	s17 =	sadd.s32 s0, s7;
	s7 =	sshrl.u32 s26, $0x3;
	s19 =	sadd.s32 s0, s9  }
0x16: {  	v1 =	vlaneseq.u32;
	s20 =	sadd.s32 s0, s1;
	s26 =	simm.s32 $0x16800;
	[dreg:$0x6] =	wrdreg s25  }
0x17: {  	v0 =	vimm.f32 $0.0e+00;
	v1 =	vmul.u32 $0x80, v1;
	s18 =	sadd.s32 s0, s7;
	s25 =	simm.s32 $0x100;
	s0 =	simm.s32 $0x1B800  }
.LBB2_1:
0x18: {  	s1 =	rddreg [dreg:$0x4]  }
0x19: {  	[tilespmem:s22], [sflag:$0x2] =	stream.linear.gather [hbm4b:s1+s3], $0x2800, $0x38;
	[tilespmem:$0x1F900] =	vst v63  }
0x1a: {  	_ =	swait.ge [sflag:s23], $0x2800  }
0x1b: {  	[sflag:s23] =	ssyncset.done $0x0  }
0x1c: {  	[sflag:s23] =	ssyncadd.s32 $0xFFFFD800  }
0x1d: {  	s16 =	rddreg [dreg:$0x1]  }
0x1e: {  	[tilespmem:s26], [sflag:$0x2] =	stream.strided.gather [hbm4b:s16+s24], $0x2800, s25, s24, $0x38;
	[tilespmem:$0x1F900] =	vst v63  }
0x1f: {  	_ =	swait.ge [sflag:s23], $0x2800  }
0x20: {  	[sflag:s23] =	ssyncset.done $0x0  }
0x21: {  	s7 =	simm.s32 $0x19000;
	s28 =	rddreg [dreg:$0x5];
	[sflag:s23] =	ssyncadd.s32 $0xFFFFD800  }
0x22: {  	[tilespmem:s7], [sflag:$0x2] =	stream.strided.gather [hbm4b:s28+s24], $0x2800, s25, s24, $0x38;
	[tilespmem:$0x1F900] =	vst v63  }
0x23: {  	_ =	swait.ge [sflag:s23], $0x2800  }
0x24: {  	[sflag:s23] =	ssyncset.done $0x0  }
0x25: {  	s1 =	simm.s32 $0x0;
	[sflag:s23] =	ssyncadd.s32 $0xFFFFD800  }
0x26: {  	s7 =	simm.s32 $0x40;
	v2 =	vld [tilespmem:s1+$0x19000]  }
.LBB2_2:
0x27: {  	p0 =	sne.s32 s7, $0x9FC0;
	v3 =	vld [tilespmem:s1+$0x16800];
	_ =	sdelay $0x4  }
0x28: {  	v2 =	vadd.f32 v2, v3;
	_ =	sdelay $0x1  }
0x29: {  	v2 =	vmax.f32 v2, $1.000000000e+00  }
0x2a: {  	(erf) = vrcp.f32 v2;
	_ =	sdelay $0x5  }
.Ltmp0:
0x2b: {  	(pc) =	sbr.rel @p0 .LBB2_2-.Ltmp0, $3  }
0x2c: {  	_ =	sdelay $0x1  }
0x2d: {  	s9 =	sshra.s32 s7, $0x2;
	v3 =	vpop (erf)  }
0x2e: {  	s7 =	sadd.s32 $0x40, s7;
	v2 =	vld [tilespmem:s9+$0x19000];
	[tilespmem:s1+$0x16800] =	vst v3;
	s1 =	smov.u32 s9  }
0x2f: {  	v3 =	vld [tilespmem:s1+$0x16800];
	_ =	sdelay $0x4  }
0x30: {  	v2 =	vadd.f32 v2, v3;
	_ =	sdelay $0x1  }
0x31: {  	v2 =	vmax.f32 v2, $1.000000000e+00  }
0x32: {  	(erf) = vrcp.f32 v2;
	_ =	sdelay $0x8  }
0x33: {  	v2 =	vpop (erf)  }
0x34: {  	s7 =	simm.s32 $0x200;
	[tilespmem:s1+$0x16800] =	vst v2;
	s1 =	simm.s32 $0x0  }
.LBB2_4:
0x35: {  	p0 =	sne.s32 s7, $0xFE00;
	[tilespmem:s1+$0x1B970] =	vst v0  }
0x36: {  	[tilespmem:s1+$0x1B900] =	vst v0  }
0x37: {  	[tilespmem:s1+$0x1B910] =	vst v0  }
.Ltmp1:
0x38: {  	[tilespmem:s1+$0x1B920] =	vst v0;
	(pc) =	sbr.rel @p0 .LBB2_4-.Ltmp1, $4  }
0x39: {  	[tilespmem:s1+$0x1B930] =	vst v0  }
0x3a: {  	[tilespmem:s1+$0x1B940] =	vst v0  }
0x3b: {  	[tilespmem:s1+$0x1B950] =	vst v0  }
0x3c: {  	[tilespmem:s1+$0x1B960] =	vst v0;
	s1 =	sshra.s32 s7, $0x2;
	s7 =	sadd.s32 $0x200, s7  }
0x3d: {  	[tilespmem:s1+$0x1B970] =	vst v0  }
0x3e: {  	[tilespmem:s1+$0x1B900] =	vst v0  }
0x3f: {  	[tilespmem:s1+$0x1B910] =	vst v0  }
0x40: {  	[tilespmem:s1+$0x1B920] =	vst v0  }
0x41: {  	[tilespmem:s1+$0x1B930] =	vst v0  }
0x42: {  	[tilespmem:s1+$0x1B940] =	vst v0  }
0x43: {  	[tilespmem:s1+$0x1B950] =	vst v0  }
0x44: {  	[tilespmem:s1+$0x1B960] =	vst v0  }
0x45: {  	[spmem:s10] =	stream.linear.scatter [tilespmem:s29], [sflag:$0x2], $0x4000, $0x38;
	[tilespmem:$0x1F900] =	vst v63  }
0x46: {  	_ =	swait.ge [sflag:s23], $0x4000  }
0x47: {  	[sflag:s23] =	ssyncset.done $0x0  }
0x48: {  	[sflag:s23] =	ssyncadd.s32 $0xFFFFC000  }
0x49: {  	[spmem:s11] =	stream.linear.scatter [tilespmem:s29], [sflag:$0x2], $0x4000, $0x38;
	[tilespmem:$0x1F900] =	vst v63  }
0x4a: {  	_ =	swait.ge [sflag:s23], $0x4000  }
0x4b: {  	[sflag:s23] =	ssyncset.done $0x0  }
0x4c: {  	[sflag:s23] =	ssyncadd.s32 $0xFFFFC000  }
0x4d: {  	[spmem:s12] =	stream.linear.scatter [tilespmem:s29], [sflag:$0x2], $0x4000, $0x38;
	[tilespmem:$0x1F900] =	vst v63  }
0x4e: {  	_ =	swait.ge [sflag:s23], $0x4000  }
0x4f: {  	[sflag:s23] =	ssyncset.done $0x0  }
0x50: {  	[sflag:s23] =	ssyncadd.s32 $0xFFFFC000  }
0x51: {  	[spmem:s13] =	stream.linear.scatter [tilespmem:s29], [sflag:$0x2], $0x4000, $0x38;
	[tilespmem:$0x1F900] =	vst v63  }
0x52: {  	_ =	swait.ge [sflag:s23], $0x4000  }
0x53: {  	[sflag:s23] =	ssyncset.done $0x0  }
0x54: {  	[sflag:s23] =	ssyncadd.s32 $0xFFFFC000  }
0x55: {  	[spmem:s14] =	stream.linear.scatter [tilespmem:s29], [sflag:$0x2], $0x4000, $0x38;
	[tilespmem:$0x1F900] =	vst v63  }
0x56: {  	_ =	swait.ge [sflag:s23], $0x4000  }
0x57: {  	[sflag:s23] =	ssyncset.done $0x0  }
0x58: {  	[sflag:s23] =	ssyncadd.s32 $0xFFFFC000  }
0x59: {  	s1 =	simm.s32 $0x0;
	s28 =	simm.s32 $0x0;
	[bflag:$0x0] =	sbarrier.arrive $0xFFFF  }
.LBB2_6:
0x5a: {  	s7 =	sadd.s32 s15, s28  }
0x5b: {  	s9 =	sshll.u32 s7, $0x4  }
0x5c: {  	s7 =	simm.s32 $0x1B800;
	s16 =	sadd.s32 s4, s9  }
0x5d: {  	[tilespmem:s7], [sflag:$0x2] =	stream.linear.gather [hbm4b:s16+s1], $0x80, $0x38;
	[tilespmem:$0x1F900] =	vst v63  }
0x5e: {  	_ =	swait.ge [sflag:s23], $0x80  }
0x5f: {  	[sflag:s23] =	ssyncset.done $0x0  }
0x60: {  	s9 =	sadd.s32 s6, s9;
	[sflag:s23] =	ssyncadd.s32 $0xFFFFFF80  }
0x61: {  	[tilespmem:s30], [sflag:$0x2] =	stream.linear.gather [hbm4b:s9+s1], $0x80, $0x38;
	[tilespmem:$0x1F900] =	vst v63  }
0x62: {  	_ =	swait.ge [sflag:s23], $0x80  }
0x63: {  	[sflag:s23] =	ssyncset.done $0x0  }
0x64: {  	[sflag:s23] =	ssyncadd.s32 $0xFFFFFF80  }
0x65: {  	[tilespmem:s29], [sflag:$0x1] =	stream.indirect.gather [hbm4b:s8+s24], $0x80, s30, s24, $0xb8;
	[tilespmem:$0x1F900] =	vst v63  }
0x66: {  	_ =	swait.ge [sflag:s31], $0x4000  }
0x67: {  	[sflag:s31] =	ssyncset.done $0x0  }
0x68: {  	s16 =	simm.s32 $0x0;
	s9 =	simm.s32 $0x1BD00;
	[sflag:s31] =	ssyncadd.s32 $0xFFFFC000  }
.LBB2_7:
0x69: {  	v2 =	vld [tilespmem:s7+$0x0]  }
0x6a: {  	v3 =	vmov s16  }
0x6b: {  	v3 =	vshll.u32 v3, $0x7  }
0x6c: {  	v3 =	vor.u32 v1, v3  }
0x6d: {  	v3 =	vor.u32 $0x41, v3;
	_ =	sdelay $0x3  }
0x6e: {  	v4 =	vld.idx.msk [tilespmem:v2+s22+$0x0], $0xffff  }
0x6f: {  	v3 =	vld.idx.msk [tilespmem:v3+s29+$0x0], $0xffff;
	_ =	sdelay $0x4  }
0x70: {  	v2 =	vld.idx.msk [tilespmem:v2+s26+$0x0], $0xffff;
	v3 =	vadd.f32 v3, v4;
	_ =	sdelay $0x1  }
0x71: {  	v4 =	vmul.f32 $2.000000030e-01, v3;
	_ =	sdelay $0x1  }
0x72: {  	v3 =	vmax.f32 v3, v4  }
0x73: {  	v2 =	vmul.f32 v3, v2;
	_ =	sdelay $0x1  }
0x74: {  	v2 =	vmul.f32 $1.442695020e+00, v2;
	_ =	sdelay $0x1  }
0x75: {  	(erf) = vpow2.f32 v2;
	_ =	sdelay $0x6  }
0x76: {  	v3 =	vld [tilespmem:s9+$0xFFFFFC00]  }
0x77: {  	v25 =	vld [tilespmem:s9+$0xFFFFFC80]  }
0x78: {  	v7 =	vld [tilespmem:s9+$0xFFFFFD80];
	v2 =	vpop (erf)  }
0x79: {  	v5 =	vld [tilespmem:s9+$0xFFFFFD00];
	v6 =	vbroadcast v2, $0x0  }
0x7a: {  	v11 =	vld [tilespmem:s9+$0xFFFFFE80];
	v8 =	vbroadcast v2, $0x1  }
0x7b: {  	v9 =	vld [tilespmem:s9+$0xFFFFFE00];
	v12 =	vbroadcast v2, $0x3;
	v3 =	vmul.f32 v6, v3  }
0x7c: {  	v13 =	vld [tilespmem:s9+$0xFFFFFF00];
	v10 =	vbroadcast v2, $0x2;
	v4 =	vmul.f32 v25, v8  }
0x7d: {  	v14 =	vld [tilespmem:s9+$0xFFFFFF80];
	v28 =	vbroadcast v2, $0x5;
	v27 =	vmul.f32 v7, v12;
	[tilespmem:s9+$0xFFFFFC00] =	vst v3  }
0x7e: {  	v15 =	vld [tilespmem:s9+$0xFFFFFC10];
	v26 =	vbroadcast v2, $0x4;
	v3 =	vmul.f32 v5, v10;
	[tilespmem:s9+$0xFFFFFC80] =	vst v4  }
0x7f: {  	v16 =	vld [tilespmem:s9+$0xFFFFFC90];
	v29 =	vbroadcast v2, $0x6;
	v30 =	vmul.f32 v11, v28;
	[tilespmem:s9+$0xFFFFFD80] =	vst v27  }
0x80: {  	v17 =	vld [tilespmem:s9+$0xFFFFFD10];
	v31 =	vbroadcast v2, $0x7;
	[tilespmem:s9+$0xFFFFFD00] =	vst v3;
	v3 =	vmul.f32 v9, v26  }
0x81: {  	v36 =	vld [tilespmem:s9+$0xFFFFFF90];
	v13 =	vmul.f32 v13, v29;
	[tilespmem:s9+$0xFFFFFE80] =	vst v30  }
0x82: {  	v14 =	vmul.f32 v14, v31;
	[tilespmem:s9+$0xFFFFFE00] =	vst v3;
	v3 =	vld [tilespmem:s9+$0xFFFFFD90]  }
0x83: {  	v53 =	vld [tilespmem:s9+$0xFFFFFDC0];
	v15 =	vmul.f32 v6, v15;
	[tilespmem:s9+$0xFFFFFF00] =	vst v13  }
0x84: {  	v55 =	vld [tilespmem:s9+$0xFFFFFEC0];
	v16 =	vmul.f32 v16, v8;
	[tilespmem:s9+$0xFFFFFF80] =	vst v14  }
0x85: {  	v57 =	vld [tilespmem:s9+$0xFFFFFFC0];
	v35 =	vmul.f32 v17, v10;
	[tilespmem:s9+$0xFFFFFC10] =	vst v15  }
0x86: {  	v60 =	vld [tilespmem:s9+$0x80];
	v17 =	vmul.f32 v36, v31;
	[tilespmem:s9+$0xFFFFFC90] =	vst v16  }
0x87: {  	v32 =	vld [tilespmem:s9+$0xFFFFFE10];
	[tilespmem:s9+$0xFFFFFD10] =	vst v35;
	v3 =	vmul.f32 v3, v12  }
0x88: {  	v33 =	vld [tilespmem:s9+$0xFFFFFE90];
	v58 =	vmul.f32 v53, v12;
	[tilespmem:s9+$0xFFFFFF90] =	vst v17  }
0x89: {  	v21 =	vbroadcast v2, $0x9;
	v61 =	vmul.f32 v55, v28;
	[tilespmem:s9+$0xFFFFFD90] =	vst v3;
	v3 =	vld [tilespmem:s9+$0xFFFFFD20]  }
0x8a: {  	v34 =	vld [tilespmem:s9+$0xFFFFFF10];
	v20 =	vmul.f32 v57, v31;
	[tilespmem:s9+$0xFFFFFDC0] =	vst v58  }
0x8b: {  	v37 =	vld [tilespmem:s9+$0xFFFFFC20];
	v25 =	vmul.f32 v60, v21;
	[tilespmem:s9+$0xFFFFFEC0] =	vst v61  }
0x8c: {  	v38 =	vld [tilespmem:s9+$0xFFFFFCA0];
	v4 =	vmul.f32 v32, v26;
	[tilespmem:s9+$0xFFFFFFC0] =	vst v20  }
0x8d: {  	v42 =	vld [tilespmem:s9+$0xFFFFFF20];
	v13 =	vmul.f32 v33, v28;
	[tilespmem:s9+$0x80] =	vst v25  }
0x8e: {  	v39 =	vld [tilespmem:s9+$0xFFFFFDA0];
	[tilespmem:s9+$0xFFFFFE10] =	vst v4;
	v3 =	vmul.f32 v3, v10  }
0x8f: {  	v40 =	vld [tilespmem:s9+$0xFFFFFE20];
	v14 =	vmul.f32 v34, v29;
	[tilespmem:s9+$0xFFFFFE90] =	vst v13  }
0x90: {  	v16 =	vmul.f32 v6, v37;
	[tilespmem:s9+$0xFFFFFD20] =	vst v3;
	v3 =	vld [tilespmem:s9+$0xFFFFFCB0]  }
0x91: {  	v41 =	vld [tilespmem:s9+$0xFFFFFEA0];
	v15 =	vmul.f32 v38, v8;
	[tilespmem:s9+$0xFFFFFF10] =	vst v14  }
0x92: {  	v43 =	vld [tilespmem:s9+$0xFFFFFFA0];
	v17 =	vmul.f32 v42, v29;
	[tilespmem:s9+$0xFFFFFC20] =	vst v16  }
0x93: {  	v44 =	vld [tilespmem:s9+$0xFFFFFC30];
	[tilespmem:s9+$0xFFFFFCA0] =	vst v15;
	v4 =	vmul.f32 v39, v12  }
0x94: {  	v48 =	vld [tilespmem:s9+$0xFFFFFEB0];
	v13 =	vmul.f32 v40, v26;
	[tilespmem:s9+$0xFFFFFF20] =	vst v17  }
0x95: {  	v45 =	vld [tilespmem:s9+$0xFFFFFD30];
	[tilespmem:s9+$0xFFFFFDA0] =	vst v4;
	v3 =	vmul.f32 v3, v8  }
0x96: {  	v46 =	vld [tilespmem:s9+$0xFFFFFDB0];
	v14 =	vmul.f32 v41, v28;
	[tilespmem:s9+$0xFFFFFE20] =	vst v13  }
0x97: {  	v16 =	vmul.f32 v43, v31;
	[tilespmem:s9+$0xFFFFFCB0] =	vst v3;
	v3 =	vld [tilespmem:s9+$0xFFFFFC40]  }
0x98: {  	v47 =	vld [tilespmem:s9+$0xFFFFFE30];
	v15 =	vmul.f32 v6, v44;
	[tilespmem:s9+$0xFFFFFEA0] =	vst v14  }
0x99: {  	v52 =	vld [tilespmem:s9+$0xFFFFFD40];
	v17 =	vmul.f32 v48, v28;
	[tilespmem:s9+$0xFFFFFFA0] =	vst v16  }
0x9a: {  	v49 =	vld [tilespmem:s9+$0xFFFFFF30];
	[tilespmem:s9+$0xFFFFFC30] =	vst v15;
	v4 =	vmul.f32 v45, v10  }
0x9b: {  	v54 =	vld [tilespmem:s9+$0xFFFFFE40];
	v13 =	vmul.f32 v46, v12;
	[tilespmem:s9+$0xFFFFFEB0] =	vst v17  }
0x9c: {  	v50 =	vld [tilespmem:s9+$0xFFFFFFB0];
	[tilespmem:s9+$0xFFFFFD30] =	vst v4;
	v3 =	vmul.f32 v3, v6  }
0x9d: {  	v56 =	vld [tilespmem:s9+$0xFFFFFF40];
	v14 =	vmul.f32 v47, v26;
	[tilespmem:s9+$0xFFFFFDB0] =	vst v13  }
0x9e: {  	v51 =	vld [tilespmem:s9+$0xFFFFFCC0];
	[tilespmem:s9+$0xFFFFFC40] =	vst v3;
	v3 =	vmul.f32 v52, v10  }
0x9f: {  	v59 =	vld [tilespmem:s9+$0x0];
	v16 =	vmul.f32 v49, v29;
	[tilespmem:s9+$0xFFFFFE30] =	vst v14  }
0xa0: {  	v27 =	vld [tilespmem:s9+$0x300];
	[tilespmem:s9+$0xFFFFFD40] =	vst v3;
	v3 =	vmul.f32 v54, v26  }
0xa1: {  	v62 =	vld [tilespmem:s9+$0x100];
	v15 =	vmul.f32 v50, v31;
	[tilespmem:s9+$0xFFFFFF30] =	vst v16  }
0xa2: {  	v63 =	vbroadcast v2, $0x8;
	v30 =	vld [tilespmem:s9+$0x10];
	[tilespmem:s9+$0xFFFFFE40] =	vst v3;
	v3 =	vmul.f32 v56, v29  }
0xa3: {  	v22 =	vld [tilespmem:s9+$0x200];
	v34 =	vbroadcast v2, $0xE;
	v4 =	vmul.f32 v51, v8;
	[tilespmem:s9+$0xFFFFFFB0] =	vst v15  }
0xa4: {  	v23 =	vbroadcast v2, $0xA;
	v33 =	vld [tilespmem:s9+$0x90];
	[tilespmem:s9+$0xFFFFFF40] =	vst v3;
	v3 =	vmul.f32 v59, v63  }
0xa5: {  	v48 =	vld [tilespmem:s9+$0x130];
	v13 =	vmul.f32 v27, v34;
	[tilespmem:s9+$0xFFFFFCC0] =	vst v4  }
0xa6: {  	v35 =	vld [tilespmem:s9+$0x110];
	v28 =	vbroadcast v2, $0xC;
	[tilespmem:s9+$0x0] =	vst v3;
	v3 =	vmul.f32 v62, v23  }
0xa7: {  	v37 =	vld [tilespmem:s9+$0x290];
	v15 =	vmul.f32 v30, v63;
	[tilespmem:s9+$0x300] =	vst v13  }
0xa8: {  	v40 =	vld [tilespmem:s9+$0x20];
	[tilespmem:s9+$0x100] =	vst v3;
	v3 =	vmul.f32 v22, v28  }
0xa9: {  	v24 =	vld [tilespmem:s9+$0x280];
	v16 =	vmul.f32 v33, v21;
	[tilespmem:s9+$0x10] =	vst v15  }
0xaa: {  	v32 =	vbroadcast v2, $0xD;
	v53 =	vmul.f32 v48, v23;
	[tilespmem:s9+$0x200] =	vst v3;
	v3 =	vld [tilespmem:s9+$0x190]  }
0xab: {  	v41 =	vld [tilespmem:s9+$0xA0];
	v4 =	vmul.f32 v35, v23;
	[tilespmem:s9+$0x90] =	vst v16  }
0xac: {  	v43 =	vld [tilespmem:s9+$0x220];
	v13 =	vmul.f32 v37, v32;
	[tilespmem:s9+$0x130] =	vst v53  }
0xad: {  	v47 =	vld [tilespmem:s9+$0x30];
	v16 =	vmul.f32 v40, v63;
	[tilespmem:s9+$0x110] =	vst v4;
	v26 =	vbroadcast v2, $0xB  }
0xae: {  	v36 =	vld [tilespmem:s9+$0x210];
	v12 =	vmul.f32 v24, v32;
	[tilespmem:s9+$0x290] =	vst v13  }
0xaf: {  	v55 =	vld [tilespmem:s9+$0xC0];
	[tilespmem:s9+$0x20] =	vst v16;
	v3 =	vmul.f32 v3, v26  }
0xb0: {  	v19 =	vld [tilespmem:s9+$0x180];
	v4 =	vmul.f32 v41, v21;
	[tilespmem:s9+$0x280] =	vst v12  }
0xb1: {  	v13 =	vmul.f32 v43, v28;
	[tilespmem:s9+$0x190] =	vst v3;
	v3 =	vld [tilespmem:s9+$0x120]  }
0xb2: {  	v39 =	vld [tilespmem:s9+$0x390];
	[tilespmem:s9+$0xA0] =	vst v4;
	v4 =	vmul.f32 v47, v63  }
0xb3: {  	v42 =	vld [tilespmem:s9+$0x1A0];
	v12 =	vmul.f32 v36, v28;
	[tilespmem:s9+$0x220] =	vst v13  }
0xb4: {  	v46 =	vld [tilespmem:s9+$0x3A0];
	[tilespmem:s9+$0x30] =	vst v4;
	v4 =	vmul.f32 v55, v21  }
0xb5: {  	v49 =	vld [tilespmem:s9+$0x1B0];
	[tilespmem:s9+$0x210] =	vst v12;
	v2 =	vbroadcast v2, $0xF;
	v31 =	vmul.f32 v19, v26  }
0xb6: {  	v45 =	vld [tilespmem:s9+$0x320];
	[tilespmem:s9+$0xC0] =	vst v4;
	v3 =	vmul.f32 v3, v23  }
0xb7: {  	v52 =	vld [tilespmem:s9+$0x330];
	v15 =	vmul.f32 v39, v2;
	[tilespmem:s9+$0x180] =	vst v31  }
0xb8: {  	v12 =	vmul.f32 v42, v26;
	[tilespmem:s9+$0x120] =	vst v3;
	v3 =	vld [tilespmem:s9+$0xB0]  }
0xb9: {  	v54 =	vld [tilespmem:s9+$0x3B0];
	v16 =	vmul.f32 v46, v2;
	[tilespmem:s9+$0x390] =	vst v15  }
0xba: {  	v51 =	vld [tilespmem:s9+$0x2B0];
	v13 =	vmul.f32 v49, v26;
	[tilespmem:s9+$0x1A0] =	vst v12  }
0xbb: {  	v57 =	vld [tilespmem:s9+$0x1C0];
	v15 =	vmul.f32 v45, v34;
	[tilespmem:s9+$0x3A0] =	vst v16  }
0xbc: {  	v29 =	vld [tilespmem:s9+$0x380];
	[tilespmem:s9+$0x1B0] =	vst v13;
	v16 =	vmul.f32 v52, v34  }
0xbd: {  	v61 =	vld [tilespmem:s9+$0x3C0];
	[tilespmem:s9+$0x320] =	vst v15;
	v3 =	vmul.f32 v3, v21  }
0xbe: {  	v38 =	vld [tilespmem:s9+$0x310];
	v12 =	vmul.f32 v54, v2;
	[tilespmem:s9+$0x330] =	vst v16  }
0xbf: {  	v15 =	vmul.f32 v51, v32;
	[tilespmem:s9+$0xB0] =	vst v3;
	v3 =	vld [tilespmem:s9+$0x40]  }
0xc0: {  	v44 =	vld [tilespmem:s9+$0x2A0];
	v62 =	vmul.f32 v57, v26;
	[tilespmem:s9+$0x3B0] =	vst v12  }
0xc1: {  	v56 =	vld [tilespmem:s9+$0x140];
	v14 =	vmul.f32 v29, v2;
	[tilespmem:s9+$0x2B0] =	vst v15  }
0xc2: {  	v50 =	vld [tilespmem:s9+$0x230];
	v2 =	vmul.f32 v61, v2;
	[tilespmem:s9+$0x1C0] =	vst v62  }
0xc3: {  	v58 =	vld [tilespmem:s9+$0x240];
	[tilespmem:s9+$0x380] =	vst v14;
	v14 =	vmul.f32 v38, v34  }
0xc4: {  	v59 =	vld [tilespmem:s9+$0x2C0];
	[tilespmem:s9+$0x3C0] =	vst v2;
	v3 =	vmul.f32 v3, v63  }
0xc5: {  	v60 =	vld [tilespmem:s9+$0x340];
	[tilespmem:s9+$0x310] =	vst v14;
	v14 =	vmul.f32 v44, v32  }
0xc6: {  	[tilespmem:s9+$0x40] =	vst v3;
	v3 =	vmul.f32 v56, v23  }
0xc7: {  	p0 =	sne.s32 s16, $0x70;
	[tilespmem:s9+$0x2A0] =	vst v14;
	v14 =	vmul.f32 v50, v28  }
.Ltmp2:
0xc8: {  	[tilespmem:s9+$0x140] =	vst v3;
	v3 =	vmul.f32 v58, v28;
	(pc) =	sbr.rel @p0 .LBB2_7-.Ltmp2, $4  }
0xc9: {  	[tilespmem:s9+$0x230] =	vst v14;
	v63 =	vmul.f32 v59, v32  }
0xca: {  	[tilespmem:s9+$0x240] =	vst v3;
	v3 =	vmul.f32 v60, v34  }
0xcb: {  	[tilespmem:s9+$0x2C0] =	vst v63  }
0xcc: {  	s7 =	sadd.s32 $0x10, s7;
	s16 =	sadd.s32 $0x10, s16;
	[tilespmem:s9+$0x340] =	vst v3;
	s9 =	sadd.s32 $0x800, s9  }
0xcd: {  	s28 =	sadd.s32 $0x1, s28  }
0xce: {  	p0 =	sne.s32 s28, $0xA0  }
.Ltmp3:
0xcf: {  	_ = 	snop;
	(pc) =	sbr.rel @p0 .LBB2_6-.Ltmp3, $4  }
0xd0: {  	[spmem:s2] =	stream.indirect.scatter.add.f32 [tilespmem:s29], [sflag:$0x2], $0x80, s0, s24, $0xb8;
	[tilespmem:$0x1F900] =	vst v63  }
0xd1: {  	_ =	swait.ge [sflag:s23], $0x4000  }
0xd2: {  	[sflag:s23] =	ssyncset.done $0x0  }
0xd3: {  	[sflag:s23] =	ssyncadd.s32 $0xFFFFC000  }
0xd4: {  	[bflag:$0x0] =	sbarrier.arrive $0xFFFF  }
0xd5: {  	[tilespmem:s29], [sflag:$0x2] =	stream.linear.gather [spmem:s10], $0x4000, $0x38;
	[tilespmem:$0x1F900] =	vst v63  }
0xd6: {  	_ =	swait.ge [sflag:s23], $0x4000  }
0xd7: {  	[sflag:s23] =	ssyncset.done $0x0  }
0xd8: {  	s1 =	rddreg [dreg:$0x6];
	[sflag:s23] =	ssyncadd.s32 $0xFFFFC000  }
0xd9: {  	[hbm4b:s1+s3] =	stream.linear.scatter [tilespmem:s29], [sflag:$0x2], $0x4000, $0x38;
	[tilespmem:$0x1F900] =	vst v63  }
0xda: {  	_ =	swait.ge [sflag:s23], $0x4000  }
0xdb: {  	[sflag:s23] =	ssyncset.done $0x0  }
0xdc: {  	[sflag:s23] =	ssyncadd.s32 $0xFFFFC000  }
0xdd: {  	[tilespmem:s29], [sflag:$0x2] =	stream.linear.gather [spmem:s11], $0x4000, $0x38;
	[tilespmem:$0x1F900] =	vst v63  }
0xde: {  	_ =	swait.ge [sflag:s23], $0x4000  }
0xdf: {  	[sflag:s23] =	ssyncset.done $0x0  }
0xe0: {  	[sflag:s23] =	ssyncadd.s32 $0xFFFFC000  }
0xe1: {  	[hbm4b:s17+s3] =	stream.linear.scatter [tilespmem:s29], [sflag:$0x2], $0x4000, $0x38;
	[tilespmem:$0x1F900] =	vst v63  }
0xe2: {  	_ =	swait.ge [sflag:s23], $0x4000  }
0xe3: {  	[sflag:s23] =	ssyncset.done $0x0  }
0xe4: {  	[sflag:s23] =	ssyncadd.s32 $0xFFFFC000  }
0xe5: {  	[tilespmem:s29], [sflag:$0x2] =	stream.linear.gather [spmem:s12], $0x4000, $0x38;
	[tilespmem:$0x1F900] =	vst v63  }
0xe6: {  	_ =	swait.ge [sflag:s23], $0x4000  }
0xe7: {  	[sflag:s23] =	ssyncset.done $0x0  }
0xe8: {  	[sflag:s23] =	ssyncadd.s32 $0xFFFFC000  }
0xe9: {  	[hbm4b:s18+s3] =	stream.linear.scatter [tilespmem:s29], [sflag:$0x2], $0x4000, $0x38;
	[tilespmem:$0x1F900] =	vst v63  }
0xea: {  	_ =	swait.ge [sflag:s23], $0x4000  }
0xeb: {  	[sflag:s23] =	ssyncset.done $0x0  }
0xec: {  	[sflag:s23] =	ssyncadd.s32 $0xFFFFC000  }
0xed: {  	[tilespmem:s29], [sflag:$0x2] =	stream.linear.gather [spmem:s13], $0x4000, $0x38;
	[tilespmem:$0x1F900] =	vst v63  }
0xee: {  	_ =	swait.ge [sflag:s23], $0x4000  }
0xef: {  	[sflag:s23] =	ssyncset.done $0x0  }
0xf0: {  	[sflag:s23] =	ssyncadd.s32 $0xFFFFC000  }
0xf1: {  	[hbm4b:s19+s3] =	stream.linear.scatter [tilespmem:s29], [sflag:$0x2], $0x4000, $0x38;
	[tilespmem:$0x1F900] =	vst v63  }
0xf2: {  	_ =	swait.ge [sflag:s23], $0x4000  }
0xf3: {  	[sflag:s23] =	ssyncset.done $0x0  }
0xf4: {  	[sflag:s23] =	ssyncadd.s32 $0xFFFFC000  }
0xf5: {  	[tilespmem:s29], [sflag:$0x2] =	stream.linear.gather [spmem:s14], $0x4000, $0x38;
	[tilespmem:$0x1F900] =	vst v63  }
0xf6: {  	s5 =	sadd.s32 $0x1, s5;
	_ =	swait.ge [sflag:s23], $0x4000  }
0xf7: {  	p0 =	sne.s32 s5, s21;
	[sflag:s23] =	ssyncset.done $0x0  }
.Ltmp4:
0xf8: {  	[sflag:s23] =	ssyncadd.s32 $0xFFFFC000;
	(pc) =	sbr.rel @p0 .LBB2_1-.Ltmp4, $4  }
0xf9: {  	[hbm4b:s20+s3] =	stream.linear.scatter [tilespmem:s29], [sflag:$0x2], $0x4000, $0x38;
	[tilespmem:$0x1F900] =	vst v63  }
0xfa: {  	_ =	swait.ge [sflag:s23], $0x4000  }
0xfb: {  	[sflag:s23] =	ssyncset.done $0x0  }
0xfc: {  	[sflag:s23] =	ssyncadd.s32 $0xFFFFC000  }
0xfd: {  	_ =	sfence.sel $0x180000  }
0xfe: {  	[bflag:$0x0] =	sbarrier.arrive $0xFFFF  }
0xff: {  	_ =	strace $0x9000004A  }
0x100: {  	s0 =	stileid.u32;
	[bflag:$0x2] =	sbarrier.arrive $0xFFFF  }
0x101: {  	p0 =	sne.s32 s0, $0x0;
	s0 =	rddreg [dreg:$0x3]  }
0x102: {  	s0 =	sadd.s32 @!p0 $0x100000, s0  }
0x103: {  	[sflag:s0] =	ssyncadd.tile.s32 @!p0 $0x1;
	_ =	shalt  }
.Lfunc_end2:
_tile_overlayer_lowered:
.L_overlay_start_2:
0x104: {  	(tag) =	ssettag $0x2  }
0x105: {  	s0 =	rddreg [dreg:$0x0];
	s2 =	stileid.u32  }
0x106: {  	s1 =	rddreg [dreg:$0x1];
	p0 =	sne.s32 s2, $0x0  }
0x107: {  	s3 =	rddreg [dreg:$0x2];
	[bflag:$0x3] =	sbarrier.arrive $0xFFFF;
	s2 =	simm.s32 @!p0 $0x1C02  }
0x108: {  	[timem:s3], [sflag:s2] =	dma.local @!p0 [hbm:s0], s1  }
0x109: {  	s0 =	simm.s32 @!p0 $0x2  }
0x10a: {  	_ =	swait.ge @!p0 [sflag:s0], s1  }
0x10b: {  	s1 =	ssub.s32 @!p0 $0x0, s1;
	[sflag:s0] =	ssyncset.done @!p0 $0x0  }
0x10c: {  	[sflag:s0] =	ssyncadd.s32 @!p0 s1  }
0x10d: {  	[bflag:$0x3] =	sbarrier.arrive $0xFFFF  }
0x10e: {  	_ =	shalt  }

// kernel: kernel.15.cloned.1.call-start
scs
__scs_entry_jumppad:
0x0: {  	(pc) =	sbr.rel $0x88, $3  }
0x1: {  	(tag) =	ssettag $0x0;
	lr =	simm.s32 $0x1  }
0x2: {  	[smem:$0x3F93] =	sst lr;
	_ =	strace $0xD0000000  }
0x3: {  	_ = 	snop  }
0x4: {  	_ = 	snop  }
0x5: {  	_ = 	snop  }
0x6: {  	_ = 	snop  }
0x7: {  	_ = 	snop  }
__scs_overlays_trampoline_lowered:
0x8: {  	[smem:$0x3FA2] =	sst s0  }
0x9: {  	[smem:$0x3FA3] =	sst s1  }
0xa: {  	[smem:$0x3FA4] =	sst s2  }
0xb: {  	[smem:$0x3FA5] =	sst s3  }
0xc: {  	[smem:$0x3FA6] =	sst s4  }
0xd: {  	[smem:$0x3FA7] =	sst s5  }
0xe: {  	[smem:$0x3FA8] =	sst s6  }
0xf: {  	[smem:$0x3FA9] =	sst s7  }
0x10: {  	[smem:$0x3FAA] =	sst s8  }
0x11: {  	[smem:$0x3FAB] =	sst s9;
	s0 =	simm.s32 @!p0 $0x0  }
0x12: {  	s1 =	sld [smem:$0x3F91];
	s0 =	simm.s32 @p0 $0x1  }
0x13: {  	[smem:$0x3FAC] =	sst s0;
	s0 =	simm.s32 @!p1 $0x0  }
0x14: {  	s2 =	sld [smem:$0x3F90];
	s0 =	simm.s32 @p1 $0x1  }
0x15: {  	[smem:$0x3FAD] =	sst s0;
	s0 =	simm.s32 @!p2 $0x0  }
0x16: {  	s3 =	sld [smem:$0x3FDB];
	s0 =	simm.s32 @p2 $0x1  }
0x17: {  	s4 =	simm.s32 $0x1BF5;
	[smem:$0x3FAF] =	sst s0  }
0x18: {  	s0 =	sld [smem:$0x3F92];
	_ =	swait.ge [sflag:s4], $0x0  }
0x19: {  	s7 =	sld [smem:$0x3F93]  }
0x1a: {  	s8 =	sadd.s32 $0xFFFFE003, lr  }
0x1b: {  	s9 =	sadd.s32 $0xFFFFFEF7, lr;
	s5 =	simm.s32 $0xFFFFFFFF;
	p2 =	slt.u32 s8, $0xFFFFF086  }
0x1c: {  	p1 =	slt.u32 s9, $0xF7A;
	s5 =	simm.s32 @!p2 $0x0  }
0x1d: {  	s5 =	simm.s32 @p1 $0x1;
	p0 =	seq.s32 s7, s2  }
0x1e: {  	s7 =	smul.u32 @!p0 $0xF7A, s2;
	p2 =	seq.s32 @!p0 s5, $0x0  }
0x1f: {  	s9 =	smul.u32 $0xF7A, s1;
	s8 =	simm.s32 @!p0 $0x1BF5;
	p2 =	por !p2, p0  }
0x20: {  	[sflag:s8] =	ssyncset.s32 @!p0 $0xFFFFF086;
	s6 =	sadd.s32 @!p0 s3, s7;
	s7 =	simm.s32 @!p0 $0x108  }
0x21: {  	s3 =	sadd.s32 s3, s9;
	s6 =	sadd.s32 @!p0 $0x88, s6;
	s7 =	simm.s32 @p2 $0x1082  }
0x22: {  	[simem:s7], [sflag:s8] =	dma.local @!p0 [hbm:s6], $0xF7A  }
0x23: {  	s9 =	sor.u32 $0xD0000000, s2;
	s6 =	simm.s32 $0x108;
	_ =	swait.ge @!p0 [sflag:s8], $0x0  }
0x24: {  	s3 =	sadd.s32 $0x88, s3;
	s6 =	simm.s32 @!p1 $0x1082;
	[sflag:s4] =	ssyncset.s32 $0xFFFFF086  }
0x25: {  	[simem:s6], [sflag:s4] =	dma.local [hbm:s3], $0xF7A  }
0x26: {  	[smem:$0x3F93] =	sst s1;
	(tag) =	ssettag s2;
	_ =	strace s9  }
0x27: {  	s1 =	sld [smem:$0x3FA3]  }
0x28: {  	s2 =	sld [smem:$0x3FA4]  }
0x29: {  	s4 =	sld [smem:$0x3FA6]  }
0x2a: {  	p0 =	seq.s32 s5, $0x0;
	s5 =	sld [smem:$0x3FA7]  }
0x2b: {  	s6 =	sld [smem:$0x3FA8]  }
0x2c: {  	s7 =	sld [smem:$0x3FA9]  }
0x2d: {  	s3 =	simm.s32 $0x108;
	s8 =	sld [smem:$0x3FAA]  }
0x2e: {  	s3 =	simm.s32 @!p0 $0x1082;
	s9 =	sld [smem:$0x3FAB]  }
0x2f: {  	lr =	sadd.s32 s0, s3;
	s0 =	sld [smem:$0x3FA2]  }
0x30: {  	s3 =	sld [smem:$0x3FA5]  }
0x31: {  	[smem:$0x3FAE] =	sst s10  }
0x32: {  	s10 =	sld [smem:$0x3FAC];
	_ =	sdelay $0x3  }
0x33: {  	p0 =	seq.s32 s10, $0x1;
	s10 =	sld [smem:$0x3FAE];
	_ =	sdelay $0x3  }
0x34: {  	[smem:$0x3FAE] =	sst s10  }
0x35: {  	s10 =	sld [smem:$0x3FAD];
	_ =	sdelay $0x3  }
0x36: {  	p1 =	seq.s32 s10, $0x1;
	s10 =	sld [smem:$0x3FAE];
	_ =	sdelay $0x3  }
0x37: {  	[smem:$0x3FAE] =	sst s10  }
0x38: {  	s10 =	sld [smem:$0x3FAF]  }
0x39: {  	_ = 	snop;
	(pc) =	sbr.ind lr, $3  }
0x3a: {  	_ = 	snop  }
0x3b: {  	_ = 	snop  }
0x3c: {  	p2 =	seq.s32 s10, $0x1;
	s10 =	sld [smem:$0x3FAE]  }
0x3d: {  	_ =	shalt  }
0x3e: {  	_ =	shalt  }
0x3f: {  	_ =	shalt  }
0x40: {  	_ =	shalt  }
0x41: {  	_ =	shalt  }
0x42: {  	_ =	shalt  }
0x43: {  	_ =	shalt  }
0x44: {  	_ =	shalt  }
0x45: {  	_ =	shalt  }
0x46: {  	_ =	shalt  }
0x47: {  	_ =	shalt  }
0x48: {  	_ =	shalt  }
0x49: {  	_ =	shalt  }
0x4a: {  	_ =	shalt  }
0x4b: {  	_ =	shalt  }
0x4c: {  	_ =	shalt  }
0x4d: {  	_ =	shalt  }
0x4e: {  	_ =	shalt  }
0x4f: {  	_ =	shalt  }
0x50: {  	_ =	shalt  }
0x51: {  	_ =	shalt  }
0x52: {  	_ =	shalt  }
0x53: {  	_ =	shalt  }
0x54: {  	_ =	shalt  }
0x55: {  	_ =	shalt  }
0x56: {  	_ =	shalt  }
0x57: {  	_ =	shalt  }
0x58: {  	_ =	shalt  }
0x59: {  	_ =	shalt  }
0x5a: {  	_ =	shalt  }
0x5b: {  	_ =	shalt  }
0x5c: {  	_ =	shalt  }
0x5d: {  	_ =	shalt  }
0x5e: {  	_ =	shalt  }
0x5f: {  	_ =	shalt  }
0x60: {  	_ =	shalt  }
0x61: {  	_ =	shalt  }
0x62: {  	_ =	shalt  }
0x63: {  	_ =	shalt  }
0x64: {  	_ =	shalt  }
0x65: {  	_ =	shalt  }
0x66: {  	_ =	shalt  }
0x67: {  	_ =	shalt  }
0x68: {  	_ =	shalt  }
0x69: {  	_ =	shalt  }
0x6a: {  	_ =	shalt  }
0x6b: {  	_ =	shalt  }
0x6c: {  	_ =	shalt  }
0x6d: {  	_ =	shalt  }
0x6e: {  	_ =	shalt  }
0x6f: {  	_ =	shalt  }
0x70: {  	_ =	shalt  }
0x71: {  	_ =	shalt  }
0x72: {  	_ =	shalt  }
0x73: {  	_ =	shalt  }
0x74: {  	_ =	shalt  }
0x75: {  	_ =	shalt  }
0x76: {  	_ =	shalt  }
0x77: {  	_ =	shalt  }
0x78: {  	_ =	shalt  }
0x79: {  	_ =	shalt  }
0x7a: {  	_ =	shalt  }
0x7b: {  	_ =	shalt  }
0x7c: {  	_ =	shalt  }
0x7d: {  	_ =	shalt  }
0x7e: {  	_ =	shalt  }
0x7f: {  	_ =	shalt  }
0x80: {  	_ =	shalt  }
0x81: {  	_ =	shalt  }
0x82: {  	_ =	shalt  }
0x83: {  	_ =	shalt  }
0x84: {  	_ =	shalt  }
0x85: {  	_ =	shalt  }
0x86: {  	_ =	shalt  }
0x87: {  	_ =	shalt  }
.Lfunc_end0:
.L_simem_size_0:
called_computation.2_lowered:
.L_overlay_start_0:
0x88: {  	s2 =	sld [smem:$0x3FD9]  }
0x89: {  	s3 =	sld [smem:$0x3FFE];
	_ =	sdelay $0x1  }
0x8a: {  	s1 =	srdreg.scid  }
0x8b: {  	s0 =	sand.u32 $0x1, s1  }
0x8c: {  	s17 =	sshll.u32 s0, $0xA;
	s2 =	sadd.s32 s3, s2  }
0x8d: {  	s2 =	sadd.s32 s2, s17  }
0x8e: {  	[smem:$0x3FBA] =	sst s2  }
0x8f: {  	_ = 	snop  }
0x90: {  	s2 =	sld [smem:$0x3FD0];
	(tm) =	ssettm $0x1  }
0x91: {  	s18 =	sld [smem:$0x3FFB];
	_ =	sdelay $0x3  }
0x92: {  	_ =	strace s18  }
0x93: {  	s3 =	sld [smem:$0x3FFC];
	_ =	sdelay $0x3  }
0x94: {  	_ =	strace s3  }
0x95: {  	s3 =	sld [smem:$0x3FFD];
	_ =	sdelay $0x3  }
0x96: {  	_ =	strace s3  }
0x97: {  	_ =	strace $0x8FFFFFFF  }
0x98: {  	s19 =	sld [smem:$0x3FDB];
	_ =	sdelay $0x1  }
0x99: {  	s4 =	simm.s32 $_scs_section_size  }
0x9a: {  	s5 =	simm.s32 $_size__tile_overlayer_lowered;
	s6 =	simm.s32 $_tile_overlayer_lowered  }
0x9b: {  	s22 =	simm.s32 $0x1BFF;
	s21 =	sshll.u32 s6, $0x1;
	s3 =	sadd.s32 s4, s19  }
0x9c: {  	s7 =	simm.s32 $0x0;
	s20 =	sshll.u32 s5, $0x1;
	s5 =	sadd.s32 s21, s3  }
0x9d: {  	[timem:s7], [sflag:s22] =	dma.local [hbm:s5], s20  }
0x9e: {  	_ =	swait.ge [sflag:s22], s20  }
0x9f: {  	s4 =	ssub.s32 $0x0, s20;
	[sflag:s22] =	ssyncset.done $0x0  }
0xa0: {  	[sflag:s22] =	ssyncadd.s32 s4;
	_ =	sdelay $0x1  }
0xa1: {  	s23 =	simm.s32 $0x1B8B  }
0xa2: {  	_ =	swait.ge [sflag:s23], $0x1  }
0xa3: {  	[sflag:s23] =	ssyncset.done $0x0  }
0xa4: {  	s25 =	simm.s32 $0x1B8E;
	s24 =	sld [smem:$0x3FFE];
	[sflag:s23] =	ssyncadd.s32 $0xFFFFFFFF  }
0xa5: {  	s26 =	simm.s32 $execute0_lowered;
	[smem:$0x3FD2] =	sst s25  }
0xa6: {  	s5 =	sshll.u32 s26, $0x1;
	_ =	strace $0x8000004C;
	[dreg:$0x1] =	wrdreg $0xFFFFFFFF  }
0xa7: {  	s28 =	simm.s32 $_size_execute0_lowered;
	s3 =	sadd.s32 s3, s5;
	[dreg:$0x0] =	wrdreg $0x0  }
0xa8: {  	s5 =	sshll.u32 s28, $0x1;
	[dreg:$0x2] =	wrdreg s3  }
0xa9: {  	[dreg:$0x3] =	wrdreg s5  }
0xaa: {  	[dreg:$0x4] =	wrdreg $0xC0  }
0xab: {  	_ =	task [dreg:s7], $0x5FFFF  }
0xac: {  	[dreg:$0x1] =	wrdreg $0xFFFFFFFF  }
0xad: {  	[dreg:$0x0] =	wrdreg $0x60  }
0xae: {  	[dreg:$0x2] =	wrdreg s24  }
0xaf: {  	[dreg:$0x3] =	wrdreg s2  }
0xb0: {  	[dreg:$0x4] =	wrdreg $0x0  }
0xb1: {  	[dreg:$0x5] =	wrdreg $0x9  }
0xb2: {  	_ =	task.clear_ibuf [dreg:s7], $0x6FFFF;
	_ =	strace $0x9000004C  }
0xb3: {  	s29 =	simm.s32 $0x9;
	_ =	strace $0x8000004E  }
0xb4: {  	_ =	swait.ge [sflag:s29], $0x1  }
0xb5: {  	[sflag:s29] =	ssyncadd.s32 $0xFFFFFFFF  }
0xb6: {  	_ =	strace $0x9000004E  }
0xb7: {  	_ =	sfence  }
0xb8: {  	s30 =	sld [smem:$0x0];
	_ =	sdelay $0x2  }
0xb9: {  	s31 =	sshll.u32 s1, $0xD;
	s1 =	sshrl.u32 s1, $0x2  }
0xba: {  	s3 =	sand.u32 $0x4000, s31;
	s1 =	sadd.s32 s1, s30  }
0xbb: {  	s0 =	sor.u32 s3, s0;
	s1 =	sshll.u32 s1, $0x11  }
0xbc: {  	s0 =	sor.u32 s1, s0  }
0xbd: {  	s0 =	sadd.s32 $0x8F2B, s0  }
0xbe: {  	[sflag:s0] =	ssyncadd.remote.s32 $0x1  }
0xbf: {  	_ =	sfence.sel $0xFFFF  }
0xc0: {  	[dreg:$0x0] =	wrdreg $0xFFFFFFFF;
	(pc) =	sbr.abs _section_cstart, $3  }
0xc1: {  	[dreg:$0x1] =	wrdreg $0xFFFFFFFF  }
0xc2: {  	_ =	task.clear_ibuf [dreg:s7], $0x2FFFF;
	_ =	strace $0x9FFFFFFF  }
0xc3: {  	(tm) =	ssettm $0x7FFFFFFF  }
tec
execute0_lowered:
.L_overlay_start_1:
0x0: {  	(tag) =	ssettag $0x1  }
0x1: {  	s0 =	rddreg [dreg:$0x0]  }
0x2: {  	s11 =	rddreg [dreg:$0x1]  }
0x3: {  	s2 =	rddreg [dreg:$0x2]  }
0x4: {  	s3 =	simm.s32 $0x0;
	s21 =	srdreg.scid;
	s12 =	stileid.u32  }
0x5: {  	s29 =	simm.s32 $0x1B900;
	s30 =	simm.s32 $0x1B880;
	s31 =	simm.s32 $0x1  }
0x6: {  	[smem:$0x7FF] =	sst s3;
	s4 =	sadd.s32 $0x16A00, s0;
	s6 =	sadd.s32 $0x2A00, s0  }
0x7: {  	s1 =	sadd.s32 $0x52A00, s0;
	s8 =	sadd.s32 $0x2AA00, s0;
	s7 =	smul.u32 $0x50000, s12  }
0x8: {  	s0 =	sadd.s32 $0x53000, s0;
	s10 =	sshll.u32 s12, $0x1;
	s14 =	smul.u32 $0x14000, s12  }
0x9: {  	s23 =	sadd.s32 $0x10, s11;
	_ =	strace $0x8000004D;
	[dreg:$0x4] =	wrdreg s1  }
0xa: {  	s1 =	sand.u32 $0x1, s21;
	[dreg:$0x5] =	wrdreg s23;
	s23 =	simm.s32 $0x2  }
0xb: {  	s5 =	ssub.s32 $0x2, s1;
	s22 =	sor.u32 s1, s10;
	s7 =	sshrl.u32 s7, $0x2  }
0xc: {  	s24 =	sadd.s32 $0x4000, s14;
	s16 =	sadd.s32 $0x8000, s14;
	s18 =	sadd.s32 $0xC000, s14  }
0xd: {  	s1 =	smul.u32 $0x140000, s1;
	s19 =	sadd.s32 $0x10000, s14;
	s9 =	sshrl.u32 s5, $0x1  }
0xe: {  	s10 =	sadd.s32 s7, s2;
	s11 =	sadd.s32 s24, s2;
	s12 =	sadd.s32 s16, s2  }
0xf: {  	s13 =	sadd.s32 s18, s2;
	s5 =	ssub.s32 s5, s9;
	s15 =	sadd.s32 s14, s1  }
0x10: {  	s7 =	sadd.s32 s1, s24;
	s14 =	sadd.s32 s19, s2;
	s26 =	sadd.s32 s1, s16  }
0x11: {  	s28 =	sadd.s32 s1, s18;
	s1 =	sadd.s32 s1, s19;
	s24 =	simm.s32 $0x80  }
0x12: {  	s17 =	sshrl.u32 s15, $0x3;
	s7 =	sshrl.u32 s7, $0x3;
	s15 =	smul.u32 $0xA0, s22  }
0x13: {  	s9 =	sshrl.u32 s28, $0x3;
	s1 =	sshrl.u32 s1, $0x3;
	s21 =	smax.u32 s5, $0x1  }
0x14: {  	s22 =	simm.s32 $0x14000;
	s5 =	simm.s32 $0x0;
	s25 =	sadd.s32 s0, s17  }
0x15: {  	s17 =	sadd.s32 s0, s7;
	s7 =	sshrl.u32 s26, $0x3;
	s19 =	sadd.s32 s0, s9  }
0x16: {  	v1 =	vlaneseq.u32;
	s20 =	sadd.s32 s0, s1;
	s26 =	simm.s32 $0x16800;
	[dreg:$0x6] =	wrdreg s25  }
0x17: {  	v0 =	vimm.f32 $0.0e+00;
	v1 =	vmul.u32 $0x80, v1;
	s18 =	sadd.s32 s0, s7;
	s25 =	simm.s32 $0x100;
	s0 =	simm.s32 $0x1B800  }
.LBB2_1:
0x18: {  	s1 =	rddreg [dreg:$0x4]  }
0x19: {  	[tilespmem:s22], [sflag:$0x2] =	stream.linear.gather [hbm4b:s1+s3], $0x2800, $0x38;
	[tilespmem:$0x1F900] =	vst v63  }
0x1a: {  	_ =	swait.ge [sflag:s23], $0x2800  }
0x1b: {  	[sflag:s23] =	ssyncset.done $0x0  }
0x1c: {  	[sflag:s23] =	ssyncadd.s32 $0xFFFFD800  }
0x1d: {  	s16 =	rddreg [dreg:$0x1]  }
0x1e: {  	[tilespmem:s26], [sflag:$0x2] =	stream.strided.gather [hbm4b:s16+s24], $0x2800, s25, s24, $0x38;
	[tilespmem:$0x1F900] =	vst v63  }
0x1f: {  	_ =	swait.ge [sflag:s23], $0x2800  }
0x20: {  	[sflag:s23] =	ssyncset.done $0x0  }
0x21: {  	s7 =	simm.s32 $0x19000;
	s28 =	rddreg [dreg:$0x5];
	[sflag:s23] =	ssyncadd.s32 $0xFFFFD800  }
0x22: {  	[tilespmem:s7], [sflag:$0x2] =	stream.strided.gather [hbm4b:s28+s24], $0x2800, s25, s24, $0x38;
	[tilespmem:$0x1F900] =	vst v63  }
0x23: {  	_ =	swait.ge [sflag:s23], $0x2800  }
0x24: {  	[sflag:s23] =	ssyncset.done $0x0  }
0x25: {  	s1 =	simm.s32 $0x0;
	[sflag:s23] =	ssyncadd.s32 $0xFFFFD800  }
0x26: {  	s7 =	simm.s32 $0x40;
	v2 =	vld [tilespmem:s1+$0x19000]  }
.LBB2_2:
0x27: {  	p0 =	sne.s32 s7, $0x9FC0;
	v3 =	vld [tilespmem:s1+$0x16800];
	_ =	sdelay $0x4  }
0x28: {  	v2 =	vadd.f32 v2, v3;
	_ =	sdelay $0x1  }
0x29: {  	v2 =	vmax.f32 v2, $1.000000000e+00  }
0x2a: {  	(erf) = vrcp.f32 v2;
	_ =	sdelay $0x5  }
.Ltmp0:
0x2b: {  	(pc) =	sbr.rel @p0 .LBB2_2-.Ltmp0, $3  }
0x2c: {  	_ =	sdelay $0x1  }
0x2d: {  	s9 =	sshra.s32 s7, $0x2;
	v3 =	vpop (erf)  }
0x2e: {  	s7 =	sadd.s32 $0x40, s7;
	v2 =	vld [tilespmem:s9+$0x19000];
	[tilespmem:s1+$0x16800] =	vst v3;
	s1 =	smov.u32 s9  }
0x2f: {  	v3 =	vld [tilespmem:s1+$0x16800];
	_ =	sdelay $0x4  }
0x30: {  	v2 =	vadd.f32 v2, v3;
	_ =	sdelay $0x1  }
0x31: {  	v2 =	vmax.f32 v2, $1.000000000e+00  }
0x32: {  	(erf) = vrcp.f32 v2;
	_ =	sdelay $0x8  }
0x33: {  	v2 =	vpop (erf)  }
0x34: {  	s7 =	simm.s32 $0x200;
	[tilespmem:s1+$0x16800] =	vst v2;
	s1 =	simm.s32 $0x0  }
.LBB2_4:
0x35: {  	p0 =	sne.s32 s7, $0xFE00;
	[tilespmem:s1+$0x1B970] =	vst v0  }
0x36: {  	[tilespmem:s1+$0x1B900] =	vst v0  }
0x37: {  	[tilespmem:s1+$0x1B910] =	vst v0  }
.Ltmp1:
0x38: {  	[tilespmem:s1+$0x1B920] =	vst v0;
	(pc) =	sbr.rel @p0 .LBB2_4-.Ltmp1, $4  }
0x39: {  	[tilespmem:s1+$0x1B930] =	vst v0  }
0x3a: {  	[tilespmem:s1+$0x1B940] =	vst v0  }
0x3b: {  	[tilespmem:s1+$0x1B950] =	vst v0  }
0x3c: {  	[tilespmem:s1+$0x1B960] =	vst v0;
	s1 =	sshra.s32 s7, $0x2;
	s7 =	sadd.s32 $0x200, s7  }
0x3d: {  	[tilespmem:s1+$0x1B970] =	vst v0  }
0x3e: {  	[tilespmem:s1+$0x1B900] =	vst v0  }
0x3f: {  	[tilespmem:s1+$0x1B910] =	vst v0  }
0x40: {  	[tilespmem:s1+$0x1B920] =	vst v0  }
0x41: {  	[tilespmem:s1+$0x1B930] =	vst v0  }
0x42: {  	[tilespmem:s1+$0x1B940] =	vst v0  }
0x43: {  	[tilespmem:s1+$0x1B950] =	vst v0  }
0x44: {  	[tilespmem:s1+$0x1B960] =	vst v0  }
0x45: {  	[spmem:s10] =	stream.linear.scatter [tilespmem:s29], [sflag:$0x2], $0x4000, $0x38;
	[tilespmem:$0x1F900] =	vst v63  }
0x46: {  	_ =	swait.ge [sflag:s23], $0x4000  }
0x47: {  	[sflag:s23] =	ssyncset.done $0x0  }
0x48: {  	[sflag:s23] =	ssyncadd.s32 $0xFFFFC000  }
0x49: {  	[spmem:s11] =	stream.linear.scatter [tilespmem:s29], [sflag:$0x2], $0x4000, $0x38;
	[tilespmem:$0x1F900] =	vst v63  }
0x4a: {  	_ =	swait.ge [sflag:s23], $0x4000  }
0x4b: {  	[sflag:s23] =	ssyncset.done $0x0  }
0x4c: {  	[sflag:s23] =	ssyncadd.s32 $0xFFFFC000  }
0x4d: {  	[spmem:s12] =	stream.linear.scatter [tilespmem:s29], [sflag:$0x2], $0x4000, $0x38;
	[tilespmem:$0x1F900] =	vst v63  }
0x4e: {  	_ =	swait.ge [sflag:s23], $0x4000  }
0x4f: {  	[sflag:s23] =	ssyncset.done $0x0  }
0x50: {  	[sflag:s23] =	ssyncadd.s32 $0xFFFFC000  }
0x51: {  	[spmem:s13] =	stream.linear.scatter [tilespmem:s29], [sflag:$0x2], $0x4000, $0x38;
	[tilespmem:$0x1F900] =	vst v63  }
0x52: {  	_ =	swait.ge [sflag:s23], $0x4000  }
0x53: {  	[sflag:s23] =	ssyncset.done $0x0  }
0x54: {  	[sflag:s23] =	ssyncadd.s32 $0xFFFFC000  }
0x55: {  	[spmem:s14] =	stream.linear.scatter [tilespmem:s29], [sflag:$0x2], $0x4000, $0x38;
	[tilespmem:$0x1F900] =	vst v63  }
0x56: {  	_ =	swait.ge [sflag:s23], $0x4000  }
0x57: {  	[sflag:s23] =	ssyncset.done $0x0  }
0x58: {  	[sflag:s23] =	ssyncadd.s32 $0xFFFFC000  }
0x59: {  	s1 =	simm.s32 $0x0;
	s28 =	simm.s32 $0x0;
	[bflag:$0x0] =	sbarrier.arrive $0xFFFF  }
.LBB2_6:
0x5a: {  	s7 =	sadd.s32 s15, s28  }
0x5b: {  	s9 =	sshll.u32 s7, $0x4  }
0x5c: {  	s7 =	simm.s32 $0x1B800;
	s16 =	sadd.s32 s4, s9  }
0x5d: {  	[tilespmem:s7], [sflag:$0x2] =	stream.linear.gather [hbm4b:s16+s1], $0x80, $0x38;
	[tilespmem:$0x1F900] =	vst v63  }
0x5e: {  	_ =	swait.ge [sflag:s23], $0x80  }
0x5f: {  	[sflag:s23] =	ssyncset.done $0x0  }
0x60: {  	s9 =	sadd.s32 s6, s9;
	[sflag:s23] =	ssyncadd.s32 $0xFFFFFF80  }
0x61: {  	[tilespmem:s30], [sflag:$0x2] =	stream.linear.gather [hbm4b:s9+s1], $0x80, $0x38;
	[tilespmem:$0x1F900] =	vst v63  }
0x62: {  	_ =	swait.ge [sflag:s23], $0x80  }
0x63: {  	[sflag:s23] =	ssyncset.done $0x0  }
0x64: {  	[sflag:s23] =	ssyncadd.s32 $0xFFFFFF80  }
0x65: {  	[tilespmem:s29], [sflag:$0x1] =	stream.indirect.gather [hbm4b:s8+s24], $0x80, s30, s24, $0xb8;
	[tilespmem:$0x1F900] =	vst v63  }
0x66: {  	_ =	swait.ge [sflag:s31], $0x4000  }
0x67: {  	[sflag:s31] =	ssyncset.done $0x0  }
0x68: {  	s16 =	simm.s32 $0x0;
	s9 =	simm.s32 $0x1BD00;
	[sflag:s31] =	ssyncadd.s32 $0xFFFFC000  }
.LBB2_7:
0x69: {  	v2 =	vld [tilespmem:s7+$0x0]  }
0x6a: {  	v3 =	vmov s16  }
0x6b: {  	v3 =	vshll.u32 v3, $0x7  }
0x6c: {  	v3 =	vor.u32 v1, v3  }
0x6d: {  	v3 =	vor.u32 $0x21, v3;
	_ =	sdelay $0x3  }
0x6e: {  	v4 =	vld.idx.msk [tilespmem:v2+s22+$0x0], $0xffff  }
0x6f: {  	v3 =	vld.idx.msk [tilespmem:v3+s29+$0x0], $0xffff;
	_ =	sdelay $0x4  }
0x70: {  	v2 =	vld.idx.msk [tilespmem:v2+s26+$0x0], $0xffff;
	v3 =	vadd.f32 v3, v4;
	_ =	sdelay $0x1  }
0x71: {  	v4 =	vmul.f32 $2.000000030e-01, v3;
	_ =	sdelay $0x1  }
0x72: {  	v3 =	vmax.f32 v3, v4  }
0x73: {  	v2 =	vmul.f32 v3, v2;
	_ =	sdelay $0x1  }
0x74: {  	v2 =	vmul.f32 $1.442695020e+00, v2;
	_ =	sdelay $0x1  }
0x75: {  	(erf) = vpow2.f32 v2;
	_ =	sdelay $0x6  }
0x76: {  	v2 =	vld [tilespmem:s9+$0xFFFFFC00]  }
0x77: {  	v3 =	vld [tilespmem:s9+$0xFFFFFC80]  }
0x78: {  	v5 =	vld [tilespmem:s9+$0xFFFFFD00];
	v22 =	vpop (erf)  }
0x79: {  	v7 =	vld [tilespmem:s9+$0xFFFFFD80];
	v6 =	vbroadcast v22, $0x0  }
0x7a: {  	v9 =	vld [tilespmem:s9+$0xFFFFFE00];
	v8 =	vbroadcast v22, $0x1  }
0x7b: {  	v11 =	vld [tilespmem:s9+$0xFFFFFE80];
	v10 =	vbroadcast v22, $0x2;
	v2 =	vmul.f32 v6, v2  }
0x7c: {  	v13 =	vld [tilespmem:s9+$0xFFFFFF00];
	v12 =	vbroadcast v22, $0x3;
	v3 =	vmul.f32 v8, v3  }
0x7d: {  	v14 =	vld [tilespmem:s9+$0xFFFFFF80];
	v23 =	vbroadcast v22, $0x4;
	[tilespmem:s9+$0xFFFFFC00] =	vst v2;
	v2 =	vmul.f32 v5, v10  }
0x7e: {  	v15 =	vld [tilespmem:s9+$0xFFFFFC10];
	v24 =	vbroadcast v22, $0x5;
	[tilespmem:s9+$0xFFFFFC80] =	vst v3;
	v3 =	vmul.f32 v7, v12  }
0x7f: {  	v16 =	vld [tilespmem:s9+$0xFFFFFC90];
	v25 =	vbroadcast v22, $0x6;
	[tilespmem:s9+$0xFFFFFD00] =	vst v2;
	v2 =	vmul.f32 v9, v23  }
0x80: {  	v17 =	vld [tilespmem:s9+$0xFFFFFD10];
	v26 =	vbroadcast v22, $0x7;
	[tilespmem:s9+$0xFFFFFD80] =	vst v3;
	v3 =	vmul.f32 v11, v24  }
0x81: {  	v13 =	vmul.f32 v13, v25;
	[tilespmem:s9+$0xFFFFFE00] =	vst v2;
	v2 =	vld [tilespmem:s9+$0xFFFFFD90]  }
0x82: {  	v14 =	vmul.f32 v14, v26;
	[tilespmem:s9+$0xFFFFFE80] =	vst v3;
	v3 =	vld [tilespmem:s9+$0xFFFFFE10]  }
0x83: {  	v30 =	vld [tilespmem:s9+$0xFFFFFF90];
	v15 =	vmul.f32 v6, v15;
	[tilespmem:s9+$0xFFFFFF00] =	vst v13  }
0x84: {  	v31 =	vld [tilespmem:s9+$0xFFFFFC20];
	v16 =	vmul.f32 v16, v8;
	[tilespmem:s9+$0xFFFFFF80] =	vst v14  }
0x85: {  	v32 =	vld [tilespmem:s9+$0xFFFFFCA0];
	v29 =	vmul.f32 v17, v10;
	[tilespmem:s9+$0xFFFFFC10] =	vst v15  }
0x86: {  	v27 =	vld [tilespmem:s9+$0xFFFFFE90];
	[tilespmem:s9+$0xFFFFFC90] =	vst v16;
	v2 =	vmul.f32 v2, v12  }
0x87: {  	v28 =	vld [tilespmem:s9+$0xFFFFFF10];
	[tilespmem:s9+$0xFFFFFD10] =	vst v29;
	v3 =	vmul.f32 v3, v23  }
0x88: {  	v17 =	vmul.f32 v30, v26;
	[tilespmem:s9+$0xFFFFFD90] =	vst v2;
	v2 =	vld [tilespmem:s9+$0xFFFFFD20]  }
0x89: {  	v6 =	vmul.f32 v6, v31;
	[tilespmem:s9+$0xFFFFFE10] =	vst v3;
	v3 =	vld [tilespmem:s9+$0xFFFFFDA0]  }
0x8a: {  	v33 =	vld [tilespmem:s9+$0xFFFFFE20];
	v8 =	vmul.f32 v32, v8;
	[tilespmem:s9+$0xFFFFFF90] =	vst v17  }
0x8b: {  	v34 =	vld [tilespmem:s9+$0xFFFFFEA0];
	v13 =	vmul.f32 v27, v24;
	[tilespmem:s9+$0xFFFFFC20] =	vst v6  }
0x8c: {  	v35 =	vld [tilespmem:s9+$0xFFFFFF20];
	v14 =	vmul.f32 v28, v25;
	[tilespmem:s9+$0xFFFFFCA0] =	vst v8  }
0x8d: {  	v36 =	vld [tilespmem:s9+$0xFFFFFFA0];
	[tilespmem:s9+$0xFFFFFE90] =	vst v13;
	v2 =	vmul.f32 v2, v10  }
0x8e: {  	v37 =	vld [tilespmem:s9+$0x0];
	[tilespmem:s9+$0xFFFFFF10] =	vst v14;
	v3 =	vmul.f32 v3, v12  }
0x8f: {  	v38 =	vld [tilespmem:s9+$0x80];
	[tilespmem:s9+$0xFFFFFD20] =	vst v2;
	v2 =	vmul.f32 v33, v23  }
0x90: {  	v39 =	vld [tilespmem:s9+$0x100];
	[tilespmem:s9+$0xFFFFFDA0] =	vst v3;
	v3 =	vmul.f32 v34, v24  }
0x91: {  	v41 =	vld [tilespmem:s9+$0x180];
	v40 =	vbroadcast v22, $0x8;
	[tilespmem:s9+$0xFFFFFE20] =	vst v2;
	v2 =	vmul.f32 v35, v25  }
0x92: {  	v43 =	vld [tilespmem:s9+$0x200];
	v42 =	vbroadcast v22, $0x9;
	[tilespmem:s9+$0xFFFFFEA0] =	vst v3;
	v3 =	vmul.f32 v36, v26  }
0x93: {  	v50 =	vld [tilespmem:s9+$0x10];
	v44 =	vbroadcast v22, $0xA;
	[tilespmem:s9+$0xFFFFFF20] =	vst v2;
	v2 =	vmul.f32 v37, v40  }
0x94: {  	v52 =	vld [tilespmem:s9+$0x90];
	v46 =	vbroadcast v22, $0xB;
	[tilespmem:s9+$0xFFFFFFA0] =	vst v3;
	v3 =	vmul.f32 v38, v42  }
0x95: {  	v47 =	vld [tilespmem:s9+$0x300];
	v48 =	vbroadcast v22, $0xC;
	[tilespmem:s9+$0x0] =	vst v2;
	v2 =	vmul.f32 v39, v44  }
0x96: {  	v49 =	vld [tilespmem:s9+$0x380];
	[tilespmem:s9+$0x80] =	vst v3;
	v3 =	vmul.f32 v41, v46  }
0x97: {  	v57 =	vld [tilespmem:s9+$0x390];
	[tilespmem:s9+$0x100] =	vst v2;
	v2 =	vmul.f32 v43, v48  }
0x98: {  	v53 =	vbroadcast v22, $0xE;
	v15 =	vmul.f32 v50, v40;
	[tilespmem:s9+$0x180] =	vst v3;
	v3 =	vld [tilespmem:s9+$0x110]  }
0x99: {  	v4 =	vbroadcast v22, $0xF;
	v16 =	vmul.f32 v52, v42;
	[tilespmem:s9+$0x200] =	vst v2;
	v2 =	vld [tilespmem:s9+$0x190]  }
0x9a: {  	v58 =	vld [tilespmem:s9+$0x20];
	v13 =	vmul.f32 v47, v53;
	[tilespmem:s9+$0x10] =	vst v15  }
0x9b: {  	v55 =	vld [tilespmem:s9+$0x290];
	v14 =	vmul.f32 v49, v4;
	[tilespmem:s9+$0x90] =	vst v16  }
0x9c: {  	v45 =	vld [tilespmem:s9+$0x280];
	v15 =	vmul.f32 v57, v4;
	[tilespmem:s9+$0x300] =	vst v13  }
0x9d: {  	v56 =	vld [tilespmem:s9+$0x310];
	[tilespmem:s9+$0x380] =	vst v14;
	v3 =	vmul.f32 v3, v44  }
0x9e: {  	v54 =	vld [tilespmem:s9+$0x210];
	v51 =	vbroadcast v22, $0xD;
	[tilespmem:s9+$0x390] =	vst v15;
	v2 =	vmul.f32 v2, v46  }
0x9f: {  	v9 =	vmul.f32 v58, v40;
	[tilespmem:s9+$0x110] =	vst v3;
	v3 =	vld [tilespmem:s9+$0xA0]  }
0xa0: {  	v13 =	vmul.f32 v55, v51;
	[tilespmem:s9+$0x190] =	vst v2;
	v2 =	vld [tilespmem:s9+$0x120]  }
0xa1: {  	v59 =	vld [tilespmem:s9+$0x1A0];
	[tilespmem:s9+$0x20] =	vst v9;
	v12 =	vmul.f32 v45, v51  }
0xa2: {  	v60 =	vld [tilespmem:s9+$0x220];
	v14 =	vmul.f32 v56, v53;
	[tilespmem:s9+$0x290] =	vst v13  }
0xa3: {  	v61 =	vld [tilespmem:s9+$0x2A0];
	[tilespmem:s9+$0x280] =	vst v12;
	v12 =	vmul.f32 v54, v48  }
0xa4: {  	v62 =	vld [tilespmem:s9+$0x320];
	[tilespmem:s9+$0x310] =	vst v14;
	v3 =	vmul.f32 v3, v42  }
0xa5: {  	v63 =	vld [tilespmem:s9+$0x3A0];
	[tilespmem:s9+$0x210] =	vst v12;
	v2 =	vmul.f32 v2, v44  }
0xa6: {  	[tilespmem:s9+$0xA0] =	vst v3;
	v3 =	vmul.f32 v59, v46  }
0xa7: {  	p0 =	sne.s32 s16, $0x70;
	[tilespmem:s9+$0x120] =	vst v2;
	v2 =	vmul.f32 v60, v48  }
.Ltmp2:
0xa8: {  	[tilespmem:s9+$0x1A0] =	vst v3;
	v3 =	vmul.f32 v61, v51;
	(pc) =	sbr.rel @p0 .LBB2_7-.Ltmp2, $4  }
0xa9: {  	[tilespmem:s9+$0x220] =	vst v2;
	v2 =	vmul.f32 v62, v53  }
0xaa: {  	[tilespmem:s9+$0x2A0] =	vst v3;
	v3 =	vmul.f32 v63, v4  }
0xab: {  	[tilespmem:s9+$0x320] =	vst v2  }
0xac: {  	s7 =	sadd.s32 $0x10, s7;
	s16 =	sadd.s32 $0x10, s16;
	[tilespmem:s9+$0x3A0] =	vst v3;
	s9 =	sadd.s32 $0x800, s9  }
0xad: {  	s28 =	sadd.s32 $0x1, s28  }
0xae: {  	p0 =	sne.s32 s28, $0xA0  }
.Ltmp3:
0xaf: {  	_ = 	snop;
	(pc) =	sbr.rel @p0 .LBB2_6-.Ltmp3, $4  }
0xb0: {  	[spmem:s2] =	stream.indirect.scatter.add.f32 [tilespmem:s29], [sflag:$0x2], $0x80, s0, s24, $0xb8;
	[tilespmem:$0x1F900] =	vst v63  }
0xb1: {  	_ =	swait.ge [sflag:s23], $0x4000  }
0xb2: {  	[sflag:s23] =	ssyncset.done $0x0  }
0xb3: {  	[sflag:s23] =	ssyncadd.s32 $0xFFFFC000  }
0xb4: {  	[bflag:$0x0] =	sbarrier.arrive $0xFFFF  }
0xb5: {  	[tilespmem:s29], [sflag:$0x2] =	stream.linear.gather [spmem:s10], $0x4000, $0x38;
	[tilespmem:$0x1F900] =	vst v63  }
0xb6: {  	_ =	swait.ge [sflag:s23], $0x4000  }
0xb7: {  	[sflag:s23] =	ssyncset.done $0x0  }
0xb8: {  	s1 =	rddreg [dreg:$0x6];
	[sflag:s23] =	ssyncadd.s32 $0xFFFFC000  }
0xb9: {  	[hbm4b:s1+s3] =	stream.linear.scatter [tilespmem:s29], [sflag:$0x2], $0x4000, $0x38;
	[tilespmem:$0x1F900] =	vst v63  }
0xba: {  	_ =	swait.ge [sflag:s23], $0x4000  }
0xbb: {  	[sflag:s23] =	ssyncset.done $0x0  }
0xbc: {  	[sflag:s23] =	ssyncadd.s32 $0xFFFFC000  }
0xbd: {  	[tilespmem:s29], [sflag:$0x2] =	stream.linear.gather [spmem:s11], $0x4000, $0x38;
	[tilespmem:$0x1F900] =	vst v63  }
0xbe: {  	_ =	swait.ge [sflag:s23], $0x4000  }
0xbf: {  	[sflag:s23] =	ssyncset.done $0x0  }
0xc0: {  	[sflag:s23] =	ssyncadd.s32 $0xFFFFC000  }
0xc1: {  	[hbm4b:s17+s3] =	stream.linear.scatter [tilespmem:s29], [sflag:$0x2], $0x4000, $0x38;
	[tilespmem:$0x1F900] =	vst v63  }
0xc2: {  	_ =	swait.ge [sflag:s23], $0x4000  }
0xc3: {  	[sflag:s23] =	ssyncset.done $0x0  }
0xc4: {  	[sflag:s23] =	ssyncadd.s32 $0xFFFFC000  }
0xc5: {  	[tilespmem:s29], [sflag:$0x2] =	stream.linear.gather [spmem:s12], $0x4000, $0x38;
	[tilespmem:$0x1F900] =	vst v63  }
0xc6: {  	_ =	swait.ge [sflag:s23], $0x4000  }
0xc7: {  	[sflag:s23] =	ssyncset.done $0x0  }
0xc8: {  	[sflag:s23] =	ssyncadd.s32 $0xFFFFC000  }
0xc9: {  	[hbm4b:s18+s3] =	stream.linear.scatter [tilespmem:s29], [sflag:$0x2], $0x4000, $0x38;
	[tilespmem:$0x1F900] =	vst v63  }
0xca: {  	_ =	swait.ge [sflag:s23], $0x4000  }
0xcb: {  	[sflag:s23] =	ssyncset.done $0x0  }
0xcc: {  	[sflag:s23] =	ssyncadd.s32 $0xFFFFC000  }
0xcd: {  	[tilespmem:s29], [sflag:$0x2] =	stream.linear.gather [spmem:s13], $0x4000, $0x38;
	[tilespmem:$0x1F900] =	vst v63  }
0xce: {  	_ =	swait.ge [sflag:s23], $0x4000  }
0xcf: {  	[sflag:s23] =	ssyncset.done $0x0  }
0xd0: {  	[sflag:s23] =	ssyncadd.s32 $0xFFFFC000  }
0xd1: {  	[hbm4b:s19+s3] =	stream.linear.scatter [tilespmem:s29], [sflag:$0x2], $0x4000, $0x38;
	[tilespmem:$0x1F900] =	vst v63  }
0xd2: {  	_ =	swait.ge [sflag:s23], $0x4000  }
0xd3: {  	[sflag:s23] =	ssyncset.done $0x0  }
0xd4: {  	[sflag:s23] =	ssyncadd.s32 $0xFFFFC000  }
0xd5: {  	[tilespmem:s29], [sflag:$0x2] =	stream.linear.gather [spmem:s14], $0x4000, $0x38;
	[tilespmem:$0x1F900] =	vst v63  }
0xd6: {  	s5 =	sadd.s32 $0x1, s5;
	_ =	swait.ge [sflag:s23], $0x4000  }
0xd7: {  	p0 =	sne.s32 s5, s21;
	[sflag:s23] =	ssyncset.done $0x0  }
.Ltmp4:
0xd8: {  	[sflag:s23] =	ssyncadd.s32 $0xFFFFC000;
	(pc) =	sbr.rel @p0 .LBB2_1-.Ltmp4, $4  }
0xd9: {  	[hbm4b:s20+s3] =	stream.linear.scatter [tilespmem:s29], [sflag:$0x2], $0x4000, $0x38;
	[tilespmem:$0x1F900] =	vst v63  }
0xda: {  	_ =	swait.ge [sflag:s23], $0x4000  }
0xdb: {  	[sflag:s23] =	ssyncset.done $0x0  }
0xdc: {  	[sflag:s23] =	ssyncadd.s32 $0xFFFFC000  }
0xdd: {  	_ =	sfence.sel $0x180000  }
0xde: {  	[bflag:$0x0] =	sbarrier.arrive $0xFFFF  }
0xdf: {  	_ =	strace $0x9000004D  }
0xe0: {  	s0 =	stileid.u32;
	[bflag:$0x2] =	sbarrier.arrive $0xFFFF  }
0xe1: {  	p0 =	sne.s32 s0, $0x0;
	s0 =	rddreg [dreg:$0x3]  }
0xe2: {  	s0 =	sadd.s32 @!p0 $0x100000, s0  }
0xe3: {  	[sflag:s0] =	ssyncadd.tile.s32 @!p0 $0x1;
	_ =	shalt  }
.Lfunc_end2:
_tile_overlayer_lowered:
.L_overlay_start_2:
0xe4: {  	(tag) =	ssettag $0x2  }
0xe5: {  	s0 =	rddreg [dreg:$0x0];
	s2 =	stileid.u32  }
0xe6: {  	s1 =	rddreg [dreg:$0x1];
	p0 =	sne.s32 s2, $0x0  }
0xe7: {  	s3 =	rddreg [dreg:$0x2];
	[bflag:$0x3] =	sbarrier.arrive $0xFFFF;
	s2 =	simm.s32 @!p0 $0x1C02  }
0xe8: {  	[timem:s3], [sflag:s2] =	dma.local @!p0 [hbm:s0], s1  }
0xe9: {  	s0 =	simm.s32 @!p0 $0x2  }
0xea: {  	_ =	swait.ge @!p0 [sflag:s0], s1  }
0xeb: {  	s1 =	ssub.s32 @!p0 $0x0, s1;
	[sflag:s0] =	ssyncset.done @!p0 $0x0  }
0xec: {  	[sflag:s0] =	ssyncadd.s32 @!p0 s1  }
0xed: {  	[bflag:$0x3] =	sbarrier.arrive $0xFFFF  }
0xee: {  	_ =	shalt  }

// kernel: kernel.18.cloned.1.call-start
scs
__scs_entry_jumppad:
0x0: {  	(pc) =	sbr.rel $0x88, $3  }
0x1: {  	(tag) =	ssettag $0x0;
	lr =	simm.s32 $0x1  }
0x2: {  	[smem:$0x3F93] =	sst lr;
	_ =	strace $0xD0000000  }
0x3: {  	_ = 	snop  }
0x4: {  	_ = 	snop  }
0x5: {  	_ = 	snop  }
0x6: {  	_ = 	snop  }
0x7: {  	_ = 	snop  }
__scs_overlays_trampoline_lowered:
0x8: {  	[smem:$0x3FA2] =	sst s0  }
0x9: {  	[smem:$0x3FA3] =	sst s1  }
0xa: {  	[smem:$0x3FA4] =	sst s2  }
0xb: {  	[smem:$0x3FA5] =	sst s3  }
0xc: {  	[smem:$0x3FA6] =	sst s4  }
0xd: {  	[smem:$0x3FA7] =	sst s5  }
0xe: {  	[smem:$0x3FA8] =	sst s6  }
0xf: {  	[smem:$0x3FA9] =	sst s7  }
0x10: {  	[smem:$0x3FAA] =	sst s8  }
0x11: {  	[smem:$0x3FAB] =	sst s9;
	s0 =	simm.s32 @!p0 $0x0  }
0x12: {  	s1 =	sld [smem:$0x3F91];
	s0 =	simm.s32 @p0 $0x1  }
0x13: {  	[smem:$0x3FAC] =	sst s0;
	s0 =	simm.s32 @!p1 $0x0  }
0x14: {  	s2 =	sld [smem:$0x3F90];
	s0 =	simm.s32 @p1 $0x1  }
0x15: {  	[smem:$0x3FAD] =	sst s0;
	s0 =	simm.s32 @!p2 $0x0  }
0x16: {  	s3 =	sld [smem:$0x3FDB];
	s0 =	simm.s32 @p2 $0x1  }
0x17: {  	s4 =	simm.s32 $0x1BF5;
	[smem:$0x3FAF] =	sst s0  }
0x18: {  	s0 =	sld [smem:$0x3F92];
	_ =	swait.ge [sflag:s4], $0x0  }
0x19: {  	s7 =	sld [smem:$0x3F93]  }
0x1a: {  	s8 =	sadd.s32 $0xFFFFE003, lr  }
0x1b: {  	s9 =	sadd.s32 $0xFFFFFEF7, lr;
	s5 =	simm.s32 $0xFFFFFFFF;
	p2 =	slt.u32 s8, $0xFFFFF086  }
0x1c: {  	p1 =	slt.u32 s9, $0xF7A;
	s5 =	simm.s32 @!p2 $0x0  }
0x1d: {  	s5 =	simm.s32 @p1 $0x1;
	p0 =	seq.s32 s7, s2  }
0x1e: {  	s7 =	smul.u32 @!p0 $0xF7A, s2;
	p2 =	seq.s32 @!p0 s5, $0x0  }
0x1f: {  	s9 =	smul.u32 $0xF7A, s1;
	s8 =	simm.s32 @!p0 $0x1BF5;
	p2 =	por !p2, p0  }
0x20: {  	[sflag:s8] =	ssyncset.s32 @!p0 $0xFFFFF086;
	s6 =	sadd.s32 @!p0 s3, s7;
	s7 =	simm.s32 @!p0 $0x108  }
0x21: {  	s3 =	sadd.s32 s3, s9;
	s6 =	sadd.s32 @!p0 $0x88, s6;
	s7 =	simm.s32 @p2 $0x1082  }
0x22: {  	[simem:s7], [sflag:s8] =	dma.local @!p0 [hbm:s6], $0xF7A  }
0x23: {  	s9 =	sor.u32 $0xD0000000, s2;
	s6 =	simm.s32 $0x108;
	_ =	swait.ge @!p0 [sflag:s8], $0x0  }
0x24: {  	s3 =	sadd.s32 $0x88, s3;
	s6 =	simm.s32 @!p1 $0x1082;
	[sflag:s4] =	ssyncset.s32 $0xFFFFF086  }
0x25: {  	[simem:s6], [sflag:s4] =	dma.local [hbm:s3], $0xF7A  }
0x26: {  	[smem:$0x3F93] =	sst s1;
	(tag) =	ssettag s2;
	_ =	strace s9  }
0x27: {  	s1 =	sld [smem:$0x3FA3]  }
0x28: {  	s2 =	sld [smem:$0x3FA4]  }
0x29: {  	s4 =	sld [smem:$0x3FA6]  }
0x2a: {  	p0 =	seq.s32 s5, $0x0;
	s5 =	sld [smem:$0x3FA7]  }
0x2b: {  	s6 =	sld [smem:$0x3FA8]  }
0x2c: {  	s7 =	sld [smem:$0x3FA9]  }
0x2d: {  	s3 =	simm.s32 $0x108;
	s8 =	sld [smem:$0x3FAA]  }
0x2e: {  	s3 =	simm.s32 @!p0 $0x1082;
	s9 =	sld [smem:$0x3FAB]  }
0x2f: {  	lr =	sadd.s32 s0, s3;
	s0 =	sld [smem:$0x3FA2]  }
0x30: {  	s3 =	sld [smem:$0x3FA5]  }
0x31: {  	[smem:$0x3FAE] =	sst s10  }
0x32: {  	s10 =	sld [smem:$0x3FAC];
	_ =	sdelay $0x3  }
0x33: {  	p0 =	seq.s32 s10, $0x1;
	s10 =	sld [smem:$0x3FAE];
	_ =	sdelay $0x3  }
0x34: {  	[smem:$0x3FAE] =	sst s10  }
0x35: {  	s10 =	sld [smem:$0x3FAD];
	_ =	sdelay $0x3  }
0x36: {  	p1 =	seq.s32 s10, $0x1;
	s10 =	sld [smem:$0x3FAE];
	_ =	sdelay $0x3  }
0x37: {  	[smem:$0x3FAE] =	sst s10  }
0x38: {  	s10 =	sld [smem:$0x3FAF]  }
0x39: {  	_ = 	snop;
	(pc) =	sbr.ind lr, $3  }
0x3a: {  	_ = 	snop  }
0x3b: {  	_ = 	snop  }
0x3c: {  	p2 =	seq.s32 s10, $0x1;
	s10 =	sld [smem:$0x3FAE]  }
0x3d: {  	_ =	shalt  }
0x3e: {  	_ =	shalt  }
0x3f: {  	_ =	shalt  }
0x40: {  	_ =	shalt  }
0x41: {  	_ =	shalt  }
0x42: {  	_ =	shalt  }
0x43: {  	_ =	shalt  }
0x44: {  	_ =	shalt  }
0x45: {  	_ =	shalt  }
0x46: {  	_ =	shalt  }
0x47: {  	_ =	shalt  }
0x48: {  	_ =	shalt  }
0x49: {  	_ =	shalt  }
0x4a: {  	_ =	shalt  }
0x4b: {  	_ =	shalt  }
0x4c: {  	_ =	shalt  }
0x4d: {  	_ =	shalt  }
0x4e: {  	_ =	shalt  }
0x4f: {  	_ =	shalt  }
0x50: {  	_ =	shalt  }
0x51: {  	_ =	shalt  }
0x52: {  	_ =	shalt  }
0x53: {  	_ =	shalt  }
0x54: {  	_ =	shalt  }
0x55: {  	_ =	shalt  }
0x56: {  	_ =	shalt  }
0x57: {  	_ =	shalt  }
0x58: {  	_ =	shalt  }
0x59: {  	_ =	shalt  }
0x5a: {  	_ =	shalt  }
0x5b: {  	_ =	shalt  }
0x5c: {  	_ =	shalt  }
0x5d: {  	_ =	shalt  }
0x5e: {  	_ =	shalt  }
0x5f: {  	_ =	shalt  }
0x60: {  	_ =	shalt  }
0x61: {  	_ =	shalt  }
0x62: {  	_ =	shalt  }
0x63: {  	_ =	shalt  }
0x64: {  	_ =	shalt  }
0x65: {  	_ =	shalt  }
0x66: {  	_ =	shalt  }
0x67: {  	_ =	shalt  }
0x68: {  	_ =	shalt  }
0x69: {  	_ =	shalt  }
0x6a: {  	_ =	shalt  }
0x6b: {  	_ =	shalt  }
0x6c: {  	_ =	shalt  }
0x6d: {  	_ =	shalt  }
0x6e: {  	_ =	shalt  }
0x6f: {  	_ =	shalt  }
0x70: {  	_ =	shalt  }
0x71: {  	_ =	shalt  }
0x72: {  	_ =	shalt  }
0x73: {  	_ =	shalt  }
0x74: {  	_ =	shalt  }
0x75: {  	_ =	shalt  }
0x76: {  	_ =	shalt  }
0x77: {  	_ =	shalt  }
0x78: {  	_ =	shalt  }
0x79: {  	_ =	shalt  }
0x7a: {  	_ =	shalt  }
0x7b: {  	_ =	shalt  }
0x7c: {  	_ =	shalt  }
0x7d: {  	_ =	shalt  }
0x7e: {  	_ =	shalt  }
0x7f: {  	_ =	shalt  }
0x80: {  	_ =	shalt  }
0x81: {  	_ =	shalt  }
0x82: {  	_ =	shalt  }
0x83: {  	_ =	shalt  }
0x84: {  	_ =	shalt  }
0x85: {  	_ =	shalt  }
0x86: {  	_ =	shalt  }
0x87: {  	_ =	shalt  }
.Lfunc_end0:
.L_simem_size_0:
called_computation.3_lowered:
.L_overlay_start_0:
0x88: {  	s2 =	sld [smem:$0x3FD9]  }
0x89: {  	s3 =	sld [smem:$0x3FFE];
	_ =	sdelay $0x1  }
0x8a: {  	s1 =	srdreg.scid  }
0x8b: {  	s0 =	sand.u32 $0x1, s1  }
0x8c: {  	s16 =	sshll.u32 s0, $0xA;
	s2 =	sadd.s32 s3, s2  }
0x8d: {  	s2 =	sadd.s32 s2, s16  }
0x8e: {  	[smem:$0x3FBA] =	sst s2  }
0x8f: {  	_ = 	snop  }
0x90: {  	(tm) =	ssettm $0x1  }
0x91: {  	s17 =	sld [smem:$0x3FFB];
	_ =	sdelay $0x3  }
0x92: {  	_ =	strace s17  }
0x93: {  	s2 =	sld [smem:$0x3FFC];
	_ =	sdelay $0x3  }
0x94: {  	_ =	strace s2  }
0x95: {  	s2 =	sld [smem:$0x3FFD];
	_ =	sdelay $0x3  }
0x96: {  	_ =	strace s2  }
0x97: {  	_ =	strace $0x8FFFFFFF  }
0x98: {  	s18 =	sld [smem:$0x3FDB];
	_ =	sdelay $0x1  }
0x99: {  	s19 =	simm.s32 $_scs_section_size  }
0x9a: {  	s4 =	simm.s32 $_size__tile_overlayer_lowered;
	s5 =	simm.s32 $_tile_overlayer_lowered  }
0x9b: {  	s22 =	simm.s32 $0x1BFF;
	s21 =	sshll.u32 s5, $0x1;
	s2 =	sadd.s32 s19, s18  }
0x9c: {  	s6 =	simm.s32 $0x0;
	s20 =	sshll.u32 s4, $0x1;
	s4 =	sadd.s32 s21, s2  }
0x9d: {  	[timem:s6], [sflag:s22] =	dma.local [hbm:s4], s20  }
0x9e: {  	_ =	swait.ge [sflag:s22], s20  }
0x9f: {  	s3 =	ssub.s32 $0x0, s20;
	[sflag:s22] =	ssyncset.done $0x0  }
0xa0: {  	[sflag:s22] =	ssyncadd.s32 s3;
	_ =	sdelay $0x1  }
0xa1: {  	s23 =	simm.s32 $0x1B8B  }
0xa2: {  	_ =	swait.ge [sflag:s23], $0x1  }
0xa3: {  	[sflag:s23] =	ssyncset.done $0x0  }
0xa4: {  	s25 =	simm.s32 $0x1B8E;
	s24 =	sld [smem:$0x3FFE];
	[sflag:s23] =	ssyncadd.s32 $0xFFFFFFFF  }
0xa5: {  	s26 =	simm.s32 $execute0_lowered;
	[smem:$0x3FD2] =	sst s25  }
0xa6: {  	s4 =	sshll.u32 s26, $0x1;
	_ =	strace $0x8000004F;
	[dreg:$0x1] =	wrdreg $0xFFFFFFFF  }
0xa7: {  	s28 =	simm.s32 $_size_execute0_lowered;
	s2 =	sadd.s32 s2, s4;
	[dreg:$0x0] =	wrdreg $0x0  }
0xa8: {  	s4 =	sshll.u32 s28, $0x1;
	[dreg:$0x2] =	wrdreg s2  }
0xa9: {  	[dreg:$0x3] =	wrdreg s4  }
0xaa: {  	[dreg:$0x4] =	wrdreg $0xC0  }
0xab: {  	_ =	task [dreg:s6], $0x5FFFF  }
0xac: {  	[dreg:$0x1] =	wrdreg $0xFFFFFFFF  }
0xad: {  	[dreg:$0x0] =	wrdreg $0x60  }
0xae: {  	[dreg:$0x2] =	wrdreg s24  }
0xaf: {  	[dreg:$0x3] =	wrdreg $0x9  }
0xb0: {  	_ =	task.clear_ibuf [dreg:s6], $0x4FFFF;
	_ =	strace $0x9000004F  }
0xb1: {  	s29 =	simm.s32 $0x9;
	_ =	strace $0x80000051  }
0xb2: {  	_ =	swait.ge [sflag:s29], $0x1  }
0xb3: {  	[sflag:s29] =	ssyncadd.s32 $0xFFFFFFFF  }
0xb4: {  	_ =	strace $0x90000051  }
0xb5: {  	_ =	sfence  }
0xb6: {  	s30 =	sld [smem:$0x0];
	_ =	sdelay $0x2  }
0xb7: {  	s31 =	sshll.u32 s1, $0xD;
	s1 =	sshrl.u32 s1, $0x2  }
0xb8: {  	s3 =	sand.u32 $0x4000, s31;
	s1 =	sadd.s32 s1, s30  }
0xb9: {  	s0 =	sor.u32 s3, s0;
	s1 =	sshll.u32 s1, $0x11  }
0xba: {  	s0 =	sor.u32 s1, s0  }
0xbb: {  	s0 =	sadd.s32 $0x8F2B, s0  }
0xbc: {  	[sflag:s0] =	ssyncadd.remote.s32 $0x1  }
0xbd: {  	_ =	sfence.sel $0xFFFF  }
0xbe: {  	[dreg:$0x0] =	wrdreg $0xFFFFFFFF;
	(pc) =	sbr.abs _section_cstart, $3  }
0xbf: {  	[dreg:$0x1] =	wrdreg $0xFFFFFFFF  }
0xc0: {  	_ =	task.clear_ibuf [dreg:s6], $0x2FFFF;
	_ =	strace $0x9FFFFFFF  }
0xc1: {  	(tm) =	ssettm $0x7FFFFFFF  }
tec
execute0_lowered:
.L_overlay_start_1:
0x0: {  	(tag) =	ssettag $0x1  }
0x1: {  	s6 =	rddreg [dreg:$0x0]  }
0x2: {  	s0 =	rddreg [dreg:$0x1]  }
0x3: {  	s1 =	simm.s32 $0x0;
	s2 =	srdreg.scid;
	s11 =	simm.s32 $0x100  }
0x4: {  	s12 =	simm.s32 $0x1;
	s13 =	simm.s32 $0x4100;
	s14 =	simm.s32 $0x8100  }
0x5: {  	s15 =	simm.s32 $0x0;
	[smem:$0x7FF] =	sst s1;
	s3 =	sadd.s32 $0x16A00, s6  }
0x6: {  	s7 =	sand.u32 $0x1, s2;
	s4 =	sadd.s32 $0x2A00, s6;
	s2 =	stileid.u32  }
0x7: {  	s5 =	sadd.s32 $0x2AA00, s6;
	s6 =	sadd.s32 $0x52A00, s6;
	s8 =	ssub.s32 $0x2, s7  }
0x8: {  	v0 =	vlaneseq.u32;
	_ =	strace $0x80000050;
	s10 =	sshll.u32 s2, $0x1;
	s9 =	sshrl.u32 s8, $0x1  }
0x9: {  	v0 =	vmul.u32 $0x80, v0;
	s7 =	sor.u32 s7, s10;
	s10 =	simm.s32 $0x80;
	s8 =	ssub.s32 s8, s9  }
0xa: {  	s7 =	smul.u32 $0xA0, s7;
	s9 =	simm.s32 $0x2;
	s8 =	smax.u32 s8, $0x1  }
.LBB2_1:
0xb: {  	s16 =	simm.s32 $0x0  }
.LBB2_2:
0xc: {  	s17 =	sadd.s32 s7, s16  }
0xd: {  	s17 =	sshll.u32 s17, $0x4  }
0xe: {  	s19 =	simm.s32 $0x0;
	s18 =	sadd.s32 s3, s17  }
0xf: {  	[tilespmem:s19], [sflag:$0x2] =	stream.linear.gather [hbm4b:s18+s19], $0x80, $0x38;
	[tilespmem:$0x8180] =	vst v63  }
0x10: {  	_ =	swait.ge [sflag:s9], $0x80  }
0x11: {  	[sflag:s9] =	ssyncset.done $0x0  }
0x12: {  	s29 =	sadd.s32 s4, s17;
	[sflag:s9] =	ssyncadd.s32 $0xFFFFFF80  }
0x13: {  	[tilespmem:s10], [sflag:$0x2] =	stream.linear.gather [hbm4b:s29+s19], $0x80, $0x38;
	[tilespmem:$0x8180] =	vst v63  }
0x14: {  	_ =	swait.ge [sflag:s9], $0x80  }
0x15: {  	[sflag:s9] =	ssyncset.done $0x0  }
0x16: {  	[sflag:s9] =	ssyncadd.s32 $0xFFFFFF80  }
0x17: {  	[tilespmem:s11], [sflag:$0x1] =	stream.indirect.gather [hbm4b:s5+s10], $0x80, s19, s10, $0xb8;
	[tilespmem:$0x8180] =	vst v63  }
0x18: {  	v1 =	vmov s19;
	_ =	swait.ge [sflag:s12], $0x4000  }
0x19: {  	v1 =	vshll.u32 v1, $0x7;
	[sflag:s12] =	ssyncset.done $0x0  }
0x1a: {  	v1 =	vor.u32 v0, v1;
	[sflag:s12] =	ssyncadd.s32 $0xFFFFC000  }
0x1b: {  	[tilespmem:s13], [sflag:$0x1] =	stream.indirect.gather [hbm4b:s5+s10], $0x80, s10, s10, $0xb8;
	[tilespmem:$0x8180] =	vst v63  }
0x1c: {  	v2 =	vor.u32 $0x1, v1;
	_ =	swait.ge [sflag:s12], $0x4000  }
0x1d: {  	[sflag:s12] =	ssyncset.done $0x0  }
0x1e: {  	v3 =	vor.u32 $0x2, v1;
	[sflag:s12] =	ssyncadd.s32 $0xFFFFC000  }
0x1f: {  	v4 =	vld.idx.msk [tilespmem:v1+s13+$0x0], $0xffff  }
0x20: {  	v6 =	vor.u32 $0x3, v1;
	v5 =	vld.idx.msk [tilespmem:v1+s11+$0x0], $0xffff  }
0x21: {  	v7 =	vld.idx.msk [tilespmem:v2+s11+$0x0], $0xffff  }
0x22: {  	v8 =	vor.u32 $0x4, v1;
	v2 =	vld.idx.msk [tilespmem:v2+s13+$0x0], $0xffff  }
0x23: {  	v9 =	vld.idx.msk [tilespmem:v3+s11+$0x0], $0xffff  }
0x24: {  	v10 =	vor.u32 $0x5, v1;
	v3 =	vld.idx.msk [tilespmem:v3+s13+$0x0], $0xffff  }
0x25: {  	v11 =	vld.idx.msk [tilespmem:v6+s11+$0x0], $0xffff;
	v4 =	vmul.f32 v4, v5  }
0x26: {  	v41 =	vor.u32 $0x6, v1;
	v40 =	vld.idx.msk [tilespmem:v6+s13+$0x0], $0xffff  }
0x27: {  	v12 =	vld.idx.msk [tilespmem:v8+s11+$0x0], $0xffff;
	v2 =	vmul.f32 v2, v7;
	v4 =	vadd.f32 $0.0e+00, v4  }
0x28: {  	v43 =	vor.u32 $0x7, v1;
	v42 =	vld.idx.msk [tilespmem:v8+s13+$0x0], $0xffff  }
0x29: {  	v13 =	vld.idx.msk [tilespmem:v10+s11+$0x0], $0xffff;
	v3 =	vmul.f32 v3, v9;
	v2 =	vadd.f32 v2, v4  }
0x2a: {  	v45 =	vor.u32 $0x8, v1;
	v44 =	vld.idx.msk [tilespmem:v10+s13+$0x0], $0xffff  }
0x2b: {  	v46 =	vld.idx.msk [tilespmem:v41+s11+$0x0], $0xffff;
	v2 =	vadd.f32 v3, v2;
	v3 =	vmul.f32 v40, v11  }
0x2c: {  	v48 =	vor.u32 $0x9, v1;
	v47 =	vld.idx.msk [tilespmem:v41+s13+$0x0], $0xffff  }
0x2d: {  	v49 =	vld.idx.msk [tilespmem:v43+s11+$0x0], $0xffff;
	v2 =	vadd.f32 v3, v2;
	v3 =	vmul.f32 v42, v12  }
0x2e: {  	v51 =	vor.u32 $0xA, v1;
	v50 =	vld.idx.msk [tilespmem:v43+s13+$0x0], $0xffff  }
0x2f: {  	v52 =	vld.idx.msk [tilespmem:v45+s11+$0x0], $0xffff;
	v2 =	vadd.f32 v3, v2;
	v3 =	vmul.f32 v44, v13  }
0x30: {  	v54 =	vor.u32 $0xB, v1;
	v53 =	vld.idx.msk [tilespmem:v45+s13+$0x0], $0xffff  }
0x31: {  	v55 =	vld.idx.msk [tilespmem:v48+s11+$0x0], $0xffff;
	v2 =	vadd.f32 v3, v2;
	v3 =	vmul.f32 v47, v46  }
0x32: {  	v57 =	vor.u32 $0xC, v1;
	v56 =	vld.idx.msk [tilespmem:v48+s13+$0x0], $0xffff  }
0x33: {  	v58 =	vld.idx.msk [tilespmem:v51+s11+$0x0], $0xffff;
	v2 =	vadd.f32 v3, v2;
	v3 =	vmul.f32 v50, v49  }
0x34: {  	v60 =	vor.u32 $0xD, v1;
	v59 =	vld.idx.msk [tilespmem:v51+s13+$0x0], $0xffff  }
0x35: {  	v61 =	vld.idx.msk [tilespmem:v54+s11+$0x0], $0xffff;
	v2 =	vadd.f32 v3, v2;
	v3 =	vmul.f32 v53, v52  }
0x36: {  	v63 =	vor.u32 $0xE, v1;
	v62 =	vld.idx.msk [tilespmem:v54+s13+$0x0], $0xffff  }
0x37: {  	v16 =	vld.idx.msk [tilespmem:v57+s11+$0x0], $0xffff;
	v2 =	vadd.f32 v3, v2;
	v3 =	vmul.f32 v56, v55  }
0x38: {  	v18 =	vor.u32 $0xF, v1;
	v17 =	vld.idx.msk [tilespmem:v57+s13+$0x0], $0xffff  }
0x39: {  	v19 =	vld.idx.msk [tilespmem:v60+s11+$0x0], $0xffff;
	v2 =	vadd.f32 v3, v2;
	v3 =	vmul.f32 v59, v58  }
0x3a: {  	v21 =	vor.u32 $0x10, v1;
	v20 =	vld.idx.msk [tilespmem:v60+s13+$0x0], $0xffff  }
0x3b: {  	v22 =	vld.idx.msk [tilespmem:v63+s11+$0x0], $0xffff;
	v2 =	vadd.f32 v3, v2;
	v3 =	vmul.f32 v62, v61  }
0x3c: {  	v24 =	vor.u32 $0x11, v1;
	v23 =	vld.idx.msk [tilespmem:v63+s13+$0x0], $0xffff  }
0x3d: {  	v25 =	vld.idx.msk [tilespmem:v18+s11+$0x0], $0xffff;
	v2 =	vadd.f32 v3, v2;
	v3 =	vmul.f32 v17, v16  }
0x3e: {  	v27 =	vor.u32 $0x12, v1;
	v26 =	vld.idx.msk [tilespmem:v18+s13+$0x0], $0xffff  }
0x3f: {  	v28 =	vld.idx.msk [tilespmem:v21+s11+$0x0], $0xffff;
	v2 =	vadd.f32 v3, v2;
	v3 =	vmul.f32 v20, v19  }
0x40: {  	v30 =	vor.u32 $0x13, v1;
	v29 =	vld.idx.msk [tilespmem:v21+s13+$0x0], $0xffff  }
0x41: {  	v31 =	vld.idx.msk [tilespmem:v24+s11+$0x0], $0xffff;
	v2 =	vadd.f32 v3, v2;
	v3 =	vmul.f32 v23, v22  }
0x42: {  	v33 =	vor.u32 $0x14, v1;
	v32 =	vld.idx.msk [tilespmem:v24+s13+$0x0], $0xffff  }
0x43: {  	v34 =	vld.idx.msk [tilespmem:v27+s11+$0x0], $0xffff;
	v2 =	vadd.f32 v3, v2;
	v3 =	vmul.f32 v26, v25  }
0x44: {  	v36 =	vor.u32 $0x15, v1;
	v35 =	vld.idx.msk [tilespmem:v27+s13+$0x0], $0xffff  }
0x45: {  	v37 =	vld.idx.msk [tilespmem:v30+s11+$0x0], $0xffff;
	v2 =	vadd.f32 v3, v2;
	v3 =	vmul.f32 v29, v28  }
0x46: {  	v39 =	vor.u32 $0x16, v1;
	v38 =	vld.idx.msk [tilespmem:v30+s13+$0x0], $0xffff  }
0x47: {  	v41 =	vld.idx.msk [tilespmem:v33+s13+$0x0], $0xffff;
	v2 =	vadd.f32 v3, v2;
	v3 =	vmul.f32 v32, v31  }
0x48: {  	v40 =	vld.idx.msk [tilespmem:v33+s11+$0x0], $0xffff;
	v42 =	vor.u32 $0x17, v1  }
0x49: {  	v43 =	vld.idx.msk [tilespmem:v36+s11+$0x0], $0xffff;
	v2 =	vadd.f32 v3, v2;
	v3 =	vmul.f32 v35, v34  }
0x4a: {  	v45 =	vor.u32 $0x18, v1;
	v44 =	vld.idx.msk [tilespmem:v36+s13+$0x0], $0xffff  }
0x4b: {  	v46 =	vld.idx.msk [tilespmem:v39+s11+$0x0], $0xffff;
	v2 =	vadd.f32 v3, v2;
	v3 =	vmul.f32 v38, v37  }
0x4c: {  	v48 =	vor.u32 $0x19, v1;
	v47 =	vld.idx.msk [tilespmem:v39+s13+$0x0], $0xffff  }
0x4d: {  	v49 =	vld.idx.msk [tilespmem:v42+s11+$0x0], $0xffff;
	v2 =	vadd.f32 v3, v2;
	v3 =	vmul.f32 v41, v40  }
0x4e: {  	v51 =	vor.u32 $0x1A, v1;
	v50 =	vld.idx.msk [tilespmem:v42+s13+$0x0], $0xffff  }
0x4f: {  	v52 =	vld.idx.msk [tilespmem:v45+s11+$0x0], $0xffff;
	v2 =	vadd.f32 v3, v2;
	v3 =	vmul.f32 v44, v43  }
0x50: {  	v54 =	vor.u32 $0x1B, v1;
	v53 =	vld.idx.msk [tilespmem:v45+s13+$0x0], $0xffff  }
0x51: {  	v55 =	vld.idx.msk [tilespmem:v48+s11+$0x0], $0xffff;
	v2 =	vadd.f32 v3, v2;
	v3 =	vmul.f32 v47, v46  }
0x52: {  	v57 =	vor.u32 $0x1C, v1;
	v56 =	vld.idx.msk [tilespmem:v48+s13+$0x0], $0xffff  }
0x53: {  	v58 =	vld.idx.msk [tilespmem:v51+s11+$0x0], $0xffff;
	v2 =	vadd.f32 v3, v2;
	v3 =	vmul.f32 v50, v49  }
0x54: {  	v60 =	vor.u32 $0x1D, v1;
	v59 =	vld.idx.msk [tilespmem:v51+s13+$0x0], $0xffff  }
0x55: {  	v61 =	vld.idx.msk [tilespmem:v54+s11+$0x0], $0xffff;
	v2 =	vadd.f32 v3, v2;
	v3 =	vmul.f32 v53, v52  }
0x56: {  	v63 =	vor.u32 $0x1E, v1;
	v62 =	vld.idx.msk [tilespmem:v54+s13+$0x0], $0xffff  }
0x57: {  	v16 =	vld.idx.msk [tilespmem:v57+s11+$0x0], $0xffff;
	v2 =	vadd.f32 v3, v2;
	v3 =	vmul.f32 v56, v55  }
0x58: {  	v1 =	vor.u32 $0x1F, v1;
	v17 =	vld.idx.msk [tilespmem:v57+s13+$0x0], $0xffff  }
0x59: {  	v18 =	vld.idx.msk [tilespmem:v60+s11+$0x0], $0xffff;
	v2 =	vadd.f32 v3, v2;
	v3 =	vmul.f32 v59, v58  }
0x5a: {  	v19 =	vld.idx.msk [tilespmem:v60+s13+$0x0], $0xffff  }
0x5b: {  	v21 =	vld.idx.msk [tilespmem:v63+s13+$0x0], $0xffff;
	v2 =	vadd.f32 v3, v2;
	v3 =	vmul.f32 v62, v61  }
0x5c: {  	v20 =	vld.idx.msk [tilespmem:v63+s11+$0x0], $0xffff  }
0x5d: {  	v22 =	vld.idx.msk [tilespmem:v1+s11+$0x0], $0xffff;
	v2 =	vadd.f32 v3, v2;
	v3 =	vmul.f32 v17, v16  }
0x5e: {  	v1 =	vld.idx.msk [tilespmem:v1+s13+$0x0], $0xffff  }
0x5f: {  	v2 =	vadd.f32 v3, v2;
	v3 =	vmul.f32 v19, v18;
	_ =	sdelay $0x1  }
0x60: {  	v2 =	vadd.f32 v3, v2;
	v3 =	vmul.f32 v21, v20;
	_ =	sdelay $0x1  }
0x61: {  	v1 =	vmul.f32 v1, v22;
	v2 =	vadd.f32 v3, v2;
	_ =	sdelay $0x1  }
0x62: {  	v1 =	vadd.f32 v1, v2;
	_ =	sdelay $0x1  }
0x63: {  	v1 =	vsub.f32 $0.0e+00, v1;
	_ =	sdelay $0x1  }
0x64: {  	v1 =	vmul.f32 $1.442695020e+00, v1;
	_ =	sdelay $0x1  }
0x65: {  	(erf) = vpow2.f32 v1;
	_ =	sdelay $0x8  }
0x66: {  	v1 =	vpop (erf)  }
0x67: {  	v1 =	vadd.f32 $1.000000000e+00, v1;
	_ =	sdelay $0x1  }
0x68: {  	(erf) = vrcp.f32 v1;
	_ =	sdelay $0x2  }
0x69: {  	s30 =	simm.s32 $0x10  }
0x6a: {  	v1 =	vmov s30  }
0x6b: {  	v1 =	vshll.u32 v1, $0x7  }
0x6c: {  	v1 =	vor.u32 v0, v1;
	_ =	sdelay $0x1  }
0x6d: {  	v2 =	vor.u32 $0x1, v1  }
0x6e: {  	s18 =	simm.s32 $0x8100;
	v3 =	vpop (erf)  }
0x6f: {  	v23 =	vor.u32 $0x2, v1;
	[tilespmem:s18+$0x0] =	vst v3  }
0x70: {  	v3 =	vld.idx.msk [tilespmem:v1+s13+$0x0], $0xffff  }
0x71: {  	v25 =	vor.u32 $0x3, v1;
	v24 =	vld.idx.msk [tilespmem:v1+s11+$0x0], $0xffff  }
0x72: {  	v26 =	vld.idx.msk [tilespmem:v2+s11+$0x0], $0xffff  }
0x73: {  	v27 =	vor.u32 $0x4, v1;
	v2 =	vld.idx.msk [tilespmem:v2+s13+$0x0], $0xffff  }
0x74: {  	v28 =	vld.idx.msk [tilespmem:v23+s11+$0x0], $0xffff  }
0x75: {  	v29 =	vor.u32 $0x5, v1;
	v4 =	vld.idx.msk [tilespmem:v23+s13+$0x0], $0xffff  }
0x76: {  	v30 =	vld.idx.msk [tilespmem:v25+s11+$0x0], $0xffff;
	v3 =	vmul.f32 v3, v24  }
0x77: {  	v32 =	vor.u32 $0x6, v1;
	v31 =	vld.idx.msk [tilespmem:v25+s13+$0x0], $0xffff  }
0x78: {  	v33 =	vld.idx.msk [tilespmem:v27+s11+$0x0], $0xffff;
	v2 =	vmul.f32 v2, v26;
	v3 =	vadd.f32 $0.0e+00, v3  }
0x79: {  	v35 =	vor.u32 $0x7, v1;
	v34 =	vld.idx.msk [tilespmem:v27+s13+$0x0], $0xffff  }
0x7a: {  	v36 =	vld.idx.msk [tilespmem:v29+s11+$0x0], $0xffff;
	v2 =	vadd.f32 v2, v3;
	v3 =	vmul.f32 v4, v28  }
0x7b: {  	v38 =	vor.u32 $0x8, v1;
	v37 =	vld.idx.msk [tilespmem:v29+s13+$0x0], $0xffff  }
0x7c: {  	v39 =	vld.idx.msk [tilespmem:v32+s11+$0x0], $0xffff;
	v2 =	vadd.f32 v3, v2;
	v3 =	vmul.f32 v31, v30  }
0x7d: {  	v41 =	vor.u32 $0x9, v1;
	v40 =	vld.idx.msk [tilespmem:v32+s13+$0x0], $0xffff  }
0x7e: {  	v42 =	vld.idx.msk [tilespmem:v35+s11+$0x0], $0xffff;
	v2 =	vadd.f32 v3, v2;
	v3 =	vmul.f32 v34, v33  }
0x7f: {  	v44 =	vor.u32 $0xA, v1;
	v43 =	vld.idx.msk [tilespmem:v35+s13+$0x0], $0xffff  }
0x80: {  	v45 =	vld.idx.msk [tilespmem:v38+s11+$0x0], $0xffff;
	v2 =	vadd.f32 v3, v2;
	v3 =	vmul.f32 v37, v36  }
0x81: {  	v47 =	vor.u32 $0xB, v1;
	v46 =	vld.idx.msk [tilespmem:v38+s13+$0x0], $0xffff  }
0x82: {  	v48 =	vld.idx.msk [tilespmem:v41+s11+$0x0], $0xffff;
	v2 =	vadd.f32 v3, v2;
	v3 =	vmul.f32 v40, v39  }
0x83: {  	v50 =	vor.u32 $0xC, v1;
	v49 =	vld.idx.msk [tilespmem:v41+s13+$0x0], $0xffff  }
0x84: {  	v51 =	vld.idx.msk [tilespmem:v44+s11+$0x0], $0xffff;
	v2 =	vadd.f32 v3, v2;
	v3 =	vmul.f32 v43, v42  }
0x85: {  	v53 =	vor.u32 $0xD, v1;
	v52 =	vld.idx.msk [tilespmem:v44+s13+$0x0], $0xffff  }
0x86: {  	v54 =	vld.idx.msk [tilespmem:v47+s11+$0x0], $0xffff;
	v2 =	vadd.f32 v3, v2;
	v3 =	vmul.f32 v46, v45  }
0x87: {  	v56 =	vor.u32 $0xE, v1;
	v55 =	vld.idx.msk [tilespmem:v47+s13+$0x0], $0xffff  }
0x88: {  	v57 =	vld.idx.msk [tilespmem:v50+s11+$0x0], $0xffff;
	v2 =	vadd.f32 v3, v2;
	v3 =	vmul.f32 v49, v48  }
0x89: {  	v59 =	vor.u32 $0xF, v1;
	v58 =	vld.idx.msk [tilespmem:v50+s13+$0x0], $0xffff  }
0x8a: {  	v60 =	vld.idx.msk [tilespmem:v53+s11+$0x0], $0xffff;
	v2 =	vadd.f32 v3, v2;
	v3 =	vmul.f32 v52, v51  }
0x8b: {  	v62 =	vor.u32 $0x10, v1;
	v61 =	vld.idx.msk [tilespmem:v53+s13+$0x0], $0xffff  }
0x8c: {  	v63 =	vld.idx.msk [tilespmem:v56+s11+$0x0], $0xffff;
	v2 =	vadd.f32 v3, v2;
	v3 =	vmul.f32 v55, v54  }
0x8d: {  	v17 =	vor.u32 $0x11, v1;
	v16 =	vld.idx.msk [tilespmem:v56+s13+$0x0], $0xffff  }
0x8e: {  	v18 =	vld.idx.msk [tilespmem:v59+s11+$0x0], $0xffff;
	v2 =	vadd.f32 v3, v2;
	v3 =	vmul.f32 v58, v57  }
0x8f: {  	v20 =	vor.u32 $0x12, v1;
	v19 =	vld.idx.msk [tilespmem:v59+s13+$0x0], $0xffff  }
0x90: {  	v21 =	vld.idx.msk [tilespmem:v62+s11+$0x0], $0xffff;
	v2 =	vadd.f32 v3, v2;
	v3 =	vmul.f32 v61, v60  }
0x91: {  	v22 =	vld.idx.msk [tilespmem:v62+s13+$0x0], $0xffff;
	v23 =	vor.u32 $0x13, v1  }
0x92: {  	v25 =	vld.idx.msk [tilespmem:v17+s13+$0x0], $0xffff;
	v2 =	vadd.f32 v3, v2;
	v3 =	vmul.f32 v16, v63  }
0x93: {  	v24 =	vld.idx.msk [tilespmem:v17+s11+$0x0], $0xffff;
	v26 =	vor.u32 $0x14, v1  }
0x94: {  	v27 =	vld.idx.msk [tilespmem:v20+s11+$0x0], $0xffff;
	v2 =	vadd.f32 v3, v2;
	v3 =	vmul.f32 v19, v18  }
0x95: {  	v29 =	vor.u32 $0x15, v1;
	v28 =	vld.idx.msk [tilespmem:v20+s13+$0x0], $0xffff  }
0x96: {  	v30 =	vld.idx.msk [tilespmem:v23+s11+$0x0], $0xffff;
	v2 =	vadd.f32 v3, v2;
	v3 =	vmul.f32 v22, v21  }
0x97: {  	v32 =	vor.u32 $0x16, v1;
	v31 =	vld.idx.msk [tilespmem:v23+s13+$0x0], $0xffff  }
0x98: {  	v33 =	vld.idx.msk [tilespmem:v26+s11+$0x0], $0xffff;
	v2 =	vadd.f32 v3, v2;
	v3 =	vmul.f32 v25, v24  }
0x99: {  	v35 =	vor.u32 $0x17, v1;
	v34 =	vld.idx.msk [tilespmem:v26+s13+$0x0], $0xffff  }
0x9a: {  	v36 =	vld.idx.msk [tilespmem:v29+s11+$0x0], $0xffff;
	v2 =	vadd.f32 v3, v2;
	v3 =	vmul.f32 v28, v27  }
0x9b: {  	v38 =	vor.u32 $0x18, v1;
	v37 =	vld.idx.msk [tilespmem:v29+s13+$0x0], $0xffff  }
0x9c: {  	v39 =	vld.idx.msk [tilespmem:v32+s11+$0x0], $0xffff;
	v2 =	vadd.f32 v3, v2;
	v3 =	vmul.f32 v31, v30  }
0x9d: {  	v41 =	vor.u32 $0x19, v1;
	v40 =	vld.idx.msk [tilespmem:v32+s13+$0x0], $0xffff  }
0x9e: {  	v42 =	vld.idx.msk [tilespmem:v35+s11+$0x0], $0xffff;
	v2 =	vadd.f32 v3, v2;
	v3 =	vmul.f32 v34, v33  }
0x9f: {  	v44 =	vor.u32 $0x1A, v1;
	v43 =	vld.idx.msk [tilespmem:v35+s13+$0x0], $0xffff  }
0xa0: {  	v45 =	vld.idx.msk [tilespmem:v38+s11+$0x0], $0xffff;
	v2 =	vadd.f32 v3, v2;
	v3 =	vmul.f32 v37, v36  }
0xa1: {  	v47 =	vor.u32 $0x1B, v1;
	v46 =	vld.idx.msk [tilespmem:v38+s13+$0x0], $0xffff  }
0xa2: {  	v48 =	vld.idx.msk [tilespmem:v41+s11+$0x0], $0xffff;
	v2 =	vadd.f32 v3, v2;
	v3 =	vmul.f32 v40, v39  }
0xa3: {  	v50 =	vor.u32 $0x1C, v1;
	v49 =	vld.idx.msk [tilespmem:v41+s13+$0x0], $0xffff  }
0xa4: {  	v51 =	vld.idx.msk [tilespmem:v44+s11+$0x0], $0xffff;
	v2 =	vadd.f32 v3, v2;
	v3 =	vmul.f32 v43, v42  }
0xa5: {  	v53 =	vor.u32 $0x1D, v1;
	v52 =	vld.idx.msk [tilespmem:v44+s13+$0x0], $0xffff  }
0xa6: {  	v54 =	vld.idx.msk [tilespmem:v47+s11+$0x0], $0xffff;
	v2 =	vadd.f32 v3, v2;
	v3 =	vmul.f32 v46, v45  }
0xa7: {  	v56 =	vor.u32 $0x1E, v1;
	v55 =	vld.idx.msk [tilespmem:v47+s13+$0x0], $0xffff  }
0xa8: {  	v57 =	vld.idx.msk [tilespmem:v50+s11+$0x0], $0xffff;
	v2 =	vadd.f32 v3, v2;
	v3 =	vmul.f32 v49, v48  }
0xa9: {  	v1 =	vor.u32 $0x1F, v1;
	v58 =	vld.idx.msk [tilespmem:v50+s13+$0x0], $0xffff  }
0xaa: {  	v59 =	vld.idx.msk [tilespmem:v53+s11+$0x0], $0xffff;
	v2 =	vadd.f32 v3, v2;
	v3 =	vmul.f32 v52, v51  }
0xab: {  	v60 =	vld.idx.msk [tilespmem:v53+s13+$0x0], $0xffff  }
0xac: {  	v62 =	vld.idx.msk [tilespmem:v56+s13+$0x0], $0xffff;
	v2 =	vadd.f32 v3, v2;
	v3 =	vmul.f32 v55, v54  }
0xad: {  	v61 =	vld.idx.msk [tilespmem:v56+s11+$0x0], $0xffff  }
0xae: {  	v63 =	vld.idx.msk [tilespmem:v1+s11+$0x0], $0xffff;
	v2 =	vadd.f32 v3, v2;
	v3 =	vmul.f32 v58, v57  }
0xaf: {  	v1 =	vld.idx.msk [tilespmem:v1+s13+$0x0], $0xffff  }
0xb0: {  	v2 =	vadd.f32 v3, v2;
	v3 =	vmul.f32 v60, v59;
	_ =	sdelay $0x1  }
0xb1: {  	v2 =	vadd.f32 v3, v2;
	v3 =	vmul.f32 v62, v61;
	_ =	sdelay $0x1  }
0xb2: {  	v1 =	vmul.f32 v1, v63;
	v2 =	vadd.f32 v3, v2;
	_ =	sdelay $0x1  }
0xb3: {  	v1 =	vadd.f32 v1, v2;
	_ =	sdelay $0x1  }
0xb4: {  	v1 =	vsub.f32 $0.0e+00, v1;
	_ =	sdelay $0x1  }
0xb5: {  	v1 =	vmul.f32 $1.442695020e+00, v1;
	_ =	sdelay $0x1  }
0xb6: {  	(erf) = vpow2.f32 v1;
	_ =	sdelay $0x8  }
0xb7: {  	v1 =	vpop (erf)  }
0xb8: {  	v1 =	vadd.f32 $1.000000000e+00, v1;
	_ =	sdelay $0x1  }
0xb9: {  	(erf) = vrcp.f32 v1;
	_ =	sdelay $0x2  }
0xba: {  	s31 =	simm.s32 $0x20  }
0xbb: {  	v2 =	vmov s31  }
0xbc: {  	s19 =	simm.s32 $0x30;
	v1 =	vshll.u32 v2, $0x7  }
.LBB2_3:
0xbd: {  	p0 =	sne.s32 s19, $0x70;
	v1 =	vor.u32 v0, v1;
	_ =	sdelay $0x1  }
0xbe: {  	v2 =	vor.u32 $0x1, v1  }
0xbf: {  	s18 =	sadd.s32 $0x10, s18;
	v3 =	vpop (erf)  }
0xc0: {  	v4 =	vor.u32 $0x2, v1;
	[tilespmem:s18+$0x0] =	vst v3  }
0xc1: {  	v3 =	vld.idx.msk [tilespmem:v1+s13+$0x0], $0xffff  }
0xc2: {  	v6 =	vor.u32 $0x3, v1;
	v5 =	vld.idx.msk [tilespmem:v1+s11+$0x0], $0xffff  }
0xc3: {  	v7 =	vld.idx.msk [tilespmem:v2+s11+$0x0], $0xffff  }
0xc4: {  	v8 =	vor.u32 $0x4, v1;
	v2 =	vld.idx.msk [tilespmem:v2+s13+$0x0], $0xffff  }
0xc5: {  	v9 =	vld.idx.msk [tilespmem:v4+s11+$0x0], $0xffff  }
0xc6: {  	v10 =	vor.u32 $0x5, v1;
	v4 =	vld.idx.msk [tilespmem:v4+s13+$0x0], $0xffff  }
0xc7: {  	v11 =	vld.idx.msk [tilespmem:v6+s11+$0x0], $0xffff  }
0xc8: {  	v3 =	vmul.f32 v3, v5;
	v5 =	vld.idx.msk [tilespmem:v6+s13+$0x0], $0xffff;
	v6 =	vor.u32 $0x6, v1  }
0xc9: {  	v12 =	vld.idx.msk [tilespmem:v8+s11+$0x0], $0xffff  }
0xca: {  	v3 =	vadd.f32 $0.0e+00, v3;
	v2 =	vmul.f32 v2, v7;
	v7 =	vld.idx.msk [tilespmem:v8+s13+$0x0], $0xffff;
	v8 =	vor.u32 $0x7, v1  }
0xcb: {  	v13 =	vld.idx.msk [tilespmem:v10+s11+$0x0], $0xffff  }
0xcc: {  	v2 =	vadd.f32 v2, v3;
	v3 =	vmul.f32 v4, v9;
	v9 =	vor.u32 $0x8, v1;
	v4 =	vld.idx.msk [tilespmem:v10+s13+$0x0], $0xffff  }
0xcd: {  	v10 =	vld.idx.msk [tilespmem:v6+s11+$0x0], $0xffff  }
0xce: {  	v2 =	vadd.f32 v3, v2;
	v3 =	vmul.f32 v5, v11;
	v5 =	vld.idx.msk [tilespmem:v6+s13+$0x0], $0xffff;
	v6 =	vor.u32 $0x9, v1  }
0xcf: {  	v11 =	vld.idx.msk [tilespmem:v8+s11+$0x0], $0xffff  }
0xd0: {  	v2 =	vadd.f32 v3, v2;
	v3 =	vmul.f32 v7, v12;
	v7 =	vld.idx.msk [tilespmem:v8+s13+$0x0], $0xffff;
	v8 =	vor.u32 $0xA, v1  }
0xd1: {  	v12 =	vld.idx.msk [tilespmem:v9+s11+$0x0], $0xffff  }
0xd2: {  	v2 =	vadd.f32 v3, v2;
	v3 =	vmul.f32 v4, v13;
	v4 =	vld.idx.msk [tilespmem:v9+s13+$0x0], $0xffff;
	v9 =	vor.u32 $0xB, v1  }
0xd3: {  	v13 =	vld.idx.msk [tilespmem:v6+s11+$0x0], $0xffff  }
0xd4: {  	v2 =	vadd.f32 v3, v2;
	v3 =	vmul.f32 v5, v10;
	v5 =	vld.idx.msk [tilespmem:v6+s13+$0x0], $0xffff;
	v6 =	vor.u32 $0xC, v1  }
0xd5: {  	v10 =	vld.idx.msk [tilespmem:v8+s11+$0x0], $0xffff  }
0xd6: {  	v2 =	vadd.f32 v3, v2;
	v3 =	vmul.f32 v7, v11;
	v7 =	vld.idx.msk [tilespmem:v8+s13+$0x0], $0xffff;
	v8 =	vor.u32 $0xD, v1  }
0xd7: {  	v11 =	vld.idx.msk [tilespmem:v9+s11+$0x0], $0xffff  }
0xd8: {  	v2 =	vadd.f32 v3, v2;
	v3 =	vmul.f32 v4, v12;
	v4 =	vld.idx.msk [tilespmem:v9+s13+$0x0], $0xffff;
	v9 =	vor.u32 $0xE, v1  }
0xd9: {  	v12 =	vld.idx.msk [tilespmem:v6+s11+$0x0], $0xffff  }
0xda: {  	v2 =	vadd.f32 v3, v2;
	v3 =	vmul.f32 v5, v13;
	v5 =	vld.idx.msk [tilespmem:v6+s13+$0x0], $0xffff;
	v6 =	vor.u32 $0xF, v1  }
0xdb: {  	v13 =	vld.idx.msk [tilespmem:v8+s11+$0x0], $0xffff  }
0xdc: {  	v2 =	vadd.f32 v3, v2;
	v3 =	vmul.f32 v7, v10;
	v7 =	vld.idx.msk [tilespmem:v8+s13+$0x0], $0xffff;
	v8 =	vor.u32 $0x10, v1  }
0xdd: {  	v10 =	vld.idx.msk [tilespmem:v9+s11+$0x0], $0xffff  }
0xde: {  	v2 =	vadd.f32 v3, v2;
	v3 =	vmul.f32 v4, v11;
	v4 =	vld.idx.msk [tilespmem:v9+s13+$0x0], $0xffff;
	v9 =	vor.u32 $0x11, v1  }
0xdf: {  	v11 =	vld.idx.msk [tilespmem:v6+s11+$0x0], $0xffff  }
0xe0: {  	v2 =	vadd.f32 v3, v2;
	v3 =	vmul.f32 v5, v12;
	v5 =	vld.idx.msk [tilespmem:v6+s13+$0x0], $0xffff;
	v6 =	vor.u32 $0x12, v1  }
0xe1: {  	v12 =	vld.idx.msk [tilespmem:v8+s11+$0x0], $0xffff  }
0xe2: {  	v2 =	vadd.f32 v3, v2;
	v3 =	vmul.f32 v7, v13;
	v7 =	vld.idx.msk [tilespmem:v8+s13+$0x0], $0xffff;
	v8 =	vor.u32 $0x13, v1  }
0xe3: {  	v13 =	vld.idx.msk [tilespmem:v9+s11+$0x0], $0xffff  }
0xe4: {  	v2 =	vadd.f32 v3, v2;
	v3 =	vmul.f32 v4, v10;
	v4 =	vld.idx.msk [tilespmem:v9+s13+$0x0], $0xffff;
	v9 =	vor.u32 $0x14, v1  }
0xe5: {  	v10 =	vld.idx.msk [tilespmem:v6+s11+$0x0], $0xffff  }
0xe6: {  	v2 =	vadd.f32 v3, v2;
	v3 =	vmul.f32 v5, v11;
	v5 =	vld.idx.msk [tilespmem:v6+s13+$0x0], $0xffff;
	v6 =	vor.u32 $0x15, v1  }
0xe7: {  	v11 =	vld.idx.msk [tilespmem:v8+s11+$0x0], $0xffff  }
0xe8: {  	v2 =	vadd.f32 v3, v2;
	v3 =	vmul.f32 v7, v12;
	v7 =	vld.idx.msk [tilespmem:v8+s13+$0x0], $0xffff;
	v8 =	vor.u32 $0x16, v1  }
0xe9: {  	v12 =	vld.idx.msk [tilespmem:v9+s11+$0x0], $0xffff  }
0xea: {  	v2 =	vadd.f32 v3, v2;
	v3 =	vmul.f32 v4, v13;
	v4 =	vld.idx.msk [tilespmem:v9+s13+$0x0], $0xffff;
	v9 =	vor.u32 $0x17, v1  }
0xeb: {  	v13 =	vld.idx.msk [tilespmem:v6+s11+$0x0], $0xffff  }
0xec: {  	v2 =	vadd.f32 v3, v2;
	v3 =	vmul.f32 v5, v10;
	v5 =	vld.idx.msk [tilespmem:v6+s13+$0x0], $0xffff;
	v6 =	vor.u32 $0x18, v1  }
0xed: {  	v10 =	vld.idx.msk [tilespmem:v8+s11+$0x0], $0xffff  }
0xee: {  	v2 =	vadd.f32 v3, v2;
	v3 =	vmul.f32 v7, v11;
	v7 =	vld.idx.msk [tilespmem:v8+s13+$0x0], $0xffff;
	v8 =	vor.u32 $0x19, v1  }
0xef: {  	v11 =	vld.idx.msk [tilespmem:v9+s11+$0x0], $0xffff  }
0xf0: {  	v2 =	vadd.f32 v3, v2;
	v3 =	vmul.f32 v4, v12;
	v4 =	vld.idx.msk [tilespmem:v9+s13+$0x0], $0xffff;
	v9 =	vor.u32 $0x1A, v1  }
0xf1: {  	v12 =	vld.idx.msk [tilespmem:v6+s11+$0x0], $0xffff  }
0xf2: {  	v2 =	vadd.f32 v3, v2;
	v3 =	vmul.f32 v5, v13;
	v5 =	vld.idx.msk [tilespmem:v6+s13+$0x0], $0xffff;
	v6 =	vor.u32 $0x1B, v1  }
0xf3: {  	v13 =	vld.idx.msk [tilespmem:v8+s11+$0x0], $0xffff  }
0xf4: {  	v2 =	vadd.f32 v3, v2;
	v3 =	vmul.f32 v7, v10;
	v7 =	vld.idx.msk [tilespmem:v8+s13+$0x0], $0xffff;
	v8 =	vor.u32 $0x1C, v1  }
0xf5: {  	v10 =	vld.idx.msk [tilespmem:v9+s11+$0x0], $0xffff  }
0xf6: {  	v2 =	vadd.f32 v3, v2;
	v3 =	vmul.f32 v4, v11;
	v4 =	vld.idx.msk [tilespmem:v9+s13+$0x0], $0xffff;
	v9 =	vor.u32 $0x1D, v1  }
0xf7: {  	v11 =	vld.idx.msk [tilespmem:v6+s11+$0x0], $0xffff  }
0xf8: {  	v2 =	vadd.f32 v3, v2;
	v3 =	vmul.f32 v5, v12;
	v5 =	vld.idx.msk [tilespmem:v6+s13+$0x0], $0xffff;
	v6 =	vor.u32 $0x1E, v1  }
0xf9: {  	v12 =	vld.idx.msk [tilespmem:v8+s11+$0x0], $0xffff  }
0xfa: {  	v1 =	vor.u32 $0x1F, v1;
	v2 =	vadd.f32 v3, v2;
	v3 =	vmul.f32 v7, v13;
	v7 =	vld.idx.msk [tilespmem:v8+s13+$0x0], $0xffff  }
0xfb: {  	v8 =	vld.idx.msk [tilespmem:v9+s11+$0x0], $0xffff  }
0xfc: {  	v2 =	vadd.f32 v3, v2;
	v3 =	vmul.f32 v4, v10;
	v4 =	vld.idx.msk [tilespmem:v9+s13+$0x0], $0xffff  }
0xfd: {  	v9 =	vld.idx.msk [tilespmem:v6+s11+$0x0], $0xffff  }
0xfe: {  	v2 =	vadd.f32 v3, v2;
	v3 =	vmul.f32 v5, v11;
	v5 =	vld.idx.msk [tilespmem:v6+s13+$0x0], $0xffff  }
0xff: {  	v6 =	vld.idx.msk [tilespmem:v1+s11+$0x0], $0xffff  }
0x100: {  	v2 =	vadd.f32 v3, v2;
	v3 =	vmul.f32 v7, v12;
	v1 =	vld.idx.msk [tilespmem:v1+s13+$0x0], $0xffff;
	_ =	sdelay $0x1  }
0x101: {  	v2 =	vadd.f32 v3, v2;
	v3 =	vmul.f32 v4, v8;
	_ =	sdelay $0x1  }
0x102: {  	v2 =	vadd.f32 v3, v2;
	v3 =	vmul.f32 v5, v9;
	_ =	sdelay $0x1  }
0x103: {  	v2 =	vadd.f32 v3, v2;
	v1 =	vmul.f32 v1, v6;
	_ =	sdelay $0x1  }
0x104: {  	v1 =	vadd.f32 v1, v2;
	_ =	sdelay $0x1  }
0x105: {  	v1 =	vsub.f32 $0.0e+00, v1;
	_ =	sdelay $0x1  }
0x106: {  	v1 =	vmul.f32 $1.442695020e+00, v1;
	_ =	sdelay $0x1  }
0x107: {  	(erf) = vpow2.f32 v1;
	_ =	sdelay $0x8  }
0x108: {  	v1 =	vpop (erf)  }
0x109: {  	v1 =	vadd.f32 $1.000000000e+00, v1;
	_ =	sdelay $0x1  }
0x10a: {  	(erf) = vrcp.f32 v1  }
.Ltmp0:
0x10b: {  	(pc) =	sbr.rel @p0 .LBB2_3-.Ltmp0, $3  }
0x10c: {  	_ =	sdelay $0x1  }
0x10d: {  	v1 =	vmov s19  }
0x10e: {  	s19 =	sadd.s32 $0x10, s19;
	v1 =	vshll.u32 v1, $0x7  }
0x10f: {  	v1 =	vor.u32 v0, v1;
	_ =	sdelay $0x1  }
0x110: {  	v2 =	vor.u32 $0x1, v1  }
0x111: {  	s18 =	sadd.s32 $0x10, s18;
	v3 =	vpop (erf)  }
0x112: {  	v4 =	vor.u32 $0x2, v1;
	[tilespmem:s18+$0x0] =	vst v3  }
0x113: {  	v3 =	vld.idx.msk [tilespmem:v1+s13+$0x0], $0xffff  }
0x114: {  	v6 =	vor.u32 $0x3, v1;
	v5 =	vld.idx.msk [tilespmem:v1+s11+$0x0], $0xffff  }
0x115: {  	v7 =	vld.idx.msk [tilespmem:v2+s11+$0x0], $0xffff  }
0x116: {  	v8 =	vor.u32 $0x4, v1;
	v2 =	vld.idx.msk [tilespmem:v2+s13+$0x0], $0xffff  }
0x117: {  	v9 =	vld.idx.msk [tilespmem:v4+s11+$0x0], $0xffff  }
0x118: {  	v10 =	vor.u32 $0x5, v1;
	v4 =	vld.idx.msk [tilespmem:v4+s13+$0x0], $0xffff  }
0x119: {  	v11 =	vld.idx.msk [tilespmem:v6+s11+$0x0], $0xffff;
	v3 =	vmul.f32 v3, v5  }
0x11a: {  	v34 =	vor.u32 $0x6, v1;
	v33 =	vld.idx.msk [tilespmem:v6+s13+$0x0], $0xffff  }
0x11b: {  	v12 =	vld.idx.msk [tilespmem:v8+s11+$0x0], $0xffff;
	v2 =	vmul.f32 v2, v7;
	v3 =	vadd.f32 $0.0e+00, v3  }
0x11c: {  	v36 =	vor.u32 $0x7, v1;
	v35 =	vld.idx.msk [tilespmem:v8+s13+$0x0], $0xffff  }
0x11d: {  	v13 =	vld.idx.msk [tilespmem:v10+s11+$0x0], $0xffff;
	v2 =	vadd.f32 v2, v3;
	v3 =	vmul.f32 v4, v9  }
0x11e: {  	v38 =	vor.u32 $0x8, v1;
	v37 =	vld.idx.msk [tilespmem:v10+s13+$0x0], $0xffff  }
0x11f: {  	v39 =	vld.idx.msk [tilespmem:v34+s11+$0x0], $0xffff;
	v2 =	vadd.f32 v3, v2;
	v3 =	vmul.f32 v33, v11  }
0x120: {  	v41 =	vor.u32 $0x9, v1;
	v40 =	vld.idx.msk [tilespmem:v34+s13+$0x0], $0xffff  }
0x121: {  	v42 =	vld.idx.msk [tilespmem:v36+s11+$0x0], $0xffff;
	v2 =	vadd.f32 v3, v2;
	v3 =	vmul.f32 v35, v12  }
0x122: {  	v44 =	vor.u32 $0xA, v1;
	v43 =	vld.idx.msk [tilespmem:v36+s13+$0x0], $0xffff  }
0x123: {  	v45 =	vld.idx.msk [tilespmem:v38+s11+$0x0], $0xffff;
	v2 =	vadd.f32 v3, v2;
	v3 =	vmul.f32 v37, v13  }
0x124: {  	v47 =	vor.u32 $0xB, v1;
	v46 =	vld.idx.msk [tilespmem:v38+s13+$0x0], $0xffff  }
0x125: {  	v48 =	vld.idx.msk [tilespmem:v41+s11+$0x0], $0xffff;
	v2 =	vadd.f32 v3, v2;
	v3 =	vmul.f32 v40, v39  }
0x126: {  	v50 =	vor.u32 $0xC, v1;
	v49 =	vld.idx.msk [tilespmem:v41+s13+$0x0], $0xffff  }
0x127: {  	v51 =	vld.idx.msk [tilespmem:v44+s11+$0x0], $0xffff;
	v2 =	vadd.f32 v3, v2;
	v3 =	vmul.f32 v43, v42  }
0x128: {  	v53 =	vor.u32 $0xD, v1;
	v52 =	vld.idx.msk [tilespmem:v44+s13+$0x0], $0xffff  }
0x129: {  	v54 =	vld.idx.msk [tilespmem:v47+s11+$0x0], $0xffff;
	v2 =	vadd.f32 v3, v2;
	v3 =	vmul.f32 v46, v45  }
0x12a: {  	v56 =	vor.u32 $0xE, v1;
	v55 =	vld.idx.msk [tilespmem:v47+s13+$0x0], $0xffff  }
0x12b: {  	v57 =	vld.idx.msk [tilespmem:v50+s11+$0x0], $0xffff;
	v2 =	vadd.f32 v3, v2;
	v3 =	vmul.f32 v49, v48  }
0x12c: {  	v59 =	vor.u32 $0xF, v1;
	v58 =	vld.idx.msk [tilespmem:v50+s13+$0x0], $0xffff  }
0x12d: {  	v60 =	vld.idx.msk [tilespmem:v53+s11+$0x0], $0xffff;
	v2 =	vadd.f32 v3, v2;
	v3 =	vmul.f32 v52, v51  }
0x12e: {  	v62 =	vor.u32 $0x10, v1;
	v61 =	vld.idx.msk [tilespmem:v53+s13+$0x0], $0xffff  }
0x12f: {  	v63 =	vld.idx.msk [tilespmem:v56+s11+$0x0], $0xffff;
	v2 =	vadd.f32 v3, v2;
	v3 =	vmul.f32 v55, v54  }
0x130: {  	v17 =	vor.u32 $0x11, v1;
	v16 =	vld.idx.msk [tilespmem:v56+s13+$0x0], $0xffff  }
0x131: {  	v18 =	vld.idx.msk [tilespmem:v59+s11+$0x0], $0xffff;
	v2 =	vadd.f32 v3, v2;
	v3 =	vmul.f32 v58, v57  }
0x132: {  	v20 =	vor.u32 $0x12, v1;
	v19 =	vld.idx.msk [tilespmem:v59+s13+$0x0], $0xffff  }
0x133: {  	v21 =	vld.idx.msk [tilespmem:v62+s11+$0x0], $0xffff;
	v2 =	vadd.f32 v3, v2;
	v3 =	vmul.f32 v61, v60  }
0x134: {  	v23 =	vor.u32 $0x13, v1;
	v22 =	vld.idx.msk [tilespmem:v62+s13+$0x0], $0xffff  }
0x135: {  	v24 =	vld.idx.msk [tilespmem:v17+s11+$0x0], $0xffff;
	v2 =	vadd.f32 v3, v2;
	v3 =	vmul.f32 v16, v63  }
0x136: {  	v26 =	vor.u32 $0x14, v1;
	v25 =	vld.idx.msk [tilespmem:v17+s13+$0x0], $0xffff  }
0x137: {  	v27 =	vld.idx.msk [tilespmem:v20+s11+$0x0], $0xffff;
	v2 =	vadd.f32 v3, v2;
	v3 =	vmul.f32 v19, v18  }
0x138: {  	v29 =	vor.u32 $0x15, v1;
	v28 =	vld.idx.msk [tilespmem:v20+s13+$0x0], $0xffff  }
0x139: {  	v30 =	vld.idx.msk [tilespmem:v23+s11+$0x0], $0xffff;
	v2 =	vadd.f32 v3, v2;
	v3 =	vmul.f32 v22, v21  }
0x13a: {  	v32 =	vor.u32 $0x16, v1;
	v31 =	vld.idx.msk [tilespmem:v23+s13+$0x0], $0xffff  }
0x13b: {  	v34 =	vld.idx.msk [tilespmem:v26+s13+$0x0], $0xffff;
	v2 =	vadd.f32 v3, v2;
	v3 =	vmul.f32 v25, v24  }
0x13c: {  	v33 =	vld.idx.msk [tilespmem:v26+s11+$0x0], $0xffff;
	v35 =	vor.u32 $0x17, v1  }
0x13d: {  	v36 =	vld.idx.msk [tilespmem:v29+s11+$0x0], $0xffff;
	v2 =	vadd.f32 v3, v2;
	v3 =	vmul.f32 v28, v27  }
0x13e: {  	v38 =	vor.u32 $0x18, v1;
	v37 =	vld.idx.msk [tilespmem:v29+s13+$0x0], $0xffff  }
0x13f: {  	v39 =	vld.idx.msk [tilespmem:v32+s11+$0x0], $0xffff;
	v2 =	vadd.f32 v3, v2;
	v3 =	vmul.f32 v31, v30  }
0x140: {  	v41 =	vor.u32 $0x19, v1;
	v40 =	vld.idx.msk [tilespmem:v32+s13+$0x0], $0xffff  }
0x141: {  	v42 =	vld.idx.msk [tilespmem:v35+s11+$0x0], $0xffff;
	v2 =	vadd.f32 v3, v2;
	v3 =	vmul.f32 v34, v33  }
0x142: {  	v44 =	vor.u32 $0x1A, v1;
	v43 =	vld.idx.msk [tilespmem:v35+s13+$0x0], $0xffff  }
0x143: {  	v45 =	vld.idx.msk [tilespmem:v38+s11+$0x0], $0xffff;
	v2 =	vadd.f32 v3, v2;
	v3 =	vmul.f32 v37, v36  }
0x144: {  	v47 =	vor.u32 $0x1B, v1;
	v46 =	vld.idx.msk [tilespmem:v38+s13+$0x0], $0xffff  }
0x145: {  	v48 =	vld.idx.msk [tilespmem:v41+s11+$0x0], $0xffff;
	v2 =	vadd.f32 v3, v2;
	v3 =	vmul.f32 v40, v39  }
0x146: {  	v50 =	vor.u32 $0x1C, v1;
	v49 =	vld.idx.msk [tilespmem:v41+s13+$0x0], $0xffff  }
0x147: {  	v51 =	vld.idx.msk [tilespmem:v44+s11+$0x0], $0xffff;
	v2 =	vadd.f32 v3, v2;
	v3 =	vmul.f32 v43, v42  }
0x148: {  	v53 =	vor.u32 $0x1D, v1;
	v52 =	vld.idx.msk [tilespmem:v44+s13+$0x0], $0xffff  }
0x149: {  	v54 =	vld.idx.msk [tilespmem:v47+s11+$0x0], $0xffff;
	v2 =	vadd.f32 v3, v2;
	v3 =	vmul.f32 v46, v45  }
0x14a: {  	v56 =	vor.u32 $0x1E, v1;
	v55 =	vld.idx.msk [tilespmem:v47+s13+$0x0], $0xffff  }
0x14b: {  	v57 =	vld.idx.msk [tilespmem:v50+s11+$0x0], $0xffff;
	v2 =	vadd.f32 v3, v2;
	v3 =	vmul.f32 v49, v48  }
0x14c: {  	v1 =	vor.u32 $0x1F, v1;
	v58 =	vld.idx.msk [tilespmem:v50+s13+$0x0], $0xffff  }
0x14d: {  	v59 =	vld.idx.msk [tilespmem:v53+s11+$0x0], $0xffff;
	v2 =	vadd.f32 v3, v2;
	v3 =	vmul.f32 v52, v51  }
0x14e: {  	v60 =	vld.idx.msk [tilespmem:v53+s13+$0x0], $0xffff  }
0x14f: {  	v62 =	vld.idx.msk [tilespmem:v56+s13+$0x0], $0xffff;
	v2 =	vadd.f32 v3, v2;
	v3 =	vmul.f32 v55, v54  }
0x150: {  	v61 =	vld.idx.msk [tilespmem:v56+s11+$0x0], $0xffff  }
0x151: {  	v63 =	vld.idx.msk [tilespmem:v1+s11+$0x0], $0xffff;
	v2 =	vadd.f32 v3, v2;
	v3 =	vmul.f32 v58, v57  }
0x152: {  	v1 =	vld.idx.msk [tilespmem:v1+s13+$0x0], $0xffff  }
0x153: {  	v2 =	vadd.f32 v3, v2;
	v3 =	vmul.f32 v60, v59;
	_ =	sdelay $0x1  }
0x154: {  	v2 =	vadd.f32 v3, v2;
	v3 =	vmul.f32 v62, v61;
	_ =	sdelay $0x1  }
0x155: {  	v1 =	vmul.f32 v1, v63;
	v2 =	vadd.f32 v3, v2;
	_ =	sdelay $0x1  }
0x156: {  	v1 =	vadd.f32 v1, v2;
	_ =	sdelay $0x1  }
0x157: {  	v1 =	vsub.f32 $0.0e+00, v1;
	_ =	sdelay $0x1  }
0x158: {  	v1 =	vmul.f32 $1.442695020e+00, v1;
	_ =	sdelay $0x1  }
0x159: {  	(erf) = vpow2.f32 v1;
	_ =	sdelay $0x8  }
0x15a: {  	v1 =	vpop (erf)  }
0x15b: {  	v1 =	vadd.f32 $1.000000000e+00, v1;
	_ =	sdelay $0x1  }
0x15c: {  	(erf) = vrcp.f32 v1;
	_ =	sdelay $0x7  }
0x15d: {  	s16 =	sadd.s32 $0x1, s16  }
0x15e: {  	p0 =	sne.s32 s16, $0xA0;
	s18 =	sadd.s32 $0x10, s18;
	v1 =	vpop (erf)  }
.Ltmp1:
0x15f: {  	s17 =	sadd.s32 s6, s17;
	[tilespmem:s18+$0x0] =	vst v1;
	(pc) =	sbr.rel @p0 .LBB2_2-.Ltmp1, $4  }
0x160: {  	[hbm4b:s17+s1] =	stream.linear.scatter [tilespmem:s14], [sflag:$0x2], $0x80, $0x38;
	[tilespmem:$0x8180] =	vst v63  }
0x161: {  	_ =	swait.ge [sflag:s9], $0x80  }
0x162: {  	[sflag:s9] =	ssyncset.done $0x0  }
0x163: {  	[sflag:s9] =	ssyncadd.s32 $0xFFFFFF80  }
0x164: {  	s15 =	sadd.s32 $0x1, s15  }
0x165: {  	p0 =	sne.s32 s15, s8  }
.Ltmp2:
0x166: {  	_ = 	snop;
	(pc) =	sbr.rel @p0 .LBB2_1-.Ltmp2, $1  }
0x167: {  	_ =	sdelay $0x3  }
0x168: {  	_ =	sfence.sel $0x180000  }
0x169: {  	[bflag:$0x0] =	sbarrier.arrive $0xFFFF  }
0x16a: {  	p0 =	sne.s32 s2, $0x0;
	_ =	strace $0x90000050  }
0x16b: {  	s0 =	sadd.s32 @!p0 $0x100000, s0;
	[bflag:$0x2] =	sbarrier.arrive $0xFFFF  }
0x16c: {  	[sflag:s0] =	ssyncadd.tile.s32 @!p0 $0x1;
	_ =	shalt  }
.Lfunc_end2:
_tile_overlayer_lowered:
.L_overlay_start_2:
0x16d: {  	(tag) =	ssettag $0x2  }
0x16e: {  	s0 =	rddreg [dreg:$0x0];
	s2 =	stileid.u32  }
0x16f: {  	s1 =	rddreg [dreg:$0x1];
	p0 =	sne.s32 s2, $0x0  }
0x170: {  	s3 =	rddreg [dreg:$0x2];
	[bflag:$0x3] =	sbarrier.arrive $0xFFFF;
	s2 =	simm.s32 @!p0 $0x1C02  }
0x171: {  	[timem:s3], [sflag:s2] =	dma.local @!p0 [hbm:s0], s1  }
0x172: {  	s0 =	simm.s32 @!p0 $0x2  }
0x173: {  	_ =	swait.ge @!p0 [sflag:s0], s1  }
0x174: {  	s1 =	ssub.s32 @!p0 $0x0, s1;
	[sflag:s0] =	ssyncset.done @!p0 $0x0  }
0x175: {  	[sflag:s0] =	ssyncadd.s32 @!p0 s1  }
0x176: {  	[bflag:$0x3] =	sbarrier.arrive $0xFFFF  }
0x177: {  	_ =	shalt  }

// kernel: kernel.9.cloned.1.call-start
scs
__scs_entry_jumppad:
0x0: {  	(pc) =	sbr.rel $0x88, $3  }
0x1: {  	(tag) =	ssettag $0x0;
	lr =	simm.s32 $0x1  }
0x2: {  	[smem:$0x3F93] =	sst lr;
	_ =	strace $0xD0000000  }
0x3: {  	_ = 	snop  }
0x4: {  	_ = 	snop  }
0x5: {  	_ = 	snop  }
0x6: {  	_ = 	snop  }
0x7: {  	_ = 	snop  }
__scs_overlays_trampoline_lowered:
0x8: {  	[smem:$0x3FA2] =	sst s0  }
0x9: {  	[smem:$0x3FA3] =	sst s1  }
0xa: {  	[smem:$0x3FA4] =	sst s2  }
0xb: {  	[smem:$0x3FA5] =	sst s3  }
0xc: {  	[smem:$0x3FA6] =	sst s4  }
0xd: {  	[smem:$0x3FA7] =	sst s5  }
0xe: {  	[smem:$0x3FA8] =	sst s6  }
0xf: {  	[smem:$0x3FA9] =	sst s7  }
0x10: {  	[smem:$0x3FAA] =	sst s8  }
0x11: {  	[smem:$0x3FAB] =	sst s9;
	s0 =	simm.s32 @!p0 $0x0  }
0x12: {  	s1 =	sld [smem:$0x3F91];
	s0 =	simm.s32 @p0 $0x1  }
0x13: {  	[smem:$0x3FAC] =	sst s0;
	s0 =	simm.s32 @!p1 $0x0  }
0x14: {  	s2 =	sld [smem:$0x3F90];
	s0 =	simm.s32 @p1 $0x1  }
0x15: {  	[smem:$0x3FAD] =	sst s0;
	s0 =	simm.s32 @!p2 $0x0  }
0x16: {  	s3 =	sld [smem:$0x3FDB];
	s0 =	simm.s32 @p2 $0x1  }
0x17: {  	s4 =	simm.s32 $0x1BF5;
	[smem:$0x3FAF] =	sst s0  }
0x18: {  	s0 =	sld [smem:$0x3F92];
	_ =	swait.ge [sflag:s4], $0x0  }
0x19: {  	s7 =	sld [smem:$0x3F93]  }
0x1a: {  	s8 =	sadd.s32 $0xFFFFE003, lr  }
0x1b: {  	s9 =	sadd.s32 $0xFFFFFEF7, lr;
	s5 =	simm.s32 $0xFFFFFFFF;
	p2 =	slt.u32 s8, $0xFFFFF086  }
0x1c: {  	p1 =	slt.u32 s9, $0xF7A;
	s5 =	simm.s32 @!p2 $0x0  }
0x1d: {  	s5 =	simm.s32 @p1 $0x1;
	p0 =	seq.s32 s7, s2  }
0x1e: {  	s7 =	smul.u32 @!p0 $0xF7A, s2;
	p2 =	seq.s32 @!p0 s5, $0x0  }
0x1f: {  	s9 =	smul.u32 $0xF7A, s1;
	s8 =	simm.s32 @!p0 $0x1BF5;
	p2 =	por !p2, p0  }
0x20: {  	[sflag:s8] =	ssyncset.s32 @!p0 $0xFFFFF086;
	s6 =	sadd.s32 @!p0 s3, s7;
	s7 =	simm.s32 @!p0 $0x108  }
0x21: {  	s3 =	sadd.s32 s3, s9;
	s6 =	sadd.s32 @!p0 $0x88, s6;
	s7 =	simm.s32 @p2 $0x1082  }
0x22: {  	[simem:s7], [sflag:s8] =	dma.local @!p0 [hbm:s6], $0xF7A  }
0x23: {  	s9 =	sor.u32 $0xD0000000, s2;
	s6 =	simm.s32 $0x108;
	_ =	swait.ge @!p0 [sflag:s8], $0x0  }
0x24: {  	s3 =	sadd.s32 $0x88, s3;
	s6 =	simm.s32 @!p1 $0x1082;
	[sflag:s4] =	ssyncset.s32 $0xFFFFF086  }
0x25: {  	[simem:s6], [sflag:s4] =	dma.local [hbm:s3], $0xF7A  }
0x26: {  	[smem:$0x3F93] =	sst s1;
	(tag) =	ssettag s2;
	_ =	strace s9  }
0x27: {  	s1 =	sld [smem:$0x3FA3]  }
0x28: {  	s2 =	sld [smem:$0x3FA4]  }
0x29: {  	s4 =	sld [smem:$0x3FA6]  }
0x2a: {  	p0 =	seq.s32 s5, $0x0;
	s5 =	sld [smem:$0x3FA7]  }
0x2b: {  	s6 =	sld [smem:$0x3FA8]  }
0x2c: {  	s7 =	sld [smem:$0x3FA9]  }
0x2d: {  	s3 =	simm.s32 $0x108;
	s8 =	sld [smem:$0x3FAA]  }
0x2e: {  	s3 =	simm.s32 @!p0 $0x1082;
	s9 =	sld [smem:$0x3FAB]  }
0x2f: {  	lr =	sadd.s32 s0, s3;
	s0 =	sld [smem:$0x3FA2]  }
0x30: {  	s3 =	sld [smem:$0x3FA5]  }
0x31: {  	[smem:$0x3FAE] =	sst s10  }
0x32: {  	s10 =	sld [smem:$0x3FAC];
	_ =	sdelay $0x3  }
0x33: {  	p0 =	seq.s32 s10, $0x1;
	s10 =	sld [smem:$0x3FAE];
	_ =	sdelay $0x3  }
0x34: {  	[smem:$0x3FAE] =	sst s10  }
0x35: {  	s10 =	sld [smem:$0x3FAD];
	_ =	sdelay $0x3  }
0x36: {  	p1 =	seq.s32 s10, $0x1;
	s10 =	sld [smem:$0x3FAE];
	_ =	sdelay $0x3  }
0x37: {  	[smem:$0x3FAE] =	sst s10  }
0x38: {  	s10 =	sld [smem:$0x3FAF]  }
0x39: {  	_ = 	snop;
	(pc) =	sbr.ind lr, $3  }
0x3a: {  	_ = 	snop  }
0x3b: {  	_ = 	snop  }
0x3c: {  	p2 =	seq.s32 s10, $0x1;
	s10 =	sld [smem:$0x3FAE]  }
0x3d: {  	_ =	shalt  }
0x3e: {  	_ =	shalt  }
0x3f: {  	_ =	shalt  }
0x40: {  	_ =	shalt  }
0x41: {  	_ =	shalt  }
0x42: {  	_ =	shalt  }
0x43: {  	_ =	shalt  }
0x44: {  	_ =	shalt  }
0x45: {  	_ =	shalt  }
0x46: {  	_ =	shalt  }
0x47: {  	_ =	shalt  }
0x48: {  	_ =	shalt  }
0x49: {  	_ =	shalt  }
0x4a: {  	_ =	shalt  }
0x4b: {  	_ =	shalt  }
0x4c: {  	_ =	shalt  }
0x4d: {  	_ =	shalt  }
0x4e: {  	_ =	shalt  }
0x4f: {  	_ =	shalt  }
0x50: {  	_ =	shalt  }
0x51: {  	_ =	shalt  }
0x52: {  	_ =	shalt  }
0x53: {  	_ =	shalt  }
0x54: {  	_ =	shalt  }
0x55: {  	_ =	shalt  }
0x56: {  	_ =	shalt  }
0x57: {  	_ =	shalt  }
0x58: {  	_ =	shalt  }
0x59: {  	_ =	shalt  }
0x5a: {  	_ =	shalt  }
0x5b: {  	_ =	shalt  }
0x5c: {  	_ =	shalt  }
0x5d: {  	_ =	shalt  }
0x5e: {  	_ =	shalt  }
0x5f: {  	_ =	shalt  }
0x60: {  	_ =	shalt  }
0x61: {  	_ =	shalt  }
0x62: {  	_ =	shalt  }
0x63: {  	_ =	shalt  }
0x64: {  	_ =	shalt  }
0x65: {  	_ =	shalt  }
0x66: {  	_ =	shalt  }
0x67: {  	_ =	shalt  }
0x68: {  	_ =	shalt  }
0x69: {  	_ =	shalt  }
0x6a: {  	_ =	shalt  }
0x6b: {  	_ =	shalt  }
0x6c: {  	_ =	shalt  }
0x6d: {  	_ =	shalt  }
0x6e: {  	_ =	shalt  }
0x6f: {  	_ =	shalt  }
0x70: {  	_ =	shalt  }
0x71: {  	_ =	shalt  }
0x72: {  	_ =	shalt  }
0x73: {  	_ =	shalt  }
0x74: {  	_ =	shalt  }
0x75: {  	_ =	shalt  }
0x76: {  	_ =	shalt  }
0x77: {  	_ =	shalt  }
0x78: {  	_ =	shalt  }
0x79: {  	_ =	shalt  }
0x7a: {  	_ =	shalt  }
0x7b: {  	_ =	shalt  }
0x7c: {  	_ =	shalt  }
0x7d: {  	_ =	shalt  }
0x7e: {  	_ =	shalt  }
0x7f: {  	_ =	shalt  }
0x80: {  	_ =	shalt  }
0x81: {  	_ =	shalt  }
0x82: {  	_ =	shalt  }
0x83: {  	_ =	shalt  }
0x84: {  	_ =	shalt  }
0x85: {  	_ =	shalt  }
0x86: {  	_ =	shalt  }
0x87: {  	_ =	shalt  }
.Lfunc_end0:
.L_simem_size_0:
called_computation_lowered:
.L_overlay_start_0:
0x88: {  	s2 =	sld [smem:$0x3FD9]  }
0x89: {  	s3 =	sld [smem:$0x3FFE];
	_ =	sdelay $0x1  }
0x8a: {  	s1 =	srdreg.scid  }
0x8b: {  	s0 =	sand.u32 $0x1, s1  }
0x8c: {  	s17 =	sshll.u32 s0, $0xA;
	s2 =	sadd.s32 s3, s2  }
0x8d: {  	s2 =	sadd.s32 s2, s17  }
0x8e: {  	[smem:$0x3FBA] =	sst s2  }
0x8f: {  	_ = 	snop  }
0x90: {  	s2 =	sld [smem:$0x3FD0];
	(tm) =	ssettm $0x1  }
0x91: {  	s18 =	sld [smem:$0x3FFB];
	_ =	sdelay $0x3  }
0x92: {  	_ =	strace s18  }
0x93: {  	s3 =	sld [smem:$0x3FFC];
	_ =	sdelay $0x3  }
0x94: {  	_ =	strace s3  }
0x95: {  	s3 =	sld [smem:$0x3FFD];
	_ =	sdelay $0x3  }
0x96: {  	_ =	strace s3  }
0x97: {  	_ =	strace $0x8FFFFFFF  }
0x98: {  	s19 =	sld [smem:$0x3FDB];
	_ =	sdelay $0x1  }
0x99: {  	s4 =	simm.s32 $_scs_section_size  }
0x9a: {  	s5 =	simm.s32 $_size__tile_overlayer_lowered;
	s6 =	simm.s32 $_tile_overlayer_lowered  }
0x9b: {  	s22 =	simm.s32 $0x1BFF;
	s21 =	sshll.u32 s6, $0x1;
	s3 =	sadd.s32 s4, s19  }
0x9c: {  	s7 =	simm.s32 $0x0;
	s20 =	sshll.u32 s5, $0x1;
	s5 =	sadd.s32 s21, s3  }
0x9d: {  	[timem:s7], [sflag:s22] =	dma.local [hbm:s5], s20  }
0x9e: {  	_ =	swait.ge [sflag:s22], s20  }
0x9f: {  	s4 =	ssub.s32 $0x0, s20;
	[sflag:s22] =	ssyncset.done $0x0  }
0xa0: {  	[sflag:s22] =	ssyncadd.s32 s4;
	_ =	sdelay $0x1  }
0xa1: {  	s23 =	simm.s32 $0x1B8B  }
0xa2: {  	_ =	swait.ge [sflag:s23], $0x1  }
0xa3: {  	[sflag:s23] =	ssyncset.done $0x0  }
0xa4: {  	s25 =	simm.s32 $0x1B8E;
	s24 =	sld [smem:$0x3FFE];
	[sflag:s23] =	ssyncadd.s32 $0xFFFFFFFF  }
0xa5: {  	s26 =	simm.s32 $execute0_lowered;
	[smem:$0x3FD2] =	sst s25  }
0xa6: {  	s5 =	sshll.u32 s26, $0x1;
	_ =	strace $0x80000046;
	[dreg:$0x1] =	wrdreg $0xFFFFFFFF  }
0xa7: {  	s28 =	simm.s32 $_size_execute0_lowered;
	s3 =	sadd.s32 s3, s5;
	[dreg:$0x0] =	wrdreg $0x0  }
0xa8: {  	s5 =	sshll.u32 s28, $0x1;
	[dreg:$0x2] =	wrdreg s3  }
0xa9: {  	[dreg:$0x3] =	wrdreg s5  }
0xaa: {  	[dreg:$0x4] =	wrdreg $0xC0  }
0xab: {  	_ =	task [dreg:s7], $0x5FFFF  }
0xac: {  	[dreg:$0x1] =	wrdreg $0xFFFFFFFF  }
0xad: {  	[dreg:$0x0] =	wrdreg $0x60  }
0xae: {  	[dreg:$0x2] =	wrdreg s24  }
0xaf: {  	[dreg:$0x3] =	wrdreg s2  }
0xb0: {  	[dreg:$0x4] =	wrdreg $0x0  }
0xb1: {  	[dreg:$0x5] =	wrdreg $0x9  }
0xb2: {  	_ =	task.clear_ibuf [dreg:s7], $0x6FFFF;
	_ =	strace $0x90000046  }
0xb3: {  	s29 =	simm.s32 $0x9;
	_ =	strace $0x80000048  }
0xb4: {  	_ =	swait.ge [sflag:s29], $0x1  }
0xb5: {  	[sflag:s29] =	ssyncadd.s32 $0xFFFFFFFF  }
0xb6: {  	_ =	strace $0x90000048  }
0xb7: {  	_ =	sfence  }
0xb8: {  	s30 =	sld [smem:$0x0];
	_ =	sdelay $0x2  }
0xb9: {  	s31 =	sshll.u32 s1, $0xD;
	s1 =	sshrl.u32 s1, $0x2  }
0xba: {  	s3 =	sand.u32 $0x4000, s31;
	s1 =	sadd.s32 s1, s30  }
0xbb: {  	s0 =	sor.u32 s3, s0;
	s1 =	sshll.u32 s1, $0x11  }
0xbc: {  	s0 =	sor.u32 s1, s0  }
0xbd: {  	s0 =	sadd.s32 $0x8F2B, s0  }
0xbe: {  	[sflag:s0] =	ssyncadd.remote.s32 $0x1  }
0xbf: {  	_ =	sfence.sel $0xFFFF  }
0xc0: {  	[dreg:$0x0] =	wrdreg $0xFFFFFFFF;
	(pc) =	sbr.abs _section_cstart, $3  }
0xc1: {  	[dreg:$0x1] =	wrdreg $0xFFFFFFFF  }
0xc2: {  	_ =	task.clear_ibuf [dreg:s7], $0x2FFFF;
	_ =	strace $0x9FFFFFFF  }
0xc3: {  	(tm) =	ssettm $0x7FFFFFFF  }
tec
execute0_lowered:
.L_overlay_start_1:
0x0: {  	(tag) =	ssettag $0x1  }
0x1: {  	s4 =	rddreg [dreg:$0x0]  }
0x2: {  	s5 =	rddreg [dreg:$0x1]  }
0x3: {  	s2 =	rddreg [dreg:$0x2]  }
0x4: {  	s0 =	rddreg [dreg:$0x3]  }
0x5: {  	s3 =	simm.s32 $0x0;
	s1 =	stileid.u32;
	s7 =	srdreg.scid  }
0x6: {  	s12 =	simm.s32 $0x300;
	s13 =	simm.s32 $0x100;
	s6 =	smul.u32 $0x1400, s1  }
0x7: {  	s14 =	simm.s32 $0x0;
	[smem:$0x7FF] =	sst s3;
	s28 =	smul.u32 $0x500, s1  }
0x8: {  	s26 =	sand.u32 $0x1, s7;
	s9 =	smul.u32 $0xA00, s1;
	_ =	strace $0x80000047  }
0x9: {  	s8 =	ssub.s32 $0x2, s26;
	s10 =	sshll.u32 s26, $0x7;
	s29 =	smul.u32 $0xA00, s26  }
0xa: {  	s6 =	sadd.s32 s6, s4;
	s11 =	sshrl.u32 s8, $0x1;
	s7 =	sor.u32 s10, s28  }
0xb: {  	s30 =	sshrl.u32 s9, $0x2;
	s9 =	simm.s32 $0x1;
	s10 =	simm.s32 $0x280  }
0xc: {  	s8 =	ssub.s32 s8, s11;
	s7 =	sshrl.u32 s7, $0x3;
	s4 =	sadd.s32 s30, s2  }
0xd: {  	s31 =	sadd.s32 s29, s6;
	s11 =	simm.s32 $0x80;
	s5 =	sadd.s32 s5, s7  }
0xe: {  	v0 =	vimm.f32 $0.0e+00;
	v1 =	vimm.f32 $1.000000000e+00;
	s6 =	smax.u32 s8, $0x1;
	s7 =	sadd.s32 $0x16A00, s31;
	s8 =	simm.s32 $0x380  }
.LBB2_1:
0xf: {  	[tilespmem:$0x380] =	vst v0  }
0x10: {  	[tilespmem:$0x390] =	vst v0  }
0x11: {  	[tilespmem:$0x3A0] =	vst v0  }
0x12: {  	[tilespmem:$0x3B0] =	vst v0  }
0x13: {  	[tilespmem:$0x3C0] =	vst v0  }
0x14: {  	[tilespmem:$0x3D0] =	vst v0  }
0x15: {  	[tilespmem:$0x3E0] =	vst v0  }
0x16: {  	[tilespmem:$0x3F0] =	vst v0  }
0x17: {  	[tilespmem:$0x400] =	vst v0  }
0x18: {  	[tilespmem:$0x410] =	vst v0  }
0x19: {  	[tilespmem:$0x420] =	vst v0  }
0x1a: {  	[tilespmem:$0x430] =	vst v0  }
0x1b: {  	[tilespmem:$0x440] =	vst v0  }
0x1c: {  	[tilespmem:$0x450] =	vst v0  }
0x1d: {  	[tilespmem:$0x460] =	vst v0  }
0x1e: {  	[tilespmem:$0x470] =	vst v0  }
0x1f: {  	[tilespmem:$0x480] =	vst v0  }
0x20: {  	[tilespmem:$0x490] =	vst v0  }
0x21: {  	[tilespmem:$0x4A0] =	vst v0  }
0x22: {  	[tilespmem:$0x4B0] =	vst v0  }
0x23: {  	[tilespmem:$0x4C0] =	vst v0  }
0x24: {  	[tilespmem:$0x4D0] =	vst v0  }
0x25: {  	[tilespmem:$0x4E0] =	vst v0  }
0x26: {  	[tilespmem:$0x4F0] =	vst v0  }
0x27: {  	[tilespmem:$0x500] =	vst v0  }
0x28: {  	[tilespmem:$0x510] =	vst v0  }
0x29: {  	[tilespmem:$0x520] =	vst v0  }
0x2a: {  	[tilespmem:$0x530] =	vst v0  }
0x2b: {  	[tilespmem:$0x540] =	vst v0  }
0x2c: {  	[tilespmem:$0x550] =	vst v0  }
0x2d: {  	[tilespmem:$0x560] =	vst v0  }
0x2e: {  	[tilespmem:$0x570] =	vst v0  }
0x2f: {  	[tilespmem:$0x580] =	vst v0  }
0x30: {  	[tilespmem:$0x590] =	vst v0  }
0x31: {  	[tilespmem:$0x5A0] =	vst v0  }
0x32: {  	[tilespmem:$0x5B0] =	vst v0  }
0x33: {  	[tilespmem:$0x5C0] =	vst v0  }
0x34: {  	[tilespmem:$0x5D0] =	vst v0  }
0x35: {  	[tilespmem:$0x5E0] =	vst v0  }
0x36: {  	[tilespmem:$0x5F0] =	vst v0  }
0x37: {  	[tilespmem:$0x300] =	vst v1  }
0x38: {  	[tilespmem:$0x310] =	vst v1  }
0x39: {  	[tilespmem:$0x320] =	vst v1  }
0x3a: {  	[tilespmem:$0x330] =	vst v1  }
0x3b: {  	[tilespmem:$0x340] =	vst v1  }
0x3c: {  	[tilespmem:$0x350] =	vst v1  }
0x3d: {  	[tilespmem:$0x360] =	vst v1  }
0x3e: {  	[tilespmem:$0x370] =	vst v1  }
0x3f: {  	[spmem:s4] =	stream.linear.scatter [tilespmem:s8], [sflag:$0x1], $0x280, $0x38;
	[tilespmem:$0x600] =	vst v63  }
0x40: {  	_ =	swait.ge [sflag:s9], $0x280  }
0x41: {  	[sflag:s9] =	ssyncset.done $0x0  }
0x42: {  	[sflag:s9] =	ssyncadd.s32 $0xFFFFFD80  }
0x43: {  	s15 =	sadd.s32 $0x0, s7;
	[bflag:$0x0] =	sbarrier.arrive $0xFFFF  }
0x44: {  	[tilespmem:s10], [sflag:$0x1] =	stream.linear.gather [hbm4b:s15+s3], $0x80, $0x38;
	[tilespmem:$0x600] =	vst v63  }
0x45: {  	_ =	swait.ge [sflag:s9], $0x80  }
0x46: {  	[sflag:s9] =	ssyncset.done $0x0  }
0x47: {  	[sflag:s9] =	ssyncadd.s32 $0xFFFFFF80  }
0x48: {  	[spmem:s2] =	stream.indirect.scatter.add.f32 [tilespmem:s12], [sflag:$0x1], $0x1, s10, s11, $0xb8;
	[tilespmem:$0x600] =	vst v63  }
0x49: {  	_ =	swait.ge [sflag:s9], $0x80  }
0x4a: {  	s16 =	simm.s32 $0x20;
	s15 =	simm.s32 $0x10;
	[sflag:s9] =	ssyncset.done $0x0  }
.LBB2_2:
0x4b: {  	s17 =	sadd.s32 s15, s7  }
0x4c: {  	[sflag:s9] =	ssyncadd.s32 $0xFFFFFF80;
	s15 =	smov.u32 s16;
	s18 =	sadd.s32 $0x10, s16  }
0x4d: {  	[tilespmem:s10], [sflag:$0x1] =	stream.linear.gather [hbm4b:s17+s3], $0x80, $0x38;
	[tilespmem:$0x600] =	vst v63  }
0x4e: {  	p0 =	sne.s32 s16, $0x9F0;
	_ =	swait.ge [sflag:s9], $0x80  }
.Ltmp0:
0x4f: {  	[sflag:s9] =	ssyncset.done $0x0;
	(pc) =	sbr.rel @p0 .LBB2_2-.Ltmp0, $4  }
0x50: {  	[sflag:s9] =	ssyncadd.s32 $0xFFFFFF80  }
0x51: {  	[spmem:s2] =	stream.indirect.scatter.add.f32 [tilespmem:s12], [sflag:$0x1], $0x1, s10, s11, $0xb8;
	[tilespmem:$0x600] =	vst v63  }
0x52: {  	_ =	swait.ge [sflag:s9], $0x80  }
0x53: {  	s16 =	smov.u32 s18;
	[sflag:s9] =	ssyncset.done $0x0  }
0x54: {  	s15 =	sadd.s32 s15, s7;
	[sflag:s9] =	ssyncadd.s32 $0xFFFFFF80  }
0x55: {  	[tilespmem:s10], [sflag:$0x1] =	stream.linear.gather [hbm4b:s15+s3], $0x80, $0x38;
	[tilespmem:$0x600] =	vst v63  }
0x56: {  	_ =	swait.ge [sflag:s9], $0x80  }
0x57: {  	[sflag:s9] =	ssyncset.done $0x0  }
0x58: {  	[sflag:s9] =	ssyncadd.s32 $0xFFFFFF80  }
0x59: {  	[spmem:s2] =	stream.indirect.scatter.add.f32 [tilespmem:s12], [sflag:$0x1], $0x1, s10, s11, $0xb8;
	[tilespmem:$0x600] =	vst v63  }
0x5a: {  	_ =	swait.ge [sflag:s9], $0x80  }
0x5b: {  	[sflag:s9] =	ssyncset.done $0x0  }
0x5c: {  	[sflag:s9] =	ssyncadd.s32 $0xFFFFFF80  }
0x5d: {  	[bflag:$0x0] =	sbarrier.arrive $0xFFFF  }
0x5e: {  	[tilespmem:s8], [sflag:$0x1] =	stream.linear.gather [spmem:s4], $0x280, $0x38;
	[tilespmem:$0x600] =	vst v63  }
0x5f: {  	s14 =	sadd.s32 $0x1, s14;
	_ =	swait.ge [sflag:s9], $0x280  }
0x60: {  	p0 =	sne.s32 s14, s6;
	[sflag:s9] =	ssyncset.done $0x0  }
.Ltmp1:
0x61: {  	[sflag:s9] =	ssyncadd.s32 $0xFFFFFD80;
	(pc) =	sbr.rel @p0 .LBB2_1-.Ltmp1, $4  }
0x62: {  	[hbm4b:s5+s11] =	stream.strided.scatter [tilespmem:s8], [sflag:$0x1], $0x280, s13, s11, $0x38;
	[tilespmem:$0x600] =	vst v63  }
0x63: {  	_ =	swait.ge [sflag:s9], $0x280  }
0x64: {  	[sflag:s9] =	ssyncset.done $0x0  }
0x65: {  	[sflag:s9] =	ssyncadd.s32 $0xFFFFFD80  }
0x66: {  	_ =	sfence.sel $0x180000  }
0x67: {  	[bflag:$0x0] =	sbarrier.arrive $0xFFFF  }
0x68: {  	p0 =	sne.s32 s1, $0x0;
	_ =	strace $0x90000047  }
0x69: {  	s0 =	sadd.s32 @!p0 $0x100000, s0;
	[bflag:$0x2] =	sbarrier.arrive $0xFFFF  }
0x6a: {  	[sflag:s0] =	ssyncadd.tile.s32 @!p0 $0x1;
	_ =	shalt  }
.Lfunc_end2:
_tile_overlayer_lowered:
.L_overlay_start_2:
0x6b: {  	(tag) =	ssettag $0x2  }
0x6c: {  	s0 =	rddreg [dreg:$0x0];
	s2 =	stileid.u32  }
0x6d: {  	s1 =	rddreg [dreg:$0x1];
	p0 =	sne.s32 s2, $0x0  }
0x6e: {  	s3 =	rddreg [dreg:$0x2];
	[bflag:$0x3] =	sbarrier.arrive $0xFFFF;
	s2 =	simm.s32 @!p0 $0x1C01  }
0x6f: {  	[timem:s3], [sflag:s2] =	dma.local @!p0 [hbm:s0], s1  }
0x70: {  	s0 =	simm.s32 @!p0 $0x1  }
0x71: {  	_ =	swait.ge @!p0 [sflag:s0], s1  }
0x72: {  	s1 =	ssub.s32 @!p0 $0x0, s1;
	[sflag:s0] =	ssyncset.done @!p0 $0x0  }
0x73: {  	[sflag:s0] =	ssyncadd.s32 @!p0 s1  }
0x74: {  	[bflag:$0x3] =	sbarrier.arrive $0xFFFF  }
0x75: {  	_ =	shalt  }

</sc_bundles>
